<compile_context>
chip_gen: v7x
topology: tpu7x:2x2x1
jax: 0.10.2.dev20260603
libtpu: 0.0.44.dev20260713+nightly
codegen_flags: <defaults>
</compile_context>

<pallas_src>
import functools

import jax
import jax.numpy as jnp
from jax import lax
from jax.experimental import pallas as pl
from jax.experimental.pallas import tpu as pltpu
from jax.experimental.pallas import tpu_sc as plsc

N = 10000
E = 320000
D = 128
OUT = 128
BN_EPS = 1e-5

NC = 2
NS = 16
NW = NC * NS
CHUNK = 128
CH_PER_W = 80
NCH = NW * CH_PER_W
NCH_REAL = E // CHUNK
NCH_PAD = NCH - NCH_REAL
N_PAD = 10240
ROWS_PER_TILE = N_PAD // NS
ZROWS = 320


def _sc_aggregate(feat, src2, dst2, psrc, pdst, zc):
    mesh = plsc.VectorSubcoreMesh(core_axis_name="c", subcore_axis_name="s")

    @functools.partial(
        pl.kernel,
        mesh=mesh,
        out_type=jax.ShapeDtypeStruct((NC, N_PAD, D), jnp.float32),
        scratch_types=[
            pltpu.VMEM((2, 1, CHUNK), jnp.int32),
            pltpu.VMEM((2, 1, CHUNK), jnp.int32),
            pltpu.VMEM((2, 1, CHUNK), jnp.int32),
            pltpu.VMEM((2, 1, CHUNK), jnp.int32),
            pltpu.VMEM((CHUNK, D), jnp.float32),
            pltpu.VMEM((CHUNK, D), jnp.float32),
            pltpu.VMEM_SHARED((N_PAD, D), jnp.float32),
            pltpu.SemaphoreType.DMA,
            pltpu.SemaphoreType.DMA,
            pltpu.SemaphoreType.DMA,
            pltpu.SemaphoreType.DMA,
            pltpu.SemaphoreType.DMA,
            pltpu.SemaphoreType.DMA,
        ],
    )
    def k(feat_hbm, src_hbm, dst_hbm, psrc_hbm, pdst_hbm, z_hbm, out_hbm,
          idx0, idx1, idx2, idx3, rows0, rows1, acc,
          isem0, isem1, isem2, isem3, gsem0, gsem1):
        idxs = (idx0, idx1, idx2, idx3)
        isems = (isem0, isem1, isem2, isem3)
        rows = (rows0, rows1)
        gsems = (gsem0, gsem1)
        cid = lax.axis_index("c")
        sid = lax.axis_index("s")
        wid = sid * NC + cid
        row0 = sid * ROWS_PER_TILE

        def idx_fetch(r, buf, sem, sync):
            copy = pltpu.sync_copy if sync else pltpu.async_copy

            @pl.when(r < NCH_REAL)
            def _():
                args = () if sync else (sem,)
                copy(src_hbm.at[pl.ds(r, 1)], buf.at[pl.ds(0, 1)], *args)
                copy(dst_hbm.at[pl.ds(r, 1)], buf.at[pl.ds(1, 1)], *args)

            @pl.when(r >= NCH_REAL)
            def _():
                args = () if sync else (sem,)
                copy(psrc_hbm.at[pl.ds(r - NCH_REAL, 1)], buf.at[pl.ds(0, 1)], *args)
                copy(pdst_hbm.at[pl.ds(r - NCH_REAL, 1)], buf.at[pl.ds(1, 1)], *args)

        def idx_wait(buf, sem):
            pltpu.make_async_copy(src_hbm.at[pl.ds(0, 1)],
                                  buf.at[pl.ds(0, 1)], sem).wait()
            pltpu.make_async_copy(src_hbm.at[pl.ds(0, 1)],
                                  buf.at[pl.ds(1, 1)], sem).wait()

        HALF = CHUNK // 2

        def gather_issue(ibuf, rb, gs):
            pltpu.async_copy(feat_hbm.at[ibuf.at[0, 0, pl.ds(0, HALF)]],
                             rb.at[pl.ds(0, HALF)], gs)
            pltpu.async_copy(feat_hbm.at[ibuf.at[0, 0, pl.ds(HALF, HALF)]],
                             rb.at[pl.ds(HALF, HALF)], gs)

        def gather_wait(ibuf, rb, gs):
            pltpu.make_async_copy(feat_hbm.at[ibuf.at[0, 0, pl.ds(0, HALF)]],
                                  rb.at[pl.ds(0, HALF)], gs).wait()
            pltpu.make_async_copy(feat_hbm.at[ibuf.at[0, 0, pl.ds(HALF, HALF)]],
                                  rb.at[pl.ds(HALF, HALF)], gs).wait()

        @pl.when(jnp.logical_and(cid == 0, sid < NS - 1))
        def _():
            pltpu.sync_copy(feat_hbm.at[pl.ds(row0, ROWS_PER_TILE)],
                            acc.at[pl.ds(row0, ROWS_PER_TILE)])

        @pl.when(jnp.logical_and(cid == 0, sid == NS - 1))
        def _():
            pltpu.sync_copy(feat_hbm.at[pl.ds(N - ROWS_PER_TILE + (N_PAD - N),
                                              ROWS_PER_TILE - (N_PAD - N))],
                            acc.at[pl.ds(row0, ROWS_PER_TILE - (N_PAD - N))])

        @pl.when(jnp.logical_and(cid == 1, sid < NS - 1))
        def _():
            pltpu.sync_copy(z_hbm, acc.at[pl.ds(row0, ZROWS)])
            pltpu.sync_copy(z_hbm, acc.at[pl.ds(row0 + ZROWS, ZROWS)])

        @pl.when(jnp.logical_and(cid == 1, sid == NS - 1))
        def _():
            pltpu.sync_copy(z_hbm, acc.at[pl.ds(row0, ZROWS)])
            pltpu.sync_copy(z_hbm.at[pl.ds(0, N - ROWS_PER_TILE * (NS - 1) - ZROWS)],
                            acc.at[pl.ds(row0 + ZROWS,
                                         N - ROWS_PER_TILE * (NS - 1) - ZROWS)])

        idx_fetch(0 * NW + wid, idx0, None, sync=True)
        idx_fetch(1 * NW + wid, idx1, None, sync=True)
        idx_fetch(2 * NW + wid, idx2, isem2, sync=False)
        idx_fetch(3 * NW + wid, idx3, isem3, sync=False)
        plsc.subcore_barrier()
        gather_issue(idx0, rows0, gsem0)
        gather_issue(idx1, rows1, gsem1)

        @pl.loop(0, CH_PER_W, step=4)
        def _(j):
            for b in range(4):
                c = j + b
                rb, gs = rows[b % 2], gsems[b % 2]
                gather_wait(idxs[b], rb, gs)
                pltpu.sync_copy(rb, acc.at[idxs[b].at[1, 0]], add=True)

                @pl.when(c + 4 < CH_PER_W)
                def _():
                    idx_fetch((c + 4) * NW + wid, idxs[b], isems[b], sync=False)

                @pl.when(c + 2 < CH_PER_W)
                def _():
                    b2 = (b + 2) % 4
                    idx_wait(idxs[b2], isems[b2])
                    gather_issue(idxs[b2], rb, gs)

        plsc.subcore_barrier()
        pltpu.sync_copy(acc.at[pl.ds(row0, ROWS_PER_TILE)],
                        out_hbm.at[cid, pl.ds(row0, ROWS_PER_TILE)])

    return k(feat, src2, dst2, psrc, pdst, zc)


def _tc_layer1(p, W1a, b1a, W1b, b1b, g1, be1):

    def body(p_ref, wa_ref, ba_ref, wb_ref, bb_ref, g_ref, be_ref, o_ref):
        agg = p_ref[0, :N, :] + p_ref[1, :N, :]
        t = jnp.dot(agg.astype(jnp.bfloat16), wa_ref[...].astype(jnp.bfloat16),
                    preferred_element_type=jnp.float32)
        t = jnp.maximum(t + ba_ref[...], 0.0)
        h = jnp.dot(t.astype(jnp.bfloat16), wb_ref[...].astype(jnp.bfloat16),
                    preferred_element_type=jnp.float32)
        h = h + bb_ref[...]
        mean = jnp.mean(h, axis=0, keepdims=True)
        var = jnp.mean((h - mean) ** 2, axis=0, keepdims=True)
        h = (h - mean) * lax.rsqrt(var + BN_EPS) * g_ref[...] + be_ref[...]
        o_ref[...] = jnp.maximum(h, 0.0)

    return pl.pallas_call(
        body,
        out_shape=jax.ShapeDtypeStruct((N, D), jnp.float32),
    )(p, W1a, b1a.reshape(1, D), W1b, b1b.reshape(1, D),
      g1.reshape(1, D), be1.reshape(1, D))


def _tc_layer2(q, W2a, b2a, W2b, b2b, g2, be2, Wf, bf):

    def body(p_ref, wa_ref, ba_ref, wb_ref, bb_ref, g_ref, be_ref,
             wf_ref, bf_ref, o_ref):
        agg = p_ref[0, :N, :] + p_ref[1, :N, :]
        t = jnp.dot(agg.astype(jnp.bfloat16), wa_ref[...].astype(jnp.bfloat16),
                    preferred_element_type=jnp.float32)
        t = jnp.maximum(t + ba_ref[...], 0.0)
        h = jnp.dot(t.astype(jnp.bfloat16), wb_ref[...].astype(jnp.bfloat16),
                    preferred_element_type=jnp.float32)
        h = h + bb_ref[...]
        mean = jnp.mean(h, axis=0, keepdims=True)
        var = jnp.mean((h - mean) ** 2, axis=0, keepdims=True)
        h = (h - mean) * lax.rsqrt(var + BN_EPS) * g_ref[...] + be_ref[...]
        o_ref[...] = jnp.dot(h.astype(jnp.bfloat16), wf_ref[...].astype(jnp.bfloat16),
                             preferred_element_type=jnp.float32) + bf_ref[...]

    return pl.pallas_call(
        body,
        out_shape=jax.ShapeDtypeStruct((N, OUT), jnp.float32),
    )(q, W2a, b2a.reshape(1, D), W2b, b2b.reshape(1, D),
      g2.reshape(1, D), be2.reshape(1, D), Wf, bf.reshape(1, OUT))


def kernel(x, edge_index, W1a, b1a, W1b, b1b, g1, be1,
           W2a, b2a, W2b, b2b, g2, be2, Wf, bf):
    ei = edge_index.astype(jnp.int32)
    src2 = ei[0].reshape(NCH_REAL, 1, CHUNK)
    dst2 = ei[1].reshape(NCH_REAL, 1, CHUNK)
    npad = NCH_PAD * CHUNK
    psrc = (jnp.arange(npad, dtype=jnp.int32) % N).reshape(NCH_PAD, 1, CHUNK)
    pdst = (N + jnp.arange(npad, dtype=jnp.int32) % (N_PAD - N)).reshape(
        NCH_PAD, 1, CHUNK)
    zc = jnp.zeros((ZROWS, D), jnp.float32)

    p = _sc_aggregate(x, src2, dst2, psrc, pdst, zc)
    h1 = _tc_layer1(p, W1a, b1a, W1b, b1b, g1, be1)
    q = _sc_aggregate(h1, src2, dst2, psrc, pdst, zc)
    return _tc_layer2(q, W2a, b2a, W2b, b2b, g2, be2, Wf, bf)

# --- scband reference (transcript-rebuilt; emitter-appended) ---
"""Pipeline reference for scband-gin-28956669510067 (READ-ONLY COPY).

The authoritative reference and input builder live on the scoring server;
editing this copy changes nothing except your own understanding.
"""

import jax, jax.numpy as jnp
import numpy as np

N = 10000
E = 320000
D = 128
OUT = 128
BN_EPS = 1e-5


def _init_linear(key, fan_in, fan_out):
    k1, k2 = jax.random.split(key)
    bound = 1.0 / np.sqrt(fan_in)
    W = jax.random.uniform(k1, (fan_in, fan_out), minval=-bound, maxval=bound, dtype=jnp.float32)
    b = jax.random.uniform(k2, (fan_out,), minval=-bound, maxval=bound, dtype=jnp.float32)
    return W, b


def setup_inputs(seed: int = 0) -> dict:
    key = jax.random.key(seed)
    ks = jax.random.split(key, 8)
    x = jax.random.normal(ks[0], (N, D), dtype=jnp.float32)
    edge_index = jax.random.randint(ks[1], (2, E), 0, N, dtype=jnp.int64 if jax.config.jax_enable_x64 else jnp.int32)
    W1a, b1a = _init_linear(ks[2], D, D)
    W1b, b1b = _init_linear(ks[3], D, D)
    g1 = jnp.ones((D,), dtype=jnp.float32)
    be1 = jnp.zeros((D,), dtype=jnp.float32)
    W2a, b2a = _init_linear(ks[4], D, D)
    W2b, b2b = _init_linear(ks[5], D, D)
    g2 = jnp.ones((D,), dtype=jnp.float32)
    be2 = jnp.zeros((D,), dtype=jnp.float32)
    Wf, bf = _init_linear(ks[6], D, OUT)
    return {
        'x': x, 'edge_index': edge_index,
        'W1a': W1a, 'b1a': b1a, 'W1b': W1b, 'b1b': b1b, 'g1': g1, 'be1': be1,
        'W2a': W2a, 'b2a': b2a, 'W2b': W2b, 'b2b': b2b, 'g2': g2, 'be2': be2,
        'Wf': Wf, 'bf': bf,
    }


def _batch_norm(h, gamma, beta):
    mean = jnp.mean(h, axis=0, keepdims=True)
    var = jnp.var(h, axis=0, keepdims=True)
    return (h - mean) / jnp.sqrt(var + BN_EPS) * gamma + beta


def _gin_aggregate(x, edge_index):
    # GINConv with eps=0: (1+eps)*x + sum_{j in N(i)} x_j
    src = edge_index[0]
    dst = edge_index[1]
    msg = jnp.take(x, src, axis=0)
    agg = jax.ops.segment_sum(msg, dst, num_segments=x.shape[0])
    return x + agg


def reference(x, edge_index, W1a, b1a, W1b, b1b, g1, be1, W2a, b2a, W2b, b2b, g2, be2, Wf, bf):
    # conv1: GINConv(nn1), nn1 = Linear -> ReLU -> Linear -> Dropout(identity in eval)
    h = _gin_aggregate(x, edge_index)
    h = jax.nn.relu(h @ W1a + b1a) @ W1b + b1b
    h = _batch_norm(h, g1, be1)
    h = jax.nn.relu(h)
    # conv2
    h = _gin_aggregate(h, edge_index)
    h = jax.nn.relu(h @ W2a + b2a) @ W2b + b2b
    h = _batch_norm(h, g2, be2)
    # dropout is identity (deterministic reference)
    out = h @ Wf + bf
    return out

if __name__ == "__main__":
    import jax
    _d = setup_inputs()
    print(jax.jit(kernel)(*tuple(_d.values())))

</pallas_src>

<mosaic_0001>
#map = affine_map<(d0, d1) -> (0, 0)>
#map1 = affine_map<(d0, d1) -> (0, 0, 0)>
module attributes {stable_mosaic.version = 14 : i64} {
  func.func @k(%arg0: i32, %arg1: i32, %arg2: memref<10000x128xf32, #tpu.memory_space<hbm>>, %arg3: memref<2500x1x128xi32, #tpu.memory_space<hbm>>, %arg4: memref<2500x1x128xi32, #tpu.memory_space<hbm>>, %arg5: memref<60x1x128xi32, #tpu.memory_space<hbm>>, %arg6: memref<60x1x128xi32, #tpu.memory_space<hbm>>, %arg7: memref<320x128xf32, #tpu.memory_space<hbm>>, %arg8: memref<2x10240x128xf32, #tpu.memory_space<hbm>>, %arg9: memref<2x1x128xi32, #tpu.memory_space<vmem>>, %arg10: memref<2x1x128xi32, #tpu.memory_space<vmem>>, %arg11: memref<2x1x128xi32, #tpu.memory_space<vmem>>, %arg12: memref<2x1x128xi32, #tpu.memory_space<vmem>>, %arg13: memref<128x128xf32, #tpu.memory_space<vmem>>, %arg14: memref<128x128xf32, #tpu.memory_space<vmem>>, %arg15: memref<10240x128xf32, #tpu.memory_space<vmem_shared>>, %arg16: memref<!tpu.dma_semaphore, #tpu.memory_space<semaphore_mem>>, %arg17: memref<!tpu.dma_semaphore, #tpu.memory_space<semaphore_mem>>, %arg18: memref<!tpu.dma_semaphore, #tpu.memory_space<semaphore_mem>>, %arg19: memref<!tpu.dma_semaphore, #tpu.memory_space<semaphore_mem>>, %arg20: memref<!tpu.dma_semaphore, #tpu.memory_space<semaphore_mem>>, %arg21: memref<!tpu.dma_semaphore, #tpu.memory_space<semaphore_mem>>) attributes {dimension_semantics = [#tpu.dimension_semantics<core_parallel>, #tpu.dimension_semantics<subcore_parallel>], iteration_bounds = array<i64: 2, 16>, scalar_prefetch = 0 : i64, scratch_operands = 13 : i64, tpu.core_type = #tpu.core_type<sc_vector_subcore>, window_params = [{transform_indices = #map}, {transform_indices = #map1}, {transform_indices = #map1}, {transform_indices = #map1}, {transform_indices = #map1}, {transform_indices = #map}, {transform_indices = #map1}]} {
    %mul3A = arith.constant 2 : i32
    %mul3A_0 = arith.muli %arg1, %mul3A : i32
    %add3A = arith.addi %mul3A_0, %arg0 : i32
    %mul3A_1 = arith.constant 640 : i32
    %mul3A_2 = arith.muli %arg1, %mul3A_1 : i32
    %eq3A = arith.constant 0 : i32
    %eq3A_3 = arith.cmpi eq, %arg0, %eq3A : i32
    %lt3A = arith.constant 15 : i32
    %lt3A_4 = arith.cmpi slt, %arg1, %lt3A : i32
    %and3A = arith.andi %eq3A_3, %lt3A_4 : i1
    %convert_element_type3A = arith.extui %and3A : i1 to i32
    %cond3A = arith.constant 0 : i32
    %cond3A_5 = arith.cmpi ne, %convert_element_type3A, %cond3A : i32
    scf.if %cond3A_5 {
      "tpu.region"() ({
        %run_scoped3A = tpu.sem_alloc : memref<!tpu.dma_semaphore, #tpu.memory_space<semaphore_mem>>
        %dma_start3A_125 = arith.constant 0 : i32
        %dma_start3A_126 = tpu.memref_slice %arg15[%mul3A_2, %dma_start3A_125] : memref<10240x128xf32, #tpu.memory_space<vmem_shared>> -> memref<640x128xf32, #tpu.memory_space<vmem_shared>>
        %dma_start3A_127 = arith.constant 0 : i32
        %dma_start3A_128 = tpu.memref_slice %arg2[%mul3A_2, %dma_start3A_127] : memref<10000x128xf32, #tpu.memory_space<hbm>> -> memref<640x128xf32, #tpu.memory_space<hbm>>
        tpu.enqueue_dma source(%dma_start3A_128 : memref<640x128xf32, #tpu.memory_space<hbm>>) target(%dma_start3A_126 : memref<640x128xf32, #tpu.memory_space<vmem_shared>>) target_semaphore(%run_scoped3A : memref<!tpu.dma_semaphore, #tpu.memory_space<semaphore_mem>>)
        %dma_wait3A = arith.constant 0 : i32
        %dma_wait3A_129 = tpu.memref_slice %arg15[%mul3A_2, %dma_wait3A] : memref<10240x128xf32, #tpu.memory_space<vmem_shared>> -> memref<640x128xf32, #tpu.memory_space<vmem_shared>>
        %dma_wait3A_130 = arith.constant 0 : i32
        %dma_wait3A_131 = tpu.memref_slice %arg2[%mul3A_2, %dma_wait3A_130] : memref<10000x128xf32, #tpu.memory_space<hbm>> -> memref<640x128xf32, #tpu.memory_space<hbm>>
        tpu.wait_dma2 semaphore(%run_scoped3A : memref<!tpu.dma_semaphore, #tpu.memory_space<semaphore_mem>>) src(%dma_wait3A_131 : memref<640x128xf32, #tpu.memory_space<hbm>>) dst(%dma_wait3A_129 : memref<640x128xf32, #tpu.memory_space<vmem_shared>>)
        tpu.yield
      }) : () -> ()
    } else {
    }
    %eq3A_6 = arith.constant 0 : i32
    %eq3A_7 = arith.cmpi eq, %arg0, %eq3A_6 : i32
    %eq3A_8 = arith.constant 15 : i32
    %eq3A_9 = arith.cmpi eq, %arg1, %eq3A_8 : i32
    %and3A_10 = arith.andi %eq3A_7, %eq3A_9 : i1
    %convert_element_type3A_11 = arith.extui %and3A_10 : i1 to i32
    %cond3A_12 = arith.constant 0 : i32
    %cond3A_13 = arith.cmpi ne, %convert_element_type3A_11, %cond3A_12 : i32
    scf.if %cond3A_13 {
      "tpu.region"() ({
        %run_scoped3A = tpu.sem_alloc : memref<!tpu.dma_semaphore, #tpu.memory_space<semaphore_mem>>
        %dma_start3A_125 = arith.constant 0 : i32
        %dma_start3A_126 = tpu.memref_slice %arg15[%mul3A_2, %dma_start3A_125] : memref<10240x128xf32, #tpu.memory_space<vmem_shared>> -> memref<400x128xf32, #tpu.memory_space<vmem_shared>>
        %dma_start3A_127 = arith.constant 9600 : i32
        %dma_start3A_128 = arith.constant 0 : i32
        %dma_start3A_129 = tpu.memref_slice %arg2[%dma_start3A_127, %dma_start3A_128] : memref<10000x128xf32, #tpu.memory_space<hbm>> -> memref<400x128xf32, #tpu.memory_space<hbm>>
        tpu.enqueue_dma source(%dma_start3A_129 : memref<400x128xf32, #tpu.memory_space<hbm>>) target(%dma_start3A_126 : memref<400x128xf32, #tpu.memory_space<vmem_shared>>) target_semaphore(%run_scoped3A : memref<!tpu.dma_semaphore, #tpu.memory_space<semaphore_mem>>)
        %dma_wait3A = arith.constant 0 : i32
        %dma_wait3A_130 = tpu.memref_slice %arg15[%mul3A_2, %dma_wait3A] : memref<10240x128xf32, #tpu.memory_space<vmem_shared>> -> memref<400x128xf32, #tpu.memory_space<vmem_shared>>
        %dma_wait3A_131 = arith.constant 9600 : i32
        %dma_wait3A_132 = arith.constant 0 : i32
        %dma_wait3A_133 = tpu.memref_slice %arg2[%dma_wait3A_131, %dma_wait3A_132] : memref<10000x128xf32, #tpu.memory_space<hbm>> -> memref<400x128xf32, #tpu.memory_space<hbm>>
        tpu.wait_dma2 semaphore(%run_scoped3A : memref<!tpu.dma_semaphore, #tpu.memory_space<semaphore_mem>>) src(%dma_wait3A_133 : memref<400x128xf32, #tpu.memory_space<hbm>>) dst(%dma_wait3A_130 : memref<400x128xf32, #tpu.memory_space<vmem_shared>>)
        tpu.yield
      }) : () -> ()
    } else {
    }
    %eq3A_14 = arith.constant 1 : i32
    %eq3A_15 = arith.cmpi eq, %arg0, %eq3A_14 : i32
    %lt3A_16 = arith.constant 15 : i32
    %lt3A_17 = arith.cmpi slt, %arg1, %lt3A_16 : i32
    %and3A_18 = arith.andi %eq3A_15, %lt3A_17 : i1
    %convert_element_type3A_19 = arith.extui %and3A_18 : i1 to i32
    %cond3A_20 = arith.constant 0 : i32
    %cond3A_21 = arith.cmpi ne, %convert_element_type3A_19, %cond3A_20 : i32
    scf.if %cond3A_21 {
      "tpu.region"() ({
        %run_scoped3A = tpu.sem_alloc : memref<!tpu.dma_semaphore, #tpu.memory_space<semaphore_mem>>
        %dma_start3A_127 = arith.constant 0 : i32
        %dma_start3A_128 = tpu.memref_slice %arg15[%mul3A_2, %dma_start3A_127] : memref<10240x128xf32, #tpu.memory_space<vmem_shared>> -> memref<320x128xf32, #tpu.memory_space<vmem_shared>>
        tpu.enqueue_dma source(%arg7 : memref<320x128xf32, #tpu.memory_space<hbm>>) target(%dma_start3A_128 : memref<320x128xf32, #tpu.memory_space<vmem_shared>>) target_semaphore(%run_scoped3A : memref<!tpu.dma_semaphore, #tpu.memory_space<semaphore_mem>>)
        %dma_wait3A = arith.constant 0 : i32
        %dma_wait3A_129 = tpu.memref_slice %arg15[%mul3A_2, %dma_wait3A] : memref<10240x128xf32, #tpu.memory_space<vmem_shared>> -> memref<320x128xf32, #tpu.memory_space<vmem_shared>>
        tpu.wait_dma2 semaphore(%run_scoped3A : memref<!tpu.dma_semaphore, #tpu.memory_space<semaphore_mem>>) src(%arg7 : memref<320x128xf32, #tpu.memory_space<hbm>>) dst(%dma_wait3A_129 : memref<320x128xf32, #tpu.memory_space<vmem_shared>>)
        tpu.yield
      }) : () -> ()
      %add3A_125 = arith.constant 320 : i32
      %add3A_126 = arith.addi %mul3A_2, %add3A_125 : i32
      "tpu.region"() ({
        %run_scoped3A = tpu.sem_alloc : memref<!tpu.dma_semaphore, #tpu.memory_space<semaphore_mem>>
        %dma_start3A_127 = arith.constant 0 : i32
        %dma_start3A_128 = tpu.memref_slice %arg15[%add3A_126, %dma_start3A_127] : memref<10240x128xf32, #tpu.memory_space<vmem_shared>> -> memref<320x128xf32, #tpu.memory_space<vmem_shared>>
        tpu.enqueue_dma source(%arg7 : memref<320x128xf32, #tpu.memory_space<hbm>>) target(%dma_start3A_128 : memref<320x128xf32, #tpu.memory_space<vmem_shared>>) target_semaphore(%run_scoped3A : memref<!tpu.dma_semaphore, #tpu.memory_space<semaphore_mem>>)
        %dma_wait3A = arith.constant 0 : i32
        %dma_wait3A_129 = tpu.memref_slice %arg15[%add3A_126, %dma_wait3A] : memref<10240x128xf32, #tpu.memory_space<vmem_shared>> -> memref<320x128xf32, #tpu.memory_space<vmem_shared>>
        tpu.wait_dma2 semaphore(%run_scoped3A : memref<!tpu.dma_semaphore, #tpu.memory_space<semaphore_mem>>) src(%arg7 : memref<320x128xf32, #tpu.memory_space<hbm>>) dst(%dma_wait3A_129 : memref<320x128xf32, #tpu.memory_space<vmem_shared>>)
        tpu.yield
      }) : () -> ()
    } else {
    }
    %eq3A_22 = arith.constant 1 : i32
    %eq3A_23 = arith.cmpi eq, %arg0, %eq3A_22 : i32
    %eq3A_24 = arith.constant 15 : i32
    %eq3A_25 = arith.cmpi eq, %arg1, %eq3A_24 : i32
    %and3A_26 = arith.andi %eq3A_23, %eq3A_25 : i1
    %convert_element_type3A_27 = arith.extui %and3A_26 : i1 to i32
    %cond3A_28 = arith.constant 0 : i32
    %cond3A_29 = arith.cmpi ne, %convert_element_type3A_27, %cond3A_28 : i32
    scf.if %cond3A_29 {
      "tpu.region"() ({
        %run_scoped3A = tpu.sem_alloc : memref<!tpu.dma_semaphore, #tpu.memory_space<semaphore_mem>>
        %dma_start3A_127 = arith.constant 0 : i32
        %dma_start3A_128 = tpu.memref_slice %arg15[%mul3A_2, %dma_start3A_127] : memref<10240x128xf32, #tpu.memory_space<vmem_shared>> -> memref<320x128xf32, #tpu.memory_space<vmem_shared>>
        tpu.enqueue_dma source(%arg7 : memref<320x128xf32, #tpu.memory_space<hbm>>) target(%dma_start3A_128 : memref<320x128xf32, #tpu.memory_space<vmem_shared>>) target_semaphore(%run_scoped3A : memref<!tpu.dma_semaphore, #tpu.memory_space<semaphore_mem>>)
        %dma_wait3A = arith.constant 0 : i32
        %dma_wait3A_129 = tpu.memref_slice %arg15[%mul3A_2, %dma_wait3A] : memref<10240x128xf32, #tpu.memory_space<vmem_shared>> -> memref<320x128xf32, #tpu.memory_space<vmem_shared>>
        tpu.wait_dma2 semaphore(%run_scoped3A : memref<!tpu.dma_semaphore, #tpu.memory_space<semaphore_mem>>) src(%arg7 : memref<320x128xf32, #tpu.memory_space<hbm>>) dst(%dma_wait3A_129 : memref<320x128xf32, #tpu.memory_space<vmem_shared>>)
        tpu.yield
      }) : () -> ()
      %add3A_125 = arith.constant 320 : i32
      %add3A_126 = arith.addi %mul3A_2, %add3A_125 : i32
      "tpu.region"() ({
        %run_scoped3A = tpu.sem_alloc : memref<!tpu.dma_semaphore, #tpu.memory_space<semaphore_mem>>
        %dma_start3A_127 = arith.constant 0 : i32
        %dma_start3A_128 = tpu.memref_slice %arg15[%add3A_126, %dma_start3A_127] : memref<10240x128xf32, #tpu.memory_space<vmem_shared>> -> memref<80x128xf32, #tpu.memory_space<vmem_shared>>
        %dma_start3A_129 = arith.constant 0 : i32
        %dma_start3A_130 = arith.constant 0 : i32
        %dma_start3A_131 = tpu.memref_slice %arg7[%dma_start3A_129, %dma_start3A_130] : memref<320x128xf32, #tpu.memory_space<hbm>> -> memref<80x128xf32, #tpu.memory_space<hbm>>
        tpu.enqueue_dma source(%dma_start3A_131 : memref<80x128xf32, #tpu.memory_space<hbm>>) target(%dma_start3A_128 : memref<80x128xf32, #tpu.memory_space<vmem_shared>>) target_semaphore(%run_scoped3A : memref<!tpu.dma_semaphore, #tpu.memory_space<semaphore_mem>>)
        %dma_wait3A = arith.constant 0 : i32
        %dma_wait3A_132 = tpu.memref_slice %arg15[%add3A_126, %dma_wait3A] : memref<10240x128xf32, #tpu.memory_space<vmem_shared>> -> memref<80x128xf32, #tpu.memory_space<vmem_shared>>
        %dma_wait3A_133 = arith.constant 0 : i32
        %dma_wait3A_134 = arith.constant 0 : i32
        %dma_wait3A_135 = tpu.memref_slice %arg7[%dma_wait3A_133, %dma_wait3A_134] : memref<320x128xf32, #tpu.memory_space<hbm>> -> memref<80x128xf32, #tpu.memory_space<hbm>>
        tpu.wait_dma2 semaphore(%run_scoped3A : memref<!tpu.dma_semaphore, #tpu.memory_space<semaphore_mem>>) src(%dma_wait3A_135 : memref<80x128xf32, #tpu.memory_space<hbm>>) dst(%dma_wait3A_132 : memref<80x128xf32, #tpu.memory_space<vmem_shared>>)
        tpu.yield
      }) : () -> ()
    } else {
    }
    %add3A_30 = arith.constant 0 : i32
    %add3A_31 = arith.addi %add3A_30, %add3A : i32
    %lt3A_32 = arith.constant 2500 : i32
    %lt3A_33 = arith.cmpi slt, %add3A_31, %lt3A_32 : i32
    %convert_element_type3A_34 = arith.extui %lt3A_33 : i1 to i32
    %cond3A_35 = arith.constant 0 : i32
    %cond3A_36 = arith.cmpi ne, %convert_element_type3A_34, %cond3A_35 : i32
    scf.if %cond3A_36 {
      "tpu.region"() ({
        %run_scoped3A = tpu.sem_alloc : memref<!tpu.dma_semaphore, #tpu.memory_space<semaphore_mem>>
        %dma_start3A_125 = arith.constant 0 : i32
        %dma_start3A_126 = arith.constant 0 : i32
        %dma_start3A_127 = arith.constant 0 : i32
        %dma_start3A_128 = tpu.memref_slice %arg9[%dma_start3A_125, %dma_start3A_126, %dma_start3A_127] : memref<2x1x128xi32, #tpu.memory_space<vmem>> -> memref<1x1x128xi32, #tpu.memory_space<vmem>>
        %dma_start3A_129 = arith.constant 0 : i32
        %dma_start3A_130 = arith.constant 0 : i32
        %dma_start3A_131 = tpu.memref_slice %arg3[%add3A_31, %dma_start3A_129, %dma_start3A_130] : memref<2500x1x128xi32, #tpu.memory_space<hbm>> -> memref<1x1x128xi32, #tpu.memory_space<hbm>>
        %dma_start3A_132 = arith.constant 0 : i32
        %dma_start3A_133 = arith.constant 0 : i32
        %dma_start3A_134 = arith.constant 0 : i32
        %dma_start3A_135 = tpu.memref_slice %arg9[%dma_start3A_132, %dma_start3A_133, %dma_start3A_134] : memref<2x1x128xi32, #tpu.memory_space<vmem>> -> memref<1x1x128xi32, #tpu.memory_space<vmem>>
        %dma_start3A_136 = arith.constant 0 : i32
        %dma_start3A_137 = arith.constant 0 : i32
        %dma_start3A_138 = tpu.memref_slice %arg3[%add3A_31, %dma_start3A_136, %dma_start3A_137] : memref<2500x1x128xi32, #tpu.memory_space<hbm>> -> memref<1x1x128xi32, #tpu.memory_space<hbm>>
        tpu.enqueue_dma source(%dma_start3A_138 : memref<1x1x128xi32, #tpu.memory_space<hbm>>) target(%dma_start3A_135 : memref<1x1x128xi32, #tpu.memory_space<vmem>>) target_semaphore(%run_scoped3A : memref<!tpu.dma_semaphore, #tpu.memory_space<semaphore_mem>>)
        %dma_wait3A = arith.constant 0 : i32
        %dma_wait3A_139 = arith.constant 0 : i32
        %dma_wait3A_140 = arith.constant 0 : i32
        %dma_wait3A_141 = tpu.memref_slice %arg9[%dma_wait3A, %dma_wait3A_139, %dma_wait3A_140] : memref<2x1x128xi32, #tpu.memory_space<vmem>> -> memref<1x1x128xi32, #tpu.memory_space<vmem>>
        %dma_wait3A_142 = arith.constant 0 : i32
        %dma_wait3A_143 = arith.constant 0 : i32
        %dma_wait3A_144 = tpu.memref_slice %arg3[%add3A_31, %dma_wait3A_142, %dma_wait3A_143] : memref<2500x1x128xi32, #tpu.memory_space<hbm>> -> memref<1x1x128xi32, #tpu.memory_space<hbm>>
        %dma_wait3A_145 = arith.constant 0 : i32
        %dma_wait3A_146 = arith.constant 0 : i32
        %dma_wait3A_147 = arith.constant 0 : i32
        %dma_wait3A_148 = tpu.memref_slice %arg9[%dma_wait3A_145, %dma_wait3A_146, %dma_wait3A_147] : memref<2x1x128xi32, #tpu.memory_space<vmem>> -> memref<1x1x128xi32, #tpu.memory_space<vmem>>
        %dma_wait3A_149 = arith.constant 0 : i32
        %dma_wait3A_150 = arith.constant 0 : i32
        %dma_wait3A_151 = tpu.memref_slice %arg3[%add3A_31, %dma_wait3A_149, %dma_wait3A_150] : memref<2500x1x128xi32, #tpu.memory_space<hbm>> -> memref<1x1x128xi32, #tpu.memory_space<hbm>>
        tpu.wait_dma2 semaphore(%run_scoped3A : memref<!tpu.dma_semaphore, #tpu.memory_space<semaphore_mem>>) src(%dma_wait3A_151 : memref<1x1x128xi32, #tpu.memory_space<hbm>>) dst(%dma_wait3A_148 : memref<1x1x128xi32, #tpu.memory_space<vmem>>)
        tpu.yield
      }) : () -> ()
      "tpu.region"() ({
        %run_scoped3A = tpu.sem_alloc : memref<!tpu.dma_semaphore, #tpu.memory_space<semaphore_mem>>
        %dma_start3A_125 = arith.constant 1 : i32
        %dma_start3A_126 = arith.constant 0 : i32
        %dma_start3A_127 = arith.constant 0 : i32
        %dma_start3A_128 = tpu.memref_slice %arg9[%dma_start3A_125, %dma_start3A_126, %dma_start3A_127] : memref<2x1x128xi32, #tpu.memory_space<vmem>> -> memref<1x1x128xi32, #tpu.memory_space<vmem>>
        %dma_start3A_129 = arith.constant 0 : i32
        %dma_start3A_130 = arith.constant 0 : i32
        %dma_start3A_131 = tpu.memref_slice %arg4[%add3A_31, %dma_start3A_129, %dma_start3A_130] : memref<2500x1x128xi32, #tpu.memory_space<hbm>> -> memref<1x1x128xi32, #tpu.memory_space<hbm>>
        %dma_start3A_132 = arith.constant 1 : i32
        %dma_start3A_133 = arith.constant 0 : i32
        %dma_start3A_134 = arith.constant 0 : i32
        %dma_start3A_135 = tpu.memref_slice %arg9[%dma_start3A_132, %dma_start3A_133, %dma_start3A_134] : memref<2x1x128xi32, #tpu.memory_space<vmem>> -> memref<1x1x128xi32, #tpu.memory_space<vmem>>
        %dma_start3A_136 = arith.constant 0 : i32
        %dma_start3A_137 = arith.constant 0 : i32
        %dma_start3A_138 = tpu.memref_slice %arg4[%add3A_31, %dma_start3A_136, %dma_start3A_137] : memref<2500x1x128xi32, #tpu.memory_space<hbm>> -> memref<1x1x128xi32, #tpu.memory_space<hbm>>
        tpu.enqueue_dma source(%dma_start3A_138 : memref<1x1x128xi32, #tpu.memory_space<hbm>>) target(%dma_start3A_135 : memref<1x1x128xi32, #tpu.memory_space<vmem>>) target_semaphore(%run_scoped3A : memref<!tpu.dma_semaphore, #tpu.memory_space<semaphore_mem>>)
        %dma_wait3A = arith.constant 1 : i32
        %dma_wait3A_139 = arith.constant 0 : i32
        %dma_wait3A_140 = arith.constant 0 : i32
        %dma_wait3A_141 = tpu.memref_slice %arg9[%dma_wait3A, %dma_wait3A_139, %dma_wait3A_140] : memref<2x1x128xi32, #tpu.memory_space<vmem>> -> memref<1x1x128xi32, #tpu.memory_space<vmem>>
        %dma_wait3A_142 = arith.constant 0 : i32
        %dma_wait3A_143 = arith.constant 0 : i32
        %dma_wait3A_144 = tpu.memref_slice %arg4[%add3A_31, %dma_wait3A_142, %dma_wait3A_143] : memref<2500x1x128xi32, #tpu.memory_space<hbm>> -> memref<1x1x128xi32, #tpu.memory_space<hbm>>
        %dma_wait3A_145 = arith.constant 1 : i32
        %dma_wait3A_146 = arith.constant 0 : i32
        %dma_wait3A_147 = arith.constant 0 : i32
        %dma_wait3A_148 = tpu.memref_slice %arg9[%dma_wait3A_145, %dma_wait3A_146, %dma_wait3A_147] : memref<2x1x128xi32, #tpu.memory_space<vmem>> -> memref<1x1x128xi32, #tpu.memory_space<vmem>>
        %dma_wait3A_149 = arith.constant 0 : i32
        %dma_wait3A_150 = arith.constant 0 : i32
        %dma_wait3A_151 = tpu.memref_slice %arg4[%add3A_31, %dma_wait3A_149, %dma_wait3A_150] : memref<2500x1x128xi32, #tpu.memory_space<hbm>> -> memref<1x1x128xi32, #tpu.memory_space<hbm>>
        tpu.wait_dma2 semaphore(%run_scoped3A : memref<!tpu.dma_semaphore, #tpu.memory_space<semaphore_mem>>) src(%dma_wait3A_151 : memref<1x1x128xi32, #tpu.memory_space<hbm>>) dst(%dma_wait3A_148 : memref<1x1x128xi32, #tpu.memory_space<vmem>>)
        tpu.yield
      }) : () -> ()
    } else {
    }
    %ge3A = arith.constant 2500 : i32
    %ge3A_37 = arith.cmpi sge, %add3A_31, %ge3A : i32
    %convert_element_type3A_38 = arith.extui %ge3A_37 : i1 to i32
    %cond3A_39 = arith.constant 0 : i32
    %cond3A_40 = arith.cmpi ne, %convert_element_type3A_38, %cond3A_39 : i32
    scf.if %cond3A_40 {
      %sub3A = arith.constant 2500 : i32
      %sub3A_125 = arith.subi %add3A_31, %sub3A : i32
      "tpu.region"() ({
        %run_scoped3A = tpu.sem_alloc : memref<!tpu.dma_semaphore, #tpu.memory_space<semaphore_mem>>
        %dma_start3A_128 = arith.constant 0 : i32
        %dma_start3A_129 = arith.constant 0 : i32
        %dma_start3A_130 = arith.constant 0 : i32
        %dma_start3A_131 = tpu.memref_slice %arg9[%dma_start3A_128, %dma_start3A_129, %dma_start3A_130] : memref<2x1x128xi32, #tpu.memory_space<vmem>> -> memref<1x1x128xi32, #tpu.memory_space<vmem>>
        %dma_start3A_132 = arith.constant 0 : i32
        %dma_start3A_133 = arith.constant 0 : i32
        %dma_start3A_134 = tpu.memref_slice %arg5[%sub3A_125, %dma_start3A_132, %dma_start3A_133] : memref<60x1x128xi32, #tpu.memory_space<hbm>> -> memref<1x1x128xi32, #tpu.memory_space<hbm>>
        %dma_start3A_135 = arith.constant 0 : i32
        %dma_start3A_136 = arith.constant 0 : i32
        %dma_start3A_137 = arith.constant 0 : i32
        %dma_start3A_138 = tpu.memref_slice %arg9[%dma_start3A_135, %dma_start3A_136, %dma_start3A_137] : memref<2x1x128xi32, #tpu.memory_space<vmem>> -> memref<1x1x128xi32, #tpu.memory_space<vmem>>
        %dma_start3A_139 = arith.constant 0 : i32
        %dma_start3A_140 = arith.constant 0 : i32
        %dma_start3A_141 = tpu.memref_slice %arg5[%sub3A_125, %dma_start3A_139, %dma_start3A_140] : memref<60x1x128xi32, #tpu.memory_space<hbm>> -> memref<1x1x128xi32, #tpu.memory_space<hbm>>
        tpu.enqueue_dma source(%dma_start3A_141 : memref<1x1x128xi32, #tpu.memory_space<hbm>>) target(%dma_start3A_138 : memref<1x1x128xi32, #tpu.memory_space<vmem>>) target_semaphore(%run_scoped3A : memref<!tpu.dma_semaphore, #tpu.memory_space<semaphore_mem>>)
        %dma_wait3A = arith.constant 0 : i32
        %dma_wait3A_142 = arith.constant 0 : i32
        %dma_wait3A_143 = arith.constant 0 : i32
        %dma_wait3A_144 = tpu.memref_slice %arg9[%dma_wait3A, %dma_wait3A_142, %dma_wait3A_143] : memref<2x1x128xi32, #tpu.memory_space<vmem>> -> memref<1x1x128xi32, #tpu.memory_space<vmem>>
        %dma_wait3A_145 = arith.constant 0 : i32
        %dma_wait3A_146 = arith.constant 0 : i32
        %dma_wait3A_147 = tpu.memref_slice %arg5[%sub3A_125, %dma_wait3A_145, %dma_wait3A_146] : memref<60x1x128xi32, #tpu.memory_space<hbm>> -> memref<1x1x128xi32, #tpu.memory_space<hbm>>
        %dma_wait3A_148 = arith.constant 0 : i32
        %dma_wait3A_149 = arith.constant 0 : i32
        %dma_wait3A_150 = arith.constant 0 : i32
        %dma_wait3A_151 = tpu.memref_slice %arg9[%dma_wait3A_148, %dma_wait3A_149, %dma_wait3A_150] : memref<2x1x128xi32, #tpu.memory_space<vmem>> -> memref<1x1x128xi32, #tpu.memory_space<vmem>>
        %dma_wait3A_152 = arith.constant 0 : i32
        %dma_wait3A_153 = arith.constant 0 : i32
        %dma_wait3A_154 = tpu.memref_slice %arg5[%sub3A_125, %dma_wait3A_152, %dma_wait3A_153] : memref<60x1x128xi32, #tpu.memory_space<hbm>> -> memref<1x1x128xi32, #tpu.memory_space<hbm>>
        tpu.wait_dma2 semaphore(%run_scoped3A : memref<!tpu.dma_semaphore, #tpu.memory_space<semaphore_mem>>) src(%dma_wait3A_154 : memref<1x1x128xi32, #tpu.memory_space<hbm>>) dst(%dma_wait3A_151 : memref<1x1x128xi32, #tpu.memory_space<vmem>>)
        tpu.yield
      }) : () -> ()
      %sub3A_126 = arith.constant 2500 : i32
      %sub3A_127 = arith.subi %add3A_31, %sub3A_126 : i32
      "tpu.region"() ({
        %run_scoped3A = tpu.sem_alloc : memref<!tpu.dma_semaphore, #tpu.memory_space<semaphore_mem>>
        %dma_start3A_128 = arith.constant 1 : i32
        %dma_start3A_129 = arith.constant 0 : i32
        %dma_start3A_130 = arith.constant 0 : i32
        %dma_start3A_131 = tpu.memref_slice %arg9[%dma_start3A_128, %dma_start3A_129, %dma_start3A_130] : memref<2x1x128xi32, #tpu.memory_space<vmem>> -> memref<1x1x128xi32, #tpu.memory_space<vmem>>
        %dma_start3A_132 = arith.constant 0 : i32
        %dma_start3A_133 = arith.constant 0 : i32
        %dma_start3A_134 = tpu.memref_slice %arg6[%sub3A_127, %dma_start3A_132, %dma_start3A_133] : memref<60x1x128xi32, #tpu.memory_space<hbm>> -> memref<1x1x128xi32, #tpu.memory_space<hbm>>
        %dma_start3A_135 = arith.constant 1 : i32
        %dma_start3A_136 = arith.constant 0 : i32
        %dma_start3A_137 = arith.constant 0 : i32
        %dma_start3A_138 = tpu.memref_slice %arg9[%dma_start3A_135, %dma_start3A_136, %dma_start3A_137] : memref<2x1x128xi32, #tpu.memory_space<vmem>> -> memref<1x1x128xi32, #tpu.memory_space<vmem>>
        %dma_start3A_139 = arith.constant 0 : i32
        %dma_start3A_140 = arith.constant 0 : i32
        %dma_start3A_141 = tpu.memref_slice %arg6[%sub3A_127, %dma_start3A_139, %dma_start3A_140] : memref<60x1x128xi32, #tpu.memory_space<hbm>> -> memref<1x1x128xi32, #tpu.memory_space<hbm>>
        tpu.enqueue_dma source(%dma_start3A_141 : memref<1x1x128xi32, #tpu.memory_space<hbm>>) target(%dma_start3A_138 : memref<1x1x128xi32, #tpu.memory_space<vmem>>) target_semaphore(%run_scoped3A : memref<!tpu.dma_semaphore, #tpu.memory_space<semaphore_mem>>)
        %dma_wait3A = arith.constant 1 : i32
        %dma_wait3A_142 = arith.constant 0 : i32
        %dma_wait3A_143 = arith.constant 0 : i32
        %dma_wait3A_144 = tpu.memref_slice %arg9[%dma_wait3A, %dma_wait3A_142, %dma_wait3A_143] : memref<2x1x128xi32, #tpu.memory_space<vmem>> -> memref<1x1x128xi32, #tpu.memory_space<vmem>>
        %dma_wait3A_145 = arith.constant 0 : i32
        %dma_wait3A_146 = arith.constant 0 : i32
        %dma_wait3A_147 = tpu.memref_slice %arg6[%sub3A_127, %dma_wait3A_145, %dma_wait3A_146] : memref<60x1x128xi32, #tpu.memory_space<hbm>> -> memref<1x1x128xi32, #tpu.memory_space<hbm>>
        %dma_wait3A_148 = arith.constant 1 : i32
        %dma_wait3A_149 = arith.constant 0 : i32
        %dma_wait3A_150 = arith.constant 0 : i32
        %dma_wait3A_151 = tpu.memref_slice %arg9[%dma_wait3A_148, %dma_wait3A_149, %dma_wait3A_150] : memref<2x1x128xi32, #tpu.memory_space<vmem>> -> memref<1x1x128xi32, #tpu.memory_space<vmem>>
        %dma_wait3A_152 = arith.constant 0 : i32
        %dma_wait3A_153 = arith.constant 0 : i32
        %dma_wait3A_154 = tpu.memref_slice %arg6[%sub3A_127, %dma_wait3A_152, %dma_wait3A_153] : memref<60x1x128xi32, #tpu.memory_space<hbm>> -> memref<1x1x128xi32, #tpu.memory_space<hbm>>
        tpu.wait_dma2 semaphore(%run_scoped3A : memref<!tpu.dma_semaphore, #tpu.memory_space<semaphore_mem>>) src(%dma_wait3A_154 : memref<1x1x128xi32, #tpu.memory_space<hbm>>) dst(%dma_wait3A_151 : memref<1x1x128xi32, #tpu.memory_space<vmem>>)
        tpu.yield
      }) : () -> ()
    } else {
    }
    %add3A_41 = arith.constant 32 : i32
    %add3A_42 = arith.addi %add3A_41, %add3A : i32
    %lt3A_43 = arith.constant 2500 : i32
    %lt3A_44 = arith.cmpi slt, %add3A_42, %lt3A_43 : i32
    %convert_element_type3A_45 = arith.extui %lt3A_44 : i1 to i32
    %cond3A_46 = arith.constant 0 : i32
    %cond3A_47 = arith.cmpi ne, %convert_element_type3A_45, %cond3A_46 : i32
    scf.if %cond3A_47 {
      "tpu.region"() ({
        %run_scoped3A = tpu.sem_alloc : memref<!tpu.dma_semaphore, #tpu.memory_space<semaphore_mem>>
        %dma_start3A_125 = arith.constant 0 : i32
        %dma_start3A_126 = arith.constant 0 : i32
        %dma_start3A_127 = arith.constant 0 : i32
        %dma_start3A_128 = tpu.memref_slice %arg10[%dma_start3A_125, %dma_start3A_126, %dma_start3A_127] : memref<2x1x128xi32, #tpu.memory_space<vmem>> -> memref<1x1x128xi32, #tpu.memory_space<vmem>>
        %dma_start3A_129 = arith.constant 0 : i32
        %dma_start3A_130 = arith.constant 0 : i32
        %dma_start3A_131 = tpu.memref_slice %arg3[%add3A_42, %dma_start3A_129, %dma_start3A_130] : memref<2500x1x128xi32, #tpu.memory_space<hbm>> -> memref<1x1x128xi32, #tpu.memory_space<hbm>>
        %dma_start3A_132 = arith.constant 0 : i32
        %dma_start3A_133 = arith.constant 0 : i32
        %dma_start3A_134 = arith.constant 0 : i32
        %dma_start3A_135 = tpu.memref_slice %arg10[%dma_start3A_132, %dma_start3A_133, %dma_start3A_134] : memref<2x1x128xi32, #tpu.memory_space<vmem>> -> memref<1x1x128xi32, #tpu.memory_space<vmem>>
        %dma_start3A_136 = arith.constant 0 : i32
        %dma_start3A_137 = arith.constant 0 : i32
        %dma_start3A_138 = tpu.memref_slice %arg3[%add3A_42, %dma_start3A_136, %dma_start3A_137] : memref<2500x1x128xi32, #tpu.memory_space<hbm>> -> memref<1x1x128xi32, #tpu.memory_space<hbm>>
        tpu.enqueue_dma source(%dma_start3A_138 : memref<1x1x128xi32, #tpu.memory_space<hbm>>) target(%dma_start3A_135 : memref<1x1x128xi32, #tpu.memory_space<vmem>>) target_semaphore(%run_scoped3A : memref<!tpu.dma_semaphore, #tpu.memory_space<semaphore_mem>>)
        %dma_wait3A = arith.constant 0 : i32
        %dma_wait3A_139 = arith.constant 0 : i32
        %dma_wait3A_140 = arith.constant 0 : i32
        %dma_wait3A_141 = tpu.memref_slice %arg10[%dma_wait3A, %dma_wait3A_139, %dma_wait3A_140] : memref<2x1x128xi32, #tpu.memory_space<vmem>> -> memref<1x1x128xi32, #tpu.memory_space<vmem>>
        %dma_wait3A_142 = arith.constant 0 : i32
        %dma_wait3A_143 = arith.constant 0 : i32
        %dma_wait3A_144 = tpu.memref_slice %arg3[%add3A_42, %dma_wait3A_142, %dma_wait3A_143] : memref<2500x1x128xi32, #tpu.memory_space<hbm>> -> memref<1x1x128xi32, #tpu.memory_space<hbm>>
        %dma_wait3A_145 = arith.constant 0 : i32
        %dma_wait3A_146 = arith.constant 0 : i32
        %dma_wait3A_147 = arith.constant 0 : i32
        %dma_wait3A_148 = tpu.memref_slice %arg10[%dma_wait3A_145, %dma_wait3A_146, %dma_wait3A_147] : memref<2x1x128xi32, #tpu.memory_space<vmem>> -> memref<1x1x128xi32, #tpu.memory_space<vmem>>
        %dma_wait3A_149 = arith.constant 0 : i32
        %dma_wait3A_150 = arith.constant 0 : i32
        %dma_wait3A_151 = tpu.memref_slice %arg3[%add3A_42, %dma_wait3A_149, %dma_wait3A_150] : memref<2500x1x128xi32, #tpu.memory_space<hbm>> -> memref<1x1x128xi32, #tpu.memory_space<hbm>>
        tpu.wait_dma2 semaphore(%run_scoped3A : memref<!tpu.dma_semaphore, #tpu.memory_space<semaphore_mem>>) src(%dma_wait3A_151 : memref<1x1x128xi32, #tpu.memory_space<hbm>>) dst(%dma_wait3A_148 : memref<1x1x128xi32, #tpu.memory_space<vmem>>)
        tpu.yield
      }) : () -> ()
      "tpu.region"() ({
        %run_scoped3A = tpu.sem_alloc : memref<!tpu.dma_semaphore, #tpu.memory_space<semaphore_mem>>
        %dma_start3A_125 = arith.constant 1 : i32
        %dma_start3A_126 = arith.constant 0 : i32
        %dma_start3A_127 = arith.constant 0 : i32
        %dma_start3A_128 = tpu.memref_slice %arg10[%dma_start3A_125, %dma_start3A_126, %dma_start3A_127] : memref<2x1x128xi32, #tpu.memory_space<vmem>> -> memref<1x1x128xi32, #tpu.memory_space<vmem>>
        %dma_start3A_129 = arith.constant 0 : i32
        %dma_start3A_130 = arith.constant 0 : i32
        %dma_start3A_131 = tpu.memref_slice %arg4[%add3A_42, %dma_start3A_129, %dma_start3A_130] : memref<2500x1x128xi32, #tpu.memory_space<hbm>> -> memref<1x1x128xi32, #tpu.memory_space<hbm>>
        %dma_start3A_132 = arith.constant 1 : i32
        %dma_start3A_133 = arith.constant 0 : i32
        %dma_start3A_134 = arith.constant 0 : i32
        %dma_start3A_135 = tpu.memref_slice %arg10[%dma_start3A_132, %dma_start3A_133, %dma_start3A_134] : memref<2x1x128xi32, #tpu.memory_space<vmem>> -> memref<1x1x128xi32, #tpu.memory_space<vmem>>
        %dma_start3A_136 = arith.constant 0 : i32
        %dma_start3A_137 = arith.constant 0 : i32
        %dma_start3A_138 = tpu.memref_slice %arg4[%add3A_42, %dma_start3A_136, %dma_start3A_137] : memref<2500x1x128xi32, #tpu.memory_space<hbm>> -> memref<1x1x128xi32, #tpu.memory_space<hbm>>
        tpu.enqueue_dma source(%dma_start3A_138 : memref<1x1x128xi32, #tpu.memory_space<hbm>>) target(%dma_start3A_135 : memref<1x1x128xi32, #tpu.memory_space<vmem>>) target_semaphore(%run_scoped3A : memref<!tpu.dma_semaphore, #tpu.memory_space<semaphore_mem>>)
        %dma_wait3A = arith.constant 1 : i32
        %dma_wait3A_139 = arith.constant 0 : i32
        %dma_wait3A_140 = arith.constant 0 : i32
        %dma_wait3A_141 = tpu.memref_slice %arg10[%dma_wait3A, %dma_wait3A_139, %dma_wait3A_140] : memref<2x1x128xi32, #tpu.memory_space<vmem>> -> memref<1x1x128xi32, #tpu.memory_space<vmem>>
        %dma_wait3A_142 = arith.constant 0 : i32
        %dma_wait3A_143 = arith.constant 0 : i32
        %dma_wait3A_144 = tpu.memref_slice %arg4[%add3A_42, %dma_wait3A_142, %dma_wait3A_143] : memref<2500x1x128xi32, #tpu.memory_space<hbm>> -> memref<1x1x128xi32, #tpu.memory_space<hbm>>
        %dma_wait3A_145 = arith.constant 1 : i32
        %dma_wait3A_146 = arith.constant 0 : i32
        %dma_wait3A_147 = arith.constant 0 : i32
        %dma_wait3A_148 = tpu.memref_slice %arg10[%dma_wait3A_145, %dma_wait3A_146, %dma_wait3A_147] : memref<2x1x128xi32, #tpu.memory_space<vmem>> -> memref<1x1x128xi32, #tpu.memory_space<vmem>>
        %dma_wait3A_149 = arith.constant 0 : i32
        %dma_wait3A_150 = arith.constant 0 : i32
        %dma_wait3A_151 = tpu.memref_slice %arg4[%add3A_42, %dma_wait3A_149, %dma_wait3A_150] : memref<2500x1x128xi32, #tpu.memory_space<hbm>> -> memref<1x1x128xi32, #tpu.memory_space<hbm>>
        tpu.wait_dma2 semaphore(%run_scoped3A : memref<!tpu.dma_semaphore, #tpu.memory_space<semaphore_mem>>) src(%dma_wait3A_151 : memref<1x1x128xi32, #tpu.memory_space<hbm>>) dst(%dma_wait3A_148 : memref<1x1x128xi32, #tpu.memory_space<vmem>>)
        tpu.yield
      }) : () -> ()
    } else {
    }
    %ge3A_48 = arith.constant 2500 : i32
    %ge3A_49 = arith.cmpi sge, %add3A_42, %ge3A_48 : i32
    %convert_element_type3A_50 = arith.extui %ge3A_49 : i1 to i32
    %cond3A_51 = arith.constant 0 : i32
    %cond3A_52 = arith.cmpi ne, %convert_element_type3A_50, %cond3A_51 : i32
    scf.if %cond3A_52 {
      %sub3A = arith.constant 2500 : i32
      %sub3A_125 = arith.subi %add3A_42, %sub3A : i32
      "tpu.region"() ({
        %run_scoped3A = tpu.sem_alloc : memref<!tpu.dma_semaphore, #tpu.memory_space<semaphore_mem>>
        %dma_start3A_128 = arith.constant 0 : i32
        %dma_start3A_129 = arith.constant 0 : i32
        %dma_start3A_130 = arith.constant 0 : i32
        %dma_start3A_131 = tpu.memref_slice %arg10[%dma_start3A_128, %dma_start3A_129, %dma_start3A_130] : memref<2x1x128xi32, #tpu.memory_space<vmem>> -> memref<1x1x128xi32, #tpu.memory_space<vmem>>
        %dma_start3A_132 = arith.constant 0 : i32
        %dma_start3A_133 = arith.constant 0 : i32
        %dma_start3A_134 = tpu.memref_slice %arg5[%sub3A_125, %dma_start3A_132, %dma_start3A_133] : memref<60x1x128xi32, #tpu.memory_space<hbm>> -> memref<1x1x128xi32, #tpu.memory_space<hbm>>
        %dma_start3A_135 = arith.constant 0 : i32
        %dma_start3A_136 = arith.constant 0 : i32
        %dma_start3A_137 = arith.constant 0 : i32
        %dma_start3A_138 = tpu.memref_slice %arg10[%dma_start3A_135, %dma_start3A_136, %dma_start3A_137] : memref<2x1x128xi32, #tpu.memory_space<vmem>> -> memref<1x1x128xi32, #tpu.memory_space<vmem>>
        %dma_start3A_139 = arith.constant 0 : i32
        %dma_start3A_140 = arith.constant 0 : i32
        %dma_start3A_141 = tpu.memref_slice %arg5[%sub3A_125, %dma_start3A_139, %dma_start3A_140] : memref<60x1x128xi32, #tpu.memory_space<hbm>> -> memref<1x1x128xi32, #tpu.memory_space<hbm>>
        tpu.enqueue_dma source(%dma_start3A_141 : memref<1x1x128xi32, #tpu.memory_space<hbm>>) target(%dma_start3A_138 : memref<1x1x128xi32, #tpu.memory_space<vmem>>) target_semaphore(%run_scoped3A : memref<!tpu.dma_semaphore, #tpu.memory_space<semaphore_mem>>)
        %dma_wait3A = arith.constant 0 : i32
        %dma_wait3A_142 = arith.constant 0 : i32
        %dma_wait3A_143 = arith.constant 0 : i32
        %dma_wait3A_144 = tpu.memref_slice %arg10[%dma_wait3A, %dma_wait3A_142, %dma_wait3A_143] : memref<2x1x128xi32, #tpu.memory_space<vmem>> -> memref<1x1x128xi32, #tpu.memory_space<vmem>>
        %dma_wait3A_145 = arith.constant 0 : i32
        %dma_wait3A_146 = arith.constant 0 : i32
        %dma_wait3A_147 = tpu.memref_slice %arg5[%sub3A_125, %dma_wait3A_145, %dma_wait3A_146] : memref<60x1x128xi32, #tpu.memory_space<hbm>> -> memref<1x1x128xi32, #tpu.memory_space<hbm>>
        %dma_wait3A_148 = arith.constant 0 : i32
        %dma_wait3A_149 = arith.constant 0 : i32
        %dma_wait3A_150 = arith.constant 0 : i32
        %dma_wait3A_151 = tpu.memref_slice %arg10[%dma_wait3A_148, %dma_wait3A_149, %dma_wait3A_150] : memref<2x1x128xi32, #tpu.memory_space<vmem>> -> memref<1x1x128xi32, #tpu.memory_space<vmem>>
        %dma_wait3A_152 = arith.constant 0 : i32
        %dma_wait3A_153 = arith.constant 0 : i32
        %dma_wait3A_154 = tpu.memref_slice %arg5[%sub3A_125, %dma_wait3A_152, %dma_wait3A_153] : memref<60x1x128xi32, #tpu.memory_space<hbm>> -> memref<1x1x128xi32, #tpu.memory_space<hbm>>
        tpu.wait_dma2 semaphore(%run_scoped3A : memref<!tpu.dma_semaphore, #tpu.memory_space<semaphore_mem>>) src(%dma_wait3A_154 : memref<1x1x128xi32, #tpu.memory_space<hbm>>) dst(%dma_wait3A_151 : memref<1x1x128xi32, #tpu.memory_space<vmem>>)
        tpu.yield
      }) : () -> ()
      %sub3A_126 = arith.constant 2500 : i32
      %sub3A_127 = arith.subi %add3A_42, %sub3A_126 : i32
      "tpu.region"() ({
        %run_scoped3A = tpu.sem_alloc : memref<!tpu.dma_semaphore, #tpu.memory_space<semaphore_mem>>
        %dma_start3A_128 = arith.constant 1 : i32
        %dma_start3A_129 = arith.constant 0 : i32
        %dma_start3A_130 = arith.constant 0 : i32
        %dma_start3A_131 = tpu.memref_slice %arg10[%dma_start3A_128, %dma_start3A_129, %dma_start3A_130] : memref<2x1x128xi32, #tpu.memory_space<vmem>> -> memref<1x1x128xi32, #tpu.memory_space<vmem>>
        %dma_start3A_132 = arith.constant 0 : i32
        %dma_start3A_133 = arith.constant 0 : i32
        %dma_start3A_134 = tpu.memref_slice %arg6[%sub3A_127, %dma_start3A_132, %dma_start3A_133] : memref<60x1x128xi32, #tpu.memory_space<hbm>> -> memref<1x1x128xi32, #tpu.memory_space<hbm>>
        %dma_start3A_135 = arith.constant 1 : i32
        %dma_start3A_136 = arith.constant 0 : i32
        %dma_start3A_137 = arith.constant 0 : i32
        %dma_start3A_138 = tpu.memref_slice %arg10[%dma_start3A_135, %dma_start3A_136, %dma_start3A_137] : memref<2x1x128xi32, #tpu.memory_space<vmem>> -> memref<1x1x128xi32, #tpu.memory_space<vmem>>
        %dma_start3A_139 = arith.constant 0 : i32
        %dma_start3A_140 = arith.constant 0 : i32
        %dma_start3A_141 = tpu.memref_slice %arg6[%sub3A_127, %dma_start3A_139, %dma_start3A_140] : memref<60x1x128xi32, #tpu.memory_space<hbm>> -> memref<1x1x128xi32, #tpu.memory_space<hbm>>
        tpu.enqueue_dma source(%dma_start3A_141 : memref<1x1x128xi32, #tpu.memory_space<hbm>>) target(%dma_start3A_138 : memref<1x1x128xi32, #tpu.memory_space<vmem>>) target_semaphore(%run_scoped3A : memref<!tpu.dma_semaphore, #tpu.memory_space<semaphore_mem>>)
        %dma_wait3A = arith.constant 1 : i32
        %dma_wait3A_142 = arith.constant 0 : i32
        %dma_wait3A_143 = arith.constant 0 : i32
        %dma_wait3A_144 = tpu.memref_slice %arg10[%dma_wait3A, %dma_wait3A_142, %dma_wait3A_143] : memref<2x1x128xi32, #tpu.memory_space<vmem>> -> memref<1x1x128xi32, #tpu.memory_space<vmem>>
        %dma_wait3A_145 = arith.constant 0 : i32
        %dma_wait3A_146 = arith.constant 0 : i32
        %dma_wait3A_147 = tpu.memref_slice %arg6[%sub3A_127, %dma_wait3A_145, %dma_wait3A_146] : memref<60x1x128xi32, #tpu.memory_space<hbm>> -> memref<1x1x128xi32, #tpu.memory_space<hbm>>
        %dma_wait3A_148 = arith.constant 1 : i32
        %dma_wait3A_149 = arith.constant 0 : i32
        %dma_wait3A_150 = arith.constant 0 : i32
        %dma_wait3A_151 = tpu.memref_slice %arg10[%dma_wait3A_148, %dma_wait3A_149, %dma_wait3A_150] : memref<2x1x128xi32, #tpu.memory_space<vmem>> -> memref<1x1x128xi32, #tpu.memory_space<vmem>>
        %dma_wait3A_152 = arith.constant 0 : i32
        %dma_wait3A_153 = arith.constant 0 : i32
        %dma_wait3A_154 = tpu.memref_slice %arg6[%sub3A_127, %dma_wait3A_152, %dma_wait3A_153] : memref<60x1x128xi32, #tpu.memory_space<hbm>> -> memref<1x1x128xi32, #tpu.memory_space<hbm>>
        tpu.wait_dma2 semaphore(%run_scoped3A : memref<!tpu.dma_semaphore, #tpu.memory_space<semaphore_mem>>) src(%dma_wait3A_154 : memref<1x1x128xi32, #tpu.memory_space<hbm>>) dst(%dma_wait3A_151 : memref<1x1x128xi32, #tpu.memory_space<vmem>>)
        tpu.yield
      }) : () -> ()
    } else {
    }
    %add3A_53 = arith.constant 64 : i32
    %add3A_54 = arith.addi %add3A_53, %add3A : i32
    %lt3A_55 = arith.constant 2500 : i32
    %lt3A_56 = arith.cmpi slt, %add3A_54, %lt3A_55 : i32
    %convert_element_type3A_57 = arith.extui %lt3A_56 : i1 to i32
    %cond3A_58 = arith.constant 0 : i32
    %cond3A_59 = arith.cmpi ne, %convert_element_type3A_57, %cond3A_58 : i32
    scf.if %cond3A_59 {
      %dma_start3A_125 = arith.constant 0 : i32
      %dma_start3A_126 = arith.constant 0 : i32
      %dma_start3A_127 = arith.constant 0 : i32
      %dma_start3A_128 = tpu.memref_slice %arg11[%dma_start3A_125, %dma_start3A_126, %dma_start3A_127] : memref<2x1x128xi32, #tpu.memory_space<vmem>> -> memref<1x1x128xi32, #tpu.memory_space<vmem>>
      %dma_start3A_129 = arith.constant 0 : i32
      %dma_start3A_130 = arith.constant 0 : i32
      %dma_start3A_131 = tpu.memref_slice %arg3[%add3A_54, %dma_start3A_129, %dma_start3A_130] : memref<2500x1x128xi32, #tpu.memory_space<hbm>> -> memref<1x1x128xi32, #tpu.memory_space<hbm>>
      %dma_start3A_132 = arith.constant 0 : i32
      %dma_start3A_133 = arith.constant 0 : i32
      %dma_start3A_134 = arith.constant 0 : i32
      %dma_start3A_135 = tpu.memref_slice %arg11[%dma_start3A_132, %dma_start3A_133, %dma_start3A_134] : memref<2x1x128xi32, #tpu.memory_space<vmem>> -> memref<1x1x128xi32, #tpu.memory_space<vmem>>
      %dma_start3A_136 = arith.constant 0 : i32
      %dma_start3A_137 = arith.constant 0 : i32
      %dma_start3A_138 = tpu.memref_slice %arg3[%add3A_54, %dma_start3A_136, %dma_start3A_137] : memref<2500x1x128xi32, #tpu.memory_space<hbm>> -> memref<1x1x128xi32, #tpu.memory_space<hbm>>
      tpu.enqueue_dma source(%dma_start3A_138 : memref<1x1x128xi32, #tpu.memory_space<hbm>>) target(%dma_start3A_135 : memref<1x1x128xi32, #tpu.memory_space<vmem>>) target_semaphore(%arg18 : memref<!tpu.dma_semaphore, #tpu.memory_space<semaphore_mem>>)
      %dma_start3A_139 = arith.constant 1 : i32
      %dma_start3A_140 = arith.constant 0 : i32
      %dma_start3A_141 = arith.constant 0 : i32
      %dma_start3A_142 = tpu.memref_slice %arg11[%dma_start3A_139, %dma_start3A_140, %dma_start3A_141] : memref<2x1x128xi32, #tpu.memory_space<vmem>> -> memref<1x1x128xi32, #tpu.memory_space<vmem>>
      %dma_start3A_143 = arith.constant 0 : i32
      %dma_start3A_144 = arith.constant 0 : i32
      %dma_start3A_145 = tpu.memref_slice %arg4[%add3A_54, %dma_start3A_143, %dma_start3A_144] : memref<2500x1x128xi32, #tpu.memory_space<hbm>> -> memref<1x1x128xi32, #tpu.memory_space<hbm>>
      %dma_start3A_146 = arith.constant 1 : i32
      %dma_start3A_147 = arith.constant 0 : i32
      %dma_start3A_148 = arith.constant 0 : i32
      %dma_start3A_149 = tpu.memref_slice %arg11[%dma_start3A_146, %dma_start3A_147, %dma_start3A_148] : memref<2x1x128xi32, #tpu.memory_space<vmem>> -> memref<1x1x128xi32, #tpu.memory_space<vmem>>
      %dma_start3A_150 = arith.constant 0 : i32
      %dma_start3A_151 = arith.constant 0 : i32
      %dma_start3A_152 = tpu.memref_slice %arg4[%add3A_54, %dma_start3A_150, %dma_start3A_151] : memref<2500x1x128xi32, #tpu.memory_space<hbm>> -> memref<1x1x128xi32, #tpu.memory_space<hbm>>
      tpu.enqueue_dma source(%dma_start3A_152 : memref<1x1x128xi32, #tpu.memory_space<hbm>>) target(%dma_start3A_149 : memref<1x1x128xi32, #tpu.memory_space<vmem>>) target_semaphore(%arg18 : memref<!tpu.dma_semaphore, #tpu.memory_space<semaphore_mem>>)
    } else {
    }
    %ge3A_60 = arith.constant 2500 : i32
    %ge3A_61 = arith.cmpi sge, %add3A_54, %ge3A_60 : i32
    %convert_element_type3A_62 = arith.extui %ge3A_61 : i1 to i32
    %cond3A_63 = arith.constant 0 : i32
    %cond3A_64 = arith.cmpi ne, %convert_element_type3A_62, %cond3A_63 : i32
    scf.if %cond3A_64 {
      %sub3A = arith.constant 2500 : i32
      %sub3A_125 = arith.subi %add3A_54, %sub3A : i32
      %dma_start3A_126 = arith.constant 0 : i32
      %dma_start3A_127 = arith.constant 0 : i32
      %dma_start3A_128 = arith.constant 0 : i32
      %dma_start3A_129 = tpu.memref_slice %arg11[%dma_start3A_126, %dma_start3A_127, %dma_start3A_128] : memref<2x1x128xi32, #tpu.memory_space<vmem>> -> memref<1x1x128xi32, #tpu.memory_space<vmem>>
      %dma_start3A_130 = arith.constant 0 : i32
      %dma_start3A_131 = arith.constant 0 : i32
      %dma_start3A_132 = tpu.memref_slice %arg5[%sub3A_125, %dma_start3A_130, %dma_start3A_131] : memref<60x1x128xi32, #tpu.memory_space<hbm>> -> memref<1x1x128xi32, #tpu.memory_space<hbm>>
      %dma_start3A_133 = arith.constant 0 : i32
      %dma_start3A_134 = arith.constant 0 : i32
      %dma_start3A_135 = arith.constant 0 : i32
      %dma_start3A_136 = tpu.memref_slice %arg11[%dma_start3A_133, %dma_start3A_134, %dma_start3A_135] : memref<2x1x128xi32, #tpu.memory_space<vmem>> -> memref<1x1x128xi32, #tpu.memory_space<vmem>>
      %dma_start3A_137 = arith.constant 0 : i32
      %dma_start3A_138 = arith.constant 0 : i32
      %dma_start3A_139 = tpu.memref_slice %arg5[%sub3A_125, %dma_start3A_137, %dma_start3A_138] : memref<60x1x128xi32, #tpu.memory_space<hbm>> -> memref<1x1x128xi32, #tpu.memory_space<hbm>>
      tpu.enqueue_dma source(%dma_start3A_139 : memref<1x1x128xi32, #tpu.memory_space<hbm>>) target(%dma_start3A_136 : memref<1x1x128xi32, #tpu.memory_space<vmem>>) target_semaphore(%arg18 : memref<!tpu.dma_semaphore, #tpu.memory_space<semaphore_mem>>)
      %sub3A_140 = arith.constant 2500 : i32
      %sub3A_141 = arith.subi %add3A_54, %sub3A_140 : i32
      %dma_start3A_142 = arith.constant 1 : i32
      %dma_start3A_143 = arith.constant 0 : i32
      %dma_start3A_144 = arith.constant 0 : i32
      %dma_start3A_145 = tpu.memref_slice %arg11[%dma_start3A_142, %dma_start3A_143, %dma_start3A_144] : memref<2x1x128xi32, #tpu.memory_space<vmem>> -> memref<1x1x128xi32, #tpu.memory_space<vmem>>
      %dma_start3A_146 = arith.constant 0 : i32
      %dma_start3A_147 = arith.constant 0 : i32
      %dma_start3A_148 = tpu.memref_slice %arg6[%sub3A_141, %dma_start3A_146, %dma_start3A_147] : memref<60x1x128xi32, #tpu.memory_space<hbm>> -> memref<1x1x128xi32, #tpu.memory_space<hbm>>
      %dma_start3A_149 = arith.constant 1 : i32
      %dma_start3A_150 = arith.constant 0 : i32
      %dma_start3A_151 = arith.constant 0 : i32
      %dma_start3A_152 = tpu.memref_slice %arg11[%dma_start3A_149, %dma_start3A_150, %dma_start3A_151] : memref<2x1x128xi32, #tpu.memory_space<vmem>> -> memref<1x1x128xi32, #tpu.memory_space<vmem>>
      %dma_start3A_153 = arith.constant 0 : i32
      %dma_start3A_154 = arith.constant 0 : i32
      %dma_start3A_155 = tpu.memref_slice %arg6[%sub3A_141, %dma_start3A_153, %dma_start3A_154] : memref<60x1x128xi32, #tpu.memory_space<hbm>> -> memref<1x1x128xi32, #tpu.memory_space<hbm>>
      tpu.enqueue_dma source(%dma_start3A_155 : memref<1x1x128xi32, #tpu.memory_space<hbm>>) target(%dma_start3A_152 : memref<1x1x128xi32, #tpu.memory_space<vmem>>) target_semaphore(%arg18 : memref<!tpu.dma_semaphore, #tpu.memory_space<semaphore_mem>>)
    } else {
    }
    %add3A_65 = arith.constant 96 : i32
    %add3A_66 = arith.addi %add3A_65, %add3A : i32
    %lt3A_67 = arith.constant 2500 : i32
    %lt3A_68 = arith.cmpi slt, %add3A_66, %lt3A_67 : i32
    %convert_element_type3A_69 = arith.extui %lt3A_68 : i1 to i32
    %cond3A_70 = arith.constant 0 : i32
    %cond3A_71 = arith.cmpi ne, %convert_element_type3A_69, %cond3A_70 : i32
    scf.if %cond3A_71 {
      %dma_start3A_125 = arith.constant 0 : i32
      %dma_start3A_126 = arith.constant 0 : i32
      %dma_start3A_127 = arith.constant 0 : i32
      %dma_start3A_128 = tpu.memref_slice %arg12[%dma_start3A_125, %dma_start3A_126, %dma_start3A_127] : memref<2x1x128xi32, #tpu.memory_space<vmem>> -> memref<1x1x128xi32, #tpu.memory_space<vmem>>
      %dma_start3A_129 = arith.constant 0 : i32
      %dma_start3A_130 = arith.constant 0 : i32
      %dma_start3A_131 = tpu.memref_slice %arg3[%add3A_66, %dma_start3A_129, %dma_start3A_130] : memref<2500x1x128xi32, #tpu.memory_space<hbm>> -> memref<1x1x128xi32, #tpu.memory_space<hbm>>
      %dma_start3A_132 = arith.constant 0 : i32
      %dma_start3A_133 = arith.constant 0 : i32
      %dma_start3A_134 = arith.constant 0 : i32
      %dma_start3A_135 = tpu.memref_slice %arg12[%dma_start3A_132, %dma_start3A_133, %dma_start3A_134] : memref<2x1x128xi32, #tpu.memory_space<vmem>> -> memref<1x1x128xi32, #tpu.memory_space<vmem>>
      %dma_start3A_136 = arith.constant 0 : i32
      %dma_start3A_137 = arith.constant 0 : i32
      %dma_start3A_138 = tpu.memref_slice %arg3[%add3A_66, %dma_start3A_136, %dma_start3A_137] : memref<2500x1x128xi32, #tpu.memory_space<hbm>> -> memref<1x1x128xi32, #tpu.memory_space<hbm>>
      tpu.enqueue_dma source(%dma_start3A_138 : memref<1x1x128xi32, #tpu.memory_space<hbm>>) target(%dma_start3A_135 : memref<1x1x128xi32, #tpu.memory_space<vmem>>) target_semaphore(%arg19 : memref<!tpu.dma_semaphore, #tpu.memory_space<semaphore_mem>>)
      %dma_start3A_139 = arith.constant 1 : i32
      %dma_start3A_140 = arith.constant 0 : i32
      %dma_start3A_141 = arith.constant 0 : i32
      %dma_start3A_142 = tpu.memref_slice %arg12[%dma_start3A_139, %dma_start3A_140, %dma_start3A_141] : memref<2x1x128xi32, #tpu.memory_space<vmem>> -> memref<1x1x128xi32, #tpu.memory_space<vmem>>
      %dma_start3A_143 = arith.constant 0 : i32
      %dma_start3A_144 = arith.constant 0 : i32
      %dma_start3A_145 = tpu.memref_slice %arg4[%add3A_66, %dma_start3A_143, %dma_start3A_144] : memref<2500x1x128xi32, #tpu.memory_space<hbm>> -> memref<1x1x128xi32, #tpu.memory_space<hbm>>
      %dma_start3A_146 = arith.constant 1 : i32
      %dma_start3A_147 = arith.constant 0 : i32
      %dma_start3A_148 = arith.constant 0 : i32
      %dma_start3A_149 = tpu.memref_slice %arg12[%dma_start3A_146, %dma_start3A_147, %dma_start3A_148] : memref<2x1x128xi32, #tpu.memory_space<vmem>> -> memref<1x1x128xi32, #tpu.memory_space<vmem>>
      %dma_start3A_150 = arith.constant 0 : i32
      %dma_start3A_151 = arith.constant 0 : i32
      %dma_start3A_152 = tpu.memref_slice %arg4[%add3A_66, %dma_start3A_150, %dma_start3A_151] : memref<2500x1x128xi32, #tpu.memory_space<hbm>> -> memref<1x1x128xi32, #tpu.memory_space<hbm>>
      tpu.enqueue_dma source(%dma_start3A_152 : memref<1x1x128xi32, #tpu.memory_space<hbm>>) target(%dma_start3A_149 : memref<1x1x128xi32, #tpu.memory_space<vmem>>) target_semaphore(%arg19 : memref<!tpu.dma_semaphore, #tpu.memory_space<semaphore_mem>>)
    } else {
    }
    %ge3A_72 = arith.constant 2500 : i32
    %ge3A_73 = arith.cmpi sge, %add3A_66, %ge3A_72 : i32
    %convert_element_type3A_74 = arith.extui %ge3A_73 : i1 to i32
    %cond3A_75 = arith.constant 0 : i32
    %cond3A_76 = arith.cmpi ne, %convert_element_type3A_74, %cond3A_75 : i32
    scf.if %cond3A_76 {
      %sub3A = arith.constant 2500 : i32
      %sub3A_125 = arith.subi %add3A_66, %sub3A : i32
      %dma_start3A_126 = arith.constant 0 : i32
      %dma_start3A_127 = arith.constant 0 : i32
      %dma_start3A_128 = arith.constant 0 : i32
      %dma_start3A_129 = tpu.memref_slice %arg12[%dma_start3A_126, %dma_start3A_127, %dma_start3A_128] : memref<2x1x128xi32, #tpu.memory_space<vmem>> -> memref<1x1x128xi32, #tpu.memory_space<vmem>>
      %dma_start3A_130 = arith.constant 0 : i32
      %dma_start3A_131 = arith.constant 0 : i32
      %dma_start3A_132 = tpu.memref_slice %arg5[%sub3A_125, %dma_start3A_130, %dma_start3A_131] : memref<60x1x128xi32, #tpu.memory_space<hbm>> -> memref<1x1x128xi32, #tpu.memory_space<hbm>>
      %dma_start3A_133 = arith.constant 0 : i32
      %dma_start3A_134 = arith.constant 0 : i32
      %dma_start3A_135 = arith.constant 0 : i32
      %dma_start3A_136 = tpu.memref_slice %arg12[%dma_start3A_133, %dma_start3A_134, %dma_start3A_135] : memref<2x1x128xi32, #tpu.memory_space<vmem>> -> memref<1x1x128xi32, #tpu.memory_space<vmem>>
      %dma_start3A_137 = arith.constant 0 : i32
      %dma_start3A_138 = arith.constant 0 : i32
      %dma_start3A_139 = tpu.memref_slice %arg5[%sub3A_125, %dma_start3A_137, %dma_start3A_138] : memref<60x1x128xi32, #tpu.memory_space<hbm>> -> memref<1x1x128xi32, #tpu.memory_space<hbm>>
      tpu.enqueue_dma source(%dma_start3A_139 : memref<1x1x128xi32, #tpu.memory_space<hbm>>) target(%dma_start3A_136 : memref<1x1x128xi32, #tpu.memory_space<vmem>>) target_semaphore(%arg19 : memref<!tpu.dma_semaphore, #tpu.memory_space<semaphore_mem>>)
      %sub3A_140 = arith.constant 2500 : i32
      %sub3A_141 = arith.subi %add3A_66, %sub3A_140 : i32
      %dma_start3A_142 = arith.constant 1 : i32
      %dma_start3A_143 = arith.constant 0 : i32
      %dma_start3A_144 = arith.constant 0 : i32
      %dma_start3A_145 = tpu.memref_slice %arg12[%dma_start3A_142, %dma_start3A_143, %dma_start3A_144] : memref<2x1x128xi32, #tpu.memory_space<vmem>> -> memref<1x1x128xi32, #tpu.memory_space<vmem>>
      %dma_start3A_146 = arith.constant 0 : i32
      %dma_start3A_147 = arith.constant 0 : i32
      %dma_start3A_148 = tpu.memref_slice %arg6[%sub3A_141, %dma_start3A_146, %dma_start3A_147] : memref<60x1x128xi32, #tpu.memory_space<hbm>> -> memref<1x1x128xi32, #tpu.memory_space<hbm>>
      %dma_start3A_149 = arith.constant 1 : i32
      %dma_start3A_150 = arith.constant 0 : i32
      %dma_start3A_151 = arith.constant 0 : i32
      %dma_start3A_152 = tpu.memref_slice %arg12[%dma_start3A_149, %dma_start3A_150, %dma_start3A_151] : memref<2x1x128xi32, #tpu.memory_space<vmem>> -> memref<1x1x128xi32, #tpu.memory_space<vmem>>
      %dma_start3A_153 = arith.constant 0 : i32
      %dma_start3A_154 = arith.constant 0 : i32
      %dma_start3A_155 = tpu.memref_slice %arg6[%sub3A_141, %dma_start3A_153, %dma_start3A_154] : memref<60x1x128xi32, #tpu.memory_space<hbm>> -> memref<1x1x128xi32, #tpu.memory_space<hbm>>
      tpu.enqueue_dma source(%dma_start3A_155 : memref<1x1x128xi32, #tpu.memory_space<hbm>>) target(%dma_start3A_152 : memref<1x1x128xi32, #tpu.memory_space<vmem>>) target_semaphore(%arg19 : memref<!tpu.dma_semaphore, #tpu.memory_space<semaphore_mem>>)
    } else {
    }
    %barrier3A = arith.constant 0 : index
    tpu.barrier barrier_id(%barrier3A)
    %dma_start3A = arith.constant 0 : i32
    %dma_start3A_77 = arith.constant 0 : i32
    %dma_start3A_78 = arith.constant 0 : i32
    %dma_start3A_79 = arith.constant 0 : i32
    %dma_start3A_80 = tpu.memref_slice %arg13[%dma_start3A_78, %dma_start3A_79] : memref<128x128xf32, #tpu.memory_space<vmem>> -> memref<64x128xf32, #tpu.memory_space<vmem>>
    %dma_start3A_81 = arith.constant 0 : i32
    %dma_start3A_82 = tpu.memref_slice %arg9[%dma_start3A, %dma_start3A_77, %dma_start3A_81] : memref<2x1x128xi32, #tpu.memory_space<vmem>> -> memref<1x1x64xi32, #tpu.memory_space<vmem>>
    %dma_start3A_83 = tpu.memref_squeeze %dma_start3A_82 : memref<1x1x64xi32, #tpu.memory_space<vmem>> -> memref<64xi32, #tpu.memory_space<vmem>>
    %dma_start3A_84 = arith.constant 0 : i32
    %dma_start3A_85 = arith.constant 0 : i32
    %dma_start3A_86 = tpu.memref_slice %arg2[%dma_start3A_84, %dma_start3A_85] : memref<10000x128xf32, #tpu.memory_space<hbm>> -> memref<10000x128xf32, #tpu.memory_space<hbm>>
    tpu.enqueue_indirect_dma source(%dma_start3A_86 : memref<10000x128xf32, #tpu.memory_space<hbm>>) target(%dma_start3A_80 : memref<64x128xf32, #tpu.memory_space<vmem>>) offsets(%dma_start3A_83 : memref<64xi32, #tpu.memory_space<vmem>>) semaphore(%arg20 : memref<!tpu.dma_semaphore, #tpu.memory_space<semaphore_mem>>)
    %dma_start3A_87 = arith.constant 0 : i32
    %dma_start3A_88 = arith.constant 0 : i32
    %dma_start3A_89 = arith.constant 64 : i32
    %dma_start3A_90 = arith.constant 0 : i32
    %dma_start3A_91 = tpu.memref_slice %arg13[%dma_start3A_89, %dma_start3A_90] : memref<128x128xf32, #tpu.memory_space<vmem>> -> memref<64x128xf32, #tpu.memory_space<vmem>>
    %dma_start3A_92 = arith.constant 64 : i32
    %dma_start3A_93 = tpu.memref_slice %arg9[%dma_start3A_87, %dma_start3A_88, %dma_start3A_92] : memref<2x1x128xi32, #tpu.memory_space<vmem>> -> memref<1x1x64xi32, #tpu.memory_space<vmem>>
    %dma_start3A_94 = tpu.memref_squeeze %dma_start3A_93 : memref<1x1x64xi32, #tpu.memory_space<vmem>> -> memref<64xi32, #tpu.memory_space<vmem>>
    %dma_start3A_95 = arith.constant 0 : i32
    %dma_start3A_96 = arith.constant 0 : i32
    %dma_start3A_97 = tpu.memref_slice %arg2[%dma_start3A_95, %dma_start3A_96] : memref<10000x128xf32, #tpu.memory_space<hbm>> -> memref<10000x128xf32, #tpu.memory_space<hbm>>
    tpu.enqueue_indirect_dma source(%dma_start3A_97 : memref<10000x128xf32, #tpu.memory_space<hbm>>) target(%dma_start3A_91 : memref<64x128xf32, #tpu.memory_space<vmem>>) offsets(%dma_start3A_94 : memref<64xi32, #tpu.memory_space<vmem>>) semaphore(%arg20 : memref<!tpu.dma_semaphore, #tpu.memory_space<semaphore_mem>>)
    %dma_start3A_98 = arith.constant 0 : i32
    %dma_start3A_99 = arith.constant 0 : i32
    %dma_start3A_100 = arith.constant 0 : i32
    %dma_start3A_101 = arith.constant 0 : i32
    %dma_start3A_102 = tpu.memref_slice %arg14[%dma_start3A_100, %dma_start3A_101] : memref<128x128xf32, #tpu.memory_space<vmem>> -> memref<64x128xf32, #tpu.memory_space<vmem>>
    %dma_start3A_103 = arith.constant 0 : i32
    %dma_start3A_104 = tpu.memref_slice %arg10[%dma_start3A_98, %dma_start3A_99, %dma_start3A_103] : memref<2x1x128xi32, #tpu.memory_space<vmem>> -> memref<1x1x64xi32, #tpu.memory_space<vmem>>
    %dma_start3A_105 = tpu.memref_squeeze %dma_start3A_104 : memref<1x1x64xi32, #tpu.memory_space<vmem>> -> memref<64xi32, #tpu.memory_space<vmem>>
    %dma_start3A_106 = arith.constant 0 : i32
    %dma_start3A_107 = arith.constant 0 : i32
    %dma_start3A_108 = tpu.memref_slice %arg2[%dma_start3A_106, %dma_start3A_107] : memref<10000x128xf32, #tpu.memory_space<hbm>> -> memref<10000x128xf32, #tpu.memory_space<hbm>>
    tpu.enqueue_indirect_dma source(%dma_start3A_108 : memref<10000x128xf32, #tpu.memory_space<hbm>>) target(%dma_start3A_102 : memref<64x128xf32, #tpu.memory_space<vmem>>) offsets(%dma_start3A_105 : memref<64xi32, #tpu.memory_space<vmem>>) semaphore(%arg21 : memref<!tpu.dma_semaphore, #tpu.memory_space<semaphore_mem>>)
    %dma_start3A_109 = arith.constant 0 : i32
    %dma_start3A_110 = arith.constant 0 : i32
    %dma_start3A_111 = arith.constant 64 : i32
    %dma_start3A_112 = arith.constant 0 : i32
    %dma_start3A_113 = tpu.memref_slice %arg14[%dma_start3A_111, %dma_start3A_112] : memref<128x128xf32, #tpu.memory_space<vmem>> -> memref<64x128xf32, #tpu.memory_space<vmem>>
    %dma_start3A_114 = arith.constant 64 : i32
    %dma_start3A_115 = tpu.memref_slice %arg10[%dma_start3A_109, %dma_start3A_110, %dma_start3A_114] : memref<2x1x128xi32, #tpu.memory_space<vmem>> -> memref<1x1x64xi32, #tpu.memory_space<vmem>>
    %dma_start3A_116 = tpu.memref_squeeze %dma_start3A_115 : memref<1x1x64xi32, #tpu.memory_space<vmem>> -> memref<64xi32, #tpu.memory_space<vmem>>
    %dma_start3A_117 = arith.constant 0 : i32
    %dma_start3A_118 = arith.constant 0 : i32
    %dma_start3A_119 = tpu.memref_slice %arg2[%dma_start3A_117, %dma_start3A_118] : memref<10000x128xf32, #tpu.memory_space<hbm>> -> memref<10000x128xf32, #tpu.memory_space<hbm>>
    tpu.enqueue_indirect_dma source(%dma_start3A_119 : memref<10000x128xf32, #tpu.memory_space<hbm>>) target(%dma_start3A_113 : memref<64x128xf32, #tpu.memory_space<vmem>>) offsets(%dma_start3A_116 : memref<64xi32, #tpu.memory_space<vmem>>) semaphore(%arg21 : memref<!tpu.dma_semaphore, #tpu.memory_space<semaphore_mem>>)
    %scan3A = arith.constant 0 : i32
    %scan3A_120 = arith.constant 20 : i32
    %scan3A_121 = arith.addi %scan3A, %scan3A_120 : i32
    %scan3A_122 = arith.constant 1 : i32
    scf.for %scan3A_125 = %scan3A to %scan3A_121 step %scan3A_122  : i32 {
      %mul3A_126 = arith.constant 4 : i32
      %mul3A_127 = arith.muli %scan3A_125, %mul3A_126 : i32
      %add3A_128 = arith.constant 0 : i32
      %add3A_129 = arith.addi %add3A_128, %mul3A_127 : i32
      %add3A_130 = arith.constant 0 : i32
      %add3A_131 = arith.addi %add3A_129, %add3A_130 : i32
      %dma_wait3A = arith.constant 0 : i32
      %dma_wait3A_132 = arith.constant 0 : i32
      %dma_wait3A_133 = arith.constant 0 : i32
      %dma_wait3A_134 = arith.constant 0 : i32
      %dma_wait3A_135 = tpu.memref_slice %arg13[%dma_wait3A_133, %dma_wait3A_134] : memref<128x128xf32, #tpu.memory_space<vmem>> -> memref<64x128xf32, #tpu.memory_space<vmem>>
      %dma_wait3A_136 = arith.constant 0 : i32
      %dma_wait3A_137 = tpu.memref_slice %arg9[%dma_wait3A, %dma_wait3A_132, %dma_wait3A_136] : memref<2x1x128xi32, #tpu.memory_space<vmem>> -> memref<1x1x64xi32, #tpu.memory_space<vmem>>
      %dma_wait3A_138 = tpu.memref_squeeze %dma_wait3A_137 : memref<1x1x64xi32, #tpu.memory_space<vmem>> -> memref<64xi32, #tpu.memory_space<vmem>>
      %dma_wait3A_139 = arith.constant 0 : i32
      %dma_wait3A_140 = arith.constant 0 : i32
      %dma_wait3A_141 = tpu.memref_slice %arg2[%dma_wait3A_139, %dma_wait3A_140] : memref<10000x128xf32, #tpu.memory_space<hbm>> -> memref<10000x128xf32, #tpu.memory_space<hbm>>
      tpu.wait_indirect_dma semaphore(%arg20 : memref<!tpu.dma_semaphore, #tpu.memory_space<semaphore_mem>>) src(%dma_wait3A_141 : memref<10000x128xf32, #tpu.memory_space<hbm>>) dst(%dma_wait3A_135 : memref<64x128xf32, #tpu.memory_space<vmem>>)
      %dma_wait3A_142 = arith.constant 0 : i32
      %dma_wait3A_143 = arith.constant 0 : i32
      %dma_wait3A_144 = arith.constant 64 : i32
      %dma_wait3A_145 = arith.constant 0 : i32
      %dma_wait3A_146 = tpu.memref_slice %arg13[%dma_wait3A_144, %dma_wait3A_145] : memref<128x128xf32, #tpu.memory_space<vmem>> -> memref<64x128xf32, #tpu.memory_space<vmem>>
      %dma_wait3A_147 = arith.constant 64 : i32
      %dma_wait3A_148 = tpu.memref_slice %arg9[%dma_wait3A_142, %dma_wait3A_143, %dma_wait3A_147] : memref<2x1x128xi32, #tpu.memory_space<vmem>> -> memref<1x1x64xi32, #tpu.memory_space<vmem>>
      %dma_wait3A_149 = tpu.memref_squeeze %dma_wait3A_148 : memref<1x1x64xi32, #tpu.memory_space<vmem>> -> memref<64xi32, #tpu.memory_space<vmem>>
      %dma_wait3A_150 = arith.constant 0 : i32
      %dma_wait3A_151 = arith.constant 0 : i32
      %dma_wait3A_152 = tpu.memref_slice %arg2[%dma_wait3A_150, %dma_wait3A_151] : memref<10000x128xf32, #tpu.memory_space<hbm>> -> memref<10000x128xf32, #tpu.memory_space<hbm>>
      tpu.wait_indirect_dma semaphore(%arg20 : memref<!tpu.dma_semaphore, #tpu.memory_space<semaphore_mem>>) src(%dma_wait3A_152 : memref<10000x128xf32, #tpu.memory_space<hbm>>) dst(%dma_wait3A_146 : memref<64x128xf32, #tpu.memory_space<vmem>>)
      %run_scoped3A = arith.constant 1 : i32
      %run_scoped3A_153 = arith.constant 0 : i32
      "tpu.region"() ({
        %run_scoped3A_288 = tpu.sem_alloc : memref<!tpu.dma_semaphore, #tpu.memory_space<semaphore_mem>>
        %dma_start3A_289 = arith.constant 0 : i32
        %dma_start3A_290 = tpu.memref_slice %arg9[%run_scoped3A, %run_scoped3A_153, %dma_start3A_289] : memref<2x1x128xi32, #tpu.memory_space<vmem>> -> memref<1x1x128xi32, #tpu.memory_space<vmem>>
        %dma_start3A_291 = tpu.memref_squeeze %dma_start3A_290 : memref<1x1x128xi32, #tpu.memory_space<vmem>> -> memref<128xi32, #tpu.memory_space<vmem>>
        %dma_start3A_292 = arith.constant 0 : i32
        %dma_start3A_293 = arith.constant 0 : i32
        %dma_start3A_294 = tpu.memref_slice %arg15[%dma_start3A_292, %dma_start3A_293] : memref<10240x128xf32, #tpu.memory_space<vmem_shared>> -> memref<10240x128xf32, #tpu.memory_space<vmem_shared>>
        tpu.enqueue_indirect_dma source(%arg13 : memref<128x128xf32, #tpu.memory_space<vmem>>) target(%dma_start3A_294 : memref<10240x128xf32, #tpu.memory_space<vmem_shared>>) offsets(%dma_start3A_291 : memref<128xi32, #tpu.memory_space<vmem>>) semaphore(%run_scoped3A_288 : memref<!tpu.dma_semaphore, #tpu.memory_space<semaphore_mem>>) {add = true}
        %dma_wait3A_295 = arith.constant 0 : i32
        %dma_wait3A_296 = tpu.memref_slice %arg9[%run_scoped3A, %run_scoped3A_153, %dma_wait3A_295] : memref<2x1x128xi32, #tpu.memory_space<vmem>> -> memref<1x1x128xi32, #tpu.memory_space<vmem>>
        %dma_wait3A_297 = tpu.memref_squeeze %dma_wait3A_296 : memref<1x1x128xi32, #tpu.memory_space<vmem>> -> memref<128xi32, #tpu.memory_space<vmem>>
        %dma_wait3A_298 = arith.constant 0 : i32
        %dma_wait3A_299 = arith.constant 0 : i32
        %dma_wait3A_300 = tpu.memref_slice %arg15[%dma_wait3A_298, %dma_wait3A_299] : memref<10240x128xf32, #tpu.memory_space<vmem_shared>> -> memref<10240x128xf32, #tpu.memory_space<vmem_shared>>
        tpu.wait_indirect_dma semaphore(%run_scoped3A_288 : memref<!tpu.dma_semaphore, #tpu.memory_space<semaphore_mem>>) src(%arg13 : memref<128x128xf32, #tpu.memory_space<vmem>>) dst(%dma_wait3A_300 : memref<10240x128xf32, #tpu.memory_space<vmem_shared>>)
        tpu.yield
      }) : () -> ()
      %add3A_154 = arith.constant 4 : i32
      %add3A_155 = arith.addi %add3A_131, %add3A_154 : i32
      %lt3A_156 = arith.constant 80 : i32
      %lt3A_157 = arith.cmpi slt, %add3A_155, %lt3A_156 : i32
      %convert_element_type3A_158 = arith.extui %lt3A_157 : i1 to i32
      %cond3A_159 = arith.constant 0 : i32
      %cond3A_160 = arith.cmpi ne, %convert_element_type3A_158, %cond3A_159 : i32
      scf.if %cond3A_160 {
        %add3A_288 = arith.constant 4 : i32
        %add3A_289 = arith.addi %add3A_131, %add3A_288 : i32
        %mul3A_290 = arith.constant 32 : i32
        %mul3A_291 = arith.muli %add3A_289, %mul3A_290 : i32
        %add3A_292 = arith.addi %mul3A_291, %add3A : i32
        %lt3A_293 = arith.constant 2500 : i32
        %lt3A_294 = arith.cmpi slt, %add3A_292, %lt3A_293 : i32
        %convert_element_type3A_295 = arith.extui %lt3A_294 : i1 to i32
        %cond3A_296 = arith.constant 0 : i32
        %cond3A_297 = arith.cmpi ne, %convert_element_type3A_295, %cond3A_296 : i32
        scf.if %cond3A_297 {
          %dma_start3A_303 = arith.constant 0 : i32
          %dma_start3A_304 = arith.constant 0 : i32
          %dma_start3A_305 = arith.constant 0 : i32
          %dma_start3A_306 = tpu.memref_slice %arg9[%dma_start3A_303, %dma_start3A_304, %dma_start3A_305] : memref<2x1x128xi32, #tpu.memory_space<vmem>> -> memref<1x1x128xi32, #tpu.memory_space<vmem>>
          %dma_start3A_307 = arith.constant 0 : i32
          %dma_start3A_308 = arith.constant 0 : i32
          %dma_start3A_309 = tpu.memref_slice %arg3[%add3A_292, %dma_start3A_307, %dma_start3A_308] : memref<2500x1x128xi32, #tpu.memory_space<hbm>> -> memref<1x1x128xi32, #tpu.memory_space<hbm>>
          %dma_start3A_310 = arith.constant 0 : i32
          %dma_start3A_311 = arith.constant 0 : i32
          %dma_start3A_312 = arith.constant 0 : i32
          %dma_start3A_313 = tpu.memref_slice %arg9[%dma_start3A_310, %dma_start3A_311, %dma_start3A_312] : memref<2x1x128xi32, #tpu.memory_space<vmem>> -> memref<1x1x128xi32, #tpu.memory_space<vmem>>
          %dma_start3A_314 = arith.constant 0 : i32
          %dma_start3A_315 = arith.constant 0 : i32
          %dma_start3A_316 = tpu.memref_slice %arg3[%add3A_292, %dma_start3A_314, %dma_start3A_315] : memref<2500x1x128xi32, #tpu.memory_space<hbm>> -> memref<1x1x128xi32, #tpu.memory_space<hbm>>
          tpu.enqueue_dma source(%dma_start3A_316 : memref<1x1x128xi32, #tpu.memory_space<hbm>>) target(%dma_start3A_313 : memref<1x1x128xi32, #tpu.memory_space<vmem>>) target_semaphore(%arg16 : memref<!tpu.dma_semaphore, #tpu.memory_space<semaphore_mem>>)
          %dma_start3A_317 = arith.constant 1 : i32
          %dma_start3A_318 = arith.constant 0 : i32
          %dma_start3A_319 = arith.constant 0 : i32
          %dma_start3A_320 = tpu.memref_slice %arg9[%dma_start3A_317, %dma_start3A_318, %dma_start3A_319] : memref<2x1x128xi32, #tpu.memory_space<vmem>> -> memref<1x1x128xi32, #tpu.memory_space<vmem>>
          %dma_start3A_321 = arith.constant 0 : i32
          %dma_start3A_322 = arith.constant 0 : i32
          %dma_start3A_323 = tpu.memref_slice %arg4[%add3A_292, %dma_start3A_321, %dma_start3A_322] : memref<2500x1x128xi32, #tpu.memory_space<hbm>> -> memref<1x1x128xi32, #tpu.memory_space<hbm>>
          %dma_start3A_324 = arith.constant 1 : i32
          %dma_start3A_325 = arith.constant 0 : i32
          %dma_start3A_326 = arith.constant 0 : i32
          %dma_start3A_327 = tpu.memref_slice %arg9[%dma_start3A_324, %dma_start3A_325, %dma_start3A_326] : memref<2x1x128xi32, #tpu.memory_space<vmem>> -> memref<1x1x128xi32, #tpu.memory_space<vmem>>
          %dma_start3A_328 = arith.constant 0 : i32
          %dma_start3A_329 = arith.constant 0 : i32
          %dma_start3A_330 = tpu.memref_slice %arg4[%add3A_292, %dma_start3A_328, %dma_start3A_329] : memref<2500x1x128xi32, #tpu.memory_space<hbm>> -> memref<1x1x128xi32, #tpu.memory_space<hbm>>
          tpu.enqueue_dma source(%dma_start3A_330 : memref<1x1x128xi32, #tpu.memory_space<hbm>>) target(%dma_start3A_327 : memref<1x1x128xi32, #tpu.memory_space<vmem>>) target_semaphore(%arg16 : memref<!tpu.dma_semaphore, #tpu.memory_space<semaphore_mem>>)
        } else {
        }
        %ge3A_298 = arith.constant 2500 : i32
        %ge3A_299 = arith.cmpi sge, %add3A_292, %ge3A_298 : i32
        %convert_element_type3A_300 = arith.extui %ge3A_299 : i1 to i32
        %cond3A_301 = arith.constant 0 : i32
        %cond3A_302 = arith.cmpi ne, %convert_element_type3A_300, %cond3A_301 : i32
        scf.if %cond3A_302 {
          %sub3A = arith.constant 2500 : i32
          %sub3A_303 = arith.subi %add3A_292, %sub3A : i32
          %dma_start3A_304 = arith.constant 0 : i32
          %dma_start3A_305 = arith.constant 0 : i32
          %dma_start3A_306 = arith.constant 0 : i32
          %dma_start3A_307 = tpu.memref_slice %arg9[%dma_start3A_304, %dma_start3A_305, %dma_start3A_306] : memref<2x1x128xi32, #tpu.memory_space<vmem>> -> memref<1x1x128xi32, #tpu.memory_space<vmem>>
          %dma_start3A_308 = arith.constant 0 : i32
          %dma_start3A_309 = arith.constant 0 : i32
          %dma_start3A_310 = tpu.memref_slice %arg5[%sub3A_303, %dma_start3A_308, %dma_start3A_309] : memref<60x1x128xi32, #tpu.memory_space<hbm>> -> memref<1x1x128xi32, #tpu.memory_space<hbm>>
          %dma_start3A_311 = arith.constant 0 : i32
          %dma_start3A_312 = arith.constant 0 : i32
          %dma_start3A_313 = arith.constant 0 : i32
          %dma_start3A_314 = tpu.memref_slice %arg9[%dma_start3A_311, %dma_start3A_312, %dma_start3A_313] : memref<2x1x128xi32, #tpu.memory_space<vmem>> -> memref<1x1x128xi32, #tpu.memory_space<vmem>>
          %dma_start3A_315 = arith.constant 0 : i32
          %dma_start3A_316 = arith.constant 0 : i32
          %dma_start3A_317 = tpu.memref_slice %arg5[%sub3A_303, %dma_start3A_315, %dma_start3A_316] : memref<60x1x128xi32, #tpu.memory_space<hbm>> -> memref<1x1x128xi32, #tpu.memory_space<hbm>>
          tpu.enqueue_dma source(%dma_start3A_317 : memref<1x1x128xi32, #tpu.memory_space<hbm>>) target(%dma_start3A_314 : memref<1x1x128xi32, #tpu.memory_space<vmem>>) target_semaphore(%arg16 : memref<!tpu.dma_semaphore, #tpu.memory_space<semaphore_mem>>)
          %sub3A_318 = arith.constant 2500 : i32
          %sub3A_319 = arith.subi %add3A_292, %sub3A_318 : i32
          %dma_start3A_320 = arith.constant 1 : i32
          %dma_start3A_321 = arith.constant 0 : i32
          %dma_start3A_322 = arith.constant 0 : i32
          %dma_start3A_323 = tpu.memref_slice %arg9[%dma_start3A_320, %dma_start3A_321, %dma_start3A_322] : memref<2x1x128xi32, #tpu.memory_space<vmem>> -> memref<1x1x128xi32, #tpu.memory_space<vmem>>
          %dma_start3A_324 = arith.constant 0 : i32
          %dma_start3A_325 = arith.constant 0 : i32
          %dma_start3A_326 = tpu.memref_slice %arg6[%sub3A_319, %dma_start3A_324, %dma_start3A_325] : memref<60x1x128xi32, #tpu.memory_space<hbm>> -> memref<1x1x128xi32, #tpu.memory_space<hbm>>
          %dma_start3A_327 = arith.constant 1 : i32
          %dma_start3A_328 = arith.constant 0 : i32
          %dma_start3A_329 = arith.constant 0 : i32
          %dma_start3A_330 = tpu.memref_slice %arg9[%dma_start3A_327, %dma_start3A_328, %dma_start3A_329] : memref<2x1x128xi32, #tpu.memory_space<vmem>> -> memref<1x1x128xi32, #tpu.memory_space<vmem>>
          %dma_start3A_331 = arith.constant 0 : i32
          %dma_start3A_332 = arith.constant 0 : i32
          %dma_start3A_333 = tpu.memref_slice %arg6[%sub3A_319, %dma_start3A_331, %dma_start3A_332] : memref<60x1x128xi32, #tpu.memory_space<hbm>> -> memref<1x1x128xi32, #tpu.memory_space<hbm>>
          tpu.enqueue_dma source(%dma_start3A_333 : memref<1x1x128xi32, #tpu.memory_space<hbm>>) target(%dma_start3A_330 : memref<1x1x128xi32, #tpu.memory_space<vmem>>) target_semaphore(%arg16 : memref<!tpu.dma_semaphore, #tpu.memory_space<semaphore_mem>>)
        } else {
        }
      } else {
      }
      %add3A_161 = arith.constant 2 : i32
      %add3A_162 = arith.addi %add3A_131, %add3A_161 : i32
      %lt3A_163 = arith.constant 80 : i32
      %lt3A_164 = arith.cmpi slt, %add3A_162, %lt3A_163 : i32
      %convert_element_type3A_165 = arith.extui %lt3A_164 : i1 to i32
      %cond3A_166 = arith.constant 0 : i32
      %cond3A_167 = arith.cmpi ne, %convert_element_type3A_165, %cond3A_166 : i32
      scf.if %cond3A_167 {
        %dma_wait3A_288 = arith.constant 0 : i32
        %dma_wait3A_289 = arith.constant 0 : i32
        %dma_wait3A_290 = arith.constant 0 : i32
        %dma_wait3A_291 = tpu.memref_slice %arg11[%dma_wait3A_288, %dma_wait3A_289, %dma_wait3A_290] : memref<2x1x128xi32, #tpu.memory_space<vmem>> -> memref<1x1x128xi32, #tpu.memory_space<vmem>>
        %dma_wait3A_292 = arith.constant 0 : i32
        %dma_wait3A_293 = arith.constant 0 : i32
        %dma_wait3A_294 = arith.constant 0 : i32
        %dma_wait3A_295 = tpu.memref_slice %arg3[%dma_wait3A_292, %dma_wait3A_293, %dma_wait3A_294] : memref<2500x1x128xi32, #tpu.memory_space<hbm>> -> memref<1x1x128xi32, #tpu.memory_space<hbm>>
        %dma_wait3A_296 = arith.constant 0 : i32
        %dma_wait3A_297 = arith.constant 0 : i32
        %dma_wait3A_298 = arith.constant 0 : i32
        %dma_wait3A_299 = tpu.memref_slice %arg11[%dma_wait3A_296, %dma_wait3A_297, %dma_wait3A_298] : memref<2x1x128xi32, #tpu.memory_space<vmem>> -> memref<1x1x128xi32, #tpu.memory_space<vmem>>
        %dma_wait3A_300 = arith.constant 0 : i32
        %dma_wait3A_301 = arith.constant 0 : i32
        %dma_wait3A_302 = arith.constant 0 : i32
        %dma_wait3A_303 = tpu.memref_slice %arg3[%dma_wait3A_300, %dma_wait3A_301, %dma_wait3A_302] : memref<2500x1x128xi32, #tpu.memory_space<hbm>> -> memref<1x1x128xi32, #tpu.memory_space<hbm>>
        tpu.wait_dma2 semaphore(%arg18 : memref<!tpu.dma_semaphore, #tpu.memory_space<semaphore_mem>>) src(%dma_wait3A_303 : memref<1x1x128xi32, #tpu.memory_space<hbm>>) dst(%dma_wait3A_299 : memref<1x1x128xi32, #tpu.memory_space<vmem>>)
        %dma_wait3A_304 = arith.constant 1 : i32
        %dma_wait3A_305 = arith.constant 0 : i32
        %dma_wait3A_306 = arith.constant 0 : i32
        %dma_wait3A_307 = tpu.memref_slice %arg11[%dma_wait3A_304, %dma_wait3A_305, %dma_wait3A_306] : memref<2x1x128xi32, #tpu.memory_space<vmem>> -> memref<1x1x128xi32, #tpu.memory_space<vmem>>
        %dma_wait3A_308 = arith.constant 0 : i32
        %dma_wait3A_309 = arith.constant 0 : i32
        %dma_wait3A_310 = arith.constant 0 : i32
        %dma_wait3A_311 = tpu.memref_slice %arg3[%dma_wait3A_308, %dma_wait3A_309, %dma_wait3A_310] : memref<2500x1x128xi32, #tpu.memory_space<hbm>> -> memref<1x1x128xi32, #tpu.memory_space<hbm>>
        %dma_wait3A_312 = arith.constant 1 : i32
        %dma_wait3A_313 = arith.constant 0 : i32
        %dma_wait3A_314 = arith.constant 0 : i32
        %dma_wait3A_315 = tpu.memref_slice %arg11[%dma_wait3A_312, %dma_wait3A_313, %dma_wait3A_314] : memref<2x1x128xi32, #tpu.memory_space<vmem>> -> memref<1x1x128xi32, #tpu.memory_space<vmem>>
        %dma_wait3A_316 = arith.constant 0 : i32
        %dma_wait3A_317 = arith.constant 0 : i32
        %dma_wait3A_318 = arith.constant 0 : i32
        %dma_wait3A_319 = tpu.memref_slice %arg3[%dma_wait3A_316, %dma_wait3A_317, %dma_wait3A_318] : memref<2500x1x128xi32, #tpu.memory_space<hbm>> -> memref<1x1x128xi32, #tpu.memory_space<hbm>>
        tpu.wait_dma2 semaphore(%arg18 : memref<!tpu.dma_semaphore, #tpu.memory_space<semaphore_mem>>) src(%dma_wait3A_319 : memref<1x1x128xi32, #tpu.memory_space<hbm>>) dst(%dma_wait3A_315 : memref<1x1x128xi32, #tpu.memory_space<vmem>>)
        %dma_start3A_320 = arith.constant 0 : i32
        %dma_start3A_321 = arith.constant 0 : i32
        %dma_start3A_322 = arith.constant 0 : i32
        %dma_start3A_323 = arith.constant 0 : i32
        %dma_start3A_324 = tpu.memref_slice %arg13[%dma_start3A_322, %dma_start3A_323] : memref<128x128xf32, #tpu.memory_space<vmem>> -> memref<64x128xf32, #tpu.memory_space<vmem>>
        %dma_start3A_325 = arith.constant 0 : i32
        %dma_start3A_326 = tpu.memref_slice %arg11[%dma_start3A_320, %dma_start3A_321, %dma_start3A_325] : memref<2x1x128xi32, #tpu.memory_space<vmem>> -> memref<1x1x64xi32, #tpu.memory_space<vmem>>
        %dma_start3A_327 = tpu.memref_squeeze %dma_start3A_326 : memref<1x1x64xi32, #tpu.memory_space<vmem>> -> memref<64xi32, #tpu.memory_space<vmem>>
        %dma_start3A_328 = arith.constant 0 : i32
        %dma_start3A_329 = arith.constant 0 : i32
        %dma_start3A_330 = tpu.memref_slice %arg2[%dma_start3A_328, %dma_start3A_329] : memref<10000x128xf32, #tpu.memory_space<hbm>> -> memref<10000x128xf32, #tpu.memory_space<hbm>>
        tpu.enqueue_indirect_dma source(%dma_start3A_330 : memref<10000x128xf32, #tpu.memory_space<hbm>>) target(%dma_start3A_324 : memref<64x128xf32, #tpu.memory_space<vmem>>) offsets(%dma_start3A_327 : memref<64xi32, #tpu.memory_space<vmem>>) semaphore(%arg20 : memref<!tpu.dma_semaphore, #tpu.memory_space<semaphore_mem>>)
        %dma_start3A_331 = arith.constant 0 : i32
        %dma_start3A_332 = arith.constant 0 : i32
        %dma_start3A_333 = arith.constant 64 : i32
        %dma_start3A_334 = arith.constant 0 : i32
        %dma_start3A_335 = tpu.memref_slice %arg13[%dma_start3A_333, %dma_start3A_334] : memref<128x128xf32, #tpu.memory_space<vmem>> -> memref<64x128xf32, #tpu.memory_space<vmem>>
        %dma_start3A_336 = arith.constant 64 : i32
        %dma_start3A_337 = tpu.memref_slice %arg11[%dma_start3A_331, %dma_start3A_332, %dma_start3A_336] : memref<2x1x128xi32, #tpu.memory_space<vmem>> -> memref<1x1x64xi32, #tpu.memory_space<vmem>>
        %dma_start3A_338 = tpu.memref_squeeze %dma_start3A_337 : memref<1x1x64xi32, #tpu.memory_space<vmem>> -> memref<64xi32, #tpu.memory_space<vmem>>
        %dma_start3A_339 = arith.constant 0 : i32
        %dma_start3A_340 = arith.constant 0 : i32
        %dma_start3A_341 = tpu.memref_slice %arg2[%dma_start3A_339, %dma_start3A_340] : memref<10000x128xf32, #tpu.memory_space<hbm>> -> memref<10000x128xf32, #tpu.memory_space<hbm>>
        tpu.enqueue_indirect_dma source(%dma_start3A_341 : memref<10000x128xf32, #tpu.memory_space<hbm>>) target(%dma_start3A_335 : memref<64x128xf32, #tpu.memory_space<vmem>>) offsets(%dma_start3A_338 : memref<64xi32, #tpu.memory_space<vmem>>) semaphore(%arg20 : memref<!tpu.dma_semaphore, #tpu.memory_space<semaphore_mem>>)
      } else {
      }
      %add3A_168 = arith.constant 1 : i32
      %add3A_169 = arith.addi %add3A_129, %add3A_168 : i32
      %dma_wait3A_170 = arith.constant 0 : i32
      %dma_wait3A_171 = arith.constant 0 : i32
      %dma_wait3A_172 = arith.constant 0 : i32
      %dma_wait3A_173 = arith.constant 0 : i32
      %dma_wait3A_174 = tpu.memref_slice %arg14[%dma_wait3A_172, %dma_wait3A_173] : memref<128x128xf32, #tpu.memory_space<vmem>> -> memref<64x128xf32, #tpu.memory_space<vmem>>
      %dma_wait3A_175 = arith.constant 0 : i32
      %dma_wait3A_176 = tpu.memref_slice %arg10[%dma_wait3A_170, %dma_wait3A_171, %dma_wait3A_175] : memref<2x1x128xi32, #tpu.memory_space<vmem>> -> memref<1x1x64xi32, #tpu.memory_space<vmem>>
      %dma_wait3A_177 = tpu.memref_squeeze %dma_wait3A_176 : memref<1x1x64xi32, #tpu.memory_space<vmem>> -> memref<64xi32, #tpu.memory_space<vmem>>
      %dma_wait3A_178 = arith.constant 0 : i32
      %dma_wait3A_179 = arith.constant 0 : i32
      %dma_wait3A_180 = tpu.memref_slice %arg2[%dma_wait3A_178, %dma_wait3A_179] : memref<10000x128xf32, #tpu.memory_space<hbm>> -> memref<10000x128xf32, #tpu.memory_space<hbm>>
      tpu.wait_indirect_dma semaphore(%arg21 : memref<!tpu.dma_semaphore, #tpu.memory_space<semaphore_mem>>) src(%dma_wait3A_180 : memref<10000x128xf32, #tpu.memory_space<hbm>>) dst(%dma_wait3A_174 : memref<64x128xf32, #tpu.memory_space<vmem>>)
      %dma_wait3A_181 = arith.constant 0 : i32
      %dma_wait3A_182 = arith.constant 0 : i32
      %dma_wait3A_183 = arith.constant 64 : i32
      %dma_wait3A_184 = arith.constant 0 : i32
      %dma_wait3A_185 = tpu.memref_slice %arg14[%dma_wait3A_183, %dma_wait3A_184] : memref<128x128xf32, #tpu.memory_space<vmem>> -> memref<64x128xf32, #tpu.memory_space<vmem>>
      %dma_wait3A_186 = arith.constant 64 : i32
      %dma_wait3A_187 = tpu.memref_slice %arg10[%dma_wait3A_181, %dma_wait3A_182, %dma_wait3A_186] : memref<2x1x128xi32, #tpu.memory_space<vmem>> -> memref<1x1x64xi32, #tpu.memory_space<vmem>>
      %dma_wait3A_188 = tpu.memref_squeeze %dma_wait3A_187 : memref<1x1x64xi32, #tpu.memory_space<vmem>> -> memref<64xi32, #tpu.memory_space<vmem>>
      %dma_wait3A_189 = arith.constant 0 : i32
      %dma_wait3A_190 = arith.constant 0 : i32
      %dma_wait3A_191 = tpu.memref_slice %arg2[%dma_wait3A_189, %dma_wait3A_190] : memref<10000x128xf32, #tpu.memory_space<hbm>> -> memref<10000x128xf32, #tpu.memory_space<hbm>>
      tpu.wait_indirect_dma semaphore(%arg21 : memref<!tpu.dma_semaphore, #tpu.memory_space<semaphore_mem>>) src(%dma_wait3A_191 : memref<10000x128xf32, #tpu.memory_space<hbm>>) dst(%dma_wait3A_185 : memref<64x128xf32, #tpu.memory_space<vmem>>)
      %run_scoped3A_192 = arith.constant 1 : i32
      %run_scoped3A_193 = arith.constant 0 : i32
      "tpu.region"() ({
        %run_scoped3A_288 = tpu.sem_alloc : memref<!tpu.dma_semaphore, #tpu.memory_space<semaphore_mem>>
        %dma_start3A_289 = arith.constant 0 : i32
        %dma_start3A_290 = tpu.memref_slice %arg10[%run_scoped3A_192, %run_scoped3A_193, %dma_start3A_289] : memref<2x1x128xi32, #tpu.memory_space<vmem>> -> memref<1x1x128xi32, #tpu.memory_space<vmem>>
        %dma_start3A_291 = tpu.memref_squeeze %dma_start3A_290 : memref<1x1x128xi32, #tpu.memory_space<vmem>> -> memref<128xi32, #tpu.memory_space<vmem>>
        %dma_start3A_292 = arith.constant 0 : i32
        %dma_start3A_293 = arith.constant 0 : i32
        %dma_start3A_294 = tpu.memref_slice %arg15[%dma_start3A_292, %dma_start3A_293] : memref<10240x128xf32, #tpu.memory_space<vmem_shared>> -> memref<10240x128xf32, #tpu.memory_space<vmem_shared>>
        tpu.enqueue_indirect_dma source(%arg14 : memref<128x128xf32, #tpu.memory_space<vmem>>) target(%dma_start3A_294 : memref<10240x128xf32, #tpu.memory_space<vmem_shared>>) offsets(%dma_start3A_291 : memref<128xi32, #tpu.memory_space<vmem>>) semaphore(%run_scoped3A_288 : memref<!tpu.dma_semaphore, #tpu.memory_space<semaphore_mem>>) {add = true}
        %dma_wait3A_295 = arith.constant 0 : i32
        %dma_wait3A_296 = tpu.memref_slice %arg10[%run_scoped3A_192, %run_scoped3A_193, %dma_wait3A_295] : memref<2x1x128xi32, #tpu.memory_space<vmem>> -> memref<1x1x128xi32, #tpu.memory_space<vmem>>
        %dma_wait3A_297 = tpu.memref_squeeze %dma_wait3A_296 : memref<1x1x128xi32, #tpu.memory_space<vmem>> -> memref<128xi32, #tpu.memory_space<vmem>>
        %dma_wait3A_298 = arith.constant 0 : i32
        %dma_wait3A_299 = arith.constant 0 : i32
        %dma_wait3A_300 = tpu.memref_slice %arg15[%dma_wait3A_298, %dma_wait3A_299] : memref<10240x128xf32, #tpu.memory_space<vmem_shared>> -> memref<10240x128xf32, #tpu.memory_space<vmem_shared>>
        tpu.wait_indirect_dma semaphore(%run_scoped3A_288 : memref<!tpu.dma_semaphore, #tpu.memory_space<semaphore_mem>>) src(%arg14 : memref<128x128xf32, #tpu.memory_space<vmem>>) dst(%dma_wait3A_300 : memref<10240x128xf32, #tpu.memory_space<vmem_shared>>)
        tpu.yield
      }) : () -> ()
      %add3A_194 = arith.constant 4 : i32
      %add3A_195 = arith.addi %add3A_169, %add3A_194 : i32
      %lt3A_196 = arith.constant 80 : i32
      %lt3A_197 = arith.cmpi slt, %add3A_195, %lt3A_196 : i32
      %convert_element_type3A_198 = arith.extui %lt3A_197 : i1 to i32
      %cond3A_199 = arith.constant 0 : i32
      %cond3A_200 = arith.cmpi ne, %convert_element_type3A_198, %cond3A_199 : i32
      scf.if %cond3A_200 {
        %add3A_288 = arith.constant 4 : i32
        %add3A_289 = arith.addi %add3A_169, %add3A_288 : i32
        %mul3A_290 = arith.constant 32 : i32
        %mul3A_291 = arith.muli %add3A_289, %mul3A_290 : i32
        %add3A_292 = arith.addi %mul3A_291, %add3A : i32
        %lt3A_293 = arith.constant 2500 : i32
        %lt3A_294 = arith.cmpi slt, %add3A_292, %lt3A_293 : i32
        %convert_element_type3A_295 = arith.extui %lt3A_294 : i1 to i32
        %cond3A_296 = arith.constant 0 : i32
        %cond3A_297 = arith.cmpi ne, %convert_element_type3A_295, %cond3A_296 : i32
        scf.if %cond3A_297 {
          %dma_start3A_303 = arith.constant 0 : i32
          %dma_start3A_304 = arith.constant 0 : i32
          %dma_start3A_305 = arith.constant 0 : i32
          %dma_start3A_306 = tpu.memref_slice %arg10[%dma_start3A_303, %dma_start3A_304, %dma_start3A_305] : memref<2x1x128xi32, #tpu.memory_space<vmem>> -> memref<1x1x128xi32, #tpu.memory_space<vmem>>
          %dma_start3A_307 = arith.constant 0 : i32
          %dma_start3A_308 = arith.constant 0 : i32
          %dma_start3A_309 = tpu.memref_slice %arg3[%add3A_292, %dma_start3A_307, %dma_start3A_308] : memref<2500x1x128xi32, #tpu.memory_space<hbm>> -> memref<1x1x128xi32, #tpu.memory_space<hbm>>
          %dma_start3A_310 = arith.constant 0 : i32
          %dma_start3A_311 = arith.constant 0 : i32
          %dma_start3A_312 = arith.constant 0 : i32
          %dma_start3A_313 = tpu.memref_slice %arg10[%dma_start3A_310, %dma_start3A_311, %dma_start3A_312] : memref<2x1x128xi32, #tpu.memory_space<vmem>> -> memref<1x1x128xi32, #tpu.memory_space<vmem>>
          %dma_start3A_314 = arith.constant 0 : i32
          %dma_start3A_315 = arith.constant 0 : i32
          %dma_start3A_316 = tpu.memref_slice %arg3[%add3A_292, %dma_start3A_314, %dma_start3A_315] : memref<2500x1x128xi32, #tpu.memory_space<hbm>> -> memref<1x1x128xi32, #tpu.memory_space<hbm>>
          tpu.enqueue_dma source(%dma_start3A_316 : memref<1x1x128xi32, #tpu.memory_space<hbm>>) target(%dma_start3A_313 : memref<1x1x128xi32, #tpu.memory_space<vmem>>) target_semaphore(%arg17 : memref<!tpu.dma_semaphore, #tpu.memory_space<semaphore_mem>>)
          %dma_start3A_317 = arith.constant 1 : i32
          %dma_start3A_318 = arith.constant 0 : i32
          %dma_start3A_319 = arith.constant 0 : i32
          %dma_start3A_320 = tpu.memref_slice %arg10[%dma_start3A_317, %dma_start3A_318, %dma_start3A_319] : memref<2x1x128xi32, #tpu.memory_space<vmem>> -> memref<1x1x128xi32, #tpu.memory_space<vmem>>
          %dma_start3A_321 = arith.constant 0 : i32
          %dma_start3A_322 = arith.constant 0 : i32
          %dma_start3A_323 = tpu.memref_slice %arg4[%add3A_292, %dma_start3A_321, %dma_start3A_322] : memref<2500x1x128xi32, #tpu.memory_space<hbm>> -> memref<1x1x128xi32, #tpu.memory_space<hbm>>
          %dma_start3A_324 = arith.constant 1 : i32
          %dma_start3A_325 = arith.constant 0 : i32
          %dma_start3A_326 = arith.constant 0 : i32
          %dma_start3A_327 = tpu.memref_slice %arg10[%dma_start3A_324, %dma_start3A_325, %dma_start3A_326] : memref<2x1x128xi32, #tpu.memory_space<vmem>> -> memref<1x1x128xi32, #tpu.memory_space<vmem>>
          %dma_start3A_328 = arith.constant 0 : i32
          %dma_start3A_329 = arith.constant 0 : i32
          %dma_start3A_330 = tpu.memref_slice %arg4[%add3A_292, %dma_start3A_328, %dma_start3A_329] : memref<2500x1x128xi32, #tpu.memory_space<hbm>> -> memref<1x1x128xi32, #tpu.memory_space<hbm>>
          tpu.enqueue_dma source(%dma_start3A_330 : memref<1x1x128xi32, #tpu.memory_space<hbm>>) target(%dma_start3A_327 : memref<1x1x128xi32, #tpu.memory_space<vmem>>) target_semaphore(%arg17 : memref<!tpu.dma_semaphore, #tpu.memory_space<semaphore_mem>>)
        } else {
        }
        %ge3A_298 = arith.constant 2500 : i32
        %ge3A_299 = arith.cmpi sge, %add3A_292, %ge3A_298 : i32
        %convert_element_type3A_300 = arith.extui %ge3A_299 : i1 to i32
        %cond3A_301 = arith.constant 0 : i32
        %cond3A_302 = arith.cmpi ne, %convert_element_type3A_300, %cond3A_301 : i32
        scf.if %cond3A_302 {
          %sub3A = arith.constant 2500 : i32
          %sub3A_303 = arith.subi %add3A_292, %sub3A : i32
          %dma_start3A_304 = arith.constant 0 : i32
          %dma_start3A_305 = arith.constant 0 : i32
          %dma_start3A_306 = arith.constant 0 : i32
          %dma_start3A_307 = tpu.memref_slice %arg10[%dma_start3A_304, %dma_start3A_305, %dma_start3A_306] : memref<2x1x128xi32, #tpu.memory_space<vmem>> -> memref<1x1x128xi32, #tpu.memory_space<vmem>>
          %dma_start3A_308 = arith.constant 0 : i32
          %dma_start3A_309 = arith.constant 0 : i32
          %dma_start3A_310 = tpu.memref_slice %arg5[%sub3A_303, %dma_start3A_308, %dma_start3A_309] : memref<60x1x128xi32, #tpu.memory_space<hbm>> -> memref<1x1x128xi32, #tpu.memory_space<hbm>>
          %dma_start3A_311 = arith.constant 0 : i32
          %dma_start3A_312 = arith.constant 0 : i32
          %dma_start3A_313 = arith.constant 0 : i32
          %dma_start3A_314 = tpu.memref_slice %arg10[%dma_start3A_311, %dma_start3A_312, %dma_start3A_313] : memref<2x1x128xi32, #tpu.memory_space<vmem>> -> memref<1x1x128xi32, #tpu.memory_space<vmem>>
          %dma_start3A_315 = arith.constant 0 : i32
          %dma_start3A_316 = arith.constant 0 : i32
          %dma_start3A_317 = tpu.memref_slice %arg5[%sub3A_303, %dma_start3A_315, %dma_start3A_316] : memref<60x1x128xi32, #tpu.memory_space<hbm>> -> memref<1x1x128xi32, #tpu.memory_space<hbm>>
          tpu.enqueue_dma source(%dma_start3A_317 : memref<1x1x128xi32, #tpu.memory_space<hbm>>) target(%dma_start3A_314 : memref<1x1x128xi32, #tpu.memory_space<vmem>>) target_semaphore(%arg17 : memref<!tpu.dma_semaphore, #tpu.memory_space<semaphore_mem>>)
          %sub3A_318 = arith.constant 2500 : i32
          %sub3A_319 = arith.subi %add3A_292, %sub3A_318 : i32
          %dma_start3A_320 = arith.constant 1 : i32
          %dma_start3A_321 = arith.constant 0 : i32
          %dma_start3A_322 = arith.constant 0 : i32
          %dma_start3A_323 = tpu.memref_slice %arg10[%dma_start3A_320, %dma_start3A_321, %dma_start3A_322] : memref<2x1x128xi32, #tpu.memory_space<vmem>> -> memref<1x1x128xi32, #tpu.memory_space<vmem>>
          %dma_start3A_324 = arith.constant 0 : i32
          %dma_start3A_325 = arith.constant 0 : i32
          %dma_start3A_326 = tpu.memref_slice %arg6[%sub3A_319, %dma_start3A_324, %dma_start3A_325] : memref<60x1x128xi32, #tpu.memory_space<hbm>> -> memref<1x1x128xi32, #tpu.memory_space<hbm>>
          %dma_start3A_327 = arith.constant 1 : i32
          %dma_start3A_328 = arith.constant 0 : i32
          %dma_start3A_329 = arith.constant 0 : i32
          %dma_start3A_330 = tpu.memref_slice %arg10[%dma_start3A_327, %dma_start3A_328, %dma_start3A_329] : memref<2x1x128xi32, #tpu.memory_space<vmem>> -> memref<1x1x128xi32, #tpu.memory_space<vmem>>
          %dma_start3A_331 = arith.constant 0 : i32
          %dma_start3A_332 = arith.constant 0 : i32
          %dma_start3A_333 = tpu.memref_slice %arg6[%sub3A_319, %dma_start3A_331, %dma_start3A_332] : memref<60x1x128xi32, #tpu.memory_space<hbm>> -> memref<1x1x128xi32, #tpu.memory_space<hbm>>
          tpu.enqueue_dma source(%dma_start3A_333 : memref<1x1x128xi32, #tpu.memory_space<hbm>>) target(%dma_start3A_330 : memref<1x1x128xi32, #tpu.memory_space<vmem>>) target_semaphore(%arg17 : memref<!tpu.dma_semaphore, #tpu.memory_space<semaphore_mem>>)
        } else {
        }
      } else {
      }
      %add3A_201 = arith.constant 2 : i32
      %add3A_202 = arith.addi %add3A_169, %add3A_201 : i32
      %lt3A_203 = arith.constant 80 : i32
      %lt3A_204 = arith.cmpi slt, %add3A_202, %lt3A_203 : i32
      %convert_element_type3A_205 = arith.extui %lt3A_204 : i1 to i32
      %cond3A_206 = arith.constant 0 : i32
      %cond3A_207 = arith.cmpi ne, %convert_element_type3A_205, %cond3A_206 : i32
      scf.if %cond3A_207 {
        %dma_wait3A_288 = arith.constant 0 : i32
        %dma_wait3A_289 = arith.constant 0 : i32
        %dma_wait3A_290 = arith.constant 0 : i32
        %dma_wait3A_291 = tpu.memref_slice %arg12[%dma_wait3A_288, %dma_wait3A_289, %dma_wait3A_290] : memref<2x1x128xi32, #tpu.memory_space<vmem>> -> memref<1x1x128xi32, #tpu.memory_space<vmem>>
        %dma_wait3A_292 = arith.constant 0 : i32
        %dma_wait3A_293 = arith.constant 0 : i32
        %dma_wait3A_294 = arith.constant 0 : i32
        %dma_wait3A_295 = tpu.memref_slice %arg3[%dma_wait3A_292, %dma_wait3A_293, %dma_wait3A_294] : memref<2500x1x128xi32, #tpu.memory_space<hbm>> -> memref<1x1x128xi32, #tpu.memory_space<hbm>>
        %dma_wait3A_296 = arith.constant 0 : i32
        %dma_wait3A_297 = arith.constant 0 : i32
        %dma_wait3A_298 = arith.constant 0 : i32
        %dma_wait3A_299 = tpu.memref_slice %arg12[%dma_wait3A_296, %dma_wait3A_297, %dma_wait3A_298] : memref<2x1x128xi32, #tpu.memory_space<vmem>> -> memref<1x1x128xi32, #tpu.memory_space<vmem>>
        %dma_wait3A_300 = arith.constant 0 : i32
        %dma_wait3A_301 = arith.constant 0 : i32
        %dma_wait3A_302 = arith.constant 0 : i32
        %dma_wait3A_303 = tpu.memref_slice %arg3[%dma_wait3A_300, %dma_wait3A_301, %dma_wait3A_302] : memref<2500x1x128xi32, #tpu.memory_space<hbm>> -> memref<1x1x128xi32, #tpu.memory_space<hbm>>
        tpu.wait_dma2 semaphore(%arg19 : memref<!tpu.dma_semaphore, #tpu.memory_space<semaphore_mem>>) src(%dma_wait3A_303 : memref<1x1x128xi32, #tpu.memory_space<hbm>>) dst(%dma_wait3A_299 : memref<1x1x128xi32, #tpu.memory_space<vmem>>)
        %dma_wait3A_304 = arith.constant 1 : i32
        %dma_wait3A_305 = arith.constant 0 : i32
        %dma_wait3A_306 = arith.constant 0 : i32
        %dma_wait3A_307 = tpu.memref_slice %arg12[%dma_wait3A_304, %dma_wait3A_305, %dma_wait3A_306] : memref<2x1x128xi32, #tpu.memory_space<vmem>> -> memref<1x1x128xi32, #tpu.memory_space<vmem>>
        %dma_wait3A_308 = arith.constant 0 : i32
        %dma_wait3A_309 = arith.constant 0 : i32
        %dma_wait3A_310 = arith.constant 0 : i32
        %dma_wait3A_311 = tpu.memref_slice %arg3[%dma_wait3A_308, %dma_wait3A_309, %dma_wait3A_310] : memref<2500x1x128xi32, #tpu.memory_space<hbm>> -> memref<1x1x128xi32, #tpu.memory_space<hbm>>
        %dma_wait3A_312 = arith.constant 1 : i32
        %dma_wait3A_313 = arith.constant 0 : i32
        %dma_wait3A_314 = arith.constant 0 : i32
        %dma_wait3A_315 = tpu.memref_slice %arg12[%dma_wait3A_312, %dma_wait3A_313, %dma_wait3A_314] : memref<2x1x128xi32, #tpu.memory_space<vmem>> -> memref<1x1x128xi32, #tpu.memory_space<vmem>>
        %dma_wait3A_316 = arith.constant 0 : i32
        %dma_wait3A_317 = arith.constant 0 : i32
        %dma_wait3A_318 = arith.constant 0 : i32
        %dma_wait3A_319 = tpu.memref_slice %arg3[%dma_wait3A_316, %dma_wait3A_317, %dma_wait3A_318] : memref<2500x1x128xi32, #tpu.memory_space<hbm>> -> memref<1x1x128xi32, #tpu.memory_space<hbm>>
        tpu.wait_dma2 semaphore(%arg19 : memref<!tpu.dma_semaphore, #tpu.memory_space<semaphore_mem>>) src(%dma_wait3A_319 : memref<1x1x128xi32, #tpu.memory_space<hbm>>) dst(%dma_wait3A_315 : memref<1x1x128xi32, #tpu.memory_space<vmem>>)
        %dma_start3A_320 = arith.constant 0 : i32
        %dma_start3A_321 = arith.constant 0 : i32
        %dma_start3A_322 = arith.constant 0 : i32
        %dma_start3A_323 = arith.constant 0 : i32
        %dma_start3A_324 = tpu.memref_slice %arg14[%dma_start3A_322, %dma_start3A_323] : memref<128x128xf32, #tpu.memory_space<vmem>> -> memref<64x128xf32, #tpu.memory_space<vmem>>
        %dma_start3A_325 = arith.constant 0 : i32
        %dma_start3A_326 = tpu.memref_slice %arg12[%dma_start3A_320, %dma_start3A_321, %dma_start3A_325] : memref<2x1x128xi32, #tpu.memory_space<vmem>> -> memref<1x1x64xi32, #tpu.memory_space<vmem>>
        %dma_start3A_327 = tpu.memref_squeeze %dma_start3A_326 : memref<1x1x64xi32, #tpu.memory_space<vmem>> -> memref<64xi32, #tpu.memory_space<vmem>>
        %dma_start3A_328 = arith.constant 0 : i32
        %dma_start3A_329 = arith.constant 0 : i32
        %dma_start3A_330 = tpu.memref_slice %arg2[%dma_start3A_328, %dma_start3A_329] : memref<10000x128xf32, #tpu.memory_space<hbm>> -> memref<10000x128xf32, #tpu.memory_space<hbm>>
        tpu.enqueue_indirect_dma source(%dma_start3A_330 : memref<10000x128xf32, #tpu.memory_space<hbm>>) target(%dma_start3A_324 : memref<64x128xf32, #tpu.memory_space<vmem>>) offsets(%dma_start3A_327 : memref<64xi32, #tpu.memory_space<vmem>>) semaphore(%arg21 : memref<!tpu.dma_semaphore, #tpu.memory_space<semaphore_mem>>)
        %dma_start3A_331 = arith.constant 0 : i32
        %dma_start3A_332 = arith.constant 0 : i32
        %dma_start3A_333 = arith.constant 64 : i32
        %dma_start3A_334 = arith.constant 0 : i32
        %dma_start3A_335 = tpu.memref_slice %arg14[%dma_start3A_333, %dma_start3A_334] : memref<128x128xf32, #tpu.memory_space<vmem>> -> memref<64x128xf32, #tpu.memory_space<vmem>>
        %dma_start3A_336 = arith.constant 64 : i32
        %dma_start3A_337 = tpu.memref_slice %arg12[%dma_start3A_331, %dma_start3A_332, %dma_start3A_336] : memref<2x1x128xi32, #tpu.memory_space<vmem>> -> memref<1x1x64xi32, #tpu.memory_space<vmem>>
        %dma_start3A_338 = tpu.memref_squeeze %dma_start3A_337 : memref<1x1x64xi32, #tpu.memory_space<vmem>> -> memref<64xi32, #tpu.memory_space<vmem>>
        %dma_start3A_339 = arith.constant 0 : i32
        %dma_start3A_340 = arith.constant 0 : i32
        %dma_start3A_341 = tpu.memref_slice %arg2[%dma_start3A_339, %dma_start3A_340] : memref<10000x128xf32, #tpu.memory_space<hbm>> -> memref<10000x128xf32, #tpu.memory_space<hbm>>
        tpu.enqueue_indirect_dma source(%dma_start3A_341 : memref<10000x128xf32, #tpu.memory_space<hbm>>) target(%dma_start3A_335 : memref<64x128xf32, #tpu.memory_space<vmem>>) offsets(%dma_start3A_338 : memref<64xi32, #tpu.memory_space<vmem>>) semaphore(%arg21 : memref<!tpu.dma_semaphore, #tpu.memory_space<semaphore_mem>>)
      } else {
      }
      %add3A_208 = arith.constant 2 : i32
      %add3A_209 = arith.addi %add3A_129, %add3A_208 : i32
      %dma_wait3A_210 = arith.constant 0 : i32
      %dma_wait3A_211 = arith.constant 0 : i32
      %dma_wait3A_212 = arith.constant 0 : i32
      %dma_wait3A_213 = arith.constant 0 : i32
      %dma_wait3A_214 = tpu.memref_slice %arg13[%dma_wait3A_212, %dma_wait3A_213] : memref<128x128xf32, #tpu.memory_space<vmem>> -> memref<64x128xf32, #tpu.memory_space<vmem>>
      %dma_wait3A_215 = arith.constant 0 : i32
      %dma_wait3A_216 = tpu.memref_slice %arg11[%dma_wait3A_210, %dma_wait3A_211, %dma_wait3A_215] : memref<2x1x128xi32, #tpu.memory_space<vmem>> -> memref<1x1x64xi32, #tpu.memory_space<vmem>>
      %dma_wait3A_217 = tpu.memref_squeeze %dma_wait3A_216 : memref<1x1x64xi32, #tpu.memory_space<vmem>> -> memref<64xi32, #tpu.memory_space<vmem>>
      %dma_wait3A_218 = arith.constant 0 : i32
      %dma_wait3A_219 = arith.constant 0 : i32
      %dma_wait3A_220 = tpu.memref_slice %arg2[%dma_wait3A_218, %dma_wait3A_219] : memref<10000x128xf32, #tpu.memory_space<hbm>> -> memref<10000x128xf32, #tpu.memory_space<hbm>>
      tpu.wait_indirect_dma semaphore(%arg20 : memref<!tpu.dma_semaphore, #tpu.memory_space<semaphore_mem>>) src(%dma_wait3A_220 : memref<10000x128xf32, #tpu.memory_space<hbm>>) dst(%dma_wait3A_214 : memref<64x128xf32, #tpu.memory_space<vmem>>)
      %dma_wait3A_221 = arith.constant 0 : i32
      %dma_wait3A_222 = arith.constant 0 : i32
      %dma_wait3A_223 = arith.constant 64 : i32
      %dma_wait3A_224 = arith.constant 0 : i32
      %dma_wait3A_225 = tpu.memref_slice %arg13[%dma_wait3A_223, %dma_wait3A_224] : memref<128x128xf32, #tpu.memory_space<vmem>> -> memref<64x128xf32, #tpu.memory_space<vmem>>
      %dma_wait3A_226 = arith.constant 64 : i32
      %dma_wait3A_227 = tpu.memref_slice %arg11[%dma_wait3A_221, %dma_wait3A_222, %dma_wait3A_226] : memref<2x1x128xi32, #tpu.memory_space<vmem>> -> memref<1x1x64xi32, #tpu.memory_space<vmem>>
      %dma_wait3A_228 = tpu.memref_squeeze %dma_wait3A_227 : memref<1x1x64xi32, #tpu.memory_space<vmem>> -> memref<64xi32, #tpu.memory_space<vmem>>
      %dma_wait3A_229 = arith.constant 0 : i32
      %dma_wait3A_230 = arith.constant 0 : i32
      %dma_wait3A_231 = tpu.memref_slice %arg2[%dma_wait3A_229, %dma_wait3A_230] : memref<10000x128xf32, #tpu.memory_space<hbm>> -> memref<10000x128xf32, #tpu.memory_space<hbm>>
      tpu.wait_indirect_dma semaphore(%arg20 : memref<!tpu.dma_semaphore, #tpu.memory_space<semaphore_mem>>) src(%dma_wait3A_231 : memref<10000x128xf32, #tpu.memory_space<hbm>>) dst(%dma_wait3A_225 : memref<64x128xf32, #tpu.memory_space<vmem>>)
      %run_scoped3A_232 = arith.constant 1 : i32
      %run_scoped3A_233 = arith.constant 0 : i32
      "tpu.region"() ({
        %run_scoped3A_288 = tpu.sem_alloc : memref<!tpu.dma_semaphore, #tpu.memory_space<semaphore_mem>>
        %dma_start3A_289 = arith.constant 0 : i32
        %dma_start3A_290 = tpu.memref_slice %arg11[%run_scoped3A_232, %run_scoped3A_233, %dma_start3A_289] : memref<2x1x128xi32, #tpu.memory_space<vmem>> -> memref<1x1x128xi32, #tpu.memory_space<vmem>>
        %dma_start3A_291 = tpu.memref_squeeze %dma_start3A_290 : memref<1x1x128xi32, #tpu.memory_space<vmem>> -> memref<128xi32, #tpu.memory_space<vmem>>
        %dma_start3A_292 = arith.constant 0 : i32
        %dma_start3A_293 = arith.constant 0 : i32
        %dma_start3A_294 = tpu.memref_slice %arg15[%dma_start3A_292, %dma_start3A_293] : memref<10240x128xf32, #tpu.memory_space<vmem_shared>> -> memref<10240x128xf32, #tpu.memory_space<vmem_shared>>
        tpu.enqueue_indirect_dma source(%arg13 : memref<128x128xf32, #tpu.memory_space<vmem>>) target(%dma_start3A_294 : memref<10240x128xf32, #tpu.memory_space<vmem_shared>>) offsets(%dma_start3A_291 : memref<128xi32, #tpu.memory_space<vmem>>) semaphore(%run_scoped3A_288 : memref<!tpu.dma_semaphore, #tpu.memory_space<semaphore_mem>>) {add = true}
        %dma_wait3A_295 = arith.constant 0 : i32
        %dma_wait3A_296 = tpu.memref_slice %arg11[%run_scoped3A_232, %run_scoped3A_233, %dma_wait3A_295] : memref<2x1x128xi32, #tpu.memory_space<vmem>> -> memref<1x1x128xi32, #tpu.memory_space<vmem>>
        %dma_wait3A_297 = tpu.memref_squeeze %dma_wait3A_296 : memref<1x1x128xi32, #tpu.memory_space<vmem>> -> memref<128xi32, #tpu.memory_space<vmem>>
        %dma_wait3A_298 = arith.constant 0 : i32
        %dma_wait3A_299 = arith.constant 0 : i32
        %dma_wait3A_300 = tpu.memref_slice %arg15[%dma_wait3A_298, %dma_wait3A_299] : memref<10240x128xf32, #tpu.memory_space<vmem_shared>> -> memref<10240x128xf32, #tpu.memory_space<vmem_shared>>
        tpu.wait_indirect_dma semaphore(%run_scoped3A_288 : memref<!tpu.dma_semaphore, #tpu.memory_space<semaphore_mem>>) src(%arg13 : memref<128x128xf32, #tpu.memory_space<vmem>>) dst(%dma_wait3A_300 : memref<10240x128xf32, #tpu.memory_space<vmem_shared>>)
        tpu.yield
      }) : () -> ()
      %add3A_234 = arith.constant 4 : i32
      %add3A_235 = arith.addi %add3A_209, %add3A_234 : i32
      %lt3A_236 = arith.constant 80 : i32
      %lt3A_237 = arith.cmpi slt, %add3A_235, %lt3A_236 : i32
      %convert_element_type3A_238 = arith.extui %lt3A_237 : i1 to i32
      %cond3A_239 = arith.constant 0 : i32
      %cond3A_240 = arith.cmpi ne, %convert_element_type3A_238, %cond3A_239 : i32
      scf.if %cond3A_240 {
        %add3A_288 = arith.constant 4 : i32
        %add3A_289 = arith.addi %add3A_209, %add3A_288 : i32
        %mul3A_290 = arith.constant 32 : i32
        %mul3A_291 = arith.muli %add3A_289, %mul3A_290 : i32
        %add3A_292 = arith.addi %mul3A_291, %add3A : i32
        %lt3A_293 = arith.constant 2500 : i32
        %lt3A_294 = arith.cmpi slt, %add3A_292, %lt3A_293 : i32
        %convert_element_type3A_295 = arith.extui %lt3A_294 : i1 to i32
        %cond3A_296 = arith.constant 0 : i32
        %cond3A_297 = arith.cmpi ne, %convert_element_type3A_295, %cond3A_296 : i32
        scf.if %cond3A_297 {
          %dma_start3A_303 = arith.constant 0 : i32
          %dma_start3A_304 = arith.constant 0 : i32
          %dma_start3A_305 = arith.constant 0 : i32
          %dma_start3A_306 = tpu.memref_slice %arg11[%dma_start3A_303, %dma_start3A_304, %dma_start3A_305] : memref<2x1x128xi32, #tpu.memory_space<vmem>> -> memref<1x1x128xi32, #tpu.memory_space<vmem>>
          %dma_start3A_307 = arith.constant 0 : i32
          %dma_start3A_308 = arith.constant 0 : i32
          %dma_start3A_309 = tpu.memref_slice %arg3[%add3A_292, %dma_start3A_307, %dma_start3A_308] : memref<2500x1x128xi32, #tpu.memory_space<hbm>> -> memref<1x1x128xi32, #tpu.memory_space<hbm>>
          %dma_start3A_310 = arith.constant 0 : i32
          %dma_start3A_311 = arith.constant 0 : i32
          %dma_start3A_312 = arith.constant 0 : i32
          %dma_start3A_313 = tpu.memref_slice %arg11[%dma_start3A_310, %dma_start3A_311, %dma_start3A_312] : memref<2x1x128xi32, #tpu.memory_space<vmem>> -> memref<1x1x128xi32, #tpu.memory_space<vmem>>
          %dma_start3A_314 = arith.constant 0 : i32
          %dma_start3A_315 = arith.constant 0 : i32
          %dma_start3A_316 = tpu.memref_slice %arg3[%add3A_292, %dma_start3A_314, %dma_start3A_315] : memref<2500x1x128xi32, #tpu.memory_space<hbm>> -> memref<1x1x128xi32, #tpu.memory_space<hbm>>
          tpu.enqueue_dma source(%dma_start3A_316 : memref<1x1x128xi32, #tpu.memory_space<hbm>>) target(%dma_start3A_313 : memref<1x1x128xi32, #tpu.memory_space<vmem>>) target_semaphore(%arg18 : memref<!tpu.dma_semaphore, #tpu.memory_space<semaphore_mem>>)
          %dma_start3A_317 = arith.constant 1 : i32
          %dma_start3A_318 = arith.constant 0 : i32
          %dma_start3A_319 = arith.constant 0 : i32
          %dma_start3A_320 = tpu.memref_slice %arg11[%dma_start3A_317, %dma_start3A_318, %dma_start3A_319] : memref<2x1x128xi32, #tpu.memory_space<vmem>> -> memref<1x1x128xi32, #tpu.memory_space<vmem>>
          %dma_start3A_321 = arith.constant 0 : i32
          %dma_start3A_322 = arith.constant 0 : i32
          %dma_start3A_323 = tpu.memref_slice %arg4[%add3A_292, %dma_start3A_321, %dma_start3A_322] : memref<2500x1x128xi32, #tpu.memory_space<hbm>> -> memref<1x1x128xi32, #tpu.memory_space<hbm>>
          %dma_start3A_324 = arith.constant 1 : i32
          %dma_start3A_325 = arith.constant 0 : i32
          %dma_start3A_326 = arith.constant 0 : i32
          %dma_start3A_327 = tpu.memref_slice %arg11[%dma_start3A_324, %dma_start3A_325, %dma_start3A_326] : memref<2x1x128xi32, #tpu.memory_space<vmem>> -> memref<1x1x128xi32, #tpu.memory_space<vmem>>
          %dma_start3A_328 = arith.constant 0 : i32
          %dma_start3A_329 = arith.constant 0 : i32
          %dma_start3A_330 = tpu.memref_slice %arg4[%add3A_292, %dma_start3A_328, %dma_start3A_329] : memref<2500x1x128xi32, #tpu.memory_space<hbm>> -> memref<1x1x128xi32, #tpu.memory_space<hbm>>
          tpu.enqueue_dma source(%dma_start3A_330 : memref<1x1x128xi32, #tpu.memory_space<hbm>>) target(%dma_start3A_327 : memref<1x1x128xi32, #tpu.memory_space<vmem>>) target_semaphore(%arg18 : memref<!tpu.dma_semaphore, #tpu.memory_space<semaphore_mem>>)
        } else {
        }
        %ge3A_298 = arith.constant 2500 : i32
        %ge3A_299 = arith.cmpi sge, %add3A_292, %ge3A_298 : i32
        %convert_element_type3A_300 = arith.extui %ge3A_299 : i1 to i32
        %cond3A_301 = arith.constant 0 : i32
        %cond3A_302 = arith.cmpi ne, %convert_element_type3A_300, %cond3A_301 : i32
        scf.if %cond3A_302 {
          %sub3A = arith.constant 2500 : i32
          %sub3A_303 = arith.subi %add3A_292, %sub3A : i32
          %dma_start3A_304 = arith.constant 0 : i32
          %dma_start3A_305 = arith.constant 0 : i32
          %dma_start3A_306 = arith.constant 0 : i32
          %dma_start3A_307 = tpu.memref_slice %arg11[%dma_start3A_304, %dma_start3A_305, %dma_start3A_306] : memref<2x1x128xi32, #tpu.memory_space<vmem>> -> memref<1x1x128xi32, #tpu.memory_space<vmem>>
          %dma_start3A_308 = arith.constant 0 : i32
          %dma_start3A_309 = arith.constant 0 : i32
          %dma_start3A_310 = tpu.memref_slice %arg5[%sub3A_303, %dma_start3A_308, %dma_start3A_309] : memref<60x1x128xi32, #tpu.memory_space<hbm>> -> memref<1x1x128xi32, #tpu.memory_space<hbm>>
          %dma_start3A_311 = arith.constant 0 : i32
          %dma_start3A_312 = arith.constant 0 : i32
          %dma_start3A_313 = arith.constant 0 : i32
          %dma_start3A_314 = tpu.memref_slice %arg11[%dma_start3A_311, %dma_start3A_312, %dma_start3A_313] : memref<2x1x128xi32, #tpu.memory_space<vmem>> -> memref<1x1x128xi32, #tpu.memory_space<vmem>>
          %dma_start3A_315 = arith.constant 0 : i32
          %dma_start3A_316 = arith.constant 0 : i32
          %dma_start3A_317 = tpu.memref_slice %arg5[%sub3A_303, %dma_start3A_315, %dma_start3A_316] : memref<60x1x128xi32, #tpu.memory_space<hbm>> -> memref<1x1x128xi32, #tpu.memory_space<hbm>>
          tpu.enqueue_dma source(%dma_start3A_317 : memref<1x1x128xi32, #tpu.memory_space<hbm>>) target(%dma_start3A_314 : memref<1x1x128xi32, #tpu.memory_space<vmem>>) target_semaphore(%arg18 : memref<!tpu.dma_semaphore, #tpu.memory_space<semaphore_mem>>)
          %sub3A_318 = arith.constant 2500 : i32
          %sub3A_319 = arith.subi %add3A_292, %sub3A_318 : i32
          %dma_start3A_320 = arith.constant 1 : i32
          %dma_start3A_321 = arith.constant 0 : i32
          %dma_start3A_322 = arith.constant 0 : i32
          %dma_start3A_323 = tpu.memref_slice %arg11[%dma_start3A_320, %dma_start3A_321, %dma_start3A_322] : memref<2x1x128xi32, #tpu.memory_space<vmem>> -> memref<1x1x128xi32, #tpu.memory_space<vmem>>
          %dma_start3A_324 = arith.constant 0 : i32
          %dma_start3A_325 = arith.constant 0 : i32
          %dma_start3A_326 = tpu.memref_slice %arg6[%sub3A_319, %dma_start3A_324, %dma_start3A_325] : memref<60x1x128xi32, #tpu.memory_space<hbm>> -> memref<1x1x128xi32, #tpu.memory_space<hbm>>
          %dma_start3A_327 = arith.constant 1 : i32
          %dma_start3A_328 = arith.constant 0 : i32
          %dma_start3A_329 = arith.constant 0 : i32
          %dma_start3A_330 = tpu.memref_slice %arg11[%dma_start3A_327, %dma_start3A_328, %dma_start3A_329] : memref<2x1x128xi32, #tpu.memory_space<vmem>> -> memref<1x1x128xi32, #tpu.memory_space<vmem>>
          %dma_start3A_331 = arith.constant 0 : i32
          %dma_start3A_332 = arith.constant 0 : i32
          %dma_start3A_333 = tpu.memref_slice %arg6[%sub3A_319, %dma_start3A_331, %dma_start3A_332] : memref<60x1x128xi32, #tpu.memory_space<hbm>> -> memref<1x1x128xi32, #tpu.memory_space<hbm>>
          tpu.enqueue_dma source(%dma_start3A_333 : memref<1x1x128xi32, #tpu.memory_space<hbm>>) target(%dma_start3A_330 : memref<1x1x128xi32, #tpu.memory_space<vmem>>) target_semaphore(%arg18 : memref<!tpu.dma_semaphore, #tpu.memory_space<semaphore_mem>>)
        } else {
        }
      } else {
      }
      %add3A_241 = arith.constant 2 : i32
      %add3A_242 = arith.addi %add3A_209, %add3A_241 : i32
      %lt3A_243 = arith.constant 80 : i32
      %lt3A_244 = arith.cmpi slt, %add3A_242, %lt3A_243 : i32
      %convert_element_type3A_245 = arith.extui %lt3A_244 : i1 to i32
      %cond3A_246 = arith.constant 0 : i32
      %cond3A_247 = arith.cmpi ne, %convert_element_type3A_245, %cond3A_246 : i32
      scf.if %cond3A_247 {
        %dma_wait3A_288 = arith.constant 0 : i32
        %dma_wait3A_289 = arith.constant 0 : i32
        %dma_wait3A_290 = arith.constant 0 : i32
        %dma_wait3A_291 = tpu.memref_slice %arg9[%dma_wait3A_288, %dma_wait3A_289, %dma_wait3A_290] : memref<2x1x128xi32, #tpu.memory_space<vmem>> -> memref<1x1x128xi32, #tpu.memory_space<vmem>>
        %dma_wait3A_292 = arith.constant 0 : i32
        %dma_wait3A_293 = arith.constant 0 : i32
        %dma_wait3A_294 = arith.constant 0 : i32
        %dma_wait3A_295 = tpu.memref_slice %arg3[%dma_wait3A_292, %dma_wait3A_293, %dma_wait3A_294] : memref<2500x1x128xi32, #tpu.memory_space<hbm>> -> memref<1x1x128xi32, #tpu.memory_space<hbm>>
        %dma_wait3A_296 = arith.constant 0 : i32
        %dma_wait3A_297 = arith.constant 0 : i32
        %dma_wait3A_298 = arith.constant 0 : i32
        %dma_wait3A_299 = tpu.memref_slice %arg9[%dma_wait3A_296, %dma_wait3A_297, %dma_wait3A_298] : memref<2x1x128xi32, #tpu.memory_space<vmem>> -> memref<1x1x128xi32, #tpu.memory_space<vmem>>
        %dma_wait3A_300 = arith.constant 0 : i32
        %dma_wait3A_301 = arith.constant 0 : i32
        %dma_wait3A_302 = arith.constant 0 : i32
        %dma_wait3A_303 = tpu.memref_slice %arg3[%dma_wait3A_300, %dma_wait3A_301, %dma_wait3A_302] : memref<2500x1x128xi32, #tpu.memory_space<hbm>> -> memref<1x1x128xi32, #tpu.memory_space<hbm>>
        tpu.wait_dma2 semaphore(%arg16 : memref<!tpu.dma_semaphore, #tpu.memory_space<semaphore_mem>>) src(%dma_wait3A_303 : memref<1x1x128xi32, #tpu.memory_space<hbm>>) dst(%dma_wait3A_299 : memref<1x1x128xi32, #tpu.memory_space<vmem>>)
        %dma_wait3A_304 = arith.constant 1 : i32
        %dma_wait3A_305 = arith.constant 0 : i32
        %dma_wait3A_306 = arith.constant 0 : i32
        %dma_wait3A_307 = tpu.memref_slice %arg9[%dma_wait3A_304, %dma_wait3A_305, %dma_wait3A_306] : memref<2x1x128xi32, #tpu.memory_space<vmem>> -> memref<1x1x128xi32, #tpu.memory_space<vmem>>
        %dma_wait3A_308 = arith.constant 0 : i32
        %dma_wait3A_309 = arith.constant 0 : i32
        %dma_wait3A_310 = arith.constant 0 : i32
        %dma_wait3A_311 = tpu.memref_slice %arg3[%dma_wait3A_308, %dma_wait3A_309, %dma_wait3A_310] : memref<2500x1x128xi32, #tpu.memory_space<hbm>> -> memref<1x1x128xi32, #tpu.memory_space<hbm>>
        %dma_wait3A_312 = arith.constant 1 : i32
        %dma_wait3A_313 = arith.constant 0 : i32
        %dma_wait3A_314 = arith.constant 0 : i32
        %dma_wait3A_315 = tpu.memref_slice %arg9[%dma_wait3A_312, %dma_wait3A_313, %dma_wait3A_314] : memref<2x1x128xi32, #tpu.memory_space<vmem>> -> memref<1x1x128xi32, #tpu.memory_space<vmem>>
        %dma_wait3A_316 = arith.constant 0 : i32
        %dma_wait3A_317 = arith.constant 0 : i32
        %dma_wait3A_318 = arith.constant 0 : i32
        %dma_wait3A_319 = tpu.memref_slice %arg3[%dma_wait3A_316, %dma_wait3A_317, %dma_wait3A_318] : memref<2500x1x128xi32, #tpu.memory_space<hbm>> -> memref<1x1x128xi32, #tpu.memory_space<hbm>>
        tpu.wait_dma2 semaphore(%arg16 : memref<!tpu.dma_semaphore, #tpu.memory_space<semaphore_mem>>) src(%dma_wait3A_319 : memref<1x1x128xi32, #tpu.memory_space<hbm>>) dst(%dma_wait3A_315 : memref<1x1x128xi32, #tpu.memory_space<vmem>>)
        %dma_start3A_320 = arith.constant 0 : i32
        %dma_start3A_321 = arith.constant 0 : i32
        %dma_start3A_322 = arith.constant 0 : i32
        %dma_start3A_323 = arith.constant 0 : i32
        %dma_start3A_324 = tpu.memref_slice %arg13[%dma_start3A_322, %dma_start3A_323] : memref<128x128xf32, #tpu.memory_space<vmem>> -> memref<64x128xf32, #tpu.memory_space<vmem>>
        %dma_start3A_325 = arith.constant 0 : i32
        %dma_start3A_326 = tpu.memref_slice %arg9[%dma_start3A_320, %dma_start3A_321, %dma_start3A_325] : memref<2x1x128xi32, #tpu.memory_space<vmem>> -> memref<1x1x64xi32, #tpu.memory_space<vmem>>
        %dma_start3A_327 = tpu.memref_squeeze %dma_start3A_326 : memref<1x1x64xi32, #tpu.memory_space<vmem>> -> memref<64xi32, #tpu.memory_space<vmem>>
        %dma_start3A_328 = arith.constant 0 : i32
        %dma_start3A_329 = arith.constant 0 : i32
        %dma_start3A_330 = tpu.memref_slice %arg2[%dma_start3A_328, %dma_start3A_329] : memref<10000x128xf32, #tpu.memory_space<hbm>> -> memref<10000x128xf32, #tpu.memory_space<hbm>>
        tpu.enqueue_indirect_dma source(%dma_start3A_330 : memref<10000x128xf32, #tpu.memory_space<hbm>>) target(%dma_start3A_324 : memref<64x128xf32, #tpu.memory_space<vmem>>) offsets(%dma_start3A_327 : memref<64xi32, #tpu.memory_space<vmem>>) semaphore(%arg20 : memref<!tpu.dma_semaphore, #tpu.memory_space<semaphore_mem>>)
        %dma_start3A_331 = arith.constant 0 : i32
        %dma_start3A_332 = arith.constant 0 : i32
        %dma_start3A_333 = arith.constant 64 : i32
        %dma_start3A_334 = arith.constant 0 : i32
        %dma_start3A_335 = tpu.memref_slice %arg13[%dma_start3A_333, %dma_start3A_334] : memref<128x128xf32, #tpu.memory_space<vmem>> -> memref<64x128xf32, #tpu.memory_space<vmem>>
        %dma_start3A_336 = arith.constant 64 : i32
        %dma_start3A_337 = tpu.memref_slice %arg9[%dma_start3A_331, %dma_start3A_332, %dma_start3A_336] : memref<2x1x128xi32, #tpu.memory_space<vmem>> -> memref<1x1x64xi32, #tpu.memory_space<vmem>>
        %dma_start3A_338 = tpu.memref_squeeze %dma_start3A_337 : memref<1x1x64xi32, #tpu.memory_space<vmem>> -> memref<64xi32, #tpu.memory_space<vmem>>
        %dma_start3A_339 = arith.constant 0 : i32
        %dma_start3A_340 = arith.constant 0 : i32
        %dma_start3A_341 = tpu.memref_slice %arg2[%dma_start3A_339, %dma_start3A_340] : memref<10000x128xf32, #tpu.memory_space<hbm>> -> memref<10000x128xf32, #tpu.memory_space<hbm>>
        tpu.enqueue_indirect_dma source(%dma_start3A_341 : memref<10000x128xf32, #tpu.memory_space<hbm>>) target(%dma_start3A_335 : memref<64x128xf32, #tpu.memory_space<vmem>>) offsets(%dma_start3A_338 : memref<64xi32, #tpu.memory_space<vmem>>) semaphore(%arg20 : memref<!tpu.dma_semaphore, #tpu.memory_space<semaphore_mem>>)
      } else {
      }
      %add3A_248 = arith.constant 3 : i32
      %add3A_249 = arith.addi %add3A_129, %add3A_248 : i32
      %dma_wait3A_250 = arith.constant 0 : i32
      %dma_wait3A_251 = arith.constant 0 : i32
      %dma_wait3A_252 = arith.constant 0 : i32
      %dma_wait3A_253 = arith.constant 0 : i32
      %dma_wait3A_254 = tpu.memref_slice %arg14[%dma_wait3A_252, %dma_wait3A_253] : memref<128x128xf32, #tpu.memory_space<vmem>> -> memref<64x128xf32, #tpu.memory_space<vmem>>
      %dma_wait3A_255 = arith.constant 0 : i32
      %dma_wait3A_256 = tpu.memref_slice %arg12[%dma_wait3A_250, %dma_wait3A_251, %dma_wait3A_255] : memref<2x1x128xi32, #tpu.memory_space<vmem>> -> memref<1x1x64xi32, #tpu.memory_space<vmem>>
      %dma_wait3A_257 = tpu.memref_squeeze %dma_wait3A_256 : memref<1x1x64xi32, #tpu.memory_space<vmem>> -> memref<64xi32, #tpu.memory_space<vmem>>
      %dma_wait3A_258 = arith.constant 0 : i32
      %dma_wait3A_259 = arith.constant 0 : i32
      %dma_wait3A_260 = tpu.memref_slice %arg2[%dma_wait3A_258, %dma_wait3A_259] : memref<10000x128xf32, #tpu.memory_space<hbm>> -> memref<10000x128xf32, #tpu.memory_space<hbm>>
      tpu.wait_indirect_dma semaphore(%arg21 : memref<!tpu.dma_semaphore, #tpu.memory_space<semaphore_mem>>) src(%dma_wait3A_260 : memref<10000x128xf32, #tpu.memory_space<hbm>>) dst(%dma_wait3A_254 : memref<64x128xf32, #tpu.memory_space<vmem>>)
      %dma_wait3A_261 = arith.constant 0 : i32
      %dma_wait3A_262 = arith.constant 0 : i32
      %dma_wait3A_263 = arith.constant 64 : i32
      %dma_wait3A_264 = arith.constant 0 : i32
      %dma_wait3A_265 = tpu.memref_slice %arg14[%dma_wait3A_263, %dma_wait3A_264] : memref<128x128xf32, #tpu.memory_space<vmem>> -> memref<64x128xf32, #tpu.memory_space<vmem>>
      %dma_wait3A_266 = arith.constant 64 : i32
      %dma_wait3A_267 = tpu.memref_slice %arg12[%dma_wait3A_261, %dma_wait3A_262, %dma_wait3A_266] : memref<2x1x128xi32, #tpu.memory_space<vmem>> -> memref<1x1x64xi32, #tpu.memory_space<vmem>>
      %dma_wait3A_268 = tpu.memref_squeeze %dma_wait3A_267 : memref<1x1x64xi32, #tpu.memory_space<vmem>> -> memref<64xi32, #tpu.memory_space<vmem>>
      %dma_wait3A_269 = arith.constant 0 : i32
      %dma_wait3A_270 = arith.constant 0 : i32
      %dma_wait3A_271 = tpu.memref_slice %arg2[%dma_wait3A_269, %dma_wait3A_270] : memref<10000x128xf32, #tpu.memory_space<hbm>> -> memref<10000x128xf32, #tpu.memory_space<hbm>>
      tpu.wait_indirect_dma semaphore(%arg21 : memref<!tpu.dma_semaphore, #tpu.memory_space<semaphore_mem>>) src(%dma_wait3A_271 : memref<10000x128xf32, #tpu.memory_space<hbm>>) dst(%dma_wait3A_265 : memref<64x128xf32, #tpu.memory_space<vmem>>)
      %run_scoped3A_272 = arith.constant 1 : i32
      %run_scoped3A_273 = arith.constant 0 : i32
      "tpu.region"() ({
        %run_scoped3A_288 = tpu.sem_alloc : memref<!tpu.dma_semaphore, #tpu.memory_space<semaphore_mem>>
        %dma_start3A_289 = arith.constant 0 : i32
        %dma_start3A_290 = tpu.memref_slice %arg12[%run_scoped3A_272, %run_scoped3A_273, %dma_start3A_289] : memref<2x1x128xi32, #tpu.memory_space<vmem>> -> memref<1x1x128xi32, #tpu.memory_space<vmem>>
        %dma_start3A_291 = tpu.memref_squeeze %dma_start3A_290 : memref<1x1x128xi32, #tpu.memory_space<vmem>> -> memref<128xi32, #tpu.memory_space<vmem>>
        %dma_start3A_292 = arith.constant 0 : i32
        %dma_start3A_293 = arith.constant 0 : i32
        %dma_start3A_294 = tpu.memref_slice %arg15[%dma_start3A_292, %dma_start3A_293] : memref<10240x128xf32, #tpu.memory_space<vmem_shared>> -> memref<10240x128xf32, #tpu.memory_space<vmem_shared>>
        tpu.enqueue_indirect_dma source(%arg14 : memref<128x128xf32, #tpu.memory_space<vmem>>) target(%dma_start3A_294 : memref<10240x128xf32, #tpu.memory_space<vmem_shared>>) offsets(%dma_start3A_291 : memref<128xi32, #tpu.memory_space<vmem>>) semaphore(%run_scoped3A_288 : memref<!tpu.dma_semaphore, #tpu.memory_space<semaphore_mem>>) {add = true}
        %dma_wait3A_295 = arith.constant 0 : i32
        %dma_wait3A_296 = tpu.memref_slice %arg12[%run_scoped3A_272, %run_scoped3A_273, %dma_wait3A_295] : memref<2x1x128xi32, #tpu.memory_space<vmem>> -> memref<1x1x128xi32, #tpu.memory_space<vmem>>
        %dma_wait3A_297 = tpu.memref_squeeze %dma_wait3A_296 : memref<1x1x128xi32, #tpu.memory_space<vmem>> -> memref<128xi32, #tpu.memory_space<vmem>>
        %dma_wait3A_298 = arith.constant 0 : i32
        %dma_wait3A_299 = arith.constant 0 : i32
        %dma_wait3A_300 = tpu.memref_slice %arg15[%dma_wait3A_298, %dma_wait3A_299] : memref<10240x128xf32, #tpu.memory_space<vmem_shared>> -> memref<10240x128xf32, #tpu.memory_space<vmem_shared>>
        tpu.wait_indirect_dma semaphore(%run_scoped3A_288 : memref<!tpu.dma_semaphore, #tpu.memory_space<semaphore_mem>>) src(%arg14 : memref<128x128xf32, #tpu.memory_space<vmem>>) dst(%dma_wait3A_300 : memref<10240x128xf32, #tpu.memory_space<vmem_shared>>)
        tpu.yield
      }) : () -> ()
      %add3A_274 = arith.constant 4 : i32
      %add3A_275 = arith.addi %add3A_249, %add3A_274 : i32
      %lt3A_276 = arith.constant 80 : i32
      %lt3A_277 = arith.cmpi slt, %add3A_275, %lt3A_276 : i32
      %convert_element_type3A_278 = arith.extui %lt3A_277 : i1 to i32
      %cond3A_279 = arith.constant 0 : i32
      %cond3A_280 = arith.cmpi ne, %convert_element_type3A_278, %cond3A_279 : i32
      scf.if %cond3A_280 {
        %add3A_288 = arith.constant 4 : i32
        %add3A_289 = arith.addi %add3A_249, %add3A_288 : i32
        %mul3A_290 = arith.constant 32 : i32
        %mul3A_291 = arith.muli %add3A_289, %mul3A_290 : i32
        %add3A_292 = arith.addi %mul3A_291, %add3A : i32
        %lt3A_293 = arith.constant 2500 : i32
        %lt3A_294 = arith.cmpi slt, %add3A_292, %lt3A_293 : i32
        %convert_element_type3A_295 = arith.extui %lt3A_294 : i1 to i32
        %cond3A_296 = arith.constant 0 : i32
        %cond3A_297 = arith.cmpi ne, %convert_element_type3A_295, %cond3A_296 : i32
        scf.if %cond3A_297 {
          %dma_start3A_303 = arith.constant 0 : i32
          %dma_start3A_304 = arith.constant 0 : i32
          %dma_start3A_305 = arith.constant 0 : i32
          %dma_start3A_306 = tpu.memref_slice %arg12[%dma_start3A_303, %dma_start3A_304, %dma_start3A_305] : memref<2x1x128xi32, #tpu.memory_space<vmem>> -> memref<1x1x128xi32, #tpu.memory_space<vmem>>
          %dma_start3A_307 = arith.constant 0 : i32
          %dma_start3A_308 = arith.constant 0 : i32
          %dma_start3A_309 = tpu.memref_slice %arg3[%add3A_292, %dma_start3A_307, %dma_start3A_308] : memref<2500x1x128xi32, #tpu.memory_space<hbm>> -> memref<1x1x128xi32, #tpu.memory_space<hbm>>
          %dma_start3A_310 = arith.constant 0 : i32
          %dma_start3A_311 = arith.constant 0 : i32
          %dma_start3A_312 = arith.constant 0 : i32
          %dma_start3A_313 = tpu.memref_slice %arg12[%dma_start3A_310, %dma_start3A_311, %dma_start3A_312] : memref<2x1x128xi32, #tpu.memory_space<vmem>> -> memref<1x1x128xi32, #tpu.memory_space<vmem>>
          %dma_start3A_314 = arith.constant 0 : i32
          %dma_start3A_315 = arith.constant 0 : i32
          %dma_start3A_316 = tpu.memref_slice %arg3[%add3A_292, %dma_start3A_314, %dma_start3A_315] : memref<2500x1x128xi32, #tpu.memory_space<hbm>> -> memref<1x1x128xi32, #tpu.memory_space<hbm>>
          tpu.enqueue_dma source(%dma_start3A_316 : memref<1x1x128xi32, #tpu.memory_space<hbm>>) target(%dma_start3A_313 : memref<1x1x128xi32, #tpu.memory_space<vmem>>) target_semaphore(%arg19 : memref<!tpu.dma_semaphore, #tpu.memory_space<semaphore_mem>>)
          %dma_start3A_317 = arith.constant 1 : i32
          %dma_start3A_318 = arith.constant 0 : i32
          %dma_start3A_319 = arith.constant 0 : i32
          %dma_start3A_320 = tpu.memref_slice %arg12[%dma_start3A_317, %dma_start3A_318, %dma_start3A_319] : memref<2x1x128xi32, #tpu.memory_space<vmem>> -> memref<1x1x128xi32, #tpu.memory_space<vmem>>
          %dma_start3A_321 = arith.constant 0 : i32
          %dma_start3A_322 = arith.constant 0 : i32
          %dma_start3A_323 = tpu.memref_slice %arg4[%add3A_292, %dma_start3A_321, %dma_start3A_322] : memref<2500x1x128xi32, #tpu.memory_space<hbm>> -> memref<1x1x128xi32, #tpu.memory_space<hbm>>
          %dma_start3A_324 = arith.constant 1 : i32
          %dma_start3A_325 = arith.constant 0 : i32
          %dma_start3A_326 = arith.constant 0 : i32
          %dma_start3A_327 = tpu.memref_slice %arg12[%dma_start3A_324, %dma_start3A_325, %dma_start3A_326] : memref<2x1x128xi32, #tpu.memory_space<vmem>> -> memref<1x1x128xi32, #tpu.memory_space<vmem>>
          %dma_start3A_328 = arith.constant 0 : i32
          %dma_start3A_329 = arith.constant 0 : i32
          %dma_start3A_330 = tpu.memref_slice %arg4[%add3A_292, %dma_start3A_328, %dma_start3A_329] : memref<2500x1x128xi32, #tpu.memory_space<hbm>> -> memref<1x1x128xi32, #tpu.memory_space<hbm>>
          tpu.enqueue_dma source(%dma_start3A_330 : memref<1x1x128xi32, #tpu.memory_space<hbm>>) target(%dma_start3A_327 : memref<1x1x128xi32, #tpu.memory_space<vmem>>) target_semaphore(%arg19 : memref<!tpu.dma_semaphore, #tpu.memory_space<semaphore_mem>>)
        } else {
        }
        %ge3A_298 = arith.constant 2500 : i32
        %ge3A_299 = arith.cmpi sge, %add3A_292, %ge3A_298 : i32
        %convert_element_type3A_300 = arith.extui %ge3A_299 : i1 to i32
        %cond3A_301 = arith.constant 0 : i32
        %cond3A_302 = arith.cmpi ne, %convert_element_type3A_300, %cond3A_301 : i32
        scf.if %cond3A_302 {
          %sub3A = arith.constant 2500 : i32
          %sub3A_303 = arith.subi %add3A_292, %sub3A : i32
          %dma_start3A_304 = arith.constant 0 : i32
          %dma_start3A_305 = arith.constant 0 : i32
          %dma_start3A_306 = arith.constant 0 : i32
          %dma_start3A_307 = tpu.memref_slice %arg12[%dma_start3A_304, %dma_start3A_305, %dma_start3A_306] : memref<2x1x128xi32, #tpu.memory_space<vmem>> -> memref<1x1x128xi32, #tpu.memory_space<vmem>>
          %dma_start3A_308 = arith.constant 0 : i32
          %dma_start3A_309 = arith.constant 0 : i32
          %dma_start3A_310 = tpu.memref_slice %arg5[%sub3A_303, %dma_start3A_308, %dma_start3A_309] : memref<60x1x128xi32, #tpu.memory_space<hbm>> -> memref<1x1x128xi32, #tpu.memory_space<hbm>>
          %dma_start3A_311 = arith.constant 0 : i32
          %dma_start3A_312 = arith.constant 0 : i32
          %dma_start3A_313 = arith.constant 0 : i32
          %dma_start3A_314 = tpu.memref_slice %arg12[%dma_start3A_311, %dma_start3A_312, %dma_start3A_313] : memref<2x1x128xi32, #tpu.memory_space<vmem>> -> memref<1x1x128xi32, #tpu.memory_space<vmem>>
          %dma_start3A_315 = arith.constant 0 : i32
          %dma_start3A_316 = arith.constant 0 : i32
          %dma_start3A_317 = tpu.memref_slice %arg5[%sub3A_303, %dma_start3A_315, %dma_start3A_316] : memref<60x1x128xi32, #tpu.memory_space<hbm>> -> memref<1x1x128xi32, #tpu.memory_space<hbm>>
          tpu.enqueue_dma source(%dma_start3A_317 : memref<1x1x128xi32, #tpu.memory_space<hbm>>) target(%dma_start3A_314 : memref<1x1x128xi32, #tpu.memory_space<vmem>>) target_semaphore(%arg19 : memref<!tpu.dma_semaphore, #tpu.memory_space<semaphore_mem>>)
          %sub3A_318 = arith.constant 2500 : i32
          %sub3A_319 = arith.subi %add3A_292, %sub3A_318 : i32
          %dma_start3A_320 = arith.constant 1 : i32
          %dma_start3A_321 = arith.constant 0 : i32
          %dma_start3A_322 = arith.constant 0 : i32
          %dma_start3A_323 = tpu.memref_slice %arg12[%dma_start3A_320, %dma_start3A_321, %dma_start3A_322] : memref<2x1x128xi32, #tpu.memory_space<vmem>> -> memref<1x1x128xi32, #tpu.memory_space<vmem>>
          %dma_start3A_324 = arith.constant 0 : i32
          %dma_start3A_325 = arith.constant 0 : i32
          %dma_start3A_326 = tpu.memref_slice %arg6[%sub3A_319, %dma_start3A_324, %dma_start3A_325] : memref<60x1x128xi32, #tpu.memory_space<hbm>> -> memref<1x1x128xi32, #tpu.memory_space<hbm>>
          %dma_start3A_327 = arith.constant 1 : i32
          %dma_start3A_328 = arith.constant 0 : i32
          %dma_start3A_329 = arith.constant 0 : i32
          %dma_start3A_330 = tpu.memref_slice %arg12[%dma_start3A_327, %dma_start3A_328, %dma_start3A_329] : memref<2x1x128xi32, #tpu.memory_space<vmem>> -> memref<1x1x128xi32, #tpu.memory_space<vmem>>
          %dma_start3A_331 = arith.constant 0 : i32
          %dma_start3A_332 = arith.constant 0 : i32
          %dma_start3A_333 = tpu.memref_slice %arg6[%sub3A_319, %dma_start3A_331, %dma_start3A_332] : memref<60x1x128xi32, #tpu.memory_space<hbm>> -> memref<1x1x128xi32, #tpu.memory_space<hbm>>
          tpu.enqueue_dma source(%dma_start3A_333 : memref<1x1x128xi32, #tpu.memory_space<hbm>>) target(%dma_start3A_330 : memref<1x1x128xi32, #tpu.memory_space<vmem>>) target_semaphore(%arg19 : memref<!tpu.dma_semaphore, #tpu.memory_space<semaphore_mem>>)
        } else {
        }
      } else {
      }
      %add3A_281 = arith.constant 2 : i32
      %add3A_282 = arith.addi %add3A_249, %add3A_281 : i32
      %lt3A_283 = arith.constant 80 : i32
      %lt3A_284 = arith.cmpi slt, %add3A_282, %lt3A_283 : i32
      %convert_element_type3A_285 = arith.extui %lt3A_284 : i1 to i32
      %cond3A_286 = arith.constant 0 : i32
      %cond3A_287 = arith.cmpi ne, %convert_element_type3A_285, %cond3A_286 : i32
      scf.if %cond3A_287 {
        %dma_wait3A_288 = arith.constant 0 : i32
        %dma_wait3A_289 = arith.constant 0 : i32
        %dma_wait3A_290 = arith.constant 0 : i32
        %dma_wait3A_291 = tpu.memref_slice %arg10[%dma_wait3A_288, %dma_wait3A_289, %dma_wait3A_290] : memref<2x1x128xi32, #tpu.memory_space<vmem>> -> memref<1x1x128xi32, #tpu.memory_space<vmem>>
        %dma_wait3A_292 = arith.constant 0 : i32
        %dma_wait3A_293 = arith.constant 0 : i32
        %dma_wait3A_294 = arith.constant 0 : i32
        %dma_wait3A_295 = tpu.memref_slice %arg3[%dma_wait3A_292, %dma_wait3A_293, %dma_wait3A_294] : memref<2500x1x128xi32, #tpu.memory_space<hbm>> -> memref<1x1x128xi32, #tpu.memory_space<hbm>>
        %dma_wait3A_296 = arith.constant 0 : i32
        %dma_wait3A_297 = arith.constant 0 : i32
        %dma_wait3A_298 = arith.constant 0 : i32
        %dma_wait3A_299 = tpu.memref_slice %arg10[%dma_wait3A_296, %dma_wait3A_297, %dma_wait3A_298] : memref<2x1x128xi32, #tpu.memory_space<vmem>> -> memref<1x1x128xi32, #tpu.memory_space<vmem>>
        %dma_wait3A_300 = arith.constant 0 : i32
        %dma_wait3A_301 = arith.constant 0 : i32
        %dma_wait3A_302 = arith.constant 0 : i32
        %dma_wait3A_303 = tpu.memref_slice %arg3[%dma_wait3A_300, %dma_wait3A_301, %dma_wait3A_302] : memref<2500x1x128xi32, #tpu.memory_space<hbm>> -> memref<1x1x128xi32, #tpu.memory_space<hbm>>
        tpu.wait_dma2 semaphore(%arg17 : memref<!tpu.dma_semaphore, #tpu.memory_space<semaphore_mem>>) src(%dma_wait3A_303 : memref<1x1x128xi32, #tpu.memory_space<hbm>>) dst(%dma_wait3A_299 : memref<1x1x128xi32, #tpu.memory_space<vmem>>)
        %dma_wait3A_304 = arith.constant 1 : i32
        %dma_wait3A_305 = arith.constant 0 : i32
        %dma_wait3A_306 = arith.constant 0 : i32
        %dma_wait3A_307 = tpu.memref_slice %arg10[%dma_wait3A_304, %dma_wait3A_305, %dma_wait3A_306] : memref<2x1x128xi32, #tpu.memory_space<vmem>> -> memref<1x1x128xi32, #tpu.memory_space<vmem>>
        %dma_wait3A_308 = arith.constant 0 : i32
        %dma_wait3A_309 = arith.constant 0 : i32
        %dma_wait3A_310 = arith.constant 0 : i32
        %dma_wait3A_311 = tpu.memref_slice %arg3[%dma_wait3A_308, %dma_wait3A_309, %dma_wait3A_310] : memref<2500x1x128xi32, #tpu.memory_space<hbm>> -> memref<1x1x128xi32, #tpu.memory_space<hbm>>
        %dma_wait3A_312 = arith.constant 1 : i32
        %dma_wait3A_313 = arith.constant 0 : i32
        %dma_wait3A_314 = arith.constant 0 : i32
        %dma_wait3A_315 = tpu.memref_slice %arg10[%dma_wait3A_312, %dma_wait3A_313, %dma_wait3A_314] : memref<2x1x128xi32, #tpu.memory_space<vmem>> -> memref<1x1x128xi32, #tpu.memory_space<vmem>>
        %dma_wait3A_316 = arith.constant 0 : i32
        %dma_wait3A_317 = arith.constant 0 : i32
        %dma_wait3A_318 = arith.constant 0 : i32
        %dma_wait3A_319 = tpu.memref_slice %arg3[%dma_wait3A_316, %dma_wait3A_317, %dma_wait3A_318] : memref<2500x1x128xi32, #tpu.memory_space<hbm>> -> memref<1x1x128xi32, #tpu.memory_space<hbm>>
        tpu.wait_dma2 semaphore(%arg17 : memref<!tpu.dma_semaphore, #tpu.memory_space<semaphore_mem>>) src(%dma_wait3A_319 : memref<1x1x128xi32, #tpu.memory_space<hbm>>) dst(%dma_wait3A_315 : memref<1x1x128xi32, #tpu.memory_space<vmem>>)
        %dma_start3A_320 = arith.constant 0 : i32
        %dma_start3A_321 = arith.constant 0 : i32
        %dma_start3A_322 = arith.constant 0 : i32
        %dma_start3A_323 = arith.constant 0 : i32
        %dma_start3A_324 = tpu.memref_slice %arg14[%dma_start3A_322, %dma_start3A_323] : memref<128x128xf32, #tpu.memory_space<vmem>> -> memref<64x128xf32, #tpu.memory_space<vmem>>
        %dma_start3A_325 = arith.constant 0 : i32
        %dma_start3A_326 = tpu.memref_slice %arg10[%dma_start3A_320, %dma_start3A_321, %dma_start3A_325] : memref<2x1x128xi32, #tpu.memory_space<vmem>> -> memref<1x1x64xi32, #tpu.memory_space<vmem>>
        %dma_start3A_327 = tpu.memref_squeeze %dma_start3A_326 : memref<1x1x64xi32, #tpu.memory_space<vmem>> -> memref<64xi32, #tpu.memory_space<vmem>>
        %dma_start3A_328 = arith.constant 0 : i32
        %dma_start3A_329 = arith.constant 0 : i32
        %dma_start3A_330 = tpu.memref_slice %arg2[%dma_start3A_328, %dma_start3A_329] : memref<10000x128xf32, #tpu.memory_space<hbm>> -> memref<10000x128xf32, #tpu.memory_space<hbm>>
        tpu.enqueue_indirect_dma source(%dma_start3A_330 : memref<10000x128xf32, #tpu.memory_space<hbm>>) target(%dma_start3A_324 : memref<64x128xf32, #tpu.memory_space<vmem>>) offsets(%dma_start3A_327 : memref<64xi32, #tpu.memory_space<vmem>>) semaphore(%arg21 : memref<!tpu.dma_semaphore, #tpu.memory_space<semaphore_mem>>)
        %dma_start3A_331 = arith.constant 0 : i32
        %dma_start3A_332 = arith.constant 0 : i32
        %dma_start3A_333 = arith.constant 64 : i32
        %dma_start3A_334 = arith.constant 0 : i32
        %dma_start3A_335 = tpu.memref_slice %arg14[%dma_start3A_333, %dma_start3A_334] : memref<128x128xf32, #tpu.memory_space<vmem>> -> memref<64x128xf32, #tpu.memory_space<vmem>>
        %dma_start3A_336 = arith.constant 64 : i32
        %dma_start3A_337 = tpu.memref_slice %arg10[%dma_start3A_331, %dma_start3A_332, %dma_start3A_336] : memref<2x1x128xi32, #tpu.memory_space<vmem>> -> memref<1x1x64xi32, #tpu.memory_space<vmem>>
        %dma_start3A_338 = tpu.memref_squeeze %dma_start3A_337 : memref<1x1x64xi32, #tpu.memory_space<vmem>> -> memref<64xi32, #tpu.memory_space<vmem>>
        %dma_start3A_339 = arith.constant 0 : i32
        %dma_start3A_340 = arith.constant 0 : i32
        %dma_start3A_341 = tpu.memref_slice %arg2[%dma_start3A_339, %dma_start3A_340] : memref<10000x128xf32, #tpu.memory_space<hbm>> -> memref<10000x128xf32, #tpu.memory_space<hbm>>
        tpu.enqueue_indirect_dma source(%dma_start3A_341 : memref<10000x128xf32, #tpu.memory_space<hbm>>) target(%dma_start3A_335 : memref<64x128xf32, #tpu.memory_space<vmem>>) offsets(%dma_start3A_338 : memref<64xi32, #tpu.memory_space<vmem>>) semaphore(%arg21 : memref<!tpu.dma_semaphore, #tpu.memory_space<semaphore_mem>>)
      } else {
      }
    }
    %scan3A_123 = arith.constant 20 : i32
    %barrier3A_124 = arith.constant 0 : index
    tpu.barrier barrier_id(%barrier3A_124)
    "tpu.region"() ({
      %run_scoped3A = tpu.sem_alloc : memref<!tpu.dma_semaphore, #tpu.memory_space<semaphore_mem>>
      %dma_start3A_125 = arith.constant 0 : i32
      %dma_start3A_126 = tpu.memref_slice %arg8[%arg0, %mul3A_2, %dma_start3A_125] : memref<2x10240x128xf32, #tpu.memory_space<hbm>> -> memref<1x640x128xf32, #tpu.memory_space<hbm>>
      %dma_start3A_127 = tpu.memref_squeeze %dma_start3A_126 : memref<1x640x128xf32, #tpu.memory_space<hbm>> -> memref<640x128xf32, #tpu.memory_space<hbm>>
      %dma_start3A_128 = arith.constant 0 : i32
      %dma_start3A_129 = tpu.memref_slice %arg15[%mul3A_2, %dma_start3A_128] : memref<10240x128xf32, #tpu.memory_space<vmem_shared>> -> memref<640x128xf32, #tpu.memory_space<vmem_shared>>
      tpu.enqueue_dma source(%dma_start3A_129 : memref<640x128xf32, #tpu.memory_space<vmem_shared>>) target(%dma_start3A_127 : memref<640x128xf32, #tpu.memory_space<hbm>>) target_semaphore(%run_scoped3A : memref<!tpu.dma_semaphore, #tpu.memory_space<semaphore_mem>>)
      %dma_wait3A = arith.constant 0 : i32
      %dma_wait3A_130 = tpu.memref_slice %arg8[%arg0, %mul3A_2, %dma_wait3A] : memref<2x10240x128xf32, #tpu.memory_space<hbm>> -> memref<1x640x128xf32, #tpu.memory_space<hbm>>
      %dma_wait3A_131 = tpu.memref_squeeze %dma_wait3A_130 : memref<1x640x128xf32, #tpu.memory_space<hbm>> -> memref<640x128xf32, #tpu.memory_space<hbm>>
      %dma_wait3A_132 = arith.constant 0 : i32
      %dma_wait3A_133 = tpu.memref_slice %arg15[%mul3A_2, %dma_wait3A_132] : memref<10240x128xf32, #tpu.memory_space<vmem_shared>> -> memref<640x128xf32, #tpu.memory_space<vmem_shared>>
      tpu.wait_dma2 semaphore(%run_scoped3A : memref<!tpu.dma_semaphore, #tpu.memory_space<semaphore_mem>>) src(%dma_wait3A_133 : memref<640x128xf32, #tpu.memory_space<vmem_shared>>) dst(%dma_wait3A_131 : memref<640x128xf32, #tpu.memory_space<hbm>>)
      tpu.yield
    }) : () -> ()
    return
  }
}

#map = affine_map<(d0, d1) -> (0, 0)>
#map1 = affine_map<(d0, d1) -> (0, 0, 0)>
module attributes {stable_mosaic.version = 14 : i64} {
  func.func @k(%arg0: i32, %arg1: i32, %arg2: memref<10000x128xf32, #tpu.memory_space<hbm>>, %arg3: memref<2500x1x128xi32, #tpu.memory_space<hbm>>, %arg4: memref<2500x1x128xi32, #tpu.memory_space<hbm>>, %arg5: memref<60x1x128xi32, #tpu.memory_space<hbm>>, %arg6: memref<60x1x128xi32, #tpu.memory_space<hbm>>, %arg7: memref<320x128xf32, #tpu.memory_space<hbm>>, %arg8: memref<2x10240x128xf32, #tpu.memory_space<hbm>>, %arg9: memref<2x1x128xi32, #tpu.memory_space<vmem>>, %arg10: memref<2x1x128xi32, #tpu.memory_space<vmem>>, %arg11: memref<2x1x128xi32, #tpu.memory_space<vmem>>, %arg12: memref<2x1x128xi32, #tpu.memory_space<vmem>>, %arg13: memref<128x128xf32, #tpu.memory_space<vmem>>, %arg14: memref<128x128xf32, #tpu.memory_space<vmem>>, %arg15: memref<10240x128xf32, #tpu.memory_space<vmem_shared>>, %arg16: memref<!tpu.dma_semaphore, #tpu.memory_space<semaphore_mem>>, %arg17: memref<!tpu.dma_semaphore, #tpu.memory_space<semaphore_mem>>, %arg18: memref<!tpu.dma_semaphore, #tpu.memory_space<semaphore_mem>>, %arg19: memref<!tpu.dma_semaphore, #tpu.memory_space<semaphore_mem>>, %arg20: memref<!tpu.dma_semaphore, #tpu.memory_space<semaphore_mem>>, %arg21: memref<!tpu.dma_semaphore, #tpu.memory_space<semaphore_mem>>) attributes {dimension_semantics = [#tpu.dimension_semantics<core_parallel>, #tpu.dimension_semantics<subcore_parallel>], iteration_bounds = array<i64: 2, 16>, scalar_prefetch = 0 : i64, scratch_operands = 13 : i64, tpu.core_type = #tpu.core_type<sc_vector_subcore>, window_params = [{transform_indices = #map}, {transform_indices = #map1}, {transform_indices = #map1}, {transform_indices = #map1}, {transform_indices = #map1}, {transform_indices = #map}, {transform_indices = #map1}]} {
    %mul3A = arith.constant 2 : i32
    %mul3A_0 = arith.muli %arg1, %mul3A : i32
    %add3A = arith.addi %mul3A_0, %arg0 : i32
    %mul3A_1 = arith.constant 640 : i32
    %mul3A_2 = arith.muli %arg1, %mul3A_1 : i32
    %eq3A = arith.constant 0 : i32
    %eq3A_3 = arith.cmpi eq, %arg0, %eq3A : i32
    %lt3A = arith.constant 15 : i32
    %lt3A_4 = arith.cmpi slt, %arg1, %lt3A : i32
    %and3A = arith.andi %eq3A_3, %lt3A_4 : i1
    %convert_element_type3A = arith.extui %and3A : i1 to i32
    %cond3A = arith.constant 0 : i32
    %cond3A_5 = arith.cmpi ne, %convert_element_type3A, %cond3A : i32
    scf.if %cond3A_5 {
      "tpu.region"() ({
        %run_scoped3A = tpu.sem_alloc : memref<!tpu.dma_semaphore, #tpu.memory_space<semaphore_mem>>
        %dma_start3A_125 = arith.constant 0 : i32
        %dma_start3A_126 = tpu.memref_slice %arg15[%mul3A_2, %dma_start3A_125] : memref<10240x128xf32, #tpu.memory_space<vmem_shared>> -> memref<640x128xf32, #tpu.memory_space<vmem_shared>>
        %dma_start3A_127 = arith.constant 0 : i32
        %dma_start3A_128 = tpu.memref_slice %arg2[%mul3A_2, %dma_start3A_127] : memref<10000x128xf32, #tpu.memory_space<hbm>> -> memref<640x128xf32, #tpu.memory_space<hbm>>
        tpu.enqueue_dma source(%dma_start3A_128 : memref<640x128xf32, #tpu.memory_space<hbm>>) target(%dma_start3A_126 : memref<640x128xf32, #tpu.memory_space<vmem_shared>>) target_semaphore(%run_scoped3A : memref<!tpu.dma_semaphore, #tpu.memory_space<semaphore_mem>>)
        %dma_wait3A = arith.constant 0 : i32
        %dma_wait3A_129 = tpu.memref_slice %arg15[%mul3A_2, %dma_wait3A] : memref<10240x128xf32, #tpu.memory_space<vmem_shared>> -> memref<640x128xf32, #tpu.memory_space<vmem_shared>>
        %dma_wait3A_130 = arith.constant 0 : i32
        %dma_wait3A_131 = tpu.memref_slice %arg2[%mul3A_2, %dma_wait3A_130] : memref<10000x128xf32, #tpu.memory_space<hbm>> -> memref<640x128xf32, #tpu.memory_space<hbm>>
        tpu.wait_dma2 semaphore(%run_scoped3A : memref<!tpu.dma_semaphore, #tpu.memory_space<semaphore_mem>>) src(%dma_wait3A_131 : memref<640x128xf32, #tpu.memory_space<hbm>>) dst(%dma_wait3A_129 : memref<640x128xf32, #tpu.memory_space<vmem_shared>>)
        tpu.yield
      }) : () -> ()
    } else {
    }
    %eq3A_6 = arith.constant 0 : i32
    %eq3A_7 = arith.cmpi eq, %arg0, %eq3A_6 : i32
    %eq3A_8 = arith.constant 15 : i32
    %eq3A_9 = arith.cmpi eq, %arg1, %eq3A_8 : i32
    %and3A_10 = arith.andi %eq3A_7, %eq3A_9 : i1
    %convert_element_type3A_11 = arith.extui %and3A_10 : i1 to i32
    %cond3A_12 = arith.constant 0 : i32
    %cond3A_13 = arith.cmpi ne, %convert_element_type3A_11, %cond3A_12 : i32
    scf.if %cond3A_13 {
      "tpu.region"() ({
        %run_scoped3A = tpu.sem_alloc : memref<!tpu.dma_semaphore, #tpu.memory_space<semaphore_mem>>
        %dma_start3A_125 = arith.constant 0 : i32
        %dma_start3A_126 = tpu.memref_slice %arg15[%mul3A_2, %dma_start3A_125] : memref<10240x128xf32, #tpu.memory_space<vmem_shared>> -> memref<400x128xf32, #tpu.memory_space<vmem_shared>>
        %dma_start3A_127 = arith.constant 9600 : i32
        %dma_start3A_128 = arith.constant 0 : i32
        %dma_start3A_129 = tpu.memref_slice %arg2[%dma_start3A_127, %dma_start3A_128] : memref<10000x128xf32, #tpu.memory_space<hbm>> -> memref<400x128xf32, #tpu.memory_space<hbm>>
        tpu.enqueue_dma source(%dma_start3A_129 : memref<400x128xf32, #tpu.memory_space<hbm>>) target(%dma_start3A_126 : memref<400x128xf32, #tpu.memory_space<vmem_shared>>) target_semaphore(%run_scoped3A : memref<!tpu.dma_semaphore, #tpu.memory_space<semaphore_mem>>)
        %dma_wait3A = arith.constant 0 : i32
        %dma_wait3A_130 = tpu.memref_slice %arg15[%mul3A_2, %dma_wait3A] : memref<10240x128xf32, #tpu.memory_space<vmem_shared>> -> memref<400x128xf32, #tpu.memory_space<vmem_shared>>
        %dma_wait3A_131 = arith.constant 9600 : i32
        %dma_wait3A_132 = arith.constant 0 : i32
        %dma_wait3A_133 = tpu.memref_slice %arg2[%dma_wait3A_131, %dma_wait3A_132] : memref<10000x128xf32, #tpu.memory_space<hbm>> -> memref<400x128xf32, #tpu.memory_space<hbm>>
        tpu.wait_dma2 semaphore(%run_scoped3A : memref<!tpu.dma_semaphore, #tpu.memory_space<semaphore_mem>>) src(%dma_wait3A_133 : memref<400x128xf32, #tpu.memory_space<hbm>>) dst(%dma_wait3A_130 : memref<400x128xf32, #tpu.memory_space<vmem_shared>>)
        tpu.yield
      }) : () -> ()
    } else {
    }
    %eq3A_14 = arith.constant 1 : i32
    %eq3A_15 = arith.cmpi eq, %arg0, %eq3A_14 : i32
    %lt3A_16 = arith.constant 15 : i32
    %lt3A_17 = arith.cmpi slt, %arg1, %lt3A_16 : i32
    %and3A_18 = arith.andi %eq3A_15, %lt3A_17 : i1
    %convert_element_type3A_19 = arith.extui %and3A_18 : i1 to i32
    %cond3A_20 = arith.constant 0 : i32
    %cond3A_21 = arith.cmpi ne, %convert_element_type3A_19, %cond3A_20 : i32
    scf.if %cond3A_21 {
      "tpu.region"() ({
        %run_scoped3A = tpu.sem_alloc : memref<!tpu.dma_semaphore, #tpu.memory_space<semaphore_mem>>
        %dma_start3A_127 = arith.constant 0 : i32
        %dma_start3A_128 = tpu.memref_slice %arg15[%mul3A_2, %dma_start3A_127] : memref<10240x128xf32, #tpu.memory_space<vmem_shared>> -> memref<320x128xf32, #tpu.memory_space<vmem_shared>>
        tpu.enqueue_dma source(%arg7 : memref<320x128xf32, #tpu.memory_space<hbm>>) target(%dma_start3A_128 : memref<320x128xf32, #tpu.memory_space<vmem_shared>>) target_semaphore(%run_scoped3A : memref<!tpu.dma_semaphore, #tpu.memory_space<semaphore_mem>>)
        %dma_wait3A = arith.constant 0 : i32
        %dma_wait3A_129 = tpu.memref_slice %arg15[%mul3A_2, %dma_wait3A] : memref<10240x128xf32, #tpu.memory_space<vmem_shared>> -> memref<320x128xf32, #tpu.memory_space<vmem_shared>>
        tpu.wait_dma2 semaphore(%run_scoped3A : memref<!tpu.dma_semaphore, #tpu.memory_space<semaphore_mem>>) src(%arg7 : memref<320x128xf32, #tpu.memory_space<hbm>>) dst(%dma_wait3A_129 : memref<320x128xf32, #tpu.memory_space<vmem_shared>>)
        tpu.yield
      }) : () -> ()
      %add3A_125 = arith.constant 320 : i32
      %add3A_126 = arith.addi %mul3A_2, %add3A_125 : i32
      "tpu.region"() ({
        %run_scoped3A = tpu.sem_alloc : memref<!tpu.dma_semaphore, #tpu.memory_space<semaphore_mem>>
        %dma_start3A_127 = arith.constant 0 : i32
        %dma_start3A_128 = tpu.memref_slice %arg15[%add3A_126, %dma_start3A_127] : memref<10240x128xf32, #tpu.memory_space<vmem_shared>> -> memref<320x128xf32, #tpu.memory_space<vmem_shared>>
        tpu.enqueue_dma source(%arg7 : memref<320x128xf32, #tpu.memory_space<hbm>>) target(%dma_start3A_128 : memref<320x128xf32, #tpu.memory_space<vmem_shared>>) target_semaphore(%run_scoped3A : memref<!tpu.dma_semaphore, #tpu.memory_space<semaphore_mem>>)
        %dma_wait3A = arith.constant 0 : i32
        %dma_wait3A_129 = tpu.memref_slice %arg15[%add3A_126, %dma_wait3A] : memref<10240x128xf32, #tpu.memory_space<vmem_shared>> -> memref<320x128xf32, #tpu.memory_space<vmem_shared>>
        tpu.wait_dma2 semaphore(%run_scoped3A : memref<!tpu.dma_semaphore, #tpu.memory_space<semaphore_mem>>) src(%arg7 : memref<320x128xf32, #tpu.memory_space<hbm>>) dst(%dma_wait3A_129 : memref<320x128xf32, #tpu.memory_space<vmem_shared>>)
        tpu.yield
      }) : () -> ()
    } else {
    }
    %eq3A_22 = arith.constant 1 : i32
    %eq3A_23 = arith.cmpi eq, %arg0, %eq3A_22 : i32
    %eq3A_24 = arith.constant 15 : i32
    %eq3A_25 = arith.cmpi eq, %arg1, %eq3A_24 : i32
    %and3A_26 = arith.andi %eq3A_23, %eq3A_25 : i1
    %convert_element_type3A_27 = arith.extui %and3A_26 : i1 to i32
    %cond3A_28 = arith.constant 0 : i32
    %cond3A_29 = arith.cmpi ne, %convert_element_type3A_27, %cond3A_28 : i32
    scf.if %cond3A_29 {
      "tpu.region"() ({
        %run_scoped3A = tpu.sem_alloc : memref<!tpu.dma_semaphore, #tpu.memory_space<semaphore_mem>>
        %dma_start3A_127 = arith.constant 0 : i32
        %dma_start3A_128 = tpu.memref_slice %arg15[%mul3A_2, %dma_start3A_127] : memref<10240x128xf32, #tpu.memory_space<vmem_shared>> -> memref<320x128xf32, #tpu.memory_space<vmem_shared>>
        tpu.enqueue_dma source(%arg7 : memref<320x128xf32, #tpu.memory_space<hbm>>) target(%dma_start3A_128 : memref<320x128xf32, #tpu.memory_space<vmem_shared>>) target_semaphore(%run_scoped3A : memref<!tpu.dma_semaphore, #tpu.memory_space<semaphore_mem>>)
        %dma_wait3A = arith.constant 0 : i32
        %dma_wait3A_129 = tpu.memref_slice %arg15[%mul3A_2, %dma_wait3A] : memref<10240x128xf32, #tpu.memory_space<vmem_shared>> -> memref<320x128xf32, #tpu.memory_space<vmem_shared>>
        tpu.wait_dma2 semaphore(%run_scoped3A : memref<!tpu.dma_semaphore, #tpu.memory_space<semaphore_mem>>) src(%arg7 : memref<320x128xf32, #tpu.memory_space<hbm>>) dst(%dma_wait3A_129 : memref<320x128xf32, #tpu.memory_space<vmem_shared>>)
        tpu.yield
      }) : () -> ()
      %add3A_125 = arith.constant 320 : i32
      %add3A_126 = arith.addi %mul3A_2, %add3A_125 : i32
      "tpu.region"() ({
        %run_scoped3A = tpu.sem_alloc : memref<!tpu.dma_semaphore, #tpu.memory_space<semaphore_mem>>
        %dma_start3A_127 = arith.constant 0 : i32
        %dma_start3A_128 = tpu.memref_slice %arg15[%add3A_126, %dma_start3A_127] : memref<10240x128xf32, #tpu.memory_space<vmem_shared>> -> memref<80x128xf32, #tpu.memory_space<vmem_shared>>
        %dma_start3A_129 = arith.constant 0 : i32
        %dma_start3A_130 = arith.constant 0 : i32
        %dma_start3A_131 = tpu.memref_slice %arg7[%dma_start3A_129, %dma_start3A_130] : memref<320x128xf32, #tpu.memory_space<hbm>> -> memref<80x128xf32, #tpu.memory_space<hbm>>
        tpu.enqueue_dma source(%dma_start3A_131 : memref<80x128xf32, #tpu.memory_space<hbm>>) target(%dma_start3A_128 : memref<80x128xf32, #tpu.memory_space<vmem_shared>>) target_semaphore(%run_scoped3A : memref<!tpu.dma_semaphore, #tpu.memory_space<semaphore_mem>>)
        %dma_wait3A = arith.constant 0 : i32
        %dma_wait3A_132 = tpu.memref_slice %arg15[%add3A_126, %dma_wait3A] : memref<10240x128xf32, #tpu.memory_space<vmem_shared>> -> memref<80x128xf32, #tpu.memory_space<vmem_shared>>
        %dma_wait3A_133 = arith.constant 0 : i32
        %dma_wait3A_134 = arith.constant 0 : i32
        %dma_wait3A_135 = tpu.memref_slice %arg7[%dma_wait3A_133, %dma_wait3A_134] : memref<320x128xf32, #tpu.memory_space<hbm>> -> memref<80x128xf32, #tpu.memory_space<hbm>>
        tpu.wait_dma2 semaphore(%run_scoped3A : memref<!tpu.dma_semaphore, #tpu.memory_space<semaphore_mem>>) src(%dma_wait3A_135 : memref<80x128xf32, #tpu.memory_space<hbm>>) dst(%dma_wait3A_132 : memref<80x128xf32, #tpu.memory_space<vmem_shared>>)
        tpu.yield
      }) : () -> ()
    } else {
    }
    %add3A_30 = arith.constant 0 : i32
    %add3A_31 = arith.addi %add3A_30, %add3A : i32
    %lt3A_32 = arith.constant 2500 : i32
    %lt3A_33 = arith.cmpi slt, %add3A_31, %lt3A_32 : i32
    %convert_element_type3A_34 = arith.extui %lt3A_33 : i1 to i32
    %cond3A_35 = arith.constant 0 : i32
    %cond3A_36 = arith.cmpi ne, %convert_element_type3A_34, %cond3A_35 : i32
    scf.if %cond3A_36 {
      "tpu.region"() ({
        %run_scoped3A = tpu.sem_alloc : memref<!tpu.dma_semaphore, #tpu.memory_space<semaphore_mem>>
        %dma_start3A_125 = arith.constant 0 : i32
        %dma_start3A_126 = arith.constant 0 : i32
        %dma_start3A_127 = arith.constant 0 : i32
        %dma_start3A_128 = tpu.memref_slice %arg9[%dma_start3A_125, %dma_start3A_126, %dma_start3A_127] : memref<2x1x128xi32, #tpu.memory_space<vmem>> -> memref<1x1x128xi32, #tpu.memory_space<vmem>>
        %dma_start3A_129 = arith.constant 0 : i32
        %dma_start3A_130 = arith.constant 0 : i32
        %dma_start3A_131 = tpu.memref_slice %arg3[%add3A_31, %dma_start3A_129, %dma_start3A_130] : memref<2500x1x128xi32, #tpu.memory_space<hbm>> -> memref<1x1x128xi32, #tpu.memory_space<hbm>>
        %dma_start3A_132 = arith.constant 0 : i32
        %dma_start3A_133 = arith.constant 0 : i32
        %dma_start3A_134 = arith.constant 0 : i32
        %dma_start3A_135 = tpu.memref_slice %arg9[%dma_start3A_132, %dma_start3A_133, %dma_start3A_134] : memref<2x1x128xi32, #tpu.memory_space<vmem>> -> memref<1x1x128xi32, #tpu.memory_space<vmem>>
        %dma_start3A_136 = arith.constant 0 : i32
        %dma_start3A_137 = arith.constant 0 : i32
        %dma_start3A_138 = tpu.memref_slice %arg3[%add3A_31, %dma_start3A_136, %dma_start3A_137] : memref<2500x1x128xi32, #tpu.memory_space<hbm>> -> memref<1x1x128xi32, #tpu.memory_space<hbm>>
        tpu.enqueue_dma source(%dma_start3A_138 : memref<1x1x128xi32, #tpu.memory_space<hbm>>) target(%dma_start3A_135 : memref<1x1x128xi32, #tpu.memory_space<vmem>>) target_semaphore(%run_scoped3A : memref<!tpu.dma_semaphore, #tpu.memory_space<semaphore_mem>>)
        %dma_wait3A = arith.constant 0 : i32
        %dma_wait3A_139 = arith.constant 0 : i32
        %dma_wait3A_140 = arith.constant 0 : i32
        %dma_wait3A_141 = tpu.memref_slice %arg9[%dma_wait3A, %dma_wait3A_139, %dma_wait3A_140] : memref<2x1x128xi32, #tpu.memory_space<vmem>> -> memref<1x1x128xi32, #tpu.memory_space<vmem>>
        %dma_wait3A_142 = arith.constant 0 : i32
        %dma_wait3A_143 = arith.constant 0 : i32
        %dma_wait3A_144 = tpu.memref_slice %arg3[%add3A_31, %dma_wait3A_142, %dma_wait3A_143] : memref<2500x1x128xi32, #tpu.memory_space<hbm>> -> memref<1x1x128xi32, #tpu.memory_space<hbm>>
        %dma_wait3A_145 = arith.constant 0 : i32
        %dma_wait3A_146 = arith.constant 0 : i32
        %dma_wait3A_147 = arith.constant 0 : i32
        %dma_wait3A_148 = tpu.memref_slice %arg9[%dma_wait3A_145, %dma_wait3A_146, %dma_wait3A_147] : memref<2x1x128xi32, #tpu.memory_space<vmem>> -> memref<1x1x128xi32, #tpu.memory_space<vmem>>
        %dma_wait3A_149 = arith.constant 0 : i32
        %dma_wait3A_150 = arith.constant 0 : i32
        %dma_wait3A_151 = tpu.memref_slice %arg3[%add3A_31, %dma_wait3A_149, %dma_wait3A_150] : memref<2500x1x128xi32, #tpu.memory_space<hbm>> -> memref<1x1x128xi32, #tpu.memory_space<hbm>>
        tpu.wait_dma2 semaphore(%run_scoped3A : memref<!tpu.dma_semaphore, #tpu.memory_space<semaphore_mem>>) src(%dma_wait3A_151 : memref<1x1x128xi32, #tpu.memory_space<hbm>>) dst(%dma_wait3A_148 : memref<1x1x128xi32, #tpu.memory_space<vmem>>)
        tpu.yield
      }) : () -> ()
      "tpu.region"() ({
        %run_scoped3A = tpu.sem_alloc : memref<!tpu.dma_semaphore, #tpu.memory_space<semaphore_mem>>
        %dma_start3A_125 = arith.constant 1 : i32
        %dma_start3A_126 = arith.constant 0 : i32
        %dma_start3A_127 = arith.constant 0 : i32
        %dma_start3A_128 = tpu.memref_slice %arg9[%dma_start3A_125, %dma_start3A_126, %dma_start3A_127] : memref<2x1x128xi32, #tpu.memory_space<vmem>> -> memref<1x1x128xi32, #tpu.memory_space<vmem>>
        %dma_start3A_129 = arith.constant 0 : i32
        %dma_start3A_130 = arith.constant 0 : i32
        %dma_start3A_131 = tpu.memref_slice %arg4[%add3A_31, %dma_start3A_129, %dma_start3A_130] : memref<2500x1x128xi32, #tpu.memory_space<hbm>> -> memref<1x1x128xi32, #tpu.memory_space<hbm>>
        %dma_start3A_132 = arith.constant 1 : i32
        %dma_start3A_133 = arith.constant 0 : i32
        %dma_start3A_134 = arith.constant 0 : i32
        %dma_start3A_135 = tpu.memref_slice %arg9[%dma_start3A_132, %dma_start3A_133, %dma_start3A_134] : memref<2x1x128xi32, #tpu.memory_space<vmem>> -> memref<1x1x128xi32, #tpu.memory_space<vmem>>
        %dma_start3A_136 = arith.constant 0 : i32
        %dma_start3A_137 = arith.constant 0 : i32
        %dma_start3A_138 = tpu.memref_slice %arg4[%add3A_31, %dma_start3A_136, %dma_start3A_137] : memref<2500x1x128xi32, #tpu.memory_space<hbm>> -> memref<1x1x128xi32, #tpu.memory_space<hbm>>
        tpu.enqueue_dma source(%dma_start3A_138 : memref<1x1x128xi32, #tpu.memory_space<hbm>>) target(%dma_start3A_135 : memref<1x1x128xi32, #tpu.memory_space<vmem>>) target_semaphore(%run_scoped3A : memref<!tpu.dma_semaphore, #tpu.memory_space<semaphore_mem>>)
        %dma_wait3A = arith.constant 1 : i32
        %dma_wait3A_139 = arith.constant 0 : i32
        %dma_wait3A_140 = arith.constant 0 : i32
        %dma_wait3A_141 = tpu.memref_slice %arg9[%dma_wait3A, %dma_wait3A_139, %dma_wait3A_140] : memref<2x1x128xi32, #tpu.memory_space<vmem>> -> memref<1x1x128xi32, #tpu.memory_space<vmem>>
        %dma_wait3A_142 = arith.constant 0 : i32
        %dma_wait3A_143 = arith.constant 0 : i32
        %dma_wait3A_144 = tpu.memref_slice %arg4[%add3A_31, %dma_wait3A_142, %dma_wait3A_143] : memref<2500x1x128xi32, #tpu.memory_space<hbm>> -> memref<1x1x128xi32, #tpu.memory_space<hbm>>
        %dma_wait3A_145 = arith.constant 1 : i32
        %dma_wait3A_146 = arith.constant 0 : i32
        %dma_wait3A_147 = arith.constant 0 : i32
        %dma_wait3A_148 = tpu.memref_slice %arg9[%dma_wait3A_145, %dma_wait3A_146, %dma_wait3A_147] : memref<2x1x128xi32, #tpu.memory_space<vmem>> -> memref<1x1x128xi32, #tpu.memory_space<vmem>>
        %dma_wait3A_149 = arith.constant 0 : i32
        %dma_wait3A_150 = arith.constant 0 : i32
        %dma_wait3A_151 = tpu.memref_slice %arg4[%add3A_31, %dma_wait3A_149, %dma_wait3A_150] : memref<2500x1x128xi32, #tpu.memory_space<hbm>> -> memref<1x1x128xi32, #tpu.memory_space<hbm>>
        tpu.wait_dma2 semaphore(%run_scoped3A : memref<!tpu.dma_semaphore, #tpu.memory_space<semaphore_mem>>) src(%dma_wait3A_151 : memref<1x1x128xi32, #tpu.memory_space<hbm>>) dst(%dma_wait3A_148 : memref<1x1x128xi32, #tpu.memory_space<vmem>>)
        tpu.yield
      }) : () -> ()
    } else {
    }
    %ge3A = arith.constant 2500 : i32
    %ge3A_37 = arith.cmpi sge, %add3A_31, %ge3A : i32
    %convert_element_type3A_38 = arith.extui %ge3A_37 : i1 to i32
    %cond3A_39 = arith.constant 0 : i32
    %cond3A_40 = arith.cmpi ne, %convert_element_type3A_38, %cond3A_39 : i32
    scf.if %cond3A_40 {
      %sub3A = arith.constant 2500 : i32
      %sub3A_125 = arith.subi %add3A_31, %sub3A : i32
      "tpu.region"() ({
        %run_scoped3A = tpu.sem_alloc : memref<!tpu.dma_semaphore, #tpu.memory_space<semaphore_mem>>
        %dma_start3A_128 = arith.constant 0 : i32
        %dma_start3A_129 = arith.constant 0 : i32
        %dma_start3A_130 = arith.constant 0 : i32
        %dma_start3A_131 = tpu.memref_slice %arg9[%dma_start3A_128, %dma_start3A_129, %dma_start3A_130] : memref<2x1x128xi32, #tpu.memory_space<vmem>> -> memref<1x1x128xi32, #tpu.memory_space<vmem>>
        %dma_start3A_132 = arith.constant 0 : i32
        %dma_start3A_133 = arith.constant 0 : i32
        %dma_start3A_134 = tpu.memref_slice %arg5[%sub3A_125, %dma_start3A_132, %dma_start3A_133] : memref<60x1x128xi32, #tpu.memory_space<hbm>> -> memref<1x1x128xi32, #tpu.memory_space<hbm>>
        %dma_start3A_135 = arith.constant 0 : i32
        %dma_start3A_136 = arith.constant 0 : i32
        %dma_start3A_137 = arith.constant 0 : i32
        %dma_start3A_138 = tpu.memref_slice %arg9[%dma_start3A_135, %dma_start3A_136, %dma_start3A_137] : memref<2x1x128xi32, #tpu.memory_space<vmem>> -> memref<1x1x128xi32, #tpu.memory_space<vmem>>
        %dma_start3A_139 = arith.constant 0 : i32
        %dma_start3A_140 = arith.constant 0 : i32
        %dma_start3A_141 = tpu.memref_slice %arg5[%sub3A_125, %dma_start3A_139, %dma_start3A_140] : memref<60x1x128xi32, #tpu.memory_space<hbm>> -> memref<1x1x128xi32, #tpu.memory_space<hbm>>
        tpu.enqueue_dma source(%dma_start3A_141 : memref<1x1x128xi32, #tpu.memory_space<hbm>>) target(%dma_start3A_138 : memref<1x1x128xi32, #tpu.memory_space<vmem>>) target_semaphore(%run_scoped3A : memref<!tpu.dma_semaphore, #tpu.memory_space<semaphore_mem>>)
        %dma_wait3A = arith.constant 0 : i32
        %dma_wait3A_142 = arith.constant 0 : i32
        %dma_wait3A_143 = arith.constant 0 : i32
        %dma_wait3A_144 = tpu.memref_slice %arg9[%dma_wait3A, %dma_wait3A_142, %dma_wait3A_143] : memref<2x1x128xi32, #tpu.memory_space<vmem>> -> memref<1x1x128xi32, #tpu.memory_space<vmem>>
        %dma_wait3A_145 = arith.constant 0 : i32
        %dma_wait3A_146 = arith.constant 0 : i32
        %dma_wait3A_147 = tpu.memref_slice %arg5[%sub3A_125, %dma_wait3A_145, %dma_wait3A_146] : memref<60x1x128xi32, #tpu.memory_space<hbm>> -> memref<1x1x128xi32, #tpu.memory_space<hbm>>
        %dma_wait3A_148 = arith.constant 0 : i32
        %dma_wait3A_149 = arith.constant 0 : i32
        %dma_wait3A_150 = arith.constant 0 : i32
        %dma_wait3A_151 = tpu.memref_slice %arg9[%dma_wait3A_148, %dma_wait3A_149, %dma_wait3A_150] : memref<2x1x128xi32, #tpu.memory_space<vmem>> -> memref<1x1x128xi32, #tpu.memory_space<vmem>>
        %dma_wait3A_152 = arith.constant 0 : i32
        %dma_wait3A_153 = arith.constant 0 : i32
        %dma_wait3A_154 = tpu.memref_slice %arg5[%sub3A_125, %dma_wait3A_152, %dma_wait3A_153] : memref<60x1x128xi32, #tpu.memory_space<hbm>> -> memref<1x1x128xi32, #tpu.memory_space<hbm>>
        tpu.wait_dma2 semaphore(%run_scoped3A : memref<!tpu.dma_semaphore, #tpu.memory_space<semaphore_mem>>) src(%dma_wait3A_154 : memref<1x1x128xi32, #tpu.memory_space<hbm>>) dst(%dma_wait3A_151 : memref<1x1x128xi32, #tpu.memory_space<vmem>>)
        tpu.yield
      }) : () -> ()
      %sub3A_126 = arith.constant 2500 : i32
      %sub3A_127 = arith.subi %add3A_31, %sub3A_126 : i32
      "tpu.region"() ({
        %run_scoped3A = tpu.sem_alloc : memref<!tpu.dma_semaphore, #tpu.memory_space<semaphore_mem>>
        %dma_start3A_128 = arith.constant 1 : i32
        %dma_start3A_129 = arith.constant 0 : i32
        %dma_start3A_130 = arith.constant 0 : i32
        %dma_start3A_131 = tpu.memref_slice %arg9[%dma_start3A_128, %dma_start3A_129, %dma_start3A_130] : memref<2x1x128xi32, #tpu.memory_space<vmem>> -> memref<1x1x128xi32, #tpu.memory_space<vmem>>
        %dma_start3A_132 = arith.constant 0 : i32
        %dma_start3A_133 = arith.constant 0 : i32
        %dma_start3A_134 = tpu.memref_slice %arg6[%sub3A_127, %dma_start3A_132, %dma_start3A_133] : memref<60x1x128xi32, #tpu.memory_space<hbm>> -> memref<1x1x128xi32, #tpu.memory_space<hbm>>
        %dma_start3A_135 = arith.constant 1 : i32
        %dma_start3A_136 = arith.constant 0 : i32
        %dma_start3A_137 = arith.constant 0 : i32
        %dma_start3A_138 = tpu.memref_slice %arg9[%dma_start3A_135, %dma_start3A_136, %dma_start3A_137] : memref<2x1x128xi32, #tpu.memory_space<vmem>> -> memref<1x1x128xi32, #tpu.memory_space<vmem>>
        %dma_start3A_139 = arith.constant 0 : i32
        %dma_start3A_140 = arith.constant 0 : i32
        %dma_start3A_141 = tpu.memref_slice %arg6[%sub3A_127, %dma_start3A_139, %dma_start3A_140] : memref<60x1x128xi32, #tpu.memory_space<hbm>> -> memref<1x1x128xi32, #tpu.memory_space<hbm>>
        tpu.enqueue_dma source(%dma_start3A_141 : memref<1x1x128xi32, #tpu.memory_space<hbm>>) target(%dma_start3A_138 : memref<1x1x128xi32, #tpu.memory_space<vmem>>) target_semaphore(%run_scoped3A : memref<!tpu.dma_semaphore, #tpu.memory_space<semaphore_mem>>)
        %dma_wait3A = arith.constant 1 : i32
        %dma_wait3A_142 = arith.constant 0 : i32
        %dma_wait3A_143 = arith.constant 0 : i32
        %dma_wait3A_144 = tpu.memref_slice %arg9[%dma_wait3A, %dma_wait3A_142, %dma_wait3A_143] : memref<2x1x128xi32, #tpu.memory_space<vmem>> -> memref<1x1x128xi32, #tpu.memory_space<vmem>>
        %dma_wait3A_145 = arith.constant 0 : i32
        %dma_wait3A_146 = arith.constant 0 : i32
        %dma_wait3A_147 = tpu.memref_slice %arg6[%sub3A_127, %dma_wait3A_145, %dma_wait3A_146] : memref<60x1x128xi32, #tpu.memory_space<hbm>> -> memref<1x1x128xi32, #tpu.memory_space<hbm>>
        %dma_wait3A_148 = arith.constant 1 : i32
        %dma_wait3A_149 = arith.constant 0 : i32
        %dma_wait3A_150 = arith.constant 0 : i32
        %dma_wait3A_151 = tpu.memref_slice %arg9[%dma_wait3A_148, %dma_wait3A_149, %dma_wait3A_150] : memref<2x1x128xi32, #tpu.memory_space<vmem>> -> memref<1x1x128xi32, #tpu.memory_space<vmem>>
        %dma_wait3A_152 = arith.constant 0 : i32
        %dma_wait3A_153 = arith.constant 0 : i32
        %dma_wait3A_154 = tpu.memref_slice %arg6[%sub3A_127, %dma_wait3A_152, %dma_wait3A_153] : memref<60x1x128xi32, #tpu.memory_space<hbm>> -> memref<1x1x128xi32, #tpu.memory_space<hbm>>
        tpu.wait_dma2 semaphore(%run_scoped3A : memref<!tpu.dma_semaphore, #tpu.memory_space<semaphore_mem>>) src(%dma_wait3A_154 : memref<1x1x128xi32, #tpu.memory_space<hbm>>) dst(%dma_wait3A_151 : memref<1x1x128xi32, #tpu.memory_space<vmem>>)
        tpu.yield
      }) : () -> ()
    } else {
    }
    %add3A_41 = arith.constant 32 : i32
    %add3A_42 = arith.addi %add3A_41, %add3A : i32
    %lt3A_43 = arith.constant 2500 : i32
    %lt3A_44 = arith.cmpi slt, %add3A_42, %lt3A_43 : i32
    %convert_element_type3A_45 = arith.extui %lt3A_44 : i1 to i32
    %cond3A_46 = arith.constant 0 : i32
    %cond3A_47 = arith.cmpi ne, %convert_element_type3A_45, %cond3A_46 : i32
    scf.if %cond3A_47 {
      "tpu.region"() ({
        %run_scoped3A = tpu.sem_alloc : memref<!tpu.dma_semaphore, #tpu.memory_space<semaphore_mem>>
        %dma_start3A_125 = arith.constant 0 : i32
        %dma_start3A_126 = arith.constant 0 : i32
        %dma_start3A_127 = arith.constant 0 : i32
        %dma_start3A_128 = tpu.memref_slice %arg10[%dma_start3A_125, %dma_start3A_126, %dma_start3A_127] : memref<2x1x128xi32, #tpu.memory_space<vmem>> -> memref<1x1x128xi32, #tpu.memory_space<vmem>>
        %dma_start3A_129 = arith.constant 0 : i32
        %dma_start3A_130 = arith.constant 0 : i32
        %dma_start3A_131 = tpu.memref_slice %arg3[%add3A_42, %dma_start3A_129, %dma_start3A_130] : memref<2500x1x128xi32, #tpu.memory_space<hbm>> -> memref<1x1x128xi32, #tpu.memory_space<hbm>>
        %dma_start3A_132 = arith.constant 0 : i32
        %dma_start3A_133 = arith.constant 0 : i32
        %dma_start3A_134 = arith.constant 0 : i32
        %dma_start3A_135 = tpu.memref_slice %arg10[%dma_start3A_132, %dma_start3A_133, %dma_start3A_134] : memref<2x1x128xi32, #tpu.memory_space<vmem>> -> memref<1x1x128xi32, #tpu.memory_space<vmem>>
        %dma_start3A_136 = arith.constant 0 : i32
        %dma_start3A_137 = arith.constant 0 : i32
        %dma_start3A_138 = tpu.memref_slice %arg3[%add3A_42, %dma_start3A_136, %dma_start3A_137] : memref<2500x1x128xi32, #tpu.memory_space<hbm>> -> memref<1x1x128xi32, #tpu.memory_space<hbm>>
        tpu.enqueue_dma source(%dma_start3A_138 : memref<1x1x128xi32, #tpu.memory_space<hbm>>) target(%dma_start3A_135 : memref<1x1x128xi32, #tpu.memory_space<vmem>>) target_semaphore(%run_scoped3A : memref<!tpu.dma_semaphore, #tpu.memory_space<semaphore_mem>>)
        %dma_wait3A = arith.constant 0 : i32
        %dma_wait3A_139 = arith.constant 0 : i32
        %dma_wait3A_140 = arith.constant 0 : i32
        %dma_wait3A_141 = tpu.memref_slice %arg10[%dma_wait3A, %dma_wait3A_139, %dma_wait3A_140] : memref<2x1x128xi32, #tpu.memory_space<vmem>> -> memref<1x1x128xi32, #tpu.memory_space<vmem>>
        %dma_wait3A_142 = arith.constant 0 : i32
        %dma_wait3A_143 = arith.constant 0 : i32
        %dma_wait3A_144 = tpu.memref_slice %arg3[%add3A_42, %dma_wait3A_142, %dma_wait3A_143] : memref<2500x1x128xi32, #tpu.memory_space<hbm>> -> memref<1x1x128xi32, #tpu.memory_space<hbm>>
        %dma_wait3A_145 = arith.constant 0 : i32
        %dma_wait3A_146 = arith.constant 0 : i32
        %dma_wait3A_147 = arith.constant 0 : i32
        %dma_wait3A_148 = tpu.memref_slice %arg10[%dma_wait3A_145, %dma_wait3A_146, %dma_wait3A_147] : memref<2x1x128xi32, #tpu.memory_space<vmem>> -> memref<1x1x128xi32, #tpu.memory_space<vmem>>
        %dma_wait3A_149 = arith.constant 0 : i32
        %dma_wait3A_150 = arith.constant 0 : i32
        %dma_wait3A_151 = tpu.memref_slice %arg3[%add3A_42, %dma_wait3A_149, %dma_wait3A_150] : memref<2500x1x128xi32, #tpu.memory_space<hbm>> -> memref<1x1x128xi32, #tpu.memory_space<hbm>>
        tpu.wait_dma2 semaphore(%run_scoped3A : memref<!tpu.dma_semaphore, #tpu.memory_space<semaphore_mem>>) src(%dma_wait3A_151 : memref<1x1x128xi32, #tpu.memory_space<hbm>>) dst(%dma_wait3A_148 : memref<1x1x128xi32, #tpu.memory_space<vmem>>)
        tpu.yield
      }) : () -> ()
      "tpu.region"() ({
        %run_scoped3A = tpu.sem_alloc : memref<!tpu.dma_semaphore, #tpu.memory_space<semaphore_mem>>
        %dma_start3A_125 = arith.constant 1 : i32
        %dma_start3A_126 = arith.constant 0 : i32
        %dma_start3A_127 = arith.constant 0 : i32
        %dma_start3A_128 = tpu.memref_slice %arg10[%dma_start3A_125, %dma_start3A_126, %dma_start3A_127] : memref<2x1x128xi32, #tpu.memory_space<vmem>> -> memref<1x1x128xi32, #tpu.memory_space<vmem>>
        %dma_start3A_129 = arith.constant 0 : i32
        %dma_start3A_130 = arith.constant 0 : i32
        %dma_start3A_131 = tpu.memref_slice %arg4[%add3A_42, %dma_start3A_129, %dma_start3A_130] : memref<2500x1x128xi32, #tpu.memory_space<hbm>> -> memref<1x1x128xi32, #tpu.memory_space<hbm>>
        %dma_start3A_132 = arith.constant 1 : i32
        %dma_start3A_133 = arith.constant 0 : i32
        %dma_start3A_134 = arith.constant 0 : i32
        %dma_start3A_135 = tpu.memref_slice %arg10[%dma_start3A_132, %dma_start3A_133, %dma_start3A_134] : memref<2x1x128xi32, #tpu.memory_space<vmem>> -> memref<1x1x128xi32, #tpu.memory_space<vmem>>
        %dma_start3A_136 = arith.constant 0 : i32
        %dma_start3A_137 = arith.constant 0 : i32
        %dma_start3A_138 = tpu.memref_slice %arg4[%add3A_42, %dma_start3A_136, %dma_start3A_137] : memref<2500x1x128xi32, #tpu.memory_space<hbm>> -> memref<1x1x128xi32, #tpu.memory_space<hbm>>
        tpu.enqueue_dma source(%dma_start3A_138 : memref<1x1x128xi32, #tpu.memory_space<hbm>>) target(%dma_start3A_135 : memref<1x1x128xi32, #tpu.memory_space<vmem>>) target_semaphore(%run_scoped3A : memref<!tpu.dma_semaphore, #tpu.memory_space<semaphore_mem>>)
        %dma_wait3A = arith.constant 1 : i32
        %dma_wait3A_139 = arith.constant 0 : i32
        %dma_wait3A_140 = arith.constant 0 : i32
        %dma_wait3A_141 = tpu.memref_slice %arg10[%dma_wait3A, %dma_wait3A_139, %dma_wait3A_140] : memref<2x1x128xi32, #tpu.memory_space<vmem>> -> memref<1x1x128xi32, #tpu.memory_space<vmem>>
        %dma_wait3A_142 = arith.constant 0 : i32
        %dma_wait3A_143 = arith.constant 0 : i32
        %dma_wait3A_144 = tpu.memref_slice %arg4[%add3A_42, %dma_wait3A_142, %dma_wait3A_143] : memref<2500x1x128xi32, #tpu.memory_space<hbm>> -> memref<1x1x128xi32, #tpu.memory_space<hbm>>
        %dma_wait3A_145 = arith.constant 1 : i32
        %dma_wait3A_146 = arith.constant 0 : i32
        %dma_wait3A_147 = arith.constant 0 : i32
        %dma_wait3A_148 = tpu.memref_slice %arg10[%dma_wait3A_145, %dma_wait3A_146, %dma_wait3A_147] : memref<2x1x128xi32, #tpu.memory_space<vmem>> -> memref<1x1x128xi32, #tpu.memory_space<vmem>>
        %dma_wait3A_149 = arith.constant 0 : i32
        %dma_wait3A_150 = arith.constant 0 : i32
        %dma_wait3A_151 = tpu.memref_slice %arg4[%add3A_42, %dma_wait3A_149, %dma_wait3A_150] : memref<2500x1x128xi32, #tpu.memory_space<hbm>> -> memref<1x1x128xi32, #tpu.memory_space<hbm>>
        tpu.wait_dma2 semaphore(%run_scoped3A : memref<!tpu.dma_semaphore, #tpu.memory_space<semaphore_mem>>) src(%dma_wait3A_151 : memref<1x1x128xi32, #tpu.memory_space<hbm>>) dst(%dma_wait3A_148 : memref<1x1x128xi32, #tpu.memory_space<vmem>>)
        tpu.yield
      }) : () -> ()
    } else {
    }
    %ge3A_48 = arith.constant 2500 : i32
    %ge3A_49 = arith.cmpi sge, %add3A_42, %ge3A_48 : i32
    %convert_element_type3A_50 = arith.extui %ge3A_49 : i1 to i32
    %cond3A_51 = arith.constant 0 : i32
    %cond3A_52 = arith.cmpi ne, %convert_element_type3A_50, %cond3A_51 : i32
    scf.if %cond3A_52 {
      %sub3A = arith.constant 2500 : i32
      %sub3A_125 = arith.subi %add3A_42, %sub3A : i32
      "tpu.region"() ({
        %run_scoped3A = tpu.sem_alloc : memref<!tpu.dma_semaphore, #tpu.memory_space<semaphore_mem>>
        %dma_start3A_128 = arith.constant 0 : i32
        %dma_start3A_129 = arith.constant 0 : i32
        %dma_start3A_130 = arith.constant 0 : i32
        %dma_start3A_131 = tpu.memref_slice %arg10[%dma_start3A_128, %dma_start3A_129, %dma_start3A_130] : memref<2x1x128xi32, #tpu.memory_space<vmem>> -> memref<1x1x128xi32, #tpu.memory_space<vmem>>
        %dma_start3A_132 = arith.constant 0 : i32
        %dma_start3A_133 = arith.constant 0 : i32
        %dma_start3A_134 = tpu.memref_slice %arg5[%sub3A_125, %dma_start3A_132, %dma_start3A_133] : memref<60x1x128xi32, #tpu.memory_space<hbm>> -> memref<1x1x128xi32, #tpu.memory_space<hbm>>
        %dma_start3A_135 = arith.constant 0 : i32
        %dma_start3A_136 = arith.constant 0 : i32
        %dma_start3A_137 = arith.constant 0 : i32
        %dma_start3A_138 = tpu.memref_slice %arg10[%dma_start3A_135, %dma_start3A_136, %dma_start3A_137] : memref<2x1x128xi32, #tpu.memory_space<vmem>> -> memref<1x1x128xi32, #tpu.memory_space<vmem>>
        %dma_start3A_139 = arith.constant 0 : i32
        %dma_start3A_140 = arith.constant 0 : i32
        %dma_start3A_141 = tpu.memref_slice %arg5[%sub3A_125, %dma_start3A_139, %dma_start3A_140] : memref<60x1x128xi32, #tpu.memory_space<hbm>> -> memref<1x1x128xi32, #tpu.memory_space<hbm>>
        tpu.enqueue_dma source(%dma_start3A_141 : memref<1x1x128xi32, #tpu.memory_space<hbm>>) target(%dma_start3A_138 : memref<1x1x128xi32, #tpu.memory_space<vmem>>) target_semaphore(%run_scoped3A : memref<!tpu.dma_semaphore, #tpu.memory_space<semaphore_mem>>)
        %dma_wait3A = arith.constant 0 : i32
        %dma_wait3A_142 = arith.constant 0 : i32
        %dma_wait3A_143 = arith.constant 0 : i32
        %dma_wait3A_144 = tpu.memref_slice %arg10[%dma_wait3A, %dma_wait3A_142, %dma_wait3A_143] : memref<2x1x128xi32, #tpu.memory_space<vmem>> -> memref<1x1x128xi32, #tpu.memory_space<vmem>>
        %dma_wait3A_145 = arith.constant 0 : i32
        %dma_wait3A_146 = arith.constant 0 : i32
        %dma_wait3A_147 = tpu.memref_slice %arg5[%sub3A_125, %dma_wait3A_145, %dma_wait3A_146] : memref<60x1x128xi32, #tpu.memory_space<hbm>> -> memref<1x1x128xi32, #tpu.memory_space<hbm>>
        %dma_wait3A_148 = arith.constant 0 : i32
        %dma_wait3A_149 = arith.constant 0 : i32
        %dma_wait3A_150 = arith.constant 0 : i32
        %dma_wait3A_151 = tpu.memref_slice %arg10[%dma_wait3A_148, %dma_wait3A_149, %dma_wait3A_150] : memref<2x1x128xi32, #tpu.memory_space<vmem>> -> memref<1x1x128xi32, #tpu.memory_space<vmem>>
        %dma_wait3A_152 = arith.constant 0 : i32
        %dma_wait3A_153 = arith.constant 0 : i32
        %dma_wait3A_154 = tpu.memref_slice %arg5[%sub3A_125, %dma_wait3A_152, %dma_wait3A_153] : memref<60x1x128xi32, #tpu.memory_space<hbm>> -> memref<1x1x128xi32, #tpu.memory_space<hbm>>
        tpu.wait_dma2 semaphore(%run_scoped3A : memref<!tpu.dma_semaphore, #tpu.memory_space<semaphore_mem>>) src(%dma_wait3A_154 : memref<1x1x128xi32, #tpu.memory_space<hbm>>) dst(%dma_wait3A_151 : memref<1x1x128xi32, #tpu.memory_space<vmem>>)
        tpu.yield
      }) : () -> ()
      %sub3A_126 = arith.constant 2500 : i32
      %sub3A_127 = arith.subi %add3A_42, %sub3A_126 : i32
      "tpu.region"() ({
        %run_scoped3A = tpu.sem_alloc : memref<!tpu.dma_semaphore, #tpu.memory_space<semaphore_mem>>
        %dma_start3A_128 = arith.constant 1 : i32
        %dma_start3A_129 = arith.constant 0 : i32
        %dma_start3A_130 = arith.constant 0 : i32
        %dma_start3A_131 = tpu.memref_slice %arg10[%dma_start3A_128, %dma_start3A_129, %dma_start3A_130] : memref<2x1x128xi32, #tpu.memory_space<vmem>> -> memref<1x1x128xi32, #tpu.memory_space<vmem>>
        %dma_start3A_132 = arith.constant 0 : i32
        %dma_start3A_133 = arith.constant 0 : i32
        %dma_start3A_134 = tpu.memref_slice %arg6[%sub3A_127, %dma_start3A_132, %dma_start3A_133] : memref<60x1x128xi32, #tpu.memory_space<hbm>> -> memref<1x1x128xi32, #tpu.memory_space<hbm>>
        %dma_start3A_135 = arith.constant 1 : i32
        %dma_start3A_136 = arith.constant 0 : i32
        %dma_start3A_137 = arith.constant 0 : i32
        %dma_start3A_138 = tpu.memref_slice %arg10[%dma_start3A_135, %dma_start3A_136, %dma_start3A_137] : memref<2x1x128xi32, #tpu.memory_space<vmem>> -> memref<1x1x128xi32, #tpu.memory_space<vmem>>
        %dma_start3A_139 = arith.constant 0 : i32
        %dma_start3A_140 = arith.constant 0 : i32
        %dma_start3A_141 = tpu.memref_slice %arg6[%sub3A_127, %dma_start3A_139, %dma_start3A_140] : memref<60x1x128xi32, #tpu.memory_space<hbm>> -> memref<1x1x128xi32, #tpu.memory_space<hbm>>
        tpu.enqueue_dma source(%dma_start3A_141 : memref<1x1x128xi32, #tpu.memory_space<hbm>>) target(%dma_start3A_138 : memref<1x1x128xi32, #tpu.memory_space<vmem>>) target_semaphore(%run_scoped3A : memref<!tpu.dma_semaphore, #tpu.memory_space<semaphore_mem>>)
        %dma_wait3A = arith.constant 1 : i32
        %dma_wait3A_142 = arith.constant 0 : i32
        %dma_wait3A_143 = arith.constant 0 : i32
        %dma_wait3A_144 = tpu.memref_slice %arg10[%dma_wait3A, %dma_wait3A_142, %dma_wait3A_143] : memref<2x1x128xi32, #tpu.memory_space<vmem>> -> memref<1x1x128xi32, #tpu.memory_space<vmem>>
        %dma_wait3A_145 = arith.constant 0 : i32
        %dma_wait3A_146 = arith.constant 0 : i32
        %dma_wait3A_147 = tpu.memref_slice %arg6[%sub3A_127, %dma_wait3A_145, %dma_wait3A_146] : memref<60x1x128xi32, #tpu.memory_space<hbm>> -> memref<1x1x128xi32, #tpu.memory_space<hbm>>
        %dma_wait3A_148 = arith.constant 1 : i32
        %dma_wait3A_149 = arith.constant 0 : i32
        %dma_wait3A_150 = arith.constant 0 : i32
        %dma_wait3A_151 = tpu.memref_slice %arg10[%dma_wait3A_148, %dma_wait3A_149, %dma_wait3A_150] : memref<2x1x128xi32, #tpu.memory_space<vmem>> -> memref<1x1x128xi32, #tpu.memory_space<vmem>>
        %dma_wait3A_152 = arith.constant 0 : i32
        %dma_wait3A_153 = arith.constant 0 : i32
        %dma_wait3A_154 = tpu.memref_slice %arg6[%sub3A_127, %dma_wait3A_152, %dma_wait3A_153] : memref<60x1x128xi32, #tpu.memory_space<hbm>> -> memref<1x1x128xi32, #tpu.memory_space<hbm>>
        tpu.wait_dma2 semaphore(%run_scoped3A : memref<!tpu.dma_semaphore, #tpu.memory_space<semaphore_mem>>) src(%dma_wait3A_154 : memref<1x1x128xi32, #tpu.memory_space<hbm>>) dst(%dma_wait3A_151 : memref<1x1x128xi32, #tpu.memory_space<vmem>>)
        tpu.yield
      }) : () -> ()
    } else {
    }
    %add3A_53 = arith.constant 64 : i32
    %add3A_54 = arith.addi %add3A_53, %add3A : i32
    %lt3A_55 = arith.constant 2500 : i32
    %lt3A_56 = arith.cmpi slt, %add3A_54, %lt3A_55 : i32
    %convert_element_type3A_57 = arith.extui %lt3A_56 : i1 to i32
    %cond3A_58 = arith.constant 0 : i32
    %cond3A_59 = arith.cmpi ne, %convert_element_type3A_57, %cond3A_58 : i32
    scf.if %cond3A_59 {
      %dma_start3A_125 = arith.constant 0 : i32
      %dma_start3A_126 = arith.constant 0 : i32
      %dma_start3A_127 = arith.constant 0 : i32
      %dma_start3A_128 = tpu.memref_slice %arg11[%dma_start3A_125, %dma_start3A_126, %dma_start3A_127] : memref<2x1x128xi32, #tpu.memory_space<vmem>> -> memref<1x1x128xi32, #tpu.memory_space<vmem>>
      %dma_start3A_129 = arith.constant 0 : i32
      %dma_start3A_130 = arith.constant 0 : i32
      %dma_start3A_131 = tpu.memref_slice %arg3[%add3A_54, %dma_start3A_129, %dma_start3A_130] : memref<2500x1x128xi32, #tpu.memory_space<hbm>> -> memref<1x1x128xi32, #tpu.memory_space<hbm>>
      %dma_start3A_132 = arith.constant 0 : i32
      %dma_start3A_133 = arith.constant 0 : i32
      %dma_start3A_134 = arith.constant 0 : i32
      %dma_start3A_135 = tpu.memref_slice %arg11[%dma_start3A_132, %dma_start3A_133, %dma_start3A_134] : memref<2x1x128xi32, #tpu.memory_space<vmem>> -> memref<1x1x128xi32, #tpu.memory_space<vmem>>
      %dma_start3A_136 = arith.constant 0 : i32
      %dma_start3A_137 = arith.constant 0 : i32
      %dma_start3A_138 = tpu.memref_slice %arg3[%add3A_54, %dma_start3A_136, %dma_start3A_137] : memref<2500x1x128xi32, #tpu.memory_space<hbm>> -> memref<1x1x128xi32, #tpu.memory_space<hbm>>
      tpu.enqueue_dma source(%dma_start3A_138 : memref<1x1x128xi32, #tpu.memory_space<hbm>>) target(%dma_start3A_135 : memref<1x1x128xi32, #tpu.memory_space<vmem>>) target_semaphore(%arg18 : memref<!tpu.dma_semaphore, #tpu.memory_space<semaphore_mem>>)
      %dma_start3A_139 = arith.constant 1 : i32
      %dma_start3A_140 = arith.constant 0 : i32
      %dma_start3A_141 = arith.constant 0 : i32
      %dma_start3A_142 = tpu.memref_slice %arg11[%dma_start3A_139, %dma_start3A_140, %dma_start3A_141] : memref<2x1x128xi32, #tpu.memory_space<vmem>> -> memref<1x1x128xi32, #tpu.memory_space<vmem>>
      %dma_start3A_143 = arith.constant 0 : i32
      %dma_start3A_144 = arith.constant 0 : i32
      %dma_start3A_145 = tpu.memref_slice %arg4[%add3A_54, %dma_start3A_143, %dma_start3A_144] : memref<2500x1x128xi32, #tpu.memory_space<hbm>> -> memref<1x1x128xi32, #tpu.memory_space<hbm>>
      %dma_start3A_146 = arith.constant 1 : i32
      %dma_start3A_147 = arith.constant 0 : i32
      %dma_start3A_148 = arith.constant 0 : i32
      %dma_start3A_149 = tpu.memref_slice %arg11[%dma_start3A_146, %dma_start3A_147, %dma_start3A_148] : memref<2x1x128xi32, #tpu.memory_space<vmem>> -> memref<1x1x128xi32, #tpu.memory_space<vmem>>
      %dma_start3A_150 = arith.constant 0 : i32
      %dma_start3A_151 = arith.constant 0 : i32
      %dma_start3A_152 = tpu.memref_slice %arg4[%add3A_54, %dma_start3A_150, %dma_start3A_151] : memref<2500x1x128xi32, #tpu.memory_space<hbm>> -> memref<1x1x128xi32, #tpu.memory_space<hbm>>
      tpu.enqueue_dma source(%dma_start3A_152 : memref<1x1x128xi32, #tpu.memory_space<hbm>>) target(%dma_start3A_149 : memref<1x1x128xi32, #tpu.memory_space<vmem>>) target_semaphore(%arg18 : memref<!tpu.dma_semaphore, #tpu.memory_space<semaphore_mem>>)
    } else {
    }
    %ge3A_60 = arith.constant 2500 : i32
    %ge3A_61 = arith.cmpi sge, %add3A_54, %ge3A_60 : i32
    %convert_element_type3A_62 = arith.extui %ge3A_61 : i1 to i32
    %cond3A_63 = arith.constant 0 : i32
    %cond3A_64 = arith.cmpi ne, %convert_element_type3A_62, %cond3A_63 : i32
    scf.if %cond3A_64 {
      %sub3A = arith.constant 2500 : i32
      %sub3A_125 = arith.subi %add3A_54, %sub3A : i32
      %dma_start3A_126 = arith.constant 0 : i32
      %dma_start3A_127 = arith.constant 0 : i32
      %dma_start3A_128 = arith.constant 0 : i32
      %dma_start3A_129 = tpu.memref_slice %arg11[%dma_start3A_126, %dma_start3A_127, %dma_start3A_128] : memref<2x1x128xi32, #tpu.memory_space<vmem>> -> memref<1x1x128xi32, #tpu.memory_space<vmem>>
      %dma_start3A_130 = arith.constant 0 : i32
      %dma_start3A_131 = arith.constant 0 : i32
      %dma_start3A_132 = tpu.memref_slice %arg5[%sub3A_125, %dma_start3A_130, %dma_start3A_131] : memref<60x1x128xi32, #tpu.memory_space<hbm>> -> memref<1x1x128xi32, #tpu.memory_space<hbm>>
      %dma_start3A_133 = arith.constant 0 : i32
      %dma_start3A_134 = arith.constant 0 : i32
      %dma_start3A_135 = arith.constant 0 : i32
      %dma_start3A_136 = tpu.memref_slice %arg11[%dma_start3A_133, %dma_start3A_134, %dma_start3A_135] : memref<2x1x128xi32, #tpu.memory_space<vmem>> -> memref<1x1x128xi32, #tpu.memory_space<vmem>>
      %dma_start3A_137 = arith.constant 0 : i32
      %dma_start3A_138 = arith.constant 0 : i32
      %dma_start3A_139 = tpu.memref_slice %arg5[%sub3A_125, %dma_start3A_137, %dma_start3A_138] : memref<60x1x128xi32, #tpu.memory_space<hbm>> -> memref<1x1x128xi32, #tpu.memory_space<hbm>>
      tpu.enqueue_dma source(%dma_start3A_139 : memref<1x1x128xi32, #tpu.memory_space<hbm>>) target(%dma_start3A_136 : memref<1x1x128xi32, #tpu.memory_space<vmem>>) target_semaphore(%arg18 : memref<!tpu.dma_semaphore, #tpu.memory_space<semaphore_mem>>)
      %sub3A_140 = arith.constant 2500 : i32
      %sub3A_141 = arith.subi %add3A_54, %sub3A_140 : i32
      %dma_start3A_142 = arith.constant 1 : i32
      %dma_start3A_143 = arith.constant 0 : i32
      %dma_start3A_144 = arith.constant 0 : i32
      %dma_start3A_145 = tpu.memref_slice %arg11[%dma_start3A_142, %dma_start3A_143, %dma_start3A_144] : memref<2x1x128xi32, #tpu.memory_space<vmem>> -> memref<1x1x128xi32, #tpu.memory_space<vmem>>
      %dma_start3A_146 = arith.constant 0 : i32
      %dma_start3A_147 = arith.constant 0 : i32
      %dma_start3A_148 = tpu.memref_slice %arg6[%sub3A_141, %dma_start3A_146, %dma_start3A_147] : memref<60x1x128xi32, #tpu.memory_space<hbm>> -> memref<1x1x128xi32, #tpu.memory_space<hbm>>
      %dma_start3A_149 = arith.constant 1 : i32
      %dma_start3A_150 = arith.constant 0 : i32
      %dma_start3A_151 = arith.constant 0 : i32
      %dma_start3A_152 = tpu.memref_slice %arg11[%dma_start3A_149, %dma_start3A_150, %dma_start3A_151] : memref<2x1x128xi32, #tpu.memory_space<vmem>> -> memref<1x1x128xi32, #tpu.memory_space<vmem>>
      %dma_start3A_153 = arith.constant 0 : i32
      %dma_start3A_154 = arith.constant 0 : i32
      %dma_start3A_155 = tpu.memref_slice %arg6[%sub3A_141, %dma_start3A_153, %dma_start3A_154] : memref<60x1x128xi32, #tpu.memory_space<hbm>> -> memref<1x1x128xi32, #tpu.memory_space<hbm>>
      tpu.enqueue_dma source(%dma_start3A_155 : memref<1x1x128xi32, #tpu.memory_space<hbm>>) target(%dma_start3A_152 : memref<1x1x128xi32, #tpu.memory_space<vmem>>) target_semaphore(%arg18 : memref<!tpu.dma_semaphore, #tpu.memory_space<semaphore_mem>>)
    } else {
    }
    %add3A_65 = arith.constant 96 : i32
    %add3A_66 = arith.addi %add3A_65, %add3A : i32
    %lt3A_67 = arith.constant 2500 : i32
    %lt3A_68 = arith.cmpi slt, %add3A_66, %lt3A_67 : i32
    %convert_element_type3A_69 = arith.extui %lt3A_68 : i1 to i32
    %cond3A_70 = arith.constant 0 : i32
    %cond3A_71 = arith.cmpi ne, %convert_element_type3A_69, %cond3A_70 : i32
    scf.if %cond3A_71 {
      %dma_start3A_125 = arith.constant 0 : i32
      %dma_start3A_126 = arith.constant 0 : i32
      %dma_start3A_127 = arith.constant 0 : i32
      %dma_start3A_128 = tpu.memref_slice %arg12[%dma_start3A_125, %dma_start3A_126, %dma_start3A_127] : memref<2x1x128xi32, #tpu.memory_space<vmem>> -> memref<1x1x128xi32, #tpu.memory_space<vmem>>
      %dma_start3A_129 = arith.constant 0 : i32
      %dma_start3A_130 = arith.constant 0 : i32
      %dma_start3A_131 = tpu.memref_slice %arg3[%add3A_66, %dma_start3A_129, %dma_start3A_130] : memref<2500x1x128xi32, #tpu.memory_space<hbm>> -> memref<1x1x128xi32, #tpu.memory_space<hbm>>
      %dma_start3A_132 = arith.constant 0 : i32
      %dma_start3A_133 = arith.constant 0 : i32
      %dma_start3A_134 = arith.constant 0 : i32
      %dma_start3A_135 = tpu.memref_slice %arg12[%dma_start3A_132, %dma_start3A_133, %dma_start3A_134] : memref<2x1x128xi32, #tpu.memory_space<vmem>> -> memref<1x1x128xi32, #tpu.memory_space<vmem>>
      %dma_start3A_136 = arith.constant 0 : i32
      %dma_start3A_137 = arith.constant 0 : i32
      %dma_start3A_138 = tpu.memref_slice %arg3[%add3A_66, %dma_start3A_136, %dma_start3A_137] : memref<2500x1x128xi32, #tpu.memory_space<hbm>> -> memref<1x1x128xi32, #tpu.memory_space<hbm>>
      tpu.enqueue_dma source(%dma_start3A_138 : memref<1x1x128xi32, #tpu.memory_space<hbm>>) target(%dma_start3A_135 : memref<1x1x128xi32, #tpu.memory_space<vmem>>) target_semaphore(%arg19 : memref<!tpu.dma_semaphore, #tpu.memory_space<semaphore_mem>>)
      %dma_start3A_139 = arith.constant 1 : i32
      %dma_start3A_140 = arith.constant 0 : i32
      %dma_start3A_141 = arith.constant 0 : i32
      %dma_start3A_142 = tpu.memref_slice %arg12[%dma_start3A_139, %dma_start3A_140, %dma_start3A_141] : memref<2x1x128xi32, #tpu.memory_space<vmem>> -> memref<1x1x128xi32, #tpu.memory_space<vmem>>
      %dma_start3A_143 = arith.constant 0 : i32
      %dma_start3A_144 = arith.constant 0 : i32
      %dma_start3A_145 = tpu.memref_slice %arg4[%add3A_66, %dma_start3A_143, %dma_start3A_144] : memref<2500x1x128xi32, #tpu.memory_space<hbm>> -> memref<1x1x128xi32, #tpu.memory_space<hbm>>
      %dma_start3A_146 = arith.constant 1 : i32
      %dma_start3A_147 = arith.constant 0 : i32
      %dma_start3A_148 = arith.constant 0 : i32
      %dma_start3A_149 = tpu.memref_slice %arg12[%dma_start3A_146, %dma_start3A_147, %dma_start3A_148] : memref<2x1x128xi32, #tpu.memory_space<vmem>> -> memref<1x1x128xi32, #tpu.memory_space<vmem>>
      %dma_start3A_150 = arith.constant 0 : i32
      %dma_start3A_151 = arith.constant 0 : i32
      %dma_start3A_152 = tpu.memref_slice %arg4[%add3A_66, %dma_start3A_150, %dma_start3A_151] : memref<2500x1x128xi32, #tpu.memory_space<hbm>> -> memref<1x1x128xi32, #tpu.memory_space<hbm>>
      tpu.enqueue_dma source(%dma_start3A_152 : memref<1x1x128xi32, #tpu.memory_space<hbm>>) target(%dma_start3A_149 : memref<1x1x128xi32, #tpu.memory_space<vmem>>) target_semaphore(%arg19 : memref<!tpu.dma_semaphore, #tpu.memory_space<semaphore_mem>>)
    } else {
    }
    %ge3A_72 = arith.constant 2500 : i32
    %ge3A_73 = arith.cmpi sge, %add3A_66, %ge3A_72 : i32
    %convert_element_type3A_74 = arith.extui %ge3A_73 : i1 to i32
    %cond3A_75 = arith.constant 0 : i32
    %cond3A_76 = arith.cmpi ne, %convert_element_type3A_74, %cond3A_75 : i32
    scf.if %cond3A_76 {
      %sub3A = arith.constant 2500 : i32
      %sub3A_125 = arith.subi %add3A_66, %sub3A : i32
      %dma_start3A_126 = arith.constant 0 : i32
      %dma_start3A_127 = arith.constant 0 : i32
      %dma_start3A_128 = arith.constant 0 : i32
      %dma_start3A_129 = tpu.memref_slice %arg12[%dma_start3A_126, %dma_start3A_127, %dma_start3A_128] : memref<2x1x128xi32, #tpu.memory_space<vmem>> -> memref<1x1x128xi32, #tpu.memory_space<vmem>>
      %dma_start3A_130 = arith.constant 0 : i32
      %dma_start3A_131 = arith.constant 0 : i32
      %dma_start3A_132 = tpu.memref_slice %arg5[%sub3A_125, %dma_start3A_130, %dma_start3A_131] : memref<60x1x128xi32, #tpu.memory_space<hbm>> -> memref<1x1x128xi32, #tpu.memory_space<hbm>>
      %dma_start3A_133 = arith.constant 0 : i32
      %dma_start3A_134 = arith.constant 0 : i32
      %dma_start3A_135 = arith.constant 0 : i32
      %dma_start3A_136 = tpu.memref_slice %arg12[%dma_start3A_133, %dma_start3A_134, %dma_start3A_135] : memref<2x1x128xi32, #tpu.memory_space<vmem>> -> memref<1x1x128xi32, #tpu.memory_space<vmem>>
      %dma_start3A_137 = arith.constant 0 : i32
      %dma_start3A_138 = arith.constant 0 : i32
      %dma_start3A_139 = tpu.memref_slice %arg5[%sub3A_125, %dma_start3A_137, %dma_start3A_138] : memref<60x1x128xi32, #tpu.memory_space<hbm>> -> memref<1x1x128xi32, #tpu.memory_space<hbm>>
      tpu.enqueue_dma source(%dma_start3A_139 : memref<1x1x128xi32, #tpu.memory_space<hbm>>) target(%dma_start3A_136 : memref<1x1x128xi32, #tpu.memory_space<vmem>>) target_semaphore(%arg19 : memref<!tpu.dma_semaphore, #tpu.memory_space<semaphore_mem>>)
      %sub3A_140 = arith.constant 2500 : i32
      %sub3A_141 = arith.subi %add3A_66, %sub3A_140 : i32
      %dma_start3A_142 = arith.constant 1 : i32
      %dma_start3A_143 = arith.constant 0 : i32
      %dma_start3A_144 = arith.constant 0 : i32
      %dma_start3A_145 = tpu.memref_slice %arg12[%dma_start3A_142, %dma_start3A_143, %dma_start3A_144] : memref<2x1x128xi32, #tpu.memory_space<vmem>> -> memref<1x1x128xi32, #tpu.memory_space<vmem>>
      %dma_start3A_146 = arith.constant 0 : i32
      %dma_start3A_147 = arith.constant 0 : i32
      %dma_start3A_148 = tpu.memref_slice %arg6[%sub3A_141, %dma_start3A_146, %dma_start3A_147] : memref<60x1x128xi32, #tpu.memory_space<hbm>> -> memref<1x1x128xi32, #tpu.memory_space<hbm>>
      %dma_start3A_149 = arith.constant 1 : i32
      %dma_start3A_150 = arith.constant 0 : i32
      %dma_start3A_151 = arith.constant 0 : i32
      %dma_start3A_152 = tpu.memref_slice %arg12[%dma_start3A_149, %dma_start3A_150, %dma_start3A_151] : memref<2x1x128xi32, #tpu.memory_space<vmem>> -> memref<1x1x128xi32, #tpu.memory_space<vmem>>
      %dma_start3A_153 = arith.constant 0 : i32
      %dma_start3A_154 = arith.constant 0 : i32
      %dma_start3A_155 = tpu.memref_slice %arg6[%sub3A_141, %dma_start3A_153, %dma_start3A_154] : memref<60x1x128xi32, #tpu.memory_space<hbm>> -> memref<1x1x128xi32, #tpu.memory_space<hbm>>
      tpu.enqueue_dma source(%dma_start3A_155 : memref<1x1x128xi32, #tpu.memory_space<hbm>>) target(%dma_start3A_152 : memref<1x1x128xi32, #tpu.memory_space<vmem>>) target_semaphore(%arg19 : memref<!tpu.dma_semaphore, #tpu.memory_space<semaphore_mem>>)
    } else {
    }
    %barrier3A = arith.constant 0 : index
    tpu.barrier barrier_id(%barrier3A)
    %dma_start3A = arith.constant 0 : i32
    %dma_start3A_77 = arith.constant 0 : i32
    %dma_start3A_78 = arith.constant 0 : i32
    %dma_start3A_79 = arith.constant 0 : i32
    %dma_start3A_80 = tpu.memref_slice %arg13[%dma_start3A_78, %dma_start3A_79] : memref<128x128xf32, #tpu.memory_space<vmem>> -> memref<64x128xf32, #tpu.memory_space<vmem>>
    %dma_start3A_81 = arith.constant 0 : i32
    %dma_start3A_82 = tpu.memref_slice %arg9[%dma_start3A, %dma_start3A_77, %dma_start3A_81] : memref<2x1x128xi32, #tpu.memory_space<vmem>> -> memref<1x1x64xi32, #tpu.memory_space<vmem>>
    %dma_start3A_83 = tpu.memref_squeeze %dma_start3A_82 : memref<1x1x64xi32, #tpu.memory_space<vmem>> -> memref<64xi32, #tpu.memory_space<vmem>>
    %dma_start3A_84 = arith.constant 0 : i32
    %dma_start3A_85 = arith.constant 0 : i32
    %dma_start3A_86 = tpu.memref_slice %arg2[%dma_start3A_84, %dma_start3A_85] : memref<10000x128xf32, #tpu.memory_space<hbm>> -> memref<10000x128xf32, #tpu.memory_space<hbm>>
    tpu.enqueue_indirect_dma source(%dma_start3A_86 : memref<10000x128xf32, #tpu.memory_space<hbm>>) target(%dma_start3A_80 : memref<64x128xf32, #tpu.memory_space<vmem>>) offsets(%dma_start3A_83 : memref<64xi32, #tpu.memory_space<vmem>>) semaphore(%arg20 : memref<!tpu.dma_semaphore, #tpu.memory_space<semaphore_mem>>)
    %dma_start3A_87 = arith.constant 0 : i32
    %dma_start3A_88 = arith.constant 0 : i32
    %dma_start3A_89 = arith.constant 64 : i32
    %dma_start3A_90 = arith.constant 0 : i32
    %dma_start3A_91 = tpu.memref_slice %arg13[%dma_start3A_89, %dma_start3A_90] : memref<128x128xf32, #tpu.memory_space<vmem>> -> memref<64x128xf32, #tpu.memory_space<vmem>>
    %dma_start3A_92 = arith.constant 64 : i32
    %dma_start3A_93 = tpu.memref_slice %arg9[%dma_start3A_87, %dma_start3A_88, %dma_start3A_92] : memref<2x1x128xi32, #tpu.memory_space<vmem>> -> memref<1x1x64xi32, #tpu.memory_space<vmem>>
    %dma_start3A_94 = tpu.memref_squeeze %dma_start3A_93 : memref<1x1x64xi32, #tpu.memory_space<vmem>> -> memref<64xi32, #tpu.memory_space<vmem>>
    %dma_start3A_95 = arith.constant 0 : i32
    %dma_start3A_96 = arith.constant 0 : i32
    %dma_start3A_97 = tpu.memref_slice %arg2[%dma_start3A_95, %dma_start3A_96] : memref<10000x128xf32, #tpu.memory_space<hbm>> -> memref<10000x128xf32, #tpu.memory_space<hbm>>
    tpu.enqueue_indirect_dma source(%dma_start3A_97 : memref<10000x128xf32, #tpu.memory_space<hbm>>) target(%dma_start3A_91 : memref<64x128xf32, #tpu.memory_space<vmem>>) offsets(%dma_start3A_94 : memref<64xi32, #tpu.memory_space<vmem>>) semaphore(%arg20 : memref<!tpu.dma_semaphore, #tpu.memory_space<semaphore_mem>>)
    %dma_start3A_98 = arith.constant 0 : i32
    %dma_start3A_99 = arith.constant 0 : i32
    %dma_start3A_100 = arith.constant 0 : i32
    %dma_start3A_101 = arith.constant 0 : i32
    %dma_start3A_102 = tpu.memref_slice %arg14[%dma_start3A_100, %dma_start3A_101] : memref<128x128xf32, #tpu.memory_space<vmem>> -> memref<64x128xf32, #tpu.memory_space<vmem>>
    %dma_start3A_103 = arith.constant 0 : i32
    %dma_start3A_104 = tpu.memref_slice %arg10[%dma_start3A_98, %dma_start3A_99, %dma_start3A_103] : memref<2x1x128xi32, #tpu.memory_space<vmem>> -> memref<1x1x64xi32, #tpu.memory_space<vmem>>
    %dma_start3A_105 = tpu.memref_squeeze %dma_start3A_104 : memref<1x1x64xi32, #tpu.memory_space<vmem>> -> memref<64xi32, #tpu.memory_space<vmem>>
    %dma_start3A_106 = arith.constant 0 : i32
    %dma_start3A_107 = arith.constant 0 : i32
    %dma_start3A_108 = tpu.memref_slice %arg2[%dma_start3A_106, %dma_start3A_107] : memref<10000x128xf32, #tpu.memory_space<hbm>> -> memref<10000x128xf32, #tpu.memory_space<hbm>>
    tpu.enqueue_indirect_dma source(%dma_start3A_108 : memref<10000x128xf32, #tpu.memory_space<hbm>>) target(%dma_start3A_102 : memref<64x128xf32, #tpu.memory_space<vmem>>) offsets(%dma_start3A_105 : memref<64xi32, #tpu.memory_space<vmem>>) semaphore(%arg21 : memref<!tpu.dma_semaphore, #tpu.memory_space<semaphore_mem>>)
    %dma_start3A_109 = arith.constant 0 : i32
    %dma_start3A_110 = arith.constant 0 : i32
    %dma_start3A_111 = arith.constant 64 : i32
    %dma_start3A_112 = arith.constant 0 : i32
    %dma_start3A_113 = tpu.memref_slice %arg14[%dma_start3A_111, %dma_start3A_112] : memref<128x128xf32, #tpu.memory_space<vmem>> -> memref<64x128xf32, #tpu.memory_space<vmem>>
    %dma_start3A_114 = arith.constant 64 : i32
    %dma_start3A_115 = tpu.memref_slice %arg10[%dma_start3A_109, %dma_start3A_110, %dma_start3A_114] : memref<2x1x128xi32, #tpu.memory_space<vmem>> -> memref<1x1x64xi32, #tpu.memory_space<vmem>>
    %dma_start3A_116 = tpu.memref_squeeze %dma_start3A_115 : memref<1x1x64xi32, #tpu.memory_space<vmem>> -> memref<64xi32, #tpu.memory_space<vmem>>
    %dma_start3A_117 = arith.constant 0 : i32
    %dma_start3A_118 = arith.constant 0 : i32
    %dma_start3A_119 = tpu.memref_slice %arg2[%dma_start3A_117, %dma_start3A_118] : memref<10000x128xf32, #tpu.memory_space<hbm>> -> memref<10000x128xf32, #tpu.memory_space<hbm>>
    tpu.enqueue_indirect_dma source(%dma_start3A_119 : memref<10000x128xf32, #tpu.memory_space<hbm>>) target(%dma_start3A_113 : memref<64x128xf32, #tpu.memory_space<vmem>>) offsets(%dma_start3A_116 : memref<64xi32, #tpu.memory_space<vmem>>) semaphore(%arg21 : memref<!tpu.dma_semaphore, #tpu.memory_space<semaphore_mem>>)
    %scan3A = arith.constant 0 : i32
    %scan3A_120 = arith.constant 20 : i32
    %scan3A_121 = arith.addi %scan3A, %scan3A_120 : i32
    %scan3A_122 = arith.constant 1 : i32
    scf.for %scan3A_125 = %scan3A to %scan3A_121 step %scan3A_122  : i32 {
      %mul3A_126 = arith.constant 4 : i32
      %mul3A_127 = arith.muli %scan3A_125, %mul3A_126 : i32
      %add3A_128 = arith.constant 0 : i32
      %add3A_129 = arith.addi %add3A_128, %mul3A_127 : i32
      %add3A_130 = arith.constant 0 : i32
      %add3A_131 = arith.addi %add3A_129, %add3A_130 : i32
      %dma_wait3A = arith.constant 0 : i32
      %dma_wait3A_132 = arith.constant 0 : i32
      %dma_wait3A_133 = arith.constant 0 : i32
      %dma_wait3A_134 = arith.constant 0 : i32
      %dma_wait3A_135 = tpu.memref_slice %arg13[%dma_wait3A_133, %dma_wait3A_134] : memref<128x128xf32, #tpu.memory_space<vmem>> -> memref<64x128xf32, #tpu.memory_space<vmem>>
      %dma_wait3A_136 = arith.constant 0 : i32
      %dma_wait3A_137 = tpu.memref_slice %arg9[%dma_wait3A, %dma_wait3A_132, %dma_wait3A_136] : memref<2x1x128xi32, #tpu.memory_space<vmem>> -> memref<1x1x64xi32, #tpu.memory_space<vmem>>
      %dma_wait3A_138 = tpu.memref_squeeze %dma_wait3A_137 : memref<1x1x64xi32, #tpu.memory_space<vmem>> -> memref<64xi32, #tpu.memory_space<vmem>>
      %dma_wait3A_139 = arith.constant 0 : i32
      %dma_wait3A_140 = arith.constant 0 : i32
      %dma_wait3A_141 = tpu.memref_slice %arg2[%dma_wait3A_139, %dma_wait3A_140] : memref<10000x128xf32, #tpu.memory_space<hbm>> -> memref<10000x128xf32, #tpu.memory_space<hbm>>
      tpu.wait_indirect_dma semaphore(%arg20 : memref<!tpu.dma_semaphore, #tpu.memory_space<semaphore_mem>>) src(%dma_wait3A_141 : memref<10000x128xf32, #tpu.memory_space<hbm>>) dst(%dma_wait3A_135 : memref<64x128xf32, #tpu.memory_space<vmem>>)
      %dma_wait3A_142 = arith.constant 0 : i32
      %dma_wait3A_143 = arith.constant 0 : i32
      %dma_wait3A_144 = arith.constant 64 : i32
      %dma_wait3A_145 = arith.constant 0 : i32
      %dma_wait3A_146 = tpu.memref_slice %arg13[%dma_wait3A_144, %dma_wait3A_145] : memref<128x128xf32, #tpu.memory_space<vmem>> -> memref<64x128xf32, #tpu.memory_space<vmem>>
      %dma_wait3A_147 = arith.constant 64 : i32
      %dma_wait3A_148 = tpu.memref_slice %arg9[%dma_wait3A_142, %dma_wait3A_143, %dma_wait3A_147] : memref<2x1x128xi32, #tpu.memory_space<vmem>> -> memref<1x1x64xi32, #tpu.memory_space<vmem>>
      %dma_wait3A_149 = tpu.memref_squeeze %dma_wait3A_148 : memref<1x1x64xi32, #tpu.memory_space<vmem>> -> memref<64xi32, #tpu.memory_space<vmem>>
      %dma_wait3A_150 = arith.constant 0 : i32
      %dma_wait3A_151 = arith.constant 0 : i32
      %dma_wait3A_152 = tpu.memref_slice %arg2[%dma_wait3A_150, %dma_wait3A_151] : memref<10000x128xf32, #tpu.memory_space<hbm>> -> memref<10000x128xf32, #tpu.memory_space<hbm>>
      tpu.wait_indirect_dma semaphore(%arg20 : memref<!tpu.dma_semaphore, #tpu.memory_space<semaphore_mem>>) src(%dma_wait3A_152 : memref<10000x128xf32, #tpu.memory_space<hbm>>) dst(%dma_wait3A_146 : memref<64x128xf32, #tpu.memory_space<vmem>>)
      %run_scoped3A = arith.constant 1 : i32
      %run_scoped3A_153 = arith.constant 0 : i32
      "tpu.region"() ({
        %run_scoped3A_288 = tpu.sem_alloc : memref<!tpu.dma_semaphore, #tpu.memory_space<semaphore_mem>>
        %dma_start3A_289 = arith.constant 0 : i32
        %dma_start3A_290 = tpu.memref_slice %arg9[%run_scoped3A, %run_scoped3A_153, %dma_start3A_289] : memref<2x1x128xi32, #tpu.memory_space<vmem>> -> memref<1x1x128xi32, #tpu.memory_space<vmem>>
        %dma_start3A_291 = tpu.memref_squeeze %dma_start3A_290 : memref<1x1x128xi32, #tpu.memory_space<vmem>> -> memref<128xi32, #tpu.memory_space<vmem>>
        %dma_start3A_292 = arith.constant 0 : i32
        %dma_start3A_293 = arith.constant 0 : i32
        %dma_start3A_294 = tpu.memref_slice %arg15[%dma_start3A_292, %dma_start3A_293] : memref<10240x128xf32, #tpu.memory_space<vmem_shared>> -> memref<10240x128xf32, #tpu.memory_space<vmem_shared>>
        tpu.enqueue_indirect_dma source(%arg13 : memref<128x128xf32, #tpu.memory_space<vmem>>) target(%dma_start3A_294 : memref<10240x128xf32, #tpu.memory_space<vmem_shared>>) offsets(%dma_start3A_291 : memref<128xi32, #tpu.memory_space<vmem>>) semaphore(%run_scoped3A_288 : memref<!tpu.dma_semaphore, #tpu.memory_space<semaphore_mem>>) {add = true}
        %dma_wait3A_295 = arith.constant 0 : i32
        %dma_wait3A_296 = tpu.memref_slice %arg9[%run_scoped3A, %run_scoped3A_153, %dma_wait3A_295] : memref<2x1x128xi32, #tpu.memory_space<vmem>> -> memref<1x1x128xi32, #tpu.memory_space<vmem>>
        %dma_wait3A_297 = tpu.memref_squeeze %dma_wait3A_296 : memref<1x1x128xi32, #tpu.memory_space<vmem>> -> memref<128xi32, #tpu.memory_space<vmem>>
        %dma_wait3A_298 = arith.constant 0 : i32
        %dma_wait3A_299 = arith.constant 0 : i32
        %dma_wait3A_300 = tpu.memref_slice %arg15[%dma_wait3A_298, %dma_wait3A_299] : memref<10240x128xf32, #tpu.memory_space<vmem_shared>> -> memref<10240x128xf32, #tpu.memory_space<vmem_shared>>
        tpu.wait_indirect_dma semaphore(%run_scoped3A_288 : memref<!tpu.dma_semaphore, #tpu.memory_space<semaphore_mem>>) src(%arg13 : memref<128x128xf32, #tpu.memory_space<vmem>>) dst(%dma_wait3A_300 : memref<10240x128xf32, #tpu.memory_space<vmem_shared>>)
        tpu.yield
      }) : () -> ()
      %add3A_154 = arith.constant 4 : i32
      %add3A_155 = arith.addi %add3A_131, %add3A_154 : i32
      %lt3A_156 = arith.constant 80 : i32
      %lt3A_157 = arith.cmpi slt, %add3A_155, %lt3A_156 : i32
      %convert_element_type3A_158 = arith.extui %lt3A_157 : i1 to i32
      %cond3A_159 = arith.constant 0 : i32
      %cond3A_160 = arith.cmpi ne, %convert_element_type3A_158, %cond3A_159 : i32
      scf.if %cond3A_160 {
        %add3A_288 = arith.constant 4 : i32
        %add3A_289 = arith.addi %add3A_131, %add3A_288 : i32
        %mul3A_290 = arith.constant 32 : i32
        %mul3A_291 = arith.muli %add3A_289, %mul3A_290 : i32
        %add3A_292 = arith.addi %mul3A_291, %add3A : i32
        %lt3A_293 = arith.constant 2500 : i32
        %lt3A_294 = arith.cmpi slt, %add3A_292, %lt3A_293 : i32
        %convert_element_type3A_295 = arith.extui %lt3A_294 : i1 to i32
        %cond3A_296 = arith.constant 0 : i32
        %cond3A_297 = arith.cmpi ne, %convert_element_type3A_295, %cond3A_296 : i32
        scf.if %cond3A_297 {
          %dma_start3A_303 = arith.constant 0 : i32
          %dma_start3A_304 = arith.constant 0 : i32
          %dma_start3A_305 = arith.constant 0 : i32
          %dma_start3A_306 = tpu.memref_slice %arg9[%dma_start3A_303, %dma_start3A_304, %dma_start3A_305] : memref<2x1x128xi32, #tpu.memory_space<vmem>> -> memref<1x1x128xi32, #tpu.memory_space<vmem>>
          %dma_start3A_307 = arith.constant 0 : i32
          %dma_start3A_308 = arith.constant 0 : i32
          %dma_start3A_309 = tpu.memref_slice %arg3[%add3A_292, %dma_start3A_307, %dma_start3A_308] : memref<2500x1x128xi32, #tpu.memory_space<hbm>> -> memref<1x1x128xi32, #tpu.memory_space<hbm>>
          %dma_start3A_310 = arith.constant 0 : i32
          %dma_start3A_311 = arith.constant 0 : i32
          %dma_start3A_312 = arith.constant 0 : i32
          %dma_start3A_313 = tpu.memref_slice %arg9[%dma_start3A_310, %dma_start3A_311, %dma_start3A_312] : memref<2x1x128xi32, #tpu.memory_space<vmem>> -> memref<1x1x128xi32, #tpu.memory_space<vmem>>
          %dma_start3A_314 = arith.constant 0 : i32
          %dma_start3A_315 = arith.constant 0 : i32
          %dma_start3A_316 = tpu.memref_slice %arg3[%add3A_292, %dma_start3A_314, %dma_start3A_315] : memref<2500x1x128xi32, #tpu.memory_space<hbm>> -> memref<1x1x128xi32, #tpu.memory_space<hbm>>
          tpu.enqueue_dma source(%dma_start3A_316 : memref<1x1x128xi32, #tpu.memory_space<hbm>>) target(%dma_start3A_313 : memref<1x1x128xi32, #tpu.memory_space<vmem>>) target_semaphore(%arg16 : memref<!tpu.dma_semaphore, #tpu.memory_space<semaphore_mem>>)
          %dma_start3A_317 = arith.constant 1 : i32
          %dma_start3A_318 = arith.constant 0 : i32
          %dma_start3A_319 = arith.constant 0 : i32
          %dma_start3A_320 = tpu.memref_slice %arg9[%dma_start3A_317, %dma_start3A_318, %dma_start3A_319] : memref<2x1x128xi32, #tpu.memory_space<vmem>> -> memref<1x1x128xi32, #tpu.memory_space<vmem>>
          %dma_start3A_321 = arith.constant 0 : i32
          %dma_start3A_322 = arith.constant 0 : i32
          %dma_start3A_323 = tpu.memref_slice %arg4[%add3A_292, %dma_start3A_321, %dma_start3A_322] : memref<2500x1x128xi32, #tpu.memory_space<hbm>> -> memref<1x1x128xi32, #tpu.memory_space<hbm>>
          %dma_start3A_324 = arith.constant 1 : i32
          %dma_start3A_325 = arith.constant 0 : i32
          %dma_start3A_326 = arith.constant 0 : i32
          %dma_start3A_327 = tpu.memref_slice %arg9[%dma_start3A_324, %dma_start3A_325, %dma_start3A_326] : memref<2x1x128xi32, #tpu.memory_space<vmem>> -> memref<1x1x128xi32, #tpu.memory_space<vmem>>
          %dma_start3A_328 = arith.constant 0 : i32
          %dma_start3A_329 = arith.constant 0 : i32
          %dma_start3A_330 = tpu.memref_slice %arg4[%add3A_292, %dma_start3A_328, %dma_start3A_329] : memref<2500x1x128xi32, #tpu.memory_space<hbm>> -> memref<1x1x128xi32, #tpu.memory_space<hbm>>
          tpu.enqueue_dma source(%dma_start3A_330 : memref<1x1x128xi32, #tpu.memory_space<hbm>>) target(%dma_start3A_327 : memref<1x1x128xi32, #tpu.memory_space<vmem>>) target_semaphore(%arg16 : memref<!tpu.dma_semaphore, #tpu.memory_space<semaphore_mem>>)
        } else {
        }
        %ge3A_298 = arith.constant 2500 : i32
        %ge3A_299 = arith.cmpi sge, %add3A_292, %ge3A_298 : i32
        %convert_element_type3A_300 = arith.extui %ge3A_299 : i1 to i32
        %cond3A_301 = arith.constant 0 : i32
        %cond3A_302 = arith.cmpi ne, %convert_element_type3A_300, %cond3A_301 : i32
        scf.if %cond3A_302 {
          %sub3A = arith.constant 2500 : i32
          %sub3A_303 = arith.subi %add3A_292, %sub3A : i32
          %dma_start3A_304 = arith.constant 0 : i32
          %dma_start3A_305 = arith.constant 0 : i32
          %dma_start3A_306 = arith.constant 0 : i32
          %dma_start3A_307 = tpu.memref_slice %arg9[%dma_start3A_304, %dma_start3A_305, %dma_start3A_306] : memref<2x1x128xi32, #tpu.memory_space<vmem>> -> memref<1x1x128xi32, #tpu.memory_space<vmem>>
          %dma_start3A_308 = arith.constant 0 : i32
          %dma_start3A_309 = arith.constant 0 : i32
          %dma_start3A_310 = tpu.memref_slice %arg5[%sub3A_303, %dma_start3A_308, %dma_start3A_309] : memref<60x1x128xi32, #tpu.memory_space<hbm>> -> memref<1x1x128xi32, #tpu.memory_space<hbm>>
          %dma_start3A_311 = arith.constant 0 : i32
          %dma_start3A_312 = arith.constant 0 : i32
          %dma_start3A_313 = arith.constant 0 : i32
          %dma_start3A_314 = tpu.memref_slice %arg9[%dma_start3A_311, %dma_start3A_312, %dma_start3A_313] : memref<2x1x128xi32, #tpu.memory_space<vmem>> -> memref<1x1x128xi32, #tpu.memory_space<vmem>>
          %dma_start3A_315 = arith.constant 0 : i32
          %dma_start3A_316 = arith.constant 0 : i32
          %dma_start3A_317 = tpu.memref_slice %arg5[%sub3A_303, %dma_start3A_315, %dma_start3A_316] : memref<60x1x128xi32, #tpu.memory_space<hbm>> -> memref<1x1x128xi32, #tpu.memory_space<hbm>>
          tpu.enqueue_dma source(%dma_start3A_317 : memref<1x1x128xi32, #tpu.memory_space<hbm>>) target(%dma_start3A_314 : memref<1x1x128xi32, #tpu.memory_space<vmem>>) target_semaphore(%arg16 : memref<!tpu.dma_semaphore, #tpu.memory_space<semaphore_mem>>)
          %sub3A_318 = arith.constant 2500 : i32
          %sub3A_319 = arith.subi %add3A_292, %sub3A_318 : i32
          %dma_start3A_320 = arith.constant 1 : i32
          %dma_start3A_321 = arith.constant 0 : i32
          %dma_start3A_322 = arith.constant 0 : i32
          %dma_start3A_323 = tpu.memref_slice %arg9[%dma_start3A_320, %dma_start3A_321, %dma_start3A_322] : memref<2x1x128xi32, #tpu.memory_space<vmem>> -> memref<1x1x128xi32, #tpu.memory_space<vmem>>
          %dma_start3A_324 = arith.constant 0 : i32
          %dma_start3A_325 = arith.constant 0 : i32
          %dma_start3A_326 = tpu.memref_slice %arg6[%sub3A_319, %dma_start3A_324, %dma_start3A_325] : memref<60x1x128xi32, #tpu.memory_space<hbm>> -> memref<1x1x128xi32, #tpu.memory_space<hbm>>
          %dma_start3A_327 = arith.constant 1 : i32
          %dma_start3A_328 = arith.constant 0 : i32
          %dma_start3A_329 = arith.constant 0 : i32
          %dma_start3A_330 = tpu.memref_slice %arg9[%dma_start3A_327, %dma_start3A_328, %dma_start3A_329] : memref<2x1x128xi32, #tpu.memory_space<vmem>> -> memref<1x1x128xi32, #tpu.memory_space<vmem>>
          %dma_start3A_331 = arith.constant 0 : i32
          %dma_start3A_332 = arith.constant 0 : i32
          %dma_start3A_333 = tpu.memref_slice %arg6[%sub3A_319, %dma_start3A_331, %dma_start3A_332] : memref<60x1x128xi32, #tpu.memory_space<hbm>> -> memref<1x1x128xi32, #tpu.memory_space<hbm>>
          tpu.enqueue_dma source(%dma_start3A_333 : memref<1x1x128xi32, #tpu.memory_space<hbm>>) target(%dma_start3A_330 : memref<1x1x128xi32, #tpu.memory_space<vmem>>) target_semaphore(%arg16 : memref<!tpu.dma_semaphore, #tpu.memory_space<semaphore_mem>>)
        } else {
        }
      } else {
      }
      %add3A_161 = arith.constant 2 : i32
      %add3A_162 = arith.addi %add3A_131, %add3A_161 : i32
      %lt3A_163 = arith.constant 80 : i32
      %lt3A_164 = arith.cmpi slt, %add3A_162, %lt3A_163 : i32
      %convert_element_type3A_165 = arith.extui %lt3A_164 : i1 to i32
      %cond3A_166 = arith.constant 0 : i32
      %cond3A_167 = arith.cmpi ne, %convert_element_type3A_165, %cond3A_166 : i32
      scf.if %cond3A_167 {
        %dma_wait3A_288 = arith.constant 0 : i32
        %dma_wait3A_289 = arith.constant 0 : i32
        %dma_wait3A_290 = arith.constant 0 : i32
        %dma_wait3A_291 = tpu.memref_slice %arg11[%dma_wait3A_288, %dma_wait3A_289, %dma_wait3A_290] : memref<2x1x128xi32, #tpu.memory_space<vmem>> -> memref<1x1x128xi32, #tpu.memory_space<vmem>>
        %dma_wait3A_292 = arith.constant 0 : i32
        %dma_wait3A_293 = arith.constant 0 : i32
        %dma_wait3A_294 = arith.constant 0 : i32
        %dma_wait3A_295 = tpu.memref_slice %arg3[%dma_wait3A_292, %dma_wait3A_293, %dma_wait3A_294] : memref<2500x1x128xi32, #tpu.memory_space<hbm>> -> memref<1x1x128xi32, #tpu.memory_space<hbm>>
        %dma_wait3A_296 = arith.constant 0 : i32
        %dma_wait3A_297 = arith.constant 0 : i32
        %dma_wait3A_298 = arith.constant 0 : i32
        %dma_wait3A_299 = tpu.memref_slice %arg11[%dma_wait3A_296, %dma_wait3A_297, %dma_wait3A_298] : memref<2x1x128xi32, #tpu.memory_space<vmem>> -> memref<1x1x128xi32, #tpu.memory_space<vmem>>
        %dma_wait3A_300 = arith.constant 0 : i32
        %dma_wait3A_301 = arith.constant 0 : i32
        %dma_wait3A_302 = arith.constant 0 : i32
        %dma_wait3A_303 = tpu.memref_slice %arg3[%dma_wait3A_300, %dma_wait3A_301, %dma_wait3A_302] : memref<2500x1x128xi32, #tpu.memory_space<hbm>> -> memref<1x1x128xi32, #tpu.memory_space<hbm>>
        tpu.wait_dma2 semaphore(%arg18 : memref<!tpu.dma_semaphore, #tpu.memory_space<semaphore_mem>>) src(%dma_wait3A_303 : memref<1x1x128xi32, #tpu.memory_space<hbm>>) dst(%dma_wait3A_299 : memref<1x1x128xi32, #tpu.memory_space<vmem>>)
        %dma_wait3A_304 = arith.constant 1 : i32
        %dma_wait3A_305 = arith.constant 0 : i32
        %dma_wait3A_306 = arith.constant 0 : i32
        %dma_wait3A_307 = tpu.memref_slice %arg11[%dma_wait3A_304, %dma_wait3A_305, %dma_wait3A_306] : memref<2x1x128xi32, #tpu.memory_space<vmem>> -> memref<1x1x128xi32, #tpu.memory_space<vmem>>
        %dma_wait3A_308 = arith.constant 0 : i32
        %dma_wait3A_309 = arith.constant 0 : i32
        %dma_wait3A_310 = arith.constant 0 : i32
        %dma_wait3A_311 = tpu.memref_slice %arg3[%dma_wait3A_308, %dma_wait3A_309, %dma_wait3A_310] : memref<2500x1x128xi32, #tpu.memory_space<hbm>> -> memref<1x1x128xi32, #tpu.memory_space<hbm>>
        %dma_wait3A_312 = arith.constant 1 : i32
        %dma_wait3A_313 = arith.constant 0 : i32
        %dma_wait3A_314 = arith.constant 0 : i32
        %dma_wait3A_315 = tpu.memref_slice %arg11[%dma_wait3A_312, %dma_wait3A_313, %dma_wait3A_314] : memref<2x1x128xi32, #tpu.memory_space<vmem>> -> memref<1x1x128xi32, #tpu.memory_space<vmem>>
        %dma_wait3A_316 = arith.constant 0 : i32
        %dma_wait3A_317 = arith.constant 0 : i32
        %dma_wait3A_318 = arith.constant 0 : i32
        %dma_wait3A_319 = tpu.memref_slice %arg3[%dma_wait3A_316, %dma_wait3A_317, %dma_wait3A_318] : memref<2500x1x128xi32, #tpu.memory_space<hbm>> -> memref<1x1x128xi32, #tpu.memory_space<hbm>>
        tpu.wait_dma2 semaphore(%arg18 : memref<!tpu.dma_semaphore, #tpu.memory_space<semaphore_mem>>) src(%dma_wait3A_319 : memref<1x1x128xi32, #tpu.memory_space<hbm>>) dst(%dma_wait3A_315 : memref<1x1x128xi32, #tpu.memory_space<vmem>>)
        %dma_start3A_320 = arith.constant 0 : i32
        %dma_start3A_321 = arith.constant 0 : i32
        %dma_start3A_322 = arith.constant 0 : i32
        %dma_start3A_323 = arith.constant 0 : i32
        %dma_start3A_324 = tpu.memref_slice %arg13[%dma_start3A_322, %dma_start3A_323] : memref<128x128xf32, #tpu.memory_space<vmem>> -> memref<64x128xf32, #tpu.memory_space<vmem>>
        %dma_start3A_325 = arith.constant 0 : i32
        %dma_start3A_326 = tpu.memref_slice %arg11[%dma_start3A_320, %dma_start3A_321, %dma_start3A_325] : memref<2x1x128xi32, #tpu.memory_space<vmem>> -> memref<1x1x64xi32, #tpu.memory_space<vmem>>
        %dma_start3A_327 = tpu.memref_squeeze %dma_start3A_326 : memref<1x1x64xi32, #tpu.memory_space<vmem>> -> memref<64xi32, #tpu.memory_space<vmem>>
        %dma_start3A_328 = arith.constant 0 : i32
        %dma_start3A_329 = arith.constant 0 : i32
        %dma_start3A_330 = tpu.memref_slice %arg2[%dma_start3A_328, %dma_start3A_329] : memref<10000x128xf32, #tpu.memory_space<hbm>> -> memref<10000x128xf32, #tpu.memory_space<hbm>>
        tpu.enqueue_indirect_dma source(%dma_start3A_330 : memref<10000x128xf32, #tpu.memory_space<hbm>>) target(%dma_start3A_324 : memref<64x128xf32, #tpu.memory_space<vmem>>) offsets(%dma_start3A_327 : memref<64xi32, #tpu.memory_space<vmem>>) semaphore(%arg20 : memref<!tpu.dma_semaphore, #tpu.memory_space<semaphore_mem>>)
        %dma_start3A_331 = arith.constant 0 : i32
        %dma_start3A_332 = arith.constant 0 : i32
        %dma_start3A_333 = arith.constant 64 : i32
        %dma_start3A_334 = arith.constant 0 : i32
        %dma_start3A_335 = tpu.memref_slice %arg13[%dma_start3A_333, %dma_start3A_334] : memref<128x128xf32, #tpu.memory_space<vmem>> -> memref<64x128xf32, #tpu.memory_space<vmem>>
        %dma_start3A_336 = arith.constant 64 : i32
        %dma_start3A_337 = tpu.memref_slice %arg11[%dma_start3A_331, %dma_start3A_332, %dma_start3A_336] : memref<2x1x128xi32, #tpu.memory_space<vmem>> -> memref<1x1x64xi32, #tpu.memory_space<vmem>>
        %dma_start3A_338 = tpu.memref_squeeze %dma_start3A_337 : memref<1x1x64xi32, #tpu.memory_space<vmem>> -> memref<64xi32, #tpu.memory_space<vmem>>
        %dma_start3A_339 = arith.constant 0 : i32
        %dma_start3A_340 = arith.constant 0 : i32
        %dma_start3A_341 = tpu.memref_slice %arg2[%dma_start3A_339, %dma_start3A_340] : memref<10000x128xf32, #tpu.memory_space<hbm>> -> memref<10000x128xf32, #tpu.memory_space<hbm>>
        tpu.enqueue_indirect_dma source(%dma_start3A_341 : memref<10000x128xf32, #tpu.memory_space<hbm>>) target(%dma_start3A_335 : memref<64x128xf32, #tpu.memory_space<vmem>>) offsets(%dma_start3A_338 : memref<64xi32, #tpu.memory_space<vmem>>) semaphore(%arg20 : memref<!tpu.dma_semaphore, #tpu.memory_space<semaphore_mem>>)
      } else {
      }
      %add3A_168 = arith.constant 1 : i32
      %add3A_169 = arith.addi %add3A_129, %add3A_168 : i32
      %dma_wait3A_170 = arith.constant 0 : i32
      %dma_wait3A_171 = arith.constant 0 : i32
      %dma_wait3A_172 = arith.constant 0 : i32
      %dma_wait3A_173 = arith.constant 0 : i32
      %dma_wait3A_174 = tpu.memref_slice %arg14[%dma_wait3A_172, %dma_wait3A_173] : memref<128x128xf32, #tpu.memory_space<vmem>> -> memref<64x128xf32, #tpu.memory_space<vmem>>
      %dma_wait3A_175 = arith.constant 0 : i32
      %dma_wait3A_176 = tpu.memref_slice %arg10[%dma_wait3A_170, %dma_wait3A_171, %dma_wait3A_175] : memref<2x1x128xi32, #tpu.memory_space<vmem>> -> memref<1x1x64xi32, #tpu.memory_space<vmem>>
      %dma_wait3A_177 = tpu.memref_squeeze %dma_wait3A_176 : memref<1x1x64xi32, #tpu.memory_space<vmem>> -> memref<64xi32, #tpu.memory_space<vmem>>
      %dma_wait3A_178 = arith.constant 0 : i32
      %dma_wait3A_179 = arith.constant 0 : i32
      %dma_wait3A_180 = tpu.memref_slice %arg2[%dma_wait3A_178, %dma_wait3A_179] : memref<10000x128xf32, #tpu.memory_space<hbm>> -> memref<10000x128xf32, #tpu.memory_space<hbm>>
      tpu.wait_indirect_dma semaphore(%arg21 : memref<!tpu.dma_semaphore, #tpu.memory_space<semaphore_mem>>) src(%dma_wait3A_180 : memref<10000x128xf32, #tpu.memory_space<hbm>>) dst(%dma_wait3A_174 : memref<64x128xf32, #tpu.memory_space<vmem>>)
      %dma_wait3A_181 = arith.constant 0 : i32
      %dma_wait3A_182 = arith.constant 0 : i32
      %dma_wait3A_183 = arith.constant 64 : i32
      %dma_wait3A_184 = arith.constant 0 : i32
      %dma_wait3A_185 = tpu.memref_slice %arg14[%dma_wait3A_183, %dma_wait3A_184] : memref<128x128xf32, #tpu.memory_space<vmem>> -> memref<64x128xf32, #tpu.memory_space<vmem>>
      %dma_wait3A_186 = arith.constant 64 : i32
      %dma_wait3A_187 = tpu.memref_slice %arg10[%dma_wait3A_181, %dma_wait3A_182, %dma_wait3A_186] : memref<2x1x128xi32, #tpu.memory_space<vmem>> -> memref<1x1x64xi32, #tpu.memory_space<vmem>>
      %dma_wait3A_188 = tpu.memref_squeeze %dma_wait3A_187 : memref<1x1x64xi32, #tpu.memory_space<vmem>> -> memref<64xi32, #tpu.memory_space<vmem>>
      %dma_wait3A_189 = arith.constant 0 : i32
      %dma_wait3A_190 = arith.constant 0 : i32
      %dma_wait3A_191 = tpu.memref_slice %arg2[%dma_wait3A_189, %dma_wait3A_190] : memref<10000x128xf32, #tpu.memory_space<hbm>> -> memref<10000x128xf32, #tpu.memory_space<hbm>>
      tpu.wait_indirect_dma semaphore(%arg21 : memref<!tpu.dma_semaphore, #tpu.memory_space<semaphore_mem>>) src(%dma_wait3A_191 : memref<10000x128xf32, #tpu.memory_space<hbm>>) dst(%dma_wait3A_185 : memref<64x128xf32, #tpu.memory_space<vmem>>)
      %run_scoped3A_192 = arith.constant 1 : i32
      %run_scoped3A_193 = arith.constant 0 : i32
      "tpu.region"() ({
        %run_scoped3A_288 = tpu.sem_alloc : memref<!tpu.dma_semaphore, #tpu.memory_space<semaphore_mem>>
        %dma_start3A_289 = arith.constant 0 : i32
        %dma_start3A_290 = tpu.memref_slice %arg10[%run_scoped3A_192, %run_scoped3A_193, %dma_start3A_289] : memref<2x1x128xi32, #tpu.memory_space<vmem>> -> memref<1x1x128xi32, #tpu.memory_space<vmem>>
        %dma_start3A_291 = tpu.memref_squeeze %dma_start3A_290 : memref<1x1x128xi32, #tpu.memory_space<vmem>> -> memref<128xi32, #tpu.memory_space<vmem>>
        %dma_start3A_292 = arith.constant 0 : i32
        %dma_start3A_293 = arith.constant 0 : i32
        %dma_start3A_294 = tpu.memref_slice %arg15[%dma_start3A_292, %dma_start3A_293] : memref<10240x128xf32, #tpu.memory_space<vmem_shared>> -> memref<10240x128xf32, #tpu.memory_space<vmem_shared>>
        tpu.enqueue_indirect_dma source(%arg14 : memref<128x128xf32, #tpu.memory_space<vmem>>) target(%dma_start3A_294 : memref<10240x128xf32, #tpu.memory_space<vmem_shared>>) offsets(%dma_start3A_291 : memref<128xi32, #tpu.memory_space<vmem>>) semaphore(%run_scoped3A_288 : memref<!tpu.dma_semaphore, #tpu.memory_space<semaphore_mem>>) {add = true}
        %dma_wait3A_295 = arith.constant 0 : i32
        %dma_wait3A_296 = tpu.memref_slice %arg10[%run_scoped3A_192, %run_scoped3A_193, %dma_wait3A_295] : memref<2x1x128xi32, #tpu.memory_space<vmem>> -> memref<1x1x128xi32, #tpu.memory_space<vmem>>
        %dma_wait3A_297 = tpu.memref_squeeze %dma_wait3A_296 : memref<1x1x128xi32, #tpu.memory_space<vmem>> -> memref<128xi32, #tpu.memory_space<vmem>>
        %dma_wait3A_298 = arith.constant 0 : i32
        %dma_wait3A_299 = arith.constant 0 : i32
        %dma_wait3A_300 = tpu.memref_slice %arg15[%dma_wait3A_298, %dma_wait3A_299] : memref<10240x128xf32, #tpu.memory_space<vmem_shared>> -> memref<10240x128xf32, #tpu.memory_space<vmem_shared>>
        tpu.wait_indirect_dma semaphore(%run_scoped3A_288 : memref<!tpu.dma_semaphore, #tpu.memory_space<semaphore_mem>>) src(%arg14 : memref<128x128xf32, #tpu.memory_space<vmem>>) dst(%dma_wait3A_300 : memref<10240x128xf32, #tpu.memory_space<vmem_shared>>)
        tpu.yield
      }) : () -> ()
      %add3A_194 = arith.constant 4 : i32
      %add3A_195 = arith.addi %add3A_169, %add3A_194 : i32
      %lt3A_196 = arith.constant 80 : i32
      %lt3A_197 = arith.cmpi slt, %add3A_195, %lt3A_196 : i32
      %convert_element_type3A_198 = arith.extui %lt3A_197 : i1 to i32
      %cond3A_199 = arith.constant 0 : i32
      %cond3A_200 = arith.cmpi ne, %convert_element_type3A_198, %cond3A_199 : i32
      scf.if %cond3A_200 {
        %add3A_288 = arith.constant 4 : i32
        %add3A_289 = arith.addi %add3A_169, %add3A_288 : i32
        %mul3A_290 = arith.constant 32 : i32
        %mul3A_291 = arith.muli %add3A_289, %mul3A_290 : i32
        %add3A_292 = arith.addi %mul3A_291, %add3A : i32
        %lt3A_293 = arith.constant 2500 : i32
        %lt3A_294 = arith.cmpi slt, %add3A_292, %lt3A_293 : i32
        %convert_element_type3A_295 = arith.extui %lt3A_294 : i1 to i32
        %cond3A_296 = arith.constant 0 : i32
        %cond3A_297 = arith.cmpi ne, %convert_element_type3A_295, %cond3A_296 : i32
        scf.if %cond3A_297 {
          %dma_start3A_303 = arith.constant 0 : i32
          %dma_start3A_304 = arith.constant 0 : i32
          %dma_start3A_305 = arith.constant 0 : i32
          %dma_start3A_306 = tpu.memref_slice %arg10[%dma_start3A_303, %dma_start3A_304, %dma_start3A_305] : memref<2x1x128xi32, #tpu.memory_space<vmem>> -> memref<1x1x128xi32, #tpu.memory_space<vmem>>
          %dma_start3A_307 = arith.constant 0 : i32
          %dma_start3A_308 = arith.constant 0 : i32
          %dma_start3A_309 = tpu.memref_slice %arg3[%add3A_292, %dma_start3A_307, %dma_start3A_308] : memref<2500x1x128xi32, #tpu.memory_space<hbm>> -> memref<1x1x128xi32, #tpu.memory_space<hbm>>
          %dma_start3A_310 = arith.constant 0 : i32
          %dma_start3A_311 = arith.constant 0 : i32
          %dma_start3A_312 = arith.constant 0 : i32
          %dma_start3A_313 = tpu.memref_slice %arg10[%dma_start3A_310, %dma_start3A_311, %dma_start3A_312] : memref<2x1x128xi32, #tpu.memory_space<vmem>> -> memref<1x1x128xi32, #tpu.memory_space<vmem>>
          %dma_start3A_314 = arith.constant 0 : i32
          %dma_start3A_315 = arith.constant 0 : i32
          %dma_start3A_316 = tpu.memref_slice %arg3[%add3A_292, %dma_start3A_314, %dma_start3A_315] : memref<2500x1x128xi32, #tpu.memory_space<hbm>> -> memref<1x1x128xi32, #tpu.memory_space<hbm>>
          tpu.enqueue_dma source(%dma_start3A_316 : memref<1x1x128xi32, #tpu.memory_space<hbm>>) target(%dma_start3A_313 : memref<1x1x128xi32, #tpu.memory_space<vmem>>) target_semaphore(%arg17 : memref<!tpu.dma_semaphore, #tpu.memory_space<semaphore_mem>>)
          %dma_start3A_317 = arith.constant 1 : i32
          %dma_start3A_318 = arith.constant 0 : i32
          %dma_start3A_319 = arith.constant 0 : i32
          %dma_start3A_320 = tpu.memref_slice %arg10[%dma_start3A_317, %dma_start3A_318, %dma_start3A_319] : memref<2x1x128xi32, #tpu.memory_space<vmem>> -> memref<1x1x128xi32, #tpu.memory_space<vmem>>
          %dma_start3A_321 = arith.constant 0 : i32
          %dma_start3A_322 = arith.constant 0 : i32
          %dma_start3A_323 = tpu.memref_slice %arg4[%add3A_292, %dma_start3A_321, %dma_start3A_322] : memref<2500x1x128xi32, #tpu.memory_space<hbm>> -> memref<1x1x128xi32, #tpu.memory_space<hbm>>
          %dma_start3A_324 = arith.constant 1 : i32
          %dma_start3A_325 = arith.constant 0 : i32
          %dma_start3A_326 = arith.constant 0 : i32
          %dma_start3A_327 = tpu.memref_slice %arg10[%dma_start3A_324, %dma_start3A_325, %dma_start3A_326] : memref<2x1x128xi32, #tpu.memory_space<vmem>> -> memref<1x1x128xi32, #tpu.memory_space<vmem>>
          %dma_start3A_328 = arith.constant 0 : i32
          %dma_start3A_329 = arith.constant 0 : i32
          %dma_start3A_330 = tpu.memref_slice %arg4[%add3A_292, %dma_start3A_328, %dma_start3A_329] : memref<2500x1x128xi32, #tpu.memory_space<hbm>> -> memref<1x1x128xi32, #tpu.memory_space<hbm>>
          tpu.enqueue_dma source(%dma_start3A_330 : memref<1x1x128xi32, #tpu.memory_space<hbm>>) target(%dma_start3A_327 : memref<1x1x128xi32, #tpu.memory_space<vmem>>) target_semaphore(%arg17 : memref<!tpu.dma_semaphore, #tpu.memory_space<semaphore_mem>>)
        } else {
        }
        %ge3A_298 = arith.constant 2500 : i32
        %ge3A_299 = arith.cmpi sge, %add3A_292, %ge3A_298 : i32
        %convert_element_type3A_300 = arith.extui %ge3A_299 : i1 to i32
        %cond3A_301 = arith.constant 0 : i32
        %cond3A_302 = arith.cmpi ne, %convert_element_type3A_300, %cond3A_301 : i32
        scf.if %cond3A_302 {
          %sub3A = arith.constant 2500 : i32
          %sub3A_303 = arith.subi %add3A_292, %sub3A : i32
          %dma_start3A_304 = arith.constant 0 : i32
          %dma_start3A_305 = arith.constant 0 : i32
          %dma_start3A_306 = arith.constant 0 : i32
          %dma_start3A_307 = tpu.memref_slice %arg10[%dma_start3A_304, %dma_start3A_305, %dma_start3A_306] : memref<2x1x128xi32, #tpu.memory_space<vmem>> -> memref<1x1x128xi32, #tpu.memory_space<vmem>>
          %dma_start3A_308 = arith.constant 0 : i32
          %dma_start3A_309 = arith.constant 0 : i32
          %dma_start3A_310 = tpu.memref_slice %arg5[%sub3A_303, %dma_start3A_308, %dma_start3A_309] : memref<60x1x128xi32, #tpu.memory_space<hbm>> -> memref<1x1x128xi32, #tpu.memory_space<hbm>>
          %dma_start3A_311 = arith.constant 0 : i32
          %dma_start3A_312 = arith.constant 0 : i32
          %dma_start3A_313 = arith.constant 0 : i32
          %dma_start3A_314 = tpu.memref_slice %arg10[%dma_start3A_311, %dma_start3A_312, %dma_start3A_313] : memref<2x1x128xi32, #tpu.memory_space<vmem>> -> memref<1x1x128xi32, #tpu.memory_space<vmem>>
          %dma_start3A_315 = arith.constant 0 : i32
          %dma_start3A_316 = arith.constant 0 : i32
          %dma_start3A_317 = tpu.memref_slice %arg5[%sub3A_303, %dma_start3A_315, %dma_start3A_316] : memref<60x1x128xi32, #tpu.memory_space<hbm>> -> memref<1x1x128xi32, #tpu.memory_space<hbm>>
          tpu.enqueue_dma source(%dma_start3A_317 : memref<1x1x128xi32, #tpu.memory_space<hbm>>) target(%dma_start3A_314 : memref<1x1x128xi32, #tpu.memory_space<vmem>>) target_semaphore(%arg17 : memref<!tpu.dma_semaphore, #tpu.memory_space<semaphore_mem>>)
          %sub3A_318 = arith.constant 2500 : i32
          %sub3A_319 = arith.subi %add3A_292, %sub3A_318 : i32
          %dma_start3A_320 = arith.constant 1 : i32
          %dma_start3A_321 = arith.constant 0 : i32
          %dma_start3A_322 = arith.constant 0 : i32
          %dma_start3A_323 = tpu.memref_slice %arg10[%dma_start3A_320, %dma_start3A_321, %dma_start3A_322] : memref<2x1x128xi32, #tpu.memory_space<vmem>> -> memref<1x1x128xi32, #tpu.memory_space<vmem>>
          %dma_start3A_324 = arith.constant 0 : i32
          %dma_start3A_325 = arith.constant 0 : i32
          %dma_start3A_326 = tpu.memref_slice %arg6[%sub3A_319, %dma_start3A_324, %dma_start3A_325] : memref<60x1x128xi32, #tpu.memory_space<hbm>> -> memref<1x1x128xi32, #tpu.memory_space<hbm>>
          %dma_start3A_327 = arith.constant 1 : i32
          %dma_start3A_328 = arith.constant 0 : i32
          %dma_start3A_329 = arith.constant 0 : i32
          %dma_start3A_330 = tpu.memref_slice %arg10[%dma_start3A_327, %dma_start3A_328, %dma_start3A_329] : memref<2x1x128xi32, #tpu.memory_space<vmem>> -> memref<1x1x128xi32, #tpu.memory_space<vmem>>
          %dma_start3A_331 = arith.constant 0 : i32
          %dma_start3A_332 = arith.constant 0 : i32
          %dma_start3A_333 = tpu.memref_slice %arg6[%sub3A_319, %dma_start3A_331, %dma_start3A_332] : memref<60x1x128xi32, #tpu.memory_space<hbm>> -> memref<1x1x128xi32, #tpu.memory_space<hbm>>
          tpu.enqueue_dma source(%dma_start3A_333 : memref<1x1x128xi32, #tpu.memory_space<hbm>>) target(%dma_start3A_330 : memref<1x1x128xi32, #tpu.memory_space<vmem>>) target_semaphore(%arg17 : memref<!tpu.dma_semaphore, #tpu.memory_space<semaphore_mem>>)
        } else {
        }
      } else {
      }
      %add3A_201 = arith.constant 2 : i32
      %add3A_202 = arith.addi %add3A_169, %add3A_201 : i32
      %lt3A_203 = arith.constant 80 : i32
      %lt3A_204 = arith.cmpi slt, %add3A_202, %lt3A_203 : i32
      %convert_element_type3A_205 = arith.extui %lt3A_204 : i1 to i32
      %cond3A_206 = arith.constant 0 : i32
      %cond3A_207 = arith.cmpi ne, %convert_element_type3A_205, %cond3A_206 : i32
      scf.if %cond3A_207 {
        %dma_wait3A_288 = arith.constant 0 : i32
        %dma_wait3A_289 = arith.constant 0 : i32
        %dma_wait3A_290 = arith.constant 0 : i32
        %dma_wait3A_291 = tpu.memref_slice %arg12[%dma_wait3A_288, %dma_wait3A_289, %dma_wait3A_290] : memref<2x1x128xi32, #tpu.memory_space<vmem>> -> memref<1x1x128xi32, #tpu.memory_space<vmem>>
        %dma_wait3A_292 = arith.constant 0 : i32
        %dma_wait3A_293 = arith.constant 0 : i32
        %dma_wait3A_294 = arith.constant 0 : i32
        %dma_wait3A_295 = tpu.memref_slice %arg3[%dma_wait3A_292, %dma_wait3A_293, %dma_wait3A_294] : memref<2500x1x128xi32, #tpu.memory_space<hbm>> -> memref<1x1x128xi32, #tpu.memory_space<hbm>>
        %dma_wait3A_296 = arith.constant 0 : i32
        %dma_wait3A_297 = arith.constant 0 : i32
        %dma_wait3A_298 = arith.constant 0 : i32
        %dma_wait3A_299 = tpu.memref_slice %arg12[%dma_wait3A_296, %dma_wait3A_297, %dma_wait3A_298] : memref<2x1x128xi32, #tpu.memory_space<vmem>> -> memref<1x1x128xi32, #tpu.memory_space<vmem>>
        %dma_wait3A_300 = arith.constant 0 : i32
        %dma_wait3A_301 = arith.constant 0 : i32
        %dma_wait3A_302 = arith.constant 0 : i32
        %dma_wait3A_303 = tpu.memref_slice %arg3[%dma_wait3A_300, %dma_wait3A_301, %dma_wait3A_302] : memref<2500x1x128xi32, #tpu.memory_space<hbm>> -> memref<1x1x128xi32, #tpu.memory_space<hbm>>
        tpu.wait_dma2 semaphore(%arg19 : memref<!tpu.dma_semaphore, #tpu.memory_space<semaphore_mem>>) src(%dma_wait3A_303 : memref<1x1x128xi32, #tpu.memory_space<hbm>>) dst(%dma_wait3A_299 : memref<1x1x128xi32, #tpu.memory_space<vmem>>)
        %dma_wait3A_304 = arith.constant 1 : i32
        %dma_wait3A_305 = arith.constant 0 : i32
        %dma_wait3A_306 = arith.constant 0 : i32
        %dma_wait3A_307 = tpu.memref_slice %arg12[%dma_wait3A_304, %dma_wait3A_305, %dma_wait3A_306] : memref<2x1x128xi32, #tpu.memory_space<vmem>> -> memref<1x1x128xi32, #tpu.memory_space<vmem>>
        %dma_wait3A_308 = arith.constant 0 : i32
        %dma_wait3A_309 = arith.constant 0 : i32
        %dma_wait3A_310 = arith.constant 0 : i32
        %dma_wait3A_311 = tpu.memref_slice %arg3[%dma_wait3A_308, %dma_wait3A_309, %dma_wait3A_310] : memref<2500x1x128xi32, #tpu.memory_space<hbm>> -> memref<1x1x128xi32, #tpu.memory_space<hbm>>
        %dma_wait3A_312 = arith.constant 1 : i32
        %dma_wait3A_313 = arith.constant 0 : i32
        %dma_wait3A_314 = arith.constant 0 : i32
        %dma_wait3A_315 = tpu.memref_slice %arg12[%dma_wait3A_312, %dma_wait3A_313, %dma_wait3A_314] : memref<2x1x128xi32, #tpu.memory_space<vmem>> -> memref<1x1x128xi32, #tpu.memory_space<vmem>>
        %dma_wait3A_316 = arith.constant 0 : i32
        %dma_wait3A_317 = arith.constant 0 : i32
        %dma_wait3A_318 = arith.constant 0 : i32
        %dma_wait3A_319 = tpu.memref_slice %arg3[%dma_wait3A_316, %dma_wait3A_317, %dma_wait3A_318] : memref<2500x1x128xi32, #tpu.memory_space<hbm>> -> memref<1x1x128xi32, #tpu.memory_space<hbm>>
        tpu.wait_dma2 semaphore(%arg19 : memref<!tpu.dma_semaphore, #tpu.memory_space<semaphore_mem>>) src(%dma_wait3A_319 : memref<1x1x128xi32, #tpu.memory_space<hbm>>) dst(%dma_wait3A_315 : memref<1x1x128xi32, #tpu.memory_space<vmem>>)
        %dma_start3A_320 = arith.constant 0 : i32
        %dma_start3A_321 = arith.constant 0 : i32
        %dma_start3A_322 = arith.constant 0 : i32
        %dma_start3A_323 = arith.constant 0 : i32
        %dma_start3A_324 = tpu.memref_slice %arg14[%dma_start3A_322, %dma_start3A_323] : memref<128x128xf32, #tpu.memory_space<vmem>> -> memref<64x128xf32, #tpu.memory_space<vmem>>
        %dma_start3A_325 = arith.constant 0 : i32
        %dma_start3A_326 = tpu.memref_slice %arg12[%dma_start3A_320, %dma_start3A_321, %dma_start3A_325] : memref<2x1x128xi32, #tpu.memory_space<vmem>> -> memref<1x1x64xi32, #tpu.memory_space<vmem>>
        %dma_start3A_327 = tpu.memref_squeeze %dma_start3A_326 : memref<1x1x64xi32, #tpu.memory_space<vmem>> -> memref<64xi32, #tpu.memory_space<vmem>>
        %dma_start3A_328 = arith.constant 0 : i32
        %dma_start3A_329 = arith.constant 0 : i32
        %dma_start3A_330 = tpu.memref_slice %arg2[%dma_start3A_328, %dma_start3A_329] : memref<10000x128xf32, #tpu.memory_space<hbm>> -> memref<10000x128xf32, #tpu.memory_space<hbm>>
        tpu.enqueue_indirect_dma source(%dma_start3A_330 : memref<10000x128xf32, #tpu.memory_space<hbm>>) target(%dma_start3A_324 : memref<64x128xf32, #tpu.memory_space<vmem>>) offsets(%dma_start3A_327 : memref<64xi32, #tpu.memory_space<vmem>>) semaphore(%arg21 : memref<!tpu.dma_semaphore, #tpu.memory_space<semaphore_mem>>)
        %dma_start3A_331 = arith.constant 0 : i32
        %dma_start3A_332 = arith.constant 0 : i32
        %dma_start3A_333 = arith.constant 64 : i32
        %dma_start3A_334 = arith.constant 0 : i32
        %dma_start3A_335 = tpu.memref_slice %arg14[%dma_start3A_333, %dma_start3A_334] : memref<128x128xf32, #tpu.memory_space<vmem>> -> memref<64x128xf32, #tpu.memory_space<vmem>>
        %dma_start3A_336 = arith.constant 64 : i32
        %dma_start3A_337 = tpu.memref_slice %arg12[%dma_start3A_331, %dma_start3A_332, %dma_start3A_336] : memref<2x1x128xi32, #tpu.memory_space<vmem>> -> memref<1x1x64xi32, #tpu.memory_space<vmem>>
        %dma_start3A_338 = tpu.memref_squeeze %dma_start3A_337 : memref<1x1x64xi32, #tpu.memory_space<vmem>> -> memref<64xi32, #tpu.memory_space<vmem>>
        %dma_start3A_339 = arith.constant 0 : i32
        %dma_start3A_340 = arith.constant 0 : i32
        %dma_start3A_341 = tpu.memref_slice %arg2[%dma_start3A_339, %dma_start3A_340] : memref<10000x128xf32, #tpu.memory_space<hbm>> -> memref<10000x128xf32, #tpu.memory_space<hbm>>
        tpu.enqueue_indirect_dma source(%dma_start3A_341 : memref<10000x128xf32, #tpu.memory_space<hbm>>) target(%dma_start3A_335 : memref<64x128xf32, #tpu.memory_space<vmem>>) offsets(%dma_start3A_338 : memref<64xi32, #tpu.memory_space<vmem>>) semaphore(%arg21 : memref<!tpu.dma_semaphore, #tpu.memory_space<semaphore_mem>>)
      } else {
      }
      %add3A_208 = arith.constant 2 : i32
      %add3A_209 = arith.addi %add3A_129, %add3A_208 : i32
      %dma_wait3A_210 = arith.constant 0 : i32
      %dma_wait3A_211 = arith.constant 0 : i32
      %dma_wait3A_212 = arith.constant 0 : i32
      %dma_wait3A_213 = arith.constant 0 : i32
      %dma_wait3A_214 = tpu.memref_slice %arg13[%dma_wait3A_212, %dma_wait3A_213] : memref<128x128xf32, #tpu.memory_space<vmem>> -> memref<64x128xf32, #tpu.memory_space<vmem>>
      %dma_wait3A_215 = arith.constant 0 : i32
      %dma_wait3A_216 = tpu.memref_slice %arg11[%dma_wait3A_210, %dma_wait3A_211, %dma_wait3A_215] : memref<2x1x128xi32, #tpu.memory_space<vmem>> -> memref<1x1x64xi32, #tpu.memory_space<vmem>>
      %dma_wait3A_217 = tpu.memref_squeeze %dma_wait3A_216 : memref<1x1x64xi32, #tpu.memory_space<vmem>> -> memref<64xi32, #tpu.memory_space<vmem>>
      %dma_wait3A_218 = arith.constant 0 : i32
      %dma_wait3A_219 = arith.constant 0 : i32
      %dma_wait3A_220 = tpu.memref_slice %arg2[%dma_wait3A_218, %dma_wait3A_219] : memref<10000x128xf32, #tpu.memory_space<hbm>> -> memref<10000x128xf32, #tpu.memory_space<hbm>>
      tpu.wait_indirect_dma semaphore(%arg20 : memref<!tpu.dma_semaphore, #tpu.memory_space<semaphore_mem>>) src(%dma_wait3A_220 : memref<10000x128xf32, #tpu.memory_space<hbm>>) dst(%dma_wait3A_214 : memref<64x128xf32, #tpu.memory_space<vmem>>)
      %dma_wait3A_221 = arith.constant 0 : i32
      %dma_wait3A_222 = arith.constant 0 : i32
      %dma_wait3A_223 = arith.constant 64 : i32
      %dma_wait3A_224 = arith.constant 0 : i32
      %dma_wait3A_225 = tpu.memref_slice %arg13[%dma_wait3A_223, %dma_wait3A_224] : memref<128x128xf32, #tpu.memory_space<vmem>> -> memref<64x128xf32, #tpu.memory_space<vmem>>
      %dma_wait3A_226 = arith.constant 64 : i32
      %dma_wait3A_227 = tpu.memref_slice %arg11[%dma_wait3A_221, %dma_wait3A_222, %dma_wait3A_226] : memref<2x1x128xi32, #tpu.memory_space<vmem>> -> memref<1x1x64xi32, #tpu.memory_space<vmem>>
      %dma_wait3A_228 = tpu.memref_squeeze %dma_wait3A_227 : memref<1x1x64xi32, #tpu.memory_space<vmem>> -> memref<64xi32, #tpu.memory_space<vmem>>
      %dma_wait3A_229 = arith.constant 0 : i32
      %dma_wait3A_230 = arith.constant 0 : i32
      %dma_wait3A_231 = tpu.memref_slice %arg2[%dma_wait3A_229, %dma_wait3A_230] : memref<10000x128xf32, #tpu.memory_space<hbm>> -> memref<10000x128xf32, #tpu.memory_space<hbm>>
      tpu.wait_indirect_dma semaphore(%arg20 : memref<!tpu.dma_semaphore, #tpu.memory_space<semaphore_mem>>) src(%dma_wait3A_231 : memref<10000x128xf32, #tpu.memory_space<hbm>>) dst(%dma_wait3A_225 : memref<64x128xf32, #tpu.memory_space<vmem>>)
      %run_scoped3A_232 = arith.constant 1 : i32
      %run_scoped3A_233 = arith.constant 0 : i32
      "tpu.region"() ({
        %run_scoped3A_288 = tpu.sem_alloc : memref<!tpu.dma_semaphore, #tpu.memory_space<semaphore_mem>>
        %dma_start3A_289 = arith.constant 0 : i32
        %dma_start3A_290 = tpu.memref_slice %arg11[%run_scoped3A_232, %run_scoped3A_233, %dma_start3A_289] : memref<2x1x128xi32, #tpu.memory_space<vmem>> -> memref<1x1x128xi32, #tpu.memory_space<vmem>>
        %dma_start3A_291 = tpu.memref_squeeze %dma_start3A_290 : memref<1x1x128xi32, #tpu.memory_space<vmem>> -> memref<128xi32, #tpu.memory_space<vmem>>
        %dma_start3A_292 = arith.constant 0 : i32
        %dma_start3A_293 = arith.constant 0 : i32
        %dma_start3A_294 = tpu.memref_slice %arg15[%dma_start3A_292, %dma_start3A_293] : memref<10240x128xf32, #tpu.memory_space<vmem_shared>> -> memref<10240x128xf32, #tpu.memory_space<vmem_shared>>
        tpu.enqueue_indirect_dma source(%arg13 : memref<128x128xf32, #tpu.memory_space<vmem>>) target(%dma_start3A_294 : memref<10240x128xf32, #tpu.memory_space<vmem_shared>>) offsets(%dma_start3A_291 : memref<128xi32, #tpu.memory_space<vmem>>) semaphore(%run_scoped3A_288 : memref<!tpu.dma_semaphore, #tpu.memory_space<semaphore_mem>>) {add = true}
        %dma_wait3A_295 = arith.constant 0 : i32
        %dma_wait3A_296 = tpu.memref_slice %arg11[%run_scoped3A_232, %run_scoped3A_233, %dma_wait3A_295] : memref<2x1x128xi32, #tpu.memory_space<vmem>> -> memref<1x1x128xi32, #tpu.memory_space<vmem>>
        %dma_wait3A_297 = tpu.memref_squeeze %dma_wait3A_296 : memref<1x1x128xi32, #tpu.memory_space<vmem>> -> memref<128xi32, #tpu.memory_space<vmem>>
        %dma_wait3A_298 = arith.constant 0 : i32
        %dma_wait3A_299 = arith.constant 0 : i32
        %dma_wait3A_300 = tpu.memref_slice %arg15[%dma_wait3A_298, %dma_wait3A_299] : memref<10240x128xf32, #tpu.memory_space<vmem_shared>> -> memref<10240x128xf32, #tpu.memory_space<vmem_shared>>
        tpu.wait_indirect_dma semaphore(%run_scoped3A_288 : memref<!tpu.dma_semaphore, #tpu.memory_space<semaphore_mem>>) src(%arg13 : memref<128x128xf32, #tpu.memory_space<vmem>>) dst(%dma_wait3A_300 : memref<10240x128xf32, #tpu.memory_space<vmem_shared>>)
        tpu.yield
      }) : () -> ()
      %add3A_234 = arith.constant 4 : i32
      %add3A_235 = arith.addi %add3A_209, %add3A_234 : i32
      %lt3A_236 = arith.constant 80 : i32
      %lt3A_237 = arith.cmpi slt, %add3A_235, %lt3A_236 : i32
      %convert_element_type3A_238 = arith.extui %lt3A_237 : i1 to i32
      %cond3A_239 = arith.constant 0 : i32
      %cond3A_240 = arith.cmpi ne, %convert_element_type3A_238, %cond3A_239 : i32
      scf.if %cond3A_240 {
        %add3A_288 = arith.constant 4 : i32
        %add3A_289 = arith.addi %add3A_209, %add3A_288 : i32
        %mul3A_290 = arith.constant 32 : i32
        %mul3A_291 = arith.muli %add3A_289, %mul3A_290 : i32
        %add3A_292 = arith.addi %mul3A_291, %add3A : i32
        %lt3A_293 = arith.constant 2500 : i32
        %lt3A_294 = arith.cmpi slt, %add3A_292, %lt3A_293 : i32
        %convert_element_type3A_295 = arith.extui %lt3A_294 : i1 to i32
        %cond3A_296 = arith.constant 0 : i32
        %cond3A_297 = arith.cmpi ne, %convert_element_type3A_295, %cond3A_296 : i32
        scf.if %cond3A_297 {
          %dma_start3A_303 = arith.constant 0 : i32
          %dma_start3A_304 = arith.constant 0 : i32
          %dma_start3A_305 = arith.constant 0 : i32
          %dma_start3A_306 = tpu.memref_slice %arg11[%dma_start3A_303, %dma_start3A_304, %dma_start3A_305] : memref<2x1x128xi32, #tpu.memory_space<vmem>> -> memref<1x1x128xi32, #tpu.memory_space<vmem>>
          %dma_start3A_307 = arith.constant 0 : i32
          %dma_start3A_308 = arith.constant 0 : i32
          %dma_start3A_309 = tpu.memref_slice %arg3[%add3A_292, %dma_start3A_307, %dma_start3A_308] : memref<2500x1x128xi32, #tpu.memory_space<hbm>> -> memref<1x1x128xi32, #tpu.memory_space<hbm>>
          %dma_start3A_310 = arith.constant 0 : i32
          %dma_start3A_311 = arith.constant 0 : i32
          %dma_start3A_312 = arith.constant 0 : i32
          %dma_start3A_313 = tpu.memref_slice %arg11[%dma_start3A_310, %dma_start3A_311, %dma_start3A_312] : memref<2x1x128xi32, #tpu.memory_space<vmem>> -> memref<1x1x128xi32, #tpu.memory_space<vmem>>
          %dma_start3A_314 = arith.constant 0 : i32
          %dma_start3A_315 = arith.constant 0 : i32
          %dma_start3A_316 = tpu.memref_slice %arg3[%add3A_292, %dma_start3A_314, %dma_start3A_315] : memref<2500x1x128xi32, #tpu.memory_space<hbm>> -> memref<1x1x128xi32, #tpu.memory_space<hbm>>
          tpu.enqueue_dma source(%dma_start3A_316 : memref<1x1x128xi32, #tpu.memory_space<hbm>>) target(%dma_start3A_313 : memref<1x1x128xi32, #tpu.memory_space<vmem>>) target_semaphore(%arg18 : memref<!tpu.dma_semaphore, #tpu.memory_space<semaphore_mem>>)
          %dma_start3A_317 = arith.constant 1 : i32
          %dma_start3A_318 = arith.constant 0 : i32
          %dma_start3A_319 = arith.constant 0 : i32
          %dma_start3A_320 = tpu.memref_slice %arg11[%dma_start3A_317, %dma_start3A_318, %dma_start3A_319] : memref<2x1x128xi32, #tpu.memory_space<vmem>> -> memref<1x1x128xi32, #tpu.memory_space<vmem>>
          %dma_start3A_321 = arith.constant 0 : i32
          %dma_start3A_322 = arith.constant 0 : i32
          %dma_start3A_323 = tpu.memref_slice %arg4[%add3A_292, %dma_start3A_321, %dma_start3A_322] : memref<2500x1x128xi32, #tpu.memory_space<hbm>> -> memref<1x1x128xi32, #tpu.memory_space<hbm>>
          %dma_start3A_324 = arith.constant 1 : i32
          %dma_start3A_325 = arith.constant 0 : i32
          %dma_start3A_326 = arith.constant 0 : i32
          %dma_start3A_327 = tpu.memref_slice %arg11[%dma_start3A_324, %dma_start3A_325, %dma_start3A_326] : memref<2x1x128xi32, #tpu.memory_space<vmem>> -> memref<1x1x128xi32, #tpu.memory_space<vmem>>
          %dma_start3A_328 = arith.constant 0 : i32
          %dma_start3A_329 = arith.constant 0 : i32
          %dma_start3A_330 = tpu.memref_slice %arg4[%add3A_292, %dma_start3A_328, %dma_start3A_329] : memref<2500x1x128xi32, #tpu.memory_space<hbm>> -> memref<1x1x128xi32, #tpu.memory_space<hbm>>
          tpu.enqueue_dma source(%dma_start3A_330 : memref<1x1x128xi32, #tpu.memory_space<hbm>>) target(%dma_start3A_327 : memref<1x1x128xi32, #tpu.memory_space<vmem>>) target_semaphore(%arg18 : memref<!tpu.dma_semaphore, #tpu.memory_space<semaphore_mem>>)
        } else {
        }
        %ge3A_298 = arith.constant 2500 : i32
        %ge3A_299 = arith.cmpi sge, %add3A_292, %ge3A_298 : i32
        %convert_element_type3A_300 = arith.extui %ge3A_299 : i1 to i32
        %cond3A_301 = arith.constant 0 : i32
        %cond3A_302 = arith.cmpi ne, %convert_element_type3A_300, %cond3A_301 : i32
        scf.if %cond3A_302 {
          %sub3A = arith.constant 2500 : i32
          %sub3A_303 = arith.subi %add3A_292, %sub3A : i32
          %dma_start3A_304 = arith.constant 0 : i32
          %dma_start3A_305 = arith.constant 0 : i32
          %dma_start3A_306 = arith.constant 0 : i32
          %dma_start3A_307 = tpu.memref_slice %arg11[%dma_start3A_304, %dma_start3A_305, %dma_start3A_306] : memref<2x1x128xi32, #tpu.memory_space<vmem>> -> memref<1x1x128xi32, #tpu.memory_space<vmem>>
          %dma_start3A_308 = arith.constant 0 : i32
          %dma_start3A_309 = arith.constant 0 : i32
          %dma_start3A_310 = tpu.memref_slice %arg5[%sub3A_303, %dma_start3A_308, %dma_start3A_309] : memref<60x1x128xi32, #tpu.memory_space<hbm>> -> memref<1x1x128xi32, #tpu.memory_space<hbm>>
          %dma_start3A_311 = arith.constant 0 : i32
          %dma_start3A_312 = arith.constant 0 : i32
          %dma_start3A_313 = arith.constant 0 : i32
          %dma_start3A_314 = tpu.memref_slice %arg11[%dma_start3A_311, %dma_start3A_312, %dma_start3A_313] : memref<2x1x128xi32, #tpu.memory_space<vmem>> -> memref<1x1x128xi32, #tpu.memory_space<vmem>>
          %dma_start3A_315 = arith.constant 0 : i32
          %dma_start3A_316 = arith.constant 0 : i32
          %dma_start3A_317 = tpu.memref_slice %arg5[%sub3A_303, %dma_start3A_315, %dma_start3A_316] : memref<60x1x128xi32, #tpu.memory_space<hbm>> -> memref<1x1x128xi32, #tpu.memory_space<hbm>>
          tpu.enqueue_dma source(%dma_start3A_317 : memref<1x1x128xi32, #tpu.memory_space<hbm>>) target(%dma_start3A_314 : memref<1x1x128xi32, #tpu.memory_space<vmem>>) target_semaphore(%arg18 : memref<!tpu.dma_semaphore, #tpu.memory_space<semaphore_mem>>)
          %sub3A_318 = arith.constant 2500 : i32
          %sub3A_319 = arith.subi %add3A_292, %sub3A_318 : i32
          %dma_start3A_320 = arith.constant 1 : i32
          %dma_start3A_321 = arith.constant 0 : i32
          %dma_start3A_322 = arith.constant 0 : i32
          %dma_start3A_323 = tpu.memref_slice %arg11[%dma_start3A_320, %dma_start3A_321, %dma_start3A_322] : memref<2x1x128xi32, #tpu.memory_space<vmem>> -> memref<1x1x128xi32, #tpu.memory_space<vmem>>
          %dma_start3A_324 = arith.constant 0 : i32
          %dma_start3A_325 = arith.constant 0 : i32
          %dma_start3A_326 = tpu.memref_slice %arg6[%sub3A_319, %dma_start3A_324, %dma_start3A_325] : memref<60x1x128xi32, #tpu.memory_space<hbm>> -> memref<1x1x128xi32, #tpu.memory_space<hbm>>
          %dma_start3A_327 = arith.constant 1 : i32
          %dma_start3A_328 = arith.constant 0 : i32
          %dma_start3A_329 = arith.constant 0 : i32
          %dma_start3A_330 = tpu.memref_slice %arg11[%dma_start3A_327, %dma_start3A_328, %dma_start3A_329] : memref<2x1x128xi32, #tpu.memory_space<vmem>> -> memref<1x1x128xi32, #tpu.memory_space<vmem>>
          %dma_start3A_331 = arith.constant 0 : i32
          %dma_start3A_332 = arith.constant 0 : i32
          %dma_start3A_333 = tpu.memref_slice %arg6[%sub3A_319, %dma_start3A_331, %dma_start3A_332] : memref<60x1x128xi32, #tpu.memory_space<hbm>> -> memref<1x1x128xi32, #tpu.memory_space<hbm>>
          tpu.enqueue_dma source(%dma_start3A_333 : memref<1x1x128xi32, #tpu.memory_space<hbm>>) target(%dma_start3A_330 : memref<1x1x128xi32, #tpu.memory_space<vmem>>) target_semaphore(%arg18 : memref<!tpu.dma_semaphore, #tpu.memory_space<semaphore_mem>>)
        } else {
        }
      } else {
      }
      %add3A_241 = arith.constant 2 : i32
      %add3A_242 = arith.addi %add3A_209, %add3A_241 : i32
      %lt3A_243 = arith.constant 80 : i32
      %lt3A_244 = arith.cmpi slt, %add3A_242, %lt3A_243 : i32
      %convert_element_type3A_245 = arith.extui %lt3A_244 : i1 to i32
      %cond3A_246 = arith.constant 0 : i32
      %cond3A_247 = arith.cmpi ne, %convert_element_type3A_245, %cond3A_246 : i32
      scf.if %cond3A_247 {
        %dma_wait3A_288 = arith.constant 0 : i32
        %dma_wait3A_289 = arith.constant 0 : i32
        %dma_wait3A_290 = arith.constant 0 : i32
        %dma_wait3A_291 = tpu.memref_slice %arg9[%dma_wait3A_288, %dma_wait3A_289, %dma_wait3A_290] : memref<2x1x128xi32, #tpu.memory_space<vmem>> -> memref<1x1x128xi32, #tpu.memory_space<vmem>>
        %dma_wait3A_292 = arith.constant 0 : i32
        %dma_wait3A_293 = arith.constant 0 : i32
        %dma_wait3A_294 = arith.constant 0 : i32
        %dma_wait3A_295 = tpu.memref_slice %arg3[%dma_wait3A_292, %dma_wait3A_293, %dma_wait3A_294] : memref<2500x1x128xi32, #tpu.memory_space<hbm>> -> memref<1x1x128xi32, #tpu.memory_space<hbm>>
        %dma_wait3A_296 = arith.constant 0 : i32
        %dma_wait3A_297 = arith.constant 0 : i32
        %dma_wait3A_298 = arith.constant 0 : i32
        %dma_wait3A_299 = tpu.memref_slice %arg9[%dma_wait3A_296, %dma_wait3A_297, %dma_wait3A_298] : memref<2x1x128xi32, #tpu.memory_space<vmem>> -> memref<1x1x128xi32, #tpu.memory_space<vmem>>
        %dma_wait3A_300 = arith.constant 0 : i32
        %dma_wait3A_301 = arith.constant 0 : i32
        %dma_wait3A_302 = arith.constant 0 : i32
        %dma_wait3A_303 = tpu.memref_slice %arg3[%dma_wait3A_300, %dma_wait3A_301, %dma_wait3A_302] : memref<2500x1x128xi32, #tpu.memory_space<hbm>> -> memref<1x1x128xi32, #tpu.memory_space<hbm>>
        tpu.wait_dma2 semaphore(%arg16 : memref<!tpu.dma_semaphore, #tpu.memory_space<semaphore_mem>>) src(%dma_wait3A_303 : memref<1x1x128xi32, #tpu.memory_space<hbm>>) dst(%dma_wait3A_299 : memref<1x1x128xi32, #tpu.memory_space<vmem>>)
        %dma_wait3A_304 = arith.constant 1 : i32
        %dma_wait3A_305 = arith.constant 0 : i32
        %dma_wait3A_306 = arith.constant 0 : i32
        %dma_wait3A_307 = tpu.memref_slice %arg9[%dma_wait3A_304, %dma_wait3A_305, %dma_wait3A_306] : memref<2x1x128xi32, #tpu.memory_space<vmem>> -> memref<1x1x128xi32, #tpu.memory_space<vmem>>
        %dma_wait3A_308 = arith.constant 0 : i32
        %dma_wait3A_309 = arith.constant 0 : i32
        %dma_wait3A_310 = arith.constant 0 : i32
        %dma_wait3A_311 = tpu.memref_slice %arg3[%dma_wait3A_308, %dma_wait3A_309, %dma_wait3A_310] : memref<2500x1x128xi32, #tpu.memory_space<hbm>> -> memref<1x1x128xi32, #tpu.memory_space<hbm>>
        %dma_wait3A_312 = arith.constant 1 : i32
        %dma_wait3A_313 = arith.constant 0 : i32
        %dma_wait3A_314 = arith.constant 0 : i32
        %dma_wait3A_315 = tpu.memref_slice %arg9[%dma_wait3A_312, %dma_wait3A_313, %dma_wait3A_314] : memref<2x1x128xi32, #tpu.memory_space<vmem>> -> memref<1x1x128xi32, #tpu.memory_space<vmem>>
        %dma_wait3A_316 = arith.constant 0 : i32
        %dma_wait3A_317 = arith.constant 0 : i32
        %dma_wait3A_318 = arith.constant 0 : i32
        %dma_wait3A_319 = tpu.memref_slice %arg3[%dma_wait3A_316, %dma_wait3A_317, %dma_wait3A_318] : memref<2500x1x128xi32, #tpu.memory_space<hbm>> -> memref<1x1x128xi32, #tpu.memory_space<hbm>>
        tpu.wait_dma2 semaphore(%arg16 : memref<!tpu.dma_semaphore, #tpu.memory_space<semaphore_mem>>) src(%dma_wait3A_319 : memref<1x1x128xi32, #tpu.memory_space<hbm>>) dst(%dma_wait3A_315 : memref<1x1x128xi32, #tpu.memory_space<vmem>>)
        %dma_start3A_320 = arith.constant 0 : i32
        %dma_start3A_321 = arith.constant 0 : i32
        %dma_start3A_322 = arith.constant 0 : i32
        %dma_start3A_323 = arith.constant 0 : i32
        %dma_start3A_324 = tpu.memref_slice %arg13[%dma_start3A_322, %dma_start3A_323] : memref<128x128xf32, #tpu.memory_space<vmem>> -> memref<64x128xf32, #tpu.memory_space<vmem>>
        %dma_start3A_325 = arith.constant 0 : i32
        %dma_start3A_326 = tpu.memref_slice %arg9[%dma_start3A_320, %dma_start3A_321, %dma_start3A_325] : memref<2x1x128xi32, #tpu.memory_space<vmem>> -> memref<1x1x64xi32, #tpu.memory_space<vmem>>
        %dma_start3A_327 = tpu.memref_squeeze %dma_start3A_326 : memref<1x1x64xi32, #tpu.memory_space<vmem>> -> memref<64xi32, #tpu.memory_space<vmem>>
        %dma_start3A_328 = arith.constant 0 : i32
        %dma_start3A_329 = arith.constant 0 : i32
        %dma_start3A_330 = tpu.memref_slice %arg2[%dma_start3A_328, %dma_start3A_329] : memref<10000x128xf32, #tpu.memory_space<hbm>> -> memref<10000x128xf32, #tpu.memory_space<hbm>>
        tpu.enqueue_indirect_dma source(%dma_start3A_330 : memref<10000x128xf32, #tpu.memory_space<hbm>>) target(%dma_start3A_324 : memref<64x128xf32, #tpu.memory_space<vmem>>) offsets(%dma_start3A_327 : memref<64xi32, #tpu.memory_space<vmem>>) semaphore(%arg20 : memref<!tpu.dma_semaphore, #tpu.memory_space<semaphore_mem>>)
        %dma_start3A_331 = arith.constant 0 : i32
        %dma_start3A_332 = arith.constant 0 : i32
        %dma_start3A_333 = arith.constant 64 : i32
        %dma_start3A_334 = arith.constant 0 : i32
        %dma_start3A_335 = tpu.memref_slice %arg13[%dma_start3A_333, %dma_start3A_334] : memref<128x128xf32, #tpu.memory_space<vmem>> -> memref<64x128xf32, #tpu.memory_space<vmem>>
        %dma_start3A_336 = arith.constant 64 : i32
        %dma_start3A_337 = tpu.memref_slice %arg9[%dma_start3A_331, %dma_start3A_332, %dma_start3A_336] : memref<2x1x128xi32, #tpu.memory_space<vmem>> -> memref<1x1x64xi32, #tpu.memory_space<vmem>>
        %dma_start3A_338 = tpu.memref_squeeze %dma_start3A_337 : memref<1x1x64xi32, #tpu.memory_space<vmem>> -> memref<64xi32, #tpu.memory_space<vmem>>
        %dma_start3A_339 = arith.constant 0 : i32
        %dma_start3A_340 = arith.constant 0 : i32
        %dma_start3A_341 = tpu.memref_slice %arg2[%dma_start3A_339, %dma_start3A_340] : memref<10000x128xf32, #tpu.memory_space<hbm>> -> memref<10000x128xf32, #tpu.memory_space<hbm>>
        tpu.enqueue_indirect_dma source(%dma_start3A_341 : memref<10000x128xf32, #tpu.memory_space<hbm>>) target(%dma_start3A_335 : memref<64x128xf32, #tpu.memory_space<vmem>>) offsets(%dma_start3A_338 : memref<64xi32, #tpu.memory_space<vmem>>) semaphore(%arg20 : memref<!tpu.dma_semaphore, #tpu.memory_space<semaphore_mem>>)
      } else {
      }
      %add3A_248 = arith.constant 3 : i32
      %add3A_249 = arith.addi %add3A_129, %add3A_248 : i32
      %dma_wait3A_250 = arith.constant 0 : i32
      %dma_wait3A_251 = arith.constant 0 : i32
      %dma_wait3A_252 = arith.constant 0 : i32
      %dma_wait3A_253 = arith.constant 0 : i32
      %dma_wait3A_254 = tpu.memref_slice %arg14[%dma_wait3A_252, %dma_wait3A_253] : memref<128x128xf32, #tpu.memory_space<vmem>> -> memref<64x128xf32, #tpu.memory_space<vmem>>
      %dma_wait3A_255 = arith.constant 0 : i32
      %dma_wait3A_256 = tpu.memref_slice %arg12[%dma_wait3A_250, %dma_wait3A_251, %dma_wait3A_255] : memref<2x1x128xi32, #tpu.memory_space<vmem>> -> memref<1x1x64xi32, #tpu.memory_space<vmem>>
      %dma_wait3A_257 = tpu.memref_squeeze %dma_wait3A_256 : memref<1x1x64xi32, #tpu.memory_space<vmem>> -> memref<64xi32, #tpu.memory_space<vmem>>
      %dma_wait3A_258 = arith.constant 0 : i32
      %dma_wait3A_259 = arith.constant 0 : i32
      %dma_wait3A_260 = tpu.memref_slice %arg2[%dma_wait3A_258, %dma_wait3A_259] : memref<10000x128xf32, #tpu.memory_space<hbm>> -> memref<10000x128xf32, #tpu.memory_space<hbm>>
      tpu.wait_indirect_dma semaphore(%arg21 : memref<!tpu.dma_semaphore, #tpu.memory_space<semaphore_mem>>) src(%dma_wait3A_260 : memref<10000x128xf32, #tpu.memory_space<hbm>>) dst(%dma_wait3A_254 : memref<64x128xf32, #tpu.memory_space<vmem>>)
      %dma_wait3A_261 = arith.constant 0 : i32
      %dma_wait3A_262 = arith.constant 0 : i32
      %dma_wait3A_263 = arith.constant 64 : i32
      %dma_wait3A_264 = arith.constant 0 : i32
      %dma_wait3A_265 = tpu.memref_slice %arg14[%dma_wait3A_263, %dma_wait3A_264] : memref<128x128xf32, #tpu.memory_space<vmem>> -> memref<64x128xf32, #tpu.memory_space<vmem>>
      %dma_wait3A_266 = arith.constant 64 : i32
      %dma_wait3A_267 = tpu.memref_slice %arg12[%dma_wait3A_261, %dma_wait3A_262, %dma_wait3A_266] : memref<2x1x128xi32, #tpu.memory_space<vmem>> -> memref<1x1x64xi32, #tpu.memory_space<vmem>>
      %dma_wait3A_268 = tpu.memref_squeeze %dma_wait3A_267 : memref<1x1x64xi32, #tpu.memory_space<vmem>> -> memref<64xi32, #tpu.memory_space<vmem>>
      %dma_wait3A_269 = arith.constant 0 : i32
      %dma_wait3A_270 = arith.constant 0 : i32
      %dma_wait3A_271 = tpu.memref_slice %arg2[%dma_wait3A_269, %dma_wait3A_270] : memref<10000x128xf32, #tpu.memory_space<hbm>> -> memref<10000x128xf32, #tpu.memory_space<hbm>>
      tpu.wait_indirect_dma semaphore(%arg21 : memref<!tpu.dma_semaphore, #tpu.memory_space<semaphore_mem>>) src(%dma_wait3A_271 : memref<10000x128xf32, #tpu.memory_space<hbm>>) dst(%dma_wait3A_265 : memref<64x128xf32, #tpu.memory_space<vmem>>)
      %run_scoped3A_272 = arith.constant 1 : i32
      %run_scoped3A_273 = arith.constant 0 : i32
      "tpu.region"() ({
        %run_scoped3A_288 = tpu.sem_alloc : memref<!tpu.dma_semaphore, #tpu.memory_space<semaphore_mem>>
        %dma_start3A_289 = arith.constant 0 : i32
        %dma_start3A_290 = tpu.memref_slice %arg12[%run_scoped3A_272, %run_scoped3A_273, %dma_start3A_289] : memref<2x1x128xi32, #tpu.memory_space<vmem>> -> memref<1x1x128xi32, #tpu.memory_space<vmem>>
        %dma_start3A_291 = tpu.memref_squeeze %dma_start3A_290 : memref<1x1x128xi32, #tpu.memory_space<vmem>> -> memref<128xi32, #tpu.memory_space<vmem>>
        %dma_start3A_292 = arith.constant 0 : i32
        %dma_start3A_293 = arith.constant 0 : i32
        %dma_start3A_294 = tpu.memref_slice %arg15[%dma_start3A_292, %dma_start3A_293] : memref<10240x128xf32, #tpu.memory_space<vmem_shared>> -> memref<10240x128xf32, #tpu.memory_space<vmem_shared>>
        tpu.enqueue_indirect_dma source(%arg14 : memref<128x128xf32, #tpu.memory_space<vmem>>) target(%dma_start3A_294 : memref<10240x128xf32, #tpu.memory_space<vmem_shared>>) offsets(%dma_start3A_291 : memref<128xi32, #tpu.memory_space<vmem>>) semaphore(%run_scoped3A_288 : memref<!tpu.dma_semaphore, #tpu.memory_space<semaphore_mem>>) {add = true}
        %dma_wait3A_295 = arith.constant 0 : i32
        %dma_wait3A_296 = tpu.memref_slice %arg12[%run_scoped3A_272, %run_scoped3A_273, %dma_wait3A_295] : memref<2x1x128xi32, #tpu.memory_space<vmem>> -> memref<1x1x128xi32, #tpu.memory_space<vmem>>
        %dma_wait3A_297 = tpu.memref_squeeze %dma_wait3A_296 : memref<1x1x128xi32, #tpu.memory_space<vmem>> -> memref<128xi32, #tpu.memory_space<vmem>>
        %dma_wait3A_298 = arith.constant 0 : i32
        %dma_wait3A_299 = arith.constant 0 : i32
        %dma_wait3A_300 = tpu.memref_slice %arg15[%dma_wait3A_298, %dma_wait3A_299] : memref<10240x128xf32, #tpu.memory_space<vmem_shared>> -> memref<10240x128xf32, #tpu.memory_space<vmem_shared>>
        tpu.wait_indirect_dma semaphore(%run_scoped3A_288 : memref<!tpu.dma_semaphore, #tpu.memory_space<semaphore_mem>>) src(%arg14 : memref<128x128xf32, #tpu.memory_space<vmem>>) dst(%dma_wait3A_300 : memref<10240x128xf32, #tpu.memory_space<vmem_shared>>)
        tpu.yield
      }) : () -> ()
      %add3A_274 = arith.constant 4 : i32
      %add3A_275 = arith.addi %add3A_249, %add3A_274 : i32
      %lt3A_276 = arith.constant 80 : i32
      %lt3A_277 = arith.cmpi slt, %add3A_275, %lt3A_276 : i32
      %convert_element_type3A_278 = arith.extui %lt3A_277 : i1 to i32
      %cond3A_279 = arith.constant 0 : i32
      %cond3A_280 = arith.cmpi ne, %convert_element_type3A_278, %cond3A_279 : i32
      scf.if %cond3A_280 {
        %add3A_288 = arith.constant 4 : i32
        %add3A_289 = arith.addi %add3A_249, %add3A_288 : i32
        %mul3A_290 = arith.constant 32 : i32
        %mul3A_291 = arith.muli %add3A_289, %mul3A_290 : i32
        %add3A_292 = arith.addi %mul3A_291, %add3A : i32
        %lt3A_293 = arith.constant 2500 : i32
        %lt3A_294 = arith.cmpi slt, %add3A_292, %lt3A_293 : i32
        %convert_element_type3A_295 = arith.extui %lt3A_294 : i1 to i32
        %cond3A_296 = arith.constant 0 : i32
        %cond3A_297 = arith.cmpi ne, %convert_element_type3A_295, %cond3A_296 : i32
        scf.if %cond3A_297 {
          %dma_start3A_303 = arith.constant 0 : i32
          %dma_start3A_304 = arith.constant 0 : i32
          %dma_start3A_305 = arith.constant 0 : i32
          %dma_start3A_306 = tpu.memref_slice %arg12[%dma_start3A_303, %dma_start3A_304, %dma_start3A_305] : memref<2x1x128xi32, #tpu.memory_space<vmem>> -> memref<1x1x128xi32, #tpu.memory_space<vmem>>
          %dma_start3A_307 = arith.constant 0 : i32
          %dma_start3A_308 = arith.constant 0 : i32
          %dma_start3A_309 = tpu.memref_slice %arg3[%add3A_292, %dma_start3A_307, %dma_start3A_308] : memref<2500x1x128xi32, #tpu.memory_space<hbm>> -> memref<1x1x128xi32, #tpu.memory_space<hbm>>
          %dma_start3A_310 = arith.constant 0 : i32
          %dma_start3A_311 = arith.constant 0 : i32
          %dma_start3A_312 = arith.constant 0 : i32
          %dma_start3A_313 = tpu.memref_slice %arg12[%dma_start3A_310, %dma_start3A_311, %dma_start3A_312] : memref<2x1x128xi32, #tpu.memory_space<vmem>> -> memref<1x1x128xi32, #tpu.memory_space<vmem>>
          %dma_start3A_314 = arith.constant 0 : i32
          %dma_start3A_315 = arith.constant 0 : i32
          %dma_start3A_316 = tpu.memref_slice %arg3[%add3A_292, %dma_start3A_314, %dma_start3A_315] : memref<2500x1x128xi32, #tpu.memory_space<hbm>> -> memref<1x1x128xi32, #tpu.memory_space<hbm>>
          tpu.enqueue_dma source(%dma_start3A_316 : memref<1x1x128xi32, #tpu.memory_space<hbm>>) target(%dma_start3A_313 : memref<1x1x128xi32, #tpu.memory_space<vmem>>) target_semaphore(%arg19 : memref<!tpu.dma_semaphore, #tpu.memory_space<semaphore_mem>>)
          %dma_start3A_317 = arith.constant 1 : i32
          %dma_start3A_318 = arith.constant 0 : i32
          %dma_start3A_319 = arith.constant 0 : i32
          %dma_start3A_320 = tpu.memref_slice %arg12[%dma_start3A_317, %dma_start3A_318, %dma_start3A_319] : memref<2x1x128xi32, #tpu.memory_space<vmem>> -> memref<1x1x128xi32, #tpu.memory_space<vmem>>
          %dma_start3A_321 = arith.constant 0 : i32
          %dma_start3A_322 = arith.constant 0 : i32
          %dma_start3A_323 = tpu.memref_slice %arg4[%add3A_292, %dma_start3A_321, %dma_start3A_322] : memref<2500x1x128xi32, #tpu.memory_space<hbm>> -> memref<1x1x128xi32, #tpu.memory_space<hbm>>
          %dma_start3A_324 = arith.constant 1 : i32
          %dma_start3A_325 = arith.constant 0 : i32
          %dma_start3A_326 = arith.constant 0 : i32
          %dma_start3A_327 = tpu.memref_slice %arg12[%dma_start3A_324, %dma_start3A_325, %dma_start3A_326] : memref<2x1x128xi32, #tpu.memory_space<vmem>> -> memref<1x1x128xi32, #tpu.memory_space<vmem>>
          %dma_start3A_328 = arith.constant 0 : i32
          %dma_start3A_329 = arith.constant 0 : i32
          %dma_start3A_330 = tpu.memref_slice %arg4[%add3A_292, %dma_start3A_328, %dma_start3A_329] : memref<2500x1x128xi32, #tpu.memory_space<hbm>> -> memref<1x1x128xi32, #tpu.memory_space<hbm>>
          tpu.enqueue_dma source(%dma_start3A_330 : memref<1x1x128xi32, #tpu.memory_space<hbm>>) target(%dma_start3A_327 : memref<1x1x128xi32, #tpu.memory_space<vmem>>) target_semaphore(%arg19 : memref<!tpu.dma_semaphore, #tpu.memory_space<semaphore_mem>>)
        } else {
        }
        %ge3A_298 = arith.constant 2500 : i32
        %ge3A_299 = arith.cmpi sge, %add3A_292, %ge3A_298 : i32
        %convert_element_type3A_300 = arith.extui %ge3A_299 : i1 to i32
        %cond3A_301 = arith.constant 0 : i32
        %cond3A_302 = arith.cmpi ne, %convert_element_type3A_300, %cond3A_301 : i32
        scf.if %cond3A_302 {
          %sub3A = arith.constant 2500 : i32
          %sub3A_303 = arith.subi %add3A_292, %sub3A : i32
          %dma_start3A_304 = arith.constant 0 : i32
          %dma_start3A_305 = arith.constant 0 : i32
          %dma_start3A_306 = arith.constant 0 : i32
          %dma_start3A_307 = tpu.memref_slice %arg12[%dma_start3A_304, %dma_start3A_305, %dma_start3A_306] : memref<2x1x128xi32, #tpu.memory_space<vmem>> -> memref<1x1x128xi32, #tpu.memory_space<vmem>>
          %dma_start3A_308 = arith.constant 0 : i32
          %dma_start3A_309 = arith.constant 0 : i32
          %dma_start3A_310 = tpu.memref_slice %arg5[%sub3A_303, %dma_start3A_308, %dma_start3A_309] : memref<60x1x128xi32, #tpu.memory_space<hbm>> -> memref<1x1x128xi32, #tpu.memory_space<hbm>>
          %dma_start3A_311 = arith.constant 0 : i32
          %dma_start3A_312 = arith.constant 0 : i32
          %dma_start3A_313 = arith.constant 0 : i32
          %dma_start3A_314 = tpu.memref_slice %arg12[%dma_start3A_311, %dma_start3A_312, %dma_start3A_313] : memref<2x1x128xi32, #tpu.memory_space<vmem>> -> memref<1x1x128xi32, #tpu.memory_space<vmem>>
          %dma_start3A_315 = arith.constant 0 : i32
          %dma_start3A_316 = arith.constant 0 : i32
          %dma_start3A_317 = tpu.memref_slice %arg5[%sub3A_303, %dma_start3A_315, %dma_start3A_316] : memref<60x1x128xi32, #tpu.memory_space<hbm>> -> memref<1x1x128xi32, #tpu.memory_space<hbm>>
          tpu.enqueue_dma source(%dma_start3A_317 : memref<1x1x128xi32, #tpu.memory_space<hbm>>) target(%dma_start3A_314 : memref<1x1x128xi32, #tpu.memory_space<vmem>>) target_semaphore(%arg19 : memref<!tpu.dma_semaphore, #tpu.memory_space<semaphore_mem>>)
          %sub3A_318 = arith.constant 2500 : i32
          %sub3A_319 = arith.subi %add3A_292, %sub3A_318 : i32
          %dma_start3A_320 = arith.constant 1 : i32
          %dma_start3A_321 = arith.constant 0 : i32
          %dma_start3A_322 = arith.constant 0 : i32
          %dma_start3A_323 = tpu.memref_slice %arg12[%dma_start3A_320, %dma_start3A_321, %dma_start3A_322] : memref<2x1x128xi32, #tpu.memory_space<vmem>> -> memref<1x1x128xi32, #tpu.memory_space<vmem>>
          %dma_start3A_324 = arith.constant 0 : i32
          %dma_start3A_325 = arith.constant 0 : i32
          %dma_start3A_326 = tpu.memref_slice %arg6[%sub3A_319, %dma_start3A_324, %dma_start3A_325] : memref<60x1x128xi32, #tpu.memory_space<hbm>> -> memref<1x1x128xi32, #tpu.memory_space<hbm>>
          %dma_start3A_327 = arith.constant 1 : i32
          %dma_start3A_328 = arith.constant 0 : i32
          %dma_start3A_329 = arith.constant 0 : i32
          %dma_start3A_330 = tpu.memref_slice %arg12[%dma_start3A_327, %dma_start3A_328, %dma_start3A_329] : memref<2x1x128xi32, #tpu.memory_space<vmem>> -> memref<1x1x128xi32, #tpu.memory_space<vmem>>
          %dma_start3A_331 = arith.constant 0 : i32
          %dma_start3A_332 = arith.constant 0 : i32
          %dma_start3A_333 = tpu.memref_slice %arg6[%sub3A_319, %dma_start3A_331, %dma_start3A_332] : memref<60x1x128xi32, #tpu.memory_space<hbm>> -> memref<1x1x128xi32, #tpu.memory_space<hbm>>
          tpu.enqueue_dma source(%dma_start3A_333 : memref<1x1x128xi32, #tpu.memory_space<hbm>>) target(%dma_start3A_330 : memref<1x1x128xi32, #tpu.memory_space<vmem>>) target_semaphore(%arg19 : memref<!tpu.dma_semaphore, #tpu.memory_space<semaphore_mem>>)
        } else {
        }
      } else {
      }
      %add3A_281 = arith.constant 2 : i32
      %add3A_282 = arith.addi %add3A_249, %add3A_281 : i32
      %lt3A_283 = arith.constant 80 : i32
      %lt3A_284 = arith.cmpi slt, %add3A_282, %lt3A_283 : i32
      %convert_element_type3A_285 = arith.extui %lt3A_284 : i1 to i32
      %cond3A_286 = arith.constant 0 : i32
      %cond3A_287 = arith.cmpi ne, %convert_element_type3A_285, %cond3A_286 : i32
      scf.if %cond3A_287 {
        %dma_wait3A_288 = arith.constant 0 : i32
        %dma_wait3A_289 = arith.constant 0 : i32
        %dma_wait3A_290 = arith.constant 0 : i32
        %dma_wait3A_291 = tpu.memref_slice %arg10[%dma_wait3A_288, %dma_wait3A_289, %dma_wait3A_290] : memref<2x1x128xi32, #tpu.memory_space<vmem>> -> memref<1x1x128xi32, #tpu.memory_space<vmem>>
        %dma_wait3A_292 = arith.constant 0 : i32
        %dma_wait3A_293 = arith.constant 0 : i32
        %dma_wait3A_294 = arith.constant 0 : i32
        %dma_wait3A_295 = tpu.memref_slice %arg3[%dma_wait3A_292, %dma_wait3A_293, %dma_wait3A_294] : memref<2500x1x128xi32, #tpu.memory_space<hbm>> -> memref<1x1x128xi32, #tpu.memory_space<hbm>>
        %dma_wait3A_296 = arith.constant 0 : i32
        %dma_wait3A_297 = arith.constant 0 : i32
        %dma_wait3A_298 = arith.constant 0 : i32
        %dma_wait3A_299 = tpu.memref_slice %arg10[%dma_wait3A_296, %dma_wait3A_297, %dma_wait3A_298] : memref<2x1x128xi32, #tpu.memory_space<vmem>> -> memref<1x1x128xi32, #tpu.memory_space<vmem>>
        %dma_wait3A_300 = arith.constant 0 : i32
        %dma_wait3A_301 = arith.constant 0 : i32
        %dma_wait3A_302 = arith.constant 0 : i32
        %dma_wait3A_303 = tpu.memref_slice %arg3[%dma_wait3A_300, %dma_wait3A_301, %dma_wait3A_302] : memref<2500x1x128xi32, #tpu.memory_space<hbm>> -> memref<1x1x128xi32, #tpu.memory_space<hbm>>
        tpu.wait_dma2 semaphore(%arg17 : memref<!tpu.dma_semaphore, #tpu.memory_space<semaphore_mem>>) src(%dma_wait3A_303 : memref<1x1x128xi32, #tpu.memory_space<hbm>>) dst(%dma_wait3A_299 : memref<1x1x128xi32, #tpu.memory_space<vmem>>)
        %dma_wait3A_304 = arith.constant 1 : i32
        %dma_wait3A_305 = arith.constant 0 : i32
        %dma_wait3A_306 = arith.constant 0 : i32
        %dma_wait3A_307 = tpu.memref_slice %arg10[%dma_wait3A_304, %dma_wait3A_305, %dma_wait3A_306] : memref<2x1x128xi32, #tpu.memory_space<vmem>> -> memref<1x1x128xi32, #tpu.memory_space<vmem>>
        %dma_wait3A_308 = arith.constant 0 : i32
        %dma_wait3A_309 = arith.constant 0 : i32
        %dma_wait3A_310 = arith.constant 0 : i32
        %dma_wait3A_311 = tpu.memref_slice %arg3[%dma_wait3A_308, %dma_wait3A_309, %dma_wait3A_310] : memref<2500x1x128xi32, #tpu.memory_space<hbm>> -> memref<1x1x128xi32, #tpu.memory_space<hbm>>
        %dma_wait3A_312 = arith.constant 1 : i32
        %dma_wait3A_313 = arith.constant 0 : i32
        %dma_wait3A_314 = arith.constant 0 : i32
        %dma_wait3A_315 = tpu.memref_slice %arg10[%dma_wait3A_312, %dma_wait3A_313, %dma_wait3A_314] : memref<2x1x128xi32, #tpu.memory_space<vmem>> -> memref<1x1x128xi32, #tpu.memory_space<vmem>>
        %dma_wait3A_316 = arith.constant 0 : i32
        %dma_wait3A_317 = arith.constant 0 : i32
        %dma_wait3A_318 = arith.constant 0 : i32
        %dma_wait3A_319 = tpu.memref_slice %arg3[%dma_wait3A_316, %dma_wait3A_317, %dma_wait3A_318] : memref<2500x1x128xi32, #tpu.memory_space<hbm>> -> memref<1x1x128xi32, #tpu.memory_space<hbm>>
        tpu.wait_dma2 semaphore(%arg17 : memref<!tpu.dma_semaphore, #tpu.memory_space<semaphore_mem>>) src(%dma_wait3A_319 : memref<1x1x128xi32, #tpu.memory_space<hbm>>) dst(%dma_wait3A_315 : memref<1x1x128xi32, #tpu.memory_space<vmem>>)
        %dma_start3A_320 = arith.constant 0 : i32
        %dma_start3A_321 = arith.constant 0 : i32
        %dma_start3A_322 = arith.constant 0 : i32
        %dma_start3A_323 = arith.constant 0 : i32
        %dma_start3A_324 = tpu.memref_slice %arg14[%dma_start3A_322, %dma_start3A_323] : memref<128x128xf32, #tpu.memory_space<vmem>> -> memref<64x128xf32, #tpu.memory_space<vmem>>
        %dma_start3A_325 = arith.constant 0 : i32
        %dma_start3A_326 = tpu.memref_slice %arg10[%dma_start3A_320, %dma_start3A_321, %dma_start3A_325] : memref<2x1x128xi32, #tpu.memory_space<vmem>> -> memref<1x1x64xi32, #tpu.memory_space<vmem>>
        %dma_start3A_327 = tpu.memref_squeeze %dma_start3A_326 : memref<1x1x64xi32, #tpu.memory_space<vmem>> -> memref<64xi32, #tpu.memory_space<vmem>>
        %dma_start3A_328 = arith.constant 0 : i32
        %dma_start3A_329 = arith.constant 0 : i32
        %dma_start3A_330 = tpu.memref_slice %arg2[%dma_start3A_328, %dma_start3A_329] : memref<10000x128xf32, #tpu.memory_space<hbm>> -> memref<10000x128xf32, #tpu.memory_space<hbm>>
        tpu.enqueue_indirect_dma source(%dma_start3A_330 : memref<10000x128xf32, #tpu.memory_space<hbm>>) target(%dma_start3A_324 : memref<64x128xf32, #tpu.memory_space<vmem>>) offsets(%dma_start3A_327 : memref<64xi32, #tpu.memory_space<vmem>>) semaphore(%arg21 : memref<!tpu.dma_semaphore, #tpu.memory_space<semaphore_mem>>)
        %dma_start3A_331 = arith.constant 0 : i32
        %dma_start3A_332 = arith.constant 0 : i32
        %dma_start3A_333 = arith.constant 64 : i32
        %dma_start3A_334 = arith.constant 0 : i32
        %dma_start3A_335 = tpu.memref_slice %arg14[%dma_start3A_333, %dma_start3A_334] : memref<128x128xf32, #tpu.memory_space<vmem>> -> memref<64x128xf32, #tpu.memory_space<vmem>>
        %dma_start3A_336 = arith.constant 64 : i32
        %dma_start3A_337 = tpu.memref_slice %arg10[%dma_start3A_331, %dma_start3A_332, %dma_start3A_336] : memref<2x1x128xi32, #tpu.memory_space<vmem>> -> memref<1x1x64xi32, #tpu.memory_space<vmem>>
        %dma_start3A_338 = tpu.memref_squeeze %dma_start3A_337 : memref<1x1x64xi32, #tpu.memory_space<vmem>> -> memref<64xi32, #tpu.memory_space<vmem>>
        %dma_start3A_339 = arith.constant 0 : i32
        %dma_start3A_340 = arith.constant 0 : i32
        %dma_start3A_341 = tpu.memref_slice %arg2[%dma_start3A_339, %dma_start3A_340] : memref<10000x128xf32, #tpu.memory_space<hbm>> -> memref<10000x128xf32, #tpu.memory_space<hbm>>
        tpu.enqueue_indirect_dma source(%dma_start3A_341 : memref<10000x128xf32, #tpu.memory_space<hbm>>) target(%dma_start3A_335 : memref<64x128xf32, #tpu.memory_space<vmem>>) offsets(%dma_start3A_338 : memref<64xi32, #tpu.memory_space<vmem>>) semaphore(%arg21 : memref<!tpu.dma_semaphore, #tpu.memory_space<semaphore_mem>>)
      } else {
      }
    }
    %scan3A_123 = arith.constant 20 : i32
    %barrier3A_124 = arith.constant 0 : index
    tpu.barrier barrier_id(%barrier3A_124)
    "tpu.region"() ({
      %run_scoped3A = tpu.sem_alloc : memref<!tpu.dma_semaphore, #tpu.memory_space<semaphore_mem>>
      %dma_start3A_125 = arith.constant 0 : i32
      %dma_start3A_126 = tpu.memref_slice %arg8[%arg0, %mul3A_2, %dma_start3A_125] : memref<2x10240x128xf32, #tpu.memory_space<hbm>> -> memref<1x640x128xf32, #tpu.memory_space<hbm>>
      %dma_start3A_127 = tpu.memref_squeeze %dma_start3A_126 : memref<1x640x128xf32, #tpu.memory_space<hbm>> -> memref<640x128xf32, #tpu.memory_space<hbm>>
      %dma_start3A_128 = arith.constant 0 : i32
      %dma_start3A_129 = tpu.memref_slice %arg15[%mul3A_2, %dma_start3A_128] : memref<10240x128xf32, #tpu.memory_space<vmem_shared>> -> memref<640x128xf32, #tpu.memory_space<vmem_shared>>
      tpu.enqueue_dma source(%dma_start3A_129 : memref<640x128xf32, #tpu.memory_space<vmem_shared>>) target(%dma_start3A_127 : memref<640x128xf32, #tpu.memory_space<hbm>>) target_semaphore(%run_scoped3A : memref<!tpu.dma_semaphore, #tpu.memory_space<semaphore_mem>>)
      %dma_wait3A = arith.constant 0 : i32
      %dma_wait3A_130 = tpu.memref_slice %arg8[%arg0, %mul3A_2, %dma_wait3A] : memref<2x10240x128xf32, #tpu.memory_space<hbm>> -> memref<1x640x128xf32, #tpu.memory_space<hbm>>
      %dma_wait3A_131 = tpu.memref_squeeze %dma_wait3A_130 : memref<1x640x128xf32, #tpu.memory_space<hbm>> -> memref<640x128xf32, #tpu.memory_space<hbm>>
      %dma_wait3A_132 = arith.constant 0 : i32
      %dma_wait3A_133 = tpu.memref_slice %arg15[%mul3A_2, %dma_wait3A_132] : memref<10240x128xf32, #tpu.memory_space<vmem_shared>> -> memref<640x128xf32, #tpu.memory_space<vmem_shared>>
      tpu.wait_dma2 semaphore(%run_scoped3A : memref<!tpu.dma_semaphore, #tpu.memory_space<semaphore_mem>>) src(%dma_wait3A_133 : memref<640x128xf32, #tpu.memory_space<vmem_shared>>) dst(%dma_wait3A_131 : memref<640x128xf32, #tpu.memory_space<hbm>>)
      tpu.yield
    }) : () -> ()
    return
  }
}

module attributes {stable_mosaic.version = 14 : i64} {
  func.func @body(%arg0: memref<2x10240x128xf32, #tpu.memory_space<vmem>>, %arg1: memref<128x128xf32, #tpu.memory_space<vmem>>, %arg2: memref<1x128xf32, #tpu.memory_space<vmem>>, %arg3: memref<128x128xf32, #tpu.memory_space<vmem>>, %arg4: memref<1x128xf32, #tpu.memory_space<vmem>>, %arg5: memref<1x128xf32, #tpu.memory_space<vmem>>, %arg6: memref<1x128xf32, #tpu.memory_space<vmem>>, %arg7: memref<10000x128xf32, #tpu.memory_space<vmem>>) attributes {dimension_semantics = [], scalar_prefetch = 0 : i64, scratch_operands = 0 : i64, tpu.core_type = #tpu.core_type<tc>} {
    %get3A = arith.constant 0 : index
    %get3A_0 = arith.constant 0 : index
    %get3A_1 = arith.constant 0 : index
    %get3A_2 = vector.load %arg0[%get3A, %get3A_0, %get3A_1] : memref<2x10240x128xf32, #tpu.memory_space<vmem>>, vector<1x10000x128xf32>
    %get3A_3 = vector.shape_cast %get3A_2 : vector<1x10000x128xf32> to vector<10000x128xf32>
    %get3A_4 = arith.constant 1 : index
    %get3A_5 = arith.constant 0 : index
    %get3A_6 = arith.constant 0 : index
    %get3A_7 = vector.load %arg0[%get3A_4, %get3A_5, %get3A_6] : memref<2x10240x128xf32, #tpu.memory_space<vmem>>, vector<1x10000x128xf32>
    %get3A_8 = vector.shape_cast %get3A_7 : vector<1x10000x128xf32> to vector<10000x128xf32>
    %add3A = arith.addf %get3A_3, %get3A_8 : vector<10000x128xf32>
    %convert_element_type3A = arith.truncf %add3A : vector<10000x128xf32> to vector<10000x128xbf16>
    %get3A_9 = arith.constant 0 : index
    %get3A_10 = arith.constant 0 : index
    %get3A_11 = vector.load %arg1[%get3A_9, %get3A_10] : memref<128x128xf32, #tpu.memory_space<vmem>>, vector<128x128xf32>
    %convert_element_type3A_12 = arith.truncf %get3A_11 : vector<128x128xf32> to vector<128x128xbf16>
    %dot_general3A = arith.constant dense<0.000000e+00> : vector<10000x128xf32>
    %dot_general3A_13 = tpu.matmul %convert_element_type3A, %convert_element_type3A_12, %dot_general3A {dimension_numbers = #tpu.dot_dimension_numbers<[1], [0], [0], [1], [0, 0, 1, 1], [], []>, transpose_lhs_hint = false} : vector<10000x128xbf16>, vector<128x128xbf16>, vector<10000x128xf32> -> vector<10000x128xf32>
    %get3A_14 = arith.constant 0 : index
    %get3A_15 = arith.constant 0 : index
    %get3A_16 = vector.load %arg2[%get3A_14, %get3A_15] : memref<1x128xf32, #tpu.memory_space<vmem>>, vector<1x128xf32>
    %add3A_17 = vector.broadcast %get3A_16 : vector<1x128xf32> to vector<10000x128xf32>
    %add3A_18 = arith.addf %dot_general3A_13, %add3A_17 : vector<10000x128xf32>
    %max3A = arith.constant 0.000000e+00 : f32
    %max3A_19 = vector.broadcast %max3A : f32 to vector<10000x128xf32>
    %max3A_20 = arith.maximumf %add3A_18, %max3A_19 : vector<10000x128xf32>
    %convert_element_type3A_21 = arith.truncf %max3A_20 : vector<10000x128xf32> to vector<10000x128xbf16>
    %get3A_22 = arith.constant 0 : index
    %get3A_23 = arith.constant 0 : index
    %get3A_24 = vector.load %arg3[%get3A_22, %get3A_23] : memref<128x128xf32, #tpu.memory_space<vmem>>, vector<128x128xf32>
    %convert_element_type3A_25 = arith.truncf %get3A_24 : vector<128x128xf32> to vector<128x128xbf16>
    %dot_general3A_26 = arith.constant dense<0.000000e+00> : vector<10000x128xf32>
    %dot_general3A_27 = tpu.matmul %convert_element_type3A_21, %convert_element_type3A_25, %dot_general3A_26 {dimension_numbers = #tpu.dot_dimension_numbers<[1], [0], [0], [1], [0, 0, 1, 1], [], []>, transpose_lhs_hint = false} : vector<10000x128xbf16>, vector<128x128xbf16>, vector<10000x128xf32> -> vector<10000x128xf32>
    %get3A_28 = arith.constant 0 : index
    %get3A_29 = arith.constant 0 : index
    %get3A_30 = vector.load %arg4[%get3A_28, %get3A_29] : memref<1x128xf32, #tpu.memory_space<vmem>>, vector<1x128xf32>
    %add3A_31 = vector.broadcast %get3A_30 : vector<1x128xf32> to vector<10000x128xf32>
    %add3A_32 = arith.addf %dot_general3A_27, %add3A_31 : vector<10000x128xf32>
    %reduce_sum3A = arith.constant dense<0.000000e+00> : vector<128xf32>
    %reduce_sum3A_33 = vector.multi_reduction <add>, %add3A_32, %reduce_sum3A [0] : vector<10000x128xf32> to vector<128xf32>
    %broadcast_in_dim3A = vector.shape_cast %reduce_sum3A_33 : vector<128xf32> to vector<1x128xf32>
    %div3A = arith.constant 1.000000e+04 : f32
    %div3A_34 = vector.broadcast %div3A : f32 to vector<1x128xf32>
    %div3A_35 = arith.divf %broadcast_in_dim3A, %div3A_34 : vector<1x128xf32>
    %sub3A = vector.broadcast %div3A_35 : vector<1x128xf32> to vector<10000x128xf32>
    %sub3A_36 = arith.subf %add3A_32, %sub3A : vector<10000x128xf32>
    %integer_pow3A = arith.mulf %sub3A_36, %sub3A_36 : vector<10000x128xf32>
    %reduce_sum3A_37 = arith.constant dense<0.000000e+00> : vector<128xf32>
    %reduce_sum3A_38 = vector.multi_reduction <add>, %integer_pow3A, %reduce_sum3A_37 [0] : vector<10000x128xf32> to vector<128xf32>
    %broadcast_in_dim3A_39 = vector.shape_cast %reduce_sum3A_38 : vector<128xf32> to vector<1x128xf32>
    %div3A_40 = arith.constant 1.000000e+04 : f32
    %div3A_41 = vector.broadcast %div3A_40 : f32 to vector<1x128xf32>
    %div3A_42 = arith.divf %broadcast_in_dim3A_39, %div3A_41 : vector<1x128xf32>
    %sub3A_43 = vector.broadcast %div3A_35 : vector<1x128xf32> to vector<10000x128xf32>
    %sub3A_44 = arith.subf %add3A_32, %sub3A_43 : vector<10000x128xf32>
    %add3A_45 = arith.constant 9.99999974E-6 : f32
    %add3A_46 = vector.broadcast %add3A_45 : f32 to vector<1x128xf32>
    %add3A_47 = arith.addf %div3A_42, %add3A_46 : vector<1x128xf32>
    %rsqrt3A = math.rsqrt %add3A_47 : vector<1x128xf32>
    %mul3A = vector.broadcast %rsqrt3A : vector<1x128xf32> to vector<10000x128xf32>
    %mul3A_48 = arith.mulf %sub3A_44, %mul3A : vector<10000x128xf32>
    %get3A_49 = arith.constant 0 : index
    %get3A_50 = arith.constant 0 : index
    %get3A_51 = vector.load %arg5[%get3A_49, %get3A_50] : memref<1x128xf32, #tpu.memory_space<vmem>>, vector<1x128xf32>
    %mul3A_52 = vector.broadcast %get3A_51 : vector<1x128xf32> to vector<10000x128xf32>
    %mul3A_53 = arith.mulf %mul3A_48, %mul3A_52 : vector<10000x128xf32>
    %get3A_54 = arith.constant 0 : index
    %get3A_55 = arith.constant 0 : index
    %get3A_56 = vector.load %arg6[%get3A_54, %get3A_55] : memref<1x128xf32, #tpu.memory_space<vmem>>, vector<1x128xf32>
    %add3A_57 = vector.broadcast %get3A_56 : vector<1x128xf32> to vector<10000x128xf32>
    %add3A_58 = arith.addf %mul3A_53, %add3A_57 : vector<10000x128xf32>
    %max3A_59 = arith.constant 0.000000e+00 : f32
    %max3A_60 = vector.broadcast %max3A_59 : f32 to vector<10000x128xf32>
    %max3A_61 = arith.maximumf %add3A_58, %max3A_60 : vector<10000x128xf32>
    %swap3A = arith.constant 0 : index
    %swap3A_62 = arith.constant 0 : index
    %swap3A_63 = vector.load %arg7[%swap3A, %swap3A_62] : memref<10000x128xf32, #tpu.memory_space<vmem>>, vector<10000x128xf32>
    tpu.vector_store %arg7[%swap3A, %swap3A_62], %max3A_61 {strides = array<i32>} : memref<10000x128xf32, #tpu.memory_space<vmem>>, vector<10000x128xf32>,
    return
  }
}

module attributes {stable_mosaic.version = 14 : i64} {
  func.func @body(%arg0: memref<2x10240x128xf32, #tpu.memory_space<vmem>>, %arg1: memref<128x128xf32, #tpu.memory_space<vmem>>, %arg2: memref<1x128xf32, #tpu.memory_space<vmem>>, %arg3: memref<128x128xf32, #tpu.memory_space<vmem>>, %arg4: memref<1x128xf32, #tpu.memory_space<vmem>>, %arg5: memref<1x128xf32, #tpu.memory_space<vmem>>, %arg6: memref<1x128xf32, #tpu.memory_space<vmem>>, %arg7: memref<128x128xf32, #tpu.memory_space<vmem>>, %arg8: memref<1x128xf32, #tpu.memory_space<vmem>>, %arg9: memref<10000x128xf32, #tpu.memory_space<vmem>>) attributes {dimension_semantics = [], scalar_prefetch = 0 : i64, scratch_operands = 0 : i64, tpu.core_type = #tpu.core_type<tc>} {
    %get3A = arith.constant 0 : index
    %get3A_0 = arith.constant 0 : index
    %get3A_1 = arith.constant 0 : index
    %get3A_2 = vector.load %arg0[%get3A, %get3A_0, %get3A_1] : memref<2x10240x128xf32, #tpu.memory_space<vmem>>, vector<1x10000x128xf32>
    %get3A_3 = vector.shape_cast %get3A_2 : vector<1x10000x128xf32> to vector<10000x128xf32>
    %get3A_4 = arith.constant 1 : index
    %get3A_5 = arith.constant 0 : index
    %get3A_6 = arith.constant 0 : index
    %get3A_7 = vector.load %arg0[%get3A_4, %get3A_5, %get3A_6] : memref<2x10240x128xf32, #tpu.memory_space<vmem>>, vector<1x10000x128xf32>
    %get3A_8 = vector.shape_cast %get3A_7 : vector<1x10000x128xf32> to vector<10000x128xf32>
    %add3A = arith.addf %get3A_3, %get3A_8 : vector<10000x128xf32>
    %convert_element_type3A = arith.truncf %add3A : vector<10000x128xf32> to vector<10000x128xbf16>
    %get3A_9 = arith.constant 0 : index
    %get3A_10 = arith.constant 0 : index
    %get3A_11 = vector.load %arg1[%get3A_9, %get3A_10] : memref<128x128xf32, #tpu.memory_space<vmem>>, vector<128x128xf32>
    %convert_element_type3A_12 = arith.truncf %get3A_11 : vector<128x128xf32> to vector<128x128xbf16>
    %dot_general3A = arith.constant dense<0.000000e+00> : vector<10000x128xf32>
    %dot_general3A_13 = tpu.matmul %convert_element_type3A, %convert_element_type3A_12, %dot_general3A {dimension_numbers = #tpu.dot_dimension_numbers<[1], [0], [0], [1], [0, 0, 1, 1], [], []>, transpose_lhs_hint = false} : vector<10000x128xbf16>, vector<128x128xbf16>, vector<10000x128xf32> -> vector<10000x128xf32>
    %get3A_14 = arith.constant 0 : index
    %get3A_15 = arith.constant 0 : index
    %get3A_16 = vector.load %arg2[%get3A_14, %get3A_15] : memref<1x128xf32, #tpu.memory_space<vmem>>, vector<1x128xf32>
    %add3A_17 = vector.broadcast %get3A_16 : vector<1x128xf32> to vector<10000x128xf32>
    %add3A_18 = arith.addf %dot_general3A_13, %add3A_17 : vector<10000x128xf32>
    %max3A = arith.constant 0.000000e+00 : f32
    %max3A_19 = vector.broadcast %max3A : f32 to vector<10000x128xf32>
    %max3A_20 = arith.maximumf %add3A_18, %max3A_19 : vector<10000x128xf32>
    %convert_element_type3A_21 = arith.truncf %max3A_20 : vector<10000x128xf32> to vector<10000x128xbf16>
    %get3A_22 = arith.constant 0 : index
    %get3A_23 = arith.constant 0 : index
    %get3A_24 = vector.load %arg3[%get3A_22, %get3A_23] : memref<128x128xf32, #tpu.memory_space<vmem>>, vector<128x128xf32>
    %convert_element_type3A_25 = arith.truncf %get3A_24 : vector<128x128xf32> to vector<128x128xbf16>
    %dot_general3A_26 = arith.constant dense<0.000000e+00> : vector<10000x128xf32>
    %dot_general3A_27 = tpu.matmul %convert_element_type3A_21, %convert_element_type3A_25, %dot_general3A_26 {dimension_numbers = #tpu.dot_dimension_numbers<[1], [0], [0], [1], [0, 0, 1, 1], [], []>, transpose_lhs_hint = false} : vector<10000x128xbf16>, vector<128x128xbf16>, vector<10000x128xf32> -> vector<10000x128xf32>
    %get3A_28 = arith.constant 0 : index
    %get3A_29 = arith.constant 0 : index
    %get3A_30 = vector.load %arg4[%get3A_28, %get3A_29] : memref<1x128xf32, #tpu.memory_space<vmem>>, vector<1x128xf32>
    %add3A_31 = vector.broadcast %get3A_30 : vector<1x128xf32> to vector<10000x128xf32>
    %add3A_32 = arith.addf %dot_general3A_27, %add3A_31 : vector<10000x128xf32>
    %reduce_sum3A = arith.constant dense<0.000000e+00> : vector<128xf32>
    %reduce_sum3A_33 = vector.multi_reduction <add>, %add3A_32, %reduce_sum3A [0] : vector<10000x128xf32> to vector<128xf32>
    %broadcast_in_dim3A = vector.shape_cast %reduce_sum3A_33 : vector<128xf32> to vector<1x128xf32>
    %div3A = arith.constant 1.000000e+04 : f32
    %div3A_34 = vector.broadcast %div3A : f32 to vector<1x128xf32>
    %div3A_35 = arith.divf %broadcast_in_dim3A, %div3A_34 : vector<1x128xf32>
    %sub3A = vector.broadcast %div3A_35 : vector<1x128xf32> to vector<10000x128xf32>
    %sub3A_36 = arith.subf %add3A_32, %sub3A : vector<10000x128xf32>
    %integer_pow3A = arith.mulf %sub3A_36, %sub3A_36 : vector<10000x128xf32>
    %reduce_sum3A_37 = arith.constant dense<0.000000e+00> : vector<128xf32>
    %reduce_sum3A_38 = vector.multi_reduction <add>, %integer_pow3A, %reduce_sum3A_37 [0] : vector<10000x128xf32> to vector<128xf32>
    %broadcast_in_dim3A_39 = vector.shape_cast %reduce_sum3A_38 : vector<128xf32> to vector<1x128xf32>
    %div3A_40 = arith.constant 1.000000e+04 : f32
    %div3A_41 = vector.broadcast %div3A_40 : f32 to vector<1x128xf32>
    %div3A_42 = arith.divf %broadcast_in_dim3A_39, %div3A_41 : vector<1x128xf32>
    %sub3A_43 = vector.broadcast %div3A_35 : vector<1x128xf32> to vector<10000x128xf32>
    %sub3A_44 = arith.subf %add3A_32, %sub3A_43 : vector<10000x128xf32>
    %add3A_45 = arith.constant 9.99999974E-6 : f32
    %add3A_46 = vector.broadcast %add3A_45 : f32 to vector<1x128xf32>
    %add3A_47 = arith.addf %div3A_42, %add3A_46 : vector<1x128xf32>
    %rsqrt3A = math.rsqrt %add3A_47 : vector<1x128xf32>
    %mul3A = vector.broadcast %rsqrt3A : vector<1x128xf32> to vector<10000x128xf32>
    %mul3A_48 = arith.mulf %sub3A_44, %mul3A : vector<10000x128xf32>
    %get3A_49 = arith.constant 0 : index
    %get3A_50 = arith.constant 0 : index
    %get3A_51 = vector.load %arg5[%get3A_49, %get3A_50] : memref<1x128xf32, #tpu.memory_space<vmem>>, vector<1x128xf32>
    %mul3A_52 = vector.broadcast %get3A_51 : vector<1x128xf32> to vector<10000x128xf32>
    %mul3A_53 = arith.mulf %mul3A_48, %mul3A_52 : vector<10000x128xf32>
    %get3A_54 = arith.constant 0 : index
    %get3A_55 = arith.constant 0 : index
    %get3A_56 = vector.load %arg6[%get3A_54, %get3A_55] : memref<1x128xf32, #tpu.memory_space<vmem>>, vector<1x128xf32>
    %add3A_57 = vector.broadcast %get3A_56 : vector<1x128xf32> to vector<10000x128xf32>
    %add3A_58 = arith.addf %mul3A_53, %add3A_57 : vector<10000x128xf32>
    %convert_element_type3A_59 = arith.truncf %add3A_58 : vector<10000x128xf32> to vector<10000x128xbf16>
    %get3A_60 = arith.constant 0 : index
    %get3A_61 = arith.constant 0 : index
    %get3A_62 = vector.load %arg7[%get3A_60, %get3A_61] : memref<128x128xf32, #tpu.memory_space<vmem>>, vector<128x128xf32>
    %convert_element_type3A_63 = arith.truncf %get3A_62 : vector<128x128xf32> to vector<128x128xbf16>
    %dot_general3A_64 = arith.constant dense<0.000000e+00> : vector<10000x128xf32>
    %dot_general3A_65 = tpu.matmul %convert_element_type3A_59, %convert_element_type3A_63, %dot_general3A_64 {dimension_numbers = #tpu.dot_dimension_numbers<[1], [0], [0], [1], [0, 0, 1, 1], [], []>, transpose_lhs_hint = false} : vector<10000x128xbf16>, vector<128x128xbf16>, vector<10000x128xf32> -> vector<10000x128xf32>
    %get3A_66 = arith.constant 0 : index
    %get3A_67 = arith.constant 0 : index
    %get3A_68 = vector.load %arg8[%get3A_66, %get3A_67] : memref<1x128xf32, #tpu.memory_space<vmem>>, vector<1x128xf32>
    %add3A_69 = vector.broadcast %get3A_68 : vector<1x128xf32> to vector<10000x128xf32>
    %add3A_70 = arith.addf %dot_general3A_65, %add3A_69 : vector<10000x128xf32>
    %swap3A = arith.constant 0 : index
    %swap3A_71 = arith.constant 0 : index
    %swap3A_72 = vector.load %arg9[%swap3A, %swap3A_71] : memref<10000x128xf32, #tpu.memory_space<vmem>>, vector<10000x128xf32>
    tpu.vector_store %arg9[%swap3A, %swap3A_71], %add3A_70 {strides = array<i32>} : memref<10000x128xf32, #tpu.memory_space<vmem>>, vector<10000x128xf32>,
    return
  }
}

</mosaic_0001>

<sc_bundles>
// kernel: kernel.6.cloned.1.call-start
scs
__scs_entry_jumppad:
0x0: {  	(pc) =	sbr.rel $0x88, $3  }
0x1: {  	(tag) =	ssettag $0x0;
	lr =	simm.s32 $0x1  }
0x2: {  	[smem:$0x3F91] =	sst lr;
	_ =	strace $0xD0000000  }
0x3: {  	_ = 	snop  }
0x4: {  	_ = 	snop  }
0x5: {  	_ = 	snop  }
0x6: {  	_ = 	snop  }
0x7: {  	_ = 	snop  }
__scs_overlays_trampoline_lowered:
0x8: {  	[smem:$0x3FA0] =	sst s0  }
0x9: {  	[smem:$0x3FA1] =	sst s1  }
0xa: {  	[smem:$0x3FA2] =	sst s2  }
0xb: {  	[smem:$0x3FA3] =	sst s3  }
0xc: {  	[smem:$0x3FA4] =	sst s4  }
0xd: {  	[smem:$0x3FA5] =	sst s5  }
0xe: {  	[smem:$0x3FA6] =	sst s6  }
0xf: {  	[smem:$0x3FA7] =	sst s7  }
0x10: {  	[smem:$0x3FA8] =	sst s8  }
0x11: {  	[smem:$0x3FA9] =	sst s9;
	s0 =	simm.s32 @!p0 $0x0  }
0x12: {  	s1 =	sld [smem:$0x3F8F];
	s0 =	simm.s32 @p0 $0x1  }
0x13: {  	[smem:$0x3FAA] =	sst s0;
	s0 =	simm.s32 @!p1 $0x0  }
0x14: {  	s2 =	sld [smem:$0x3F8E];
	s0 =	simm.s32 @p1 $0x1  }
0x15: {  	[smem:$0x3FAB] =	sst s0;
	s0 =	simm.s32 @!p2 $0x0  }
0x16: {  	s3 =	sld [smem:$0x3FDB];
	s0 =	simm.s32 @p2 $0x1  }
0x17: {  	s4 =	simm.s32 $0x1BF5;
	[smem:$0x3FAD] =	sst s0  }
0x18: {  	s0 =	sld [smem:$0x3F90];
	_ =	swait.ge [sflag:s4], $0x0  }
0x19: {  	s7 =	sld [smem:$0x3F91]  }
0x1a: {  	s8 =	sadd.s32 $0xFFFFE003, lr  }
0x1b: {  	s9 =	sadd.s32 $0xFFFFFEF7, lr;
	s5 =	simm.s32 $0xFFFFFFFF;
	p2 =	slt.u32 s8, $0xFFFFF086  }
0x1c: {  	p1 =	slt.u32 s9, $0xF7A;
	s5 =	simm.s32 @!p2 $0x0  }
0x1d: {  	s5 =	simm.s32 @p1 $0x1;
	p0 =	seq.s32 s7, s2  }
0x1e: {  	s7 =	smul.u32 @!p0 $0xF7A, s2;
	p2 =	seq.s32 @!p0 s5, $0x0  }
0x1f: {  	s9 =	smul.u32 $0xF7A, s1;
	s8 =	simm.s32 @!p0 $0x1BF5;
	p2 =	por !p2, p0  }
0x20: {  	[sflag:s8] =	ssyncset.s32 @!p0 $0xFFFFF086;
	s6 =	sadd.s32 @!p0 s3, s7;
	s7 =	simm.s32 @!p0 $0x108  }
0x21: {  	s3 =	sadd.s32 s3, s9;
	s6 =	sadd.s32 @!p0 $0x88, s6;
	s7 =	simm.s32 @p2 $0x1082  }
0x22: {  	[simem:s7], [sflag:s8] =	dma.local @!p0 [hbm:s6], $0xF7A  }
0x23: {  	s9 =	sor.u32 $0xD0000000, s2;
	s6 =	simm.s32 $0x108;
	_ =	swait.ge @!p0 [sflag:s8], $0x0  }
0x24: {  	s3 =	sadd.s32 $0x88, s3;
	s6 =	simm.s32 @!p1 $0x1082;
	[sflag:s4] =	ssyncset.s32 $0xFFFFF086  }
0x25: {  	[simem:s6], [sflag:s4] =	dma.local [hbm:s3], $0xF7A  }
0x26: {  	[smem:$0x3F91] =	sst s1;
	(tag) =	ssettag s2;
	_ =	strace s9  }
0x27: {  	s1 =	sld [smem:$0x3FA1]  }
0x28: {  	s2 =	sld [smem:$0x3FA2]  }
0x29: {  	s4 =	sld [smem:$0x3FA4]  }
0x2a: {  	p0 =	seq.s32 s5, $0x0;
	s5 =	sld [smem:$0x3FA5]  }
0x2b: {  	s6 =	sld [smem:$0x3FA6]  }
0x2c: {  	s7 =	sld [smem:$0x3FA7]  }
0x2d: {  	s3 =	simm.s32 $0x108;
	s8 =	sld [smem:$0x3FA8]  }
0x2e: {  	s3 =	simm.s32 @!p0 $0x1082;
	s9 =	sld [smem:$0x3FA9]  }
0x2f: {  	lr =	sadd.s32 s0, s3;
	s0 =	sld [smem:$0x3FA0]  }
0x30: {  	s3 =	sld [smem:$0x3FA3]  }
0x31: {  	[smem:$0x3FAC] =	sst s10  }
0x32: {  	s10 =	sld [smem:$0x3FAA];
	_ =	sdelay $0x3  }
0x33: {  	p0 =	seq.s32 s10, $0x1;
	s10 =	sld [smem:$0x3FAC];
	_ =	sdelay $0x3  }
0x34: {  	[smem:$0x3FAC] =	sst s10  }
0x35: {  	s10 =	sld [smem:$0x3FAB];
	_ =	sdelay $0x3  }
0x36: {  	p1 =	seq.s32 s10, $0x1;
	s10 =	sld [smem:$0x3FAC];
	_ =	sdelay $0x3  }
0x37: {  	[smem:$0x3FAC] =	sst s10  }
0x38: {  	s10 =	sld [smem:$0x3FAD]  }
0x39: {  	_ = 	snop;
	(pc) =	sbr.ind lr, $3  }
0x3a: {  	_ = 	snop  }
0x3b: {  	_ = 	snop  }
0x3c: {  	p2 =	seq.s32 s10, $0x1;
	s10 =	sld [smem:$0x3FAC]  }
0x3d: {  	_ =	shalt  }
0x3e: {  	_ =	shalt  }
0x3f: {  	_ =	shalt  }
0x40: {  	_ =	shalt  }
0x41: {  	_ =	shalt  }
0x42: {  	_ =	shalt  }
0x43: {  	_ =	shalt  }
0x44: {  	_ =	shalt  }
0x45: {  	_ =	shalt  }
0x46: {  	_ =	shalt  }
0x47: {  	_ =	shalt  }
0x48: {  	_ =	shalt  }
0x49: {  	_ =	shalt  }
0x4a: {  	_ =	shalt  }
0x4b: {  	_ =	shalt  }
0x4c: {  	_ =	shalt  }
0x4d: {  	_ =	shalt  }
0x4e: {  	_ =	shalt  }
0x4f: {  	_ =	shalt  }
0x50: {  	_ =	shalt  }
0x51: {  	_ =	shalt  }
0x52: {  	_ =	shalt  }
0x53: {  	_ =	shalt  }
0x54: {  	_ =	shalt  }
0x55: {  	_ =	shalt  }
0x56: {  	_ =	shalt  }
0x57: {  	_ =	shalt  }
0x58: {  	_ =	shalt  }
0x59: {  	_ =	shalt  }
0x5a: {  	_ =	shalt  }
0x5b: {  	_ =	shalt  }
0x5c: {  	_ =	shalt  }
0x5d: {  	_ =	shalt  }
0x5e: {  	_ =	shalt  }
0x5f: {  	_ =	shalt  }
0x60: {  	_ =	shalt  }
0x61: {  	_ =	shalt  }
0x62: {  	_ =	shalt  }
0x63: {  	_ =	shalt  }
0x64: {  	_ =	shalt  }
0x65: {  	_ =	shalt  }
0x66: {  	_ =	shalt  }
0x67: {  	_ =	shalt  }
0x68: {  	_ =	shalt  }
0x69: {  	_ =	shalt  }
0x6a: {  	_ =	shalt  }
0x6b: {  	_ =	shalt  }
0x6c: {  	_ =	shalt  }
0x6d: {  	_ =	shalt  }
0x6e: {  	_ =	shalt  }
0x6f: {  	_ =	shalt  }
0x70: {  	_ =	shalt  }
0x71: {  	_ =	shalt  }
0x72: {  	_ =	shalt  }
0x73: {  	_ =	shalt  }
0x74: {  	_ =	shalt  }
0x75: {  	_ =	shalt  }
0x76: {  	_ =	shalt  }
0x77: {  	_ =	shalt  }
0x78: {  	_ =	shalt  }
0x79: {  	_ =	shalt  }
0x7a: {  	_ =	shalt  }
0x7b: {  	_ =	shalt  }
0x7c: {  	_ =	shalt  }
0x7d: {  	_ =	shalt  }
0x7e: {  	_ =	shalt  }
0x7f: {  	_ =	shalt  }
0x80: {  	_ =	shalt  }
0x81: {  	_ =	shalt  }
0x82: {  	_ =	shalt  }
0x83: {  	_ =	shalt  }
0x84: {  	_ =	shalt  }
0x85: {  	_ =	shalt  }
0x86: {  	_ =	shalt  }
0x87: {  	_ =	shalt  }
.Lfunc_end0:
.L_simem_size_0:
called_computation_lowered:
.L_overlay_start_0:
0x88: {  	s2 =	sld [smem:$0x3FD9]  }
0x89: {  	s3 =	sld [smem:$0x3FFE];
	_ =	sdelay $0x1  }
0x8a: {  	s1 =	srdreg.scid  }
0x8b: {  	s0 =	sand.u32 $0x1, s1  }
0x8c: {  	s17 =	sshll.u32 s0, $0xA;
	s2 =	sadd.s32 s3, s2  }
0x8d: {  	s2 =	sadd.s32 s2, s17  }
0x8e: {  	[smem:$0x3FB8] =	sst s2  }
0x8f: {  	_ = 	snop  }
0x90: {  	s2 =	sld [smem:$0x3FC9];
	(tm) =	ssettm $0x1  }
0x91: {  	s18 =	sld [smem:$0x3FFB];
	_ =	sdelay $0x3  }
0x92: {  	_ =	strace s18  }
0x93: {  	s3 =	sld [smem:$0x3FFC];
	_ =	sdelay $0x3  }
0x94: {  	_ =	strace s3  }
0x95: {  	s3 =	sld [smem:$0x3FFD];
	_ =	sdelay $0x3  }
0x96: {  	_ =	strace s3  }
0x97: {  	_ =	strace $0x8FFFFFFF  }
0x98: {  	s19 =	sld [smem:$0x3FDB];
	_ =	sdelay $0x1  }
0x99: {  	s4 =	simm.s32 $_scs_section_size  }
0x9a: {  	s5 =	simm.s32 $_size__tile_overlayer_lowered;
	s6 =	simm.s32 $_tile_overlayer_lowered  }
0x9b: {  	s22 =	simm.s32 $0x1BFF;
	s21 =	sshll.u32 s6, $0x1;
	s3 =	sadd.s32 s4, s19  }
0x9c: {  	s7 =	simm.s32 $0x0;
	s20 =	sshll.u32 s5, $0x1;
	s5 =	sadd.s32 s21, s3  }
0x9d: {  	[timem:s7], [sflag:s22] =	dma.local [hbm:s5], s20  }
0x9e: {  	_ =	swait.ge [sflag:s22], s20  }
0x9f: {  	s4 =	ssub.s32 $0x0, s20;
	[sflag:s22] =	ssyncset.done $0x0  }
0xa0: {  	[sflag:s22] =	ssyncadd.s32 s4;
	_ =	sdelay $0x1  }
0xa1: {  	s23 =	simm.s32 $0x1B8B  }
0xa2: {  	_ =	swait.ge [sflag:s23], $0x1  }
0xa3: {  	[sflag:s23] =	ssyncset.done $0x0  }
0xa4: {  	s25 =	simm.s32 $0x1B8E;
	s24 =	sld [smem:$0x3FFE];
	[sflag:s23] =	ssyncadd.s32 $0xFFFFFFFF  }
0xa5: {  	s26 =	simm.s32 $execute0_lowered;
	[smem:$0x3FD2] =	sst s25  }
0xa6: {  	s5 =	sshll.u32 s26, $0x1;
	_ =	strace $0x80000046;
	[dreg:$0x1] =	wrdreg $0xFFFFFFFF  }
0xa7: {  	s28 =	simm.s32 $_size_execute0_lowered;
	s3 =	sadd.s32 s3, s5;
	[dreg:$0x0] =	wrdreg $0x0  }
0xa8: {  	s5 =	sshll.u32 s28, $0x1;
	[dreg:$0x2] =	wrdreg s3  }
0xa9: {  	[dreg:$0x3] =	wrdreg s5  }
0xaa: {  	[dreg:$0x4] =	wrdreg $0xC0  }
0xab: {  	_ =	task [dreg:s7], $0x5FFFF  }
0xac: {  	[dreg:$0x1] =	wrdreg $0xFFFFFFFF  }
0xad: {  	[dreg:$0x0] =	wrdreg $0x60  }
0xae: {  	[dreg:$0x2] =	wrdreg s2  }
0xaf: {  	[dreg:$0x3] =	wrdreg s24  }
0xb0: {  	[dreg:$0x4] =	wrdreg $0x84000  }
0xb1: {  	[dreg:$0x5] =	wrdreg $0x9  }
0xb2: {  	_ =	task.clear_ibuf [dreg:s7], $0x6FFFF;
	_ =	strace $0x90000046  }
0xb3: {  	s29 =	simm.s32 $0x9;
	_ =	strace $0x80000048  }
0xb4: {  	_ =	swait.ge [sflag:s29], $0x1  }
0xb5: {  	[sflag:s29] =	ssyncadd.s32 $0xFFFFFFFF  }
0xb6: {  	_ =	strace $0x90000048  }
0xb7: {  	_ =	sfence  }
0xb8: {  	s30 =	sld [smem:$0x0];
	_ =	sdelay $0x2  }
0xb9: {  	s31 =	sshll.u32 s1, $0xD;
	s1 =	sshrl.u32 s1, $0x2  }
0xba: {  	s3 =	sand.u32 $0x4000, s31;
	s1 =	sadd.s32 s1, s30  }
0xbb: {  	s0 =	sor.u32 s3, s0;
	s1 =	sshll.u32 s1, $0x11  }
0xbc: {  	s0 =	sor.u32 s1, s0  }
0xbd: {  	s0 =	sadd.s32 $0x8F2B, s0  }
0xbe: {  	[sflag:s0] =	ssyncadd.remote.s32 $0x1  }
0xbf: {  	_ =	sfence.sel $0xFFFF  }
0xc0: {  	[dreg:$0x0] =	wrdreg $0xFFFFFFFF;
	(pc) =	sbr.abs _section_cstart, $3  }
0xc1: {  	[dreg:$0x1] =	wrdreg $0xFFFFFFFF  }
0xc2: {  	_ =	task.clear_ibuf [dreg:s7], $0x2FFFF;
	_ =	strace $0x9FFFFFFF  }
0xc3: {  	(tm) =	ssettm $0x7FFFFFFF  }
tec
execute0_lowered:
.L_overlay_start_1:
0x0: {  	(tag) =	ssettag $0x1  }
0x1: {  	s1 =	rddreg [dreg:$0x0]  }
0x2: {  	s0 =	rddreg [dreg:$0x1]  }
0x3: {  	s2 =	rddreg [dreg:$0x2];
	s4 =	simm.s32 $0x0  }
0x4: {  	s3 =	srdreg.scid;
	s15 =	stileid.u32;
	s29 =	simm.s32 $0x7  }
0x5: {  	s30 =	simm.s32 $0x80;
	s28 =	simm.s32 $0x380;
	[smem:$0x7FF] =	sst s4  }
0x6: {  	s3 =	sand.u32 $0x1, s3;
	s8 =	sadd.s32 $0xD400, s0;
	s9 =	smul.u32 $0x14000, s15  }
0x7: {  	s10 =	sadd.s32 $0x3600, s0;
	s5 =	sadd.s32 $0x2E00, s0;
	s6 =	sadd.s32 $0x3200, s0  }
0x8: {  	s11 =	sadd.s32 $0x17200, s0;
	s12 =	sshll.u32 s15, $0x1;
	p4 =	sne.s32 s15, $0xF  }
0x9: {  	p0 =	seq.s32 s15, $0xF;
	s23 =	smul.u32 $0x50000, s15;
	s13 =	sadd.s32 $0x12C000, s2  }
0xa: {  	s18 =	sshll.u32 s15, $0x8;
	s20 =	sshll.u32 s15, $0x5;
	s7 =	smul.u32 $0x140000, s3  }
0xb: {  	_ =	strace $0x80000047;
	[dreg:$0x4] =	wrdreg s11;
	s21 =	ssub.s32 $0x2, s3  }
0xc: {  	p1 =	seq.s32 s3, $0x0;
	[dreg:$0x5] =	wrdreg s13;
	s19 =	sshll.u32 s3, $0x7  }
0xd: {  	s22 =	sshrl.u32 s21, $0x1;
	p2 =	por !p1, !p4;
	p3 =	por !p1, !p0  }
0xe: {  	s11 =	sshrl.u32 s23, $0x2;
	s7 =	sadd.s32 s9, s7;
	s9 =	sor.u32 s3, s12  }
0xf: {  	p1 =	por !p2, !p2;
	p2 =	por !p3, !p3;
	p3 =	seq.s32 s3, $0x1  }
0x10: {  	s11 =	sadd.s32 s11, s2;
	s3 =	sshll.u32 s3, $0x4;
	s7 =	sshrl.u32 s7, $0x3  }
0x11: {  	s12 =	simm.s32 @!p2 $0x0;
	s24 =	sshll.u32 s9, $0x4;
	p4 =	por !p4, !p3  }
0x12: {  	[dreg:$0xe] =	wrdreg s11;
	s0 =	sadd.s32 s7, s0;
	s12 =	simm.s32 @p2 $0x1  }
0x13: {  	s7 =	ssub.s32 s21, s22;
	s25 =	sadd.s32 s8, s24;
	[smem:$0x7FD] =	sst s12  }
0x14: {  	s26 =	sadd.s32 s10, s24;
	s31 =	sor.u32 $0x200, s24;
	[dreg:$0x6] =	wrdreg s25  }
0x15: {  	s14 =	sor.u32 $0x400, s24;
	[dreg:$0x7] =	wrdreg s26;
	s16 =	sadd.s32 s8, s31  }
0x16: {  	s22 =	smul.u32 $0x2800, s15;
	s13 =	sadd.s32 s10, s31;
	[dreg:$0x8] =	wrdreg s16  }
0x17: {  	p4 =	por !p4, !p4;
	s17 =	sadd.s32 s10, s14;
	[dreg:$0x9] =	wrdreg s13  }
0x18: {  	s15 =	simm.s32 $0x3;
	s0 =	sadd.s32 $0x18600, s0;
	[dreg:$0xb] =	wrdreg s17  }
0x19: {  	s12 =	sor.u32 $0x600, s24;
	s23 =	smax.u32 s7, $0x1;
	[dreg:$0x10] =	wrdreg s0  }
0x1a: {  	s25 =	sor.u32 $0xE0, s9;
	s26 =	sadd.s32 $0x25800, s1;
	[dreg:$0x11] =	wrdreg s23  }
0x1b: {  	s31 =	sadd.s32 $0x136000, s2;
	s9 =	simm.s32 $0x400;
	[dreg:$0x13] =	wrdreg s25  }
0x1c: {  	s7 =	simm.s32 $0x0;
	s16 =	sadd.s32 s8, s14;
	[dreg:$0x15] =	wrdreg s26  }
0x1d: {  	s13 =	sor.u32 s19, s18;
	s21 =	sadd.s32 s8, s12;
	[dreg:$0x16] =	wrdreg s31  }
0x1e: {  	s12 =	sadd.s32 s10, s12;
	s10 =	sadd.s32 s20, s10;
	[dreg:$0xa] =	wrdreg s16  }
0x1f: {  	s8 =	sadd.s32 s20, s8;
	s18 =	simm.s32 $0x280;
	[dreg:$0xc] =	wrdreg s21  }
0x20: {  	s14 =	simm.s32 $0x5;
	s23 =	simm.s32 $0x100;
	[dreg:$0xd] =	wrdreg s12  }
0x21: {  	s12 =	sadd.s32 s1, s22;
	s19 =	sadd.s32 s3, s10;
	s20 =	sadd.s32 s3, s8  }
.Ltmp0:
0x22: {  	s3 =	sadd.s32 $0xA000, s11;
	s24 =	sadd.s32 $0xFFFB5E00, s13;
	(pc) =	sbr.rel .LBB2_1-.Ltmp0, $4  }
0x23: {  	s8 =	simm.s32 $0x40;
	s10 =	simm.s32 $0x2400;
	s11 =	simm.s32 $0x4400  }
0x24: {  	s13 =	simm.s32 $0x6400;
	s21 =	simm.s32 $0x6;
	[dreg:$0xf] =	wrdreg s12  }
0x25: {  	s22 =	simm.s32 $0x4;
	[dreg:$0x12] =	wrdreg s24;
	s0 =	sshrl.u32 @p4 s3, $0x3  }
0x26: {  	s24 =	simm.s32 $0x1;
	s3 =	simm.s32 $0x2;
	[dreg:$0x14] =	wrdreg s0  }
.LBB2_9:
0x27: {  	_ =	swait.ge [sflag:s21], $0x2000  }
0x28: {  	[sflag:s21] =	ssyncset.done $0x0  }
0x29: {  	[sflag:s21] =	ssyncadd.s32 $0xFFFFE000  }
0x2a: {  	_ =	swait.ge [sflag:s21], $0x2000  }
0x2b: {  	[sflag:s21] =	ssyncset.done $0x0  }
0x2c: {  	[sflag:s21] =	ssyncadd.s32 $0xFFFFE000  }
0x2d: {  	[spmem:s2] =	stream.indirect.scatter.add.f32 [tilespmem:s11], [sflag:$0x7], $0x80, s28, s30, $0xb8;
	[tilespmem:$0x1C400] =	vst v63  }
0x2e: {  	_ =	swait.ge [sflag:s29], $0x4000  }
0x2f: {  	[sflag:s29] =	ssyncset.done $0x0  }
0x30: {  	[sflag:s29] =	ssyncadd.s32 $0xFFFFC000  }
0x31: {  	[bflag:$0x0] =	sbarrier.arrive $0xFFFF  }
0x32: {  	s0 =	rddreg [dreg:$0x10]  }
0x33: {  	s7 =	rddreg [dreg:$0x18]  }
0x34: {  	s12 =	rddreg [dreg:$0x19]  }
0x35: {  	[hbm:s0], [sflag:s12] =	dma.local [spmem:s7], $0x2800  }
0x36: {  	_ =	swait.ge [sflag:s29], $0x2800  }
0x37: {  	s26 =	rddreg [dreg:$0x17]  }
0x38: {  	s31 =	rddreg [dreg:$0x11];
	s7 =	sadd.s32 $0x1, s26  }
0x39: {  	p2 =	sne.s32 s7, s31  }
.Ltmp1:
0x3a: {  	_ = 	snop;
	(pc) =	sbr.rel @!p2 .LBB2_10-.Ltmp1, $3  }
0x3b: {  	_ =	sdelay $0x1  }
0x3c: {  	[sflag:s29] =	ssyncset.done $0x0  }
0x3d: {  	[sflag:s29] =	ssyncadd.s32 $0xFFFFD800  }
.LBB2_1:
.Ltmp2:
0x3e: {  	(pc) =	sbr.rel @!p1 .LBB2_4-.Ltmp2, $4  }
0x3f: {  	s0 =	stileid.u32;
	s31 =	rddreg [dreg:$0xe]  }
0x40: {  	[dreg:$0x17] =	wrdreg s7;
	s26 =	sshll.u32 s0, $0x6;
	s12 =	sshrl.u32 s31, $0x3  }
0x41: {  	s7 =	sor.u32 $0x1C07, s26;
	[dreg:$0x18] =	wrdreg s12  }
0x42: {  	[dreg:$0x19] =	wrdreg s7  }
.Ltmp3:
0x43: {  	s0 =	rddreg [dreg:$0xf];
	(pc) =	sbr.rel .LBB2_3-.Ltmp3, $4  }
0x44: {  	[spmem:s12], [sflag:s7] =	dma.local [hbm:s0], $0x2800  }
0x45: {  	_ =	swait.ge [sflag:s29], $0x2800  }
0x46: {  	[sflag:s29] =	ssyncset.done $0x0  }
0x47: {  	p5 =	por $0x0, $0x0;
	[sflag:s29] =	ssyncadd.s32 $0xFFFFD800  }
.LBB2_4:
0x48: {  	s0 =	sld [smem:$0x7FD];
	_ =	sdelay $0x2  }
0x49: {  	p2 =	seq.s32 s0, $0x1  }
.Ltmp4:
0x4a: {  	_ = 	snop;
	(pc) =	sbr.rel @!p2 .LBB2_3-.Ltmp4, $2  }
0x4b: {  	_ =	sdelay $0x2  }
0x4c: {  	p5 =	por p0, p0  }
0x4d: {  	s0 =	rddreg [dreg:$0x5]  }
0x4e: {  	s31 =	rddreg [dreg:$0x15]  }
.Ltmp5:
0x4f: {  	s12 =	simm.s32 $0x1FC7;
	s7 =	sshrl.u32 s0, $0x3;
	(pc) =	sbr.rel .LBB2_6-.Ltmp5, $4  }
0x50: {  	[spmem:s7], [sflag:s12] =	dma.local [hbm:s31], $0x1900  }
0x51: {  	_ =	swait.ge [sflag:s29], $0x1900  }
0x52: {  	[sflag:s29] =	ssyncset.done $0x0  }
0x53: {  	[sflag:s29] =	ssyncadd.s32 $0xFFFFE700  }
.LBB2_3:
0x54: {  	s0 =	stileid.u32  }
0x55: {  	s12 =	rddreg [dreg:$0xe];
	s7 =	sshll.u32 @p4 s0, $0x6  }
0x56: {  	s17 =	sshrl.u32 @p4 s12, $0x3;
	s12 =	rddreg [dreg:$0x4];
	s7 =	sor.u32 @p4 $0x1C07, s7  }
0x57: {  	[spmem:s17], [sflag:s7] =	dma.local @p4 [hbm:s12], $0x1400  }
0x58: {  	s17 =	simm.s32 @p4 $0x7  }
0x59: {  	p6 =	por @p4 $0x1, $0x1;
	_ =	swait.ge @p4 [sflag:s17], $0x1400  }
0x5a: {  	p6 =	por @!p4 p3, p3;
	[sflag:s17] =	ssyncset.done @p4 $0x0  }
0x5b: {  	p5 =	por !p6, !p5;
	s16 =	rddreg [dreg:$0x14];
	[sflag:s17] =	ssyncadd.s32 @p4 $0xFFFFEC00  }
0x5c: {  	[spmem:s16], [sflag:s7] =	dma.local @p4 [hbm:s12], $0x1400  }
0x5d: {  	p5 =	por !p5, !p5;
	_ =	swait.ge @p4 [sflag:s17], $0x1400  }
0x5e: {  	s7 =	sshll.u32 @p5 s0, $0x6;
	[sflag:s17] =	ssyncset.done @p4 $0x0;
	s0 =	rddreg [dreg:$0x5]  }
0x5f: {  	s7 =	sor.u32 @p5 $0x1C07, s7;
	[sflag:s17] =	ssyncadd.s32 @p4 $0xFFFFEC00;
	s17 =	sshrl.u32 @p5 s0, $0x3  }
0x60: {  	[spmem:s17], [sflag:s7] =	dma.local @p5 [hbm:s12], $0x1400  }
0x61: {  	s17 =	simm.s32 @p5 $0x7  }
0x62: {  	_ =	swait.ge @p5 [sflag:s17], $0x1400  }
0x63: {  	[sflag:s17] =	ssyncset.done @p5 $0x0;
	s0 =	rddreg [dreg:$0x16]  }
0x64: {  	[sflag:s17] =	ssyncadd.s32 @p5 $0xFFFFEC00;
	s31 =	sshrl.u32 @p5 s0, $0x3  }
0x65: {  	[spmem:s31], [sflag:s7] =	dma.local @p5 [hbm:s12], $0x500  }
0x66: {  	_ =	swait.ge @p5 [sflag:s17], $0x500  }
0x67: {  	[sflag:s17] =	ssyncset.done @p5 $0x0  }
0x68: {  	[sflag:s17] =	ssyncadd.s32 @p5 $0xFFFFFB00  }
.LBB2_6:
0x69: {  	s7 =	simm.s32 $0x0;
	s0 =	rddreg [dreg:$0x6]  }
0x6a: {  	[tilespmem:s7], [sflag:$0x7] =	stream.linear.gather [hbm4b:s0+s7], $0x80, $0x38;
	[tilespmem:$0x1C400] =	vst v63  }
0x6b: {  	_ =	swait.ge [sflag:s29], $0x80  }
0x6c: {  	[sflag:s29] =	ssyncset.done $0x0  }
0x6d: {  	s17 =	rddreg [dreg:$0x7];
	[sflag:s29] =	ssyncadd.s32 $0xFFFFFF80  }
0x6e: {  	[tilespmem:s30], [sflag:$0x7] =	stream.linear.gather [hbm4b:s17+s7], $0x80, $0x38;
	[tilespmem:$0x1C400] =	vst v63  }
0x6f: {  	_ =	swait.ge [sflag:s29], $0x80  }
0x70: {  	[sflag:s29] =	ssyncset.done $0x0  }
0x71: {  	s12 =	simm.s32 $0x100;
	s25 =	rddreg [dreg:$0x8];
	[sflag:s29] =	ssyncadd.s32 $0xFFFFFF80  }
0x72: {  	[tilespmem:s12], [sflag:$0x7] =	stream.linear.gather [hbm4b:s25+s7], $0x80, $0x38;
	[tilespmem:$0x1C400] =	vst v63  }
0x73: {  	_ =	swait.ge [sflag:s29], $0x80  }
0x74: {  	[sflag:s29] =	ssyncset.done $0x0  }
0x75: {  	s16 =	simm.s32 $0x180;
	s26 =	rddreg [dreg:$0x9];
	[sflag:s29] =	ssyncadd.s32 $0xFFFFFF80  }
0x76: {  	[tilespmem:s16], [sflag:$0x7] =	stream.linear.gather [hbm4b:s26+s7], $0x80, $0x38;
	[tilespmem:$0x1C400] =	vst v63  }
0x77: {  	_ =	swait.ge [sflag:s29], $0x80  }
0x78: {  	[sflag:s29] =	ssyncset.done $0x0  }
0x79: {  	s25 =	simm.s32 $0x200;
	s17 =	rddreg [dreg:$0xa];
	[sflag:s29] =	ssyncadd.s32 $0xFFFFFF80  }
0x7a: {  	[tilespmem:s25], [sflag:$0x3] =	stream.linear.gather [hbm4b:s17+s7], $0x80, $0x38;
	[tilespmem:$0x1C400] =	vst v63  }
0x7b: {  	s26 =	rddreg [dreg:$0xb]  }
0x7c: {  	[tilespmem:s18], [sflag:$0x3] =	stream.linear.gather [hbm4b:s26+s7], $0x80, $0x38;
	[tilespmem:$0x1C400] =	vst v63  }
0x7d: {  	s16 =	rddreg [dreg:$0xc];
	s17 =	simm.s32 $0x300  }
0x7e: {  	[tilespmem:s17], [sflag:$0x4] =	stream.linear.gather [hbm4b:s16+s7], $0x80, $0x38;
	[tilespmem:$0x1C400] =	vst v63  }
0x7f: {  	s25 =	rddreg [dreg:$0xd]  }
0x80: {  	[tilespmem:s28], [sflag:$0x4] =	stream.linear.gather [hbm4b:s25+s7], $0x80, $0x38;
	[tilespmem:$0x1C400] =	vst v63  }
0x81: {  	[bflag:$0x0] =	sbarrier.arrive $0xFFFF  }
0x82: {  	[tilespmem:s9], [sflag:$0x5] =	stream.indirect.gather [hbm4b:s1+s8], $0x80, s7, s8, $0xb8;
	[tilespmem:$0x1C400] =	vst v63  }
0x83: {  	_ = 	snop  }
0x84: {  	[tilespmem:s10], [sflag:$0x5] =	stream.indirect.gather [hbm4b:s1+s8], $0x80, s8, s8, $0xb8;
	[tilespmem:$0x1C400] =	vst v63  }
0x85: {  	s17 =	rddreg [dreg:$0x13]  }
0x86: {  	[tilespmem:s11], [sflag:$0x6] =	stream.indirect.gather [hbm4b:s1+s8], $0x80, s12, s8, $0xb8;
	[tilespmem:$0x1C400] =	vst v63  }
0x87: {  	s26 =	simm.s32 $0x140;
	s31 =	rddreg [dreg:$0x12]  }
0x88: {  	[tilespmem:s13], [sflag:$0x6] =	stream.indirect.gather [hbm4b:s1+s8], $0x80, s26, s8, $0xb8;
	[tilespmem:$0x1C400] =	vst v63  }
.LBB2_7:
0x89: {  	_ =	swait.ge [sflag:s14], $0x2000  }
0x8a: {  	[sflag:s14] =	ssyncset.done $0x0  }
0x8b: {  	[sflag:s14] =	ssyncadd.s32 $0xFFFFE000  }
0x8c: {  	p5 =	seq.s32 s7, $0x9800;
	_ =	swait.ge [sflag:s14], $0x2000  }
0x8d: {  	s12 =	sadd.s32 @!p5 $0xFFFFFFA0, s17;
	[sflag:s14] =	ssyncset.done $0x0  }
0x8e: {  	p2 =	sgt.u32 @!p5 s12, $0x9C3;
	[sflag:s14] =	ssyncadd.s32 $0xFFFFE000  }
0x8f: {  	[spmem:s2] =	stream.indirect.scatter.add.f32 [tilespmem:s9], [sflag:$0x7], $0x80, s30, s30, $0xb8;
	[tilespmem:$0x1C400] =	vst v63  }
0x90: {  	p6 =	por !p2, p5;
	_ =	swait.ge [sflag:s29], $0x4000  }
0x91: {  	p2 =	por p2, p5;
	s12 =	sshrl.u32 @!p6 s31, $0x3;
	[sflag:s29] =	ssyncset.done $0x0  }
0x92: {  	s26 =	simm.s32 @!p6 $0x0;
	s0 =	sadd.s32 @!p6 s5, s12;
	[sflag:s29] =	ssyncadd.s32 $0xFFFFC000  }
0x93: {  	[tilespmem:s26], [sflag:$0x1] =	stream.linear.gather @!p6 [hbm4b:s0+s26], $0x80, $0x38;
	[tilespmem:$0x1C400] =	vst v63  }
0x94: {  	s0 =	sadd.s32 @!p2 s7, s20  }
0x95: {  	s26 =	simm.s32 @!p2 $0x0;
	s0 =	sadd.s32 @!p2 $0x800, s0  }
0x96: {  	[tilespmem:s26], [sflag:$0x1] =	stream.linear.gather @!p2 [hbm4b:s0+s26], $0x80, $0x38;
	[tilespmem:$0x1C400] =	vst v63  }
0x97: {  	s0 =	sadd.s32 @!p2 s7, s19  }
0x98: {  	s12 =	sadd.s32 @!p6 s6, s12;
	s0 =	sadd.s32 @!p2 $0x800, s0  }
0x99: {  	s26 =	simm.s32 @!p5 $0x80;
	s12 =	smov.u32 @p6 s0;
	s0 =	simm.s32 @!p5 $0x0  }
0x9a: {  	[tilespmem:s26], [sflag:$0x1] =	stream.linear.gather @!p5 [hbm4b:s12+s0], $0x80, $0x38;
	[tilespmem:$0x1C400] =	vst v63  }
0x9b: {  	_ =	swait.ge [sflag:s15], $0x80  }
0x9c: {  	[sflag:s15] =	ssyncset.done $0x0  }
0x9d: {  	[sflag:s15] =	ssyncadd.s32 $0xFFFFFF80  }
0x9e: {  	_ =	swait.ge [sflag:s15], $0x80  }
0x9f: {  	[sflag:s15] =	ssyncset.done $0x0  }
0xa0: {  	s25 =	simm.s32 $0x200;
	[sflag:s15] =	ssyncadd.s32 $0xFFFFFF80  }
0xa1: {  	[tilespmem:s9], [sflag:$0x5] =	stream.indirect.gather [hbm4b:s1+s8], $0x80, s25, s8, $0xb8;
	[tilespmem:$0x1C400] =	vst v63  }
0xa2: {  	s26 =	simm.s32 $0x240  }
0xa3: {  	[tilespmem:s10], [sflag:$0x5] =	stream.indirect.gather [hbm4b:s1+s8], $0x80, s26, s8, $0xb8;
	[tilespmem:$0x1C400] =	vst v63  }
0xa4: {  	_ =	swait.ge [sflag:s21], $0x2000  }
0xa5: {  	[sflag:s21] =	ssyncset.done $0x0  }
0xa6: {  	[sflag:s21] =	ssyncadd.s32 $0xFFFFE000  }
0xa7: {  	s12 =	sadd.s32 @!p5 $0xFFFFFFC0, s17;
	_ =	swait.ge [sflag:s21], $0x2000  }
0xa8: {  	p2 =	sgt.u32 @!p5 s12, $0x9C3;
	[sflag:s21] =	ssyncset.done $0x0  }
0xa9: {  	s16 =	simm.s32 $0x180;
	p6 =	por !p2, p5;
	[sflag:s21] =	ssyncadd.s32 $0xFFFFE000  }
0xaa: {  	[spmem:s2] =	stream.indirect.scatter.add.f32 [tilespmem:s11], [sflag:$0x7], $0x80, s16, s30, $0xb8;
	[tilespmem:$0x1C400] =	vst v63  }
0xab: {  	p2 =	por p2, p5;
	s12 =	sadd.s32 @!p6 $0x1000, s31;
	_ =	swait.ge [sflag:s29], $0x4000  }
0xac: {  	s12 =	sshrl.u32 @!p6 s12, $0x3;
	s25 =	simm.s32 @!p6 $0x0;
	[sflag:s29] =	ssyncset.done $0x0  }
0xad: {  	s26 =	sadd.s32 @!p6 s5, s12;
	s16 =	simm.s32 @!p6 $0x100;
	[sflag:s29] =	ssyncadd.s32 $0xFFFFC000  }
0xae: {  	[tilespmem:s16], [sflag:$0x2] =	stream.linear.gather @!p6 [hbm4b:s26+s25], $0x80, $0x38;
	[tilespmem:$0x1C400] =	vst v63  }
0xaf: {  	s16 =	sadd.s32 @!p2 s7, s20  }
0xb0: {  	s25 =	simm.s32 @!p2 $0x0;
	s26 =	simm.s32 @!p2 $0x100;
	s16 =	sadd.s32 @!p2 $0xA00, s16  }
0xb1: {  	[tilespmem:s26], [sflag:$0x2] =	stream.linear.gather @!p2 [hbm4b:s16+s25], $0x80, $0x38;
	[tilespmem:$0x1C400] =	vst v63  }
0xb2: {  	s16 =	sadd.s32 @!p2 s7, s19  }
0xb3: {  	s12 =	sadd.s32 @!p6 s6, s12;
	s16 =	sadd.s32 @!p2 $0xA00, s16  }
0xb4: {  	s12 =	smov.u32 @p6 s16;
	s16 =	simm.s32 @!p5 $0x180  }
0xb5: {  	[tilespmem:s16], [sflag:$0x2] =	stream.linear.gather @!p5 [hbm4b:s12+s0], $0x80, $0x38;
	[tilespmem:$0x1C400] =	vst v63  }
0xb6: {  	_ =	swait.ge [sflag:s22], $0x80  }
0xb7: {  	[sflag:s22] =	ssyncset.done $0x0  }
0xb8: {  	[sflag:s22] =	ssyncadd.s32 $0xFFFFFF80  }
0xb9: {  	_ =	swait.ge [sflag:s22], $0x80  }
0xba: {  	[sflag:s22] =	ssyncset.done $0x0  }
0xbb: {  	s25 =	simm.s32 $0x300;
	[sflag:s22] =	ssyncadd.s32 $0xFFFFFF80  }
0xbc: {  	[tilespmem:s11], [sflag:$0x6] =	stream.indirect.gather [hbm4b:s1+s8], $0x80, s25, s8, $0xb8;
	[tilespmem:$0x1C400] =	vst v63  }
0xbd: {  	s26 =	simm.s32 $0x340  }
0xbe: {  	[tilespmem:s13], [sflag:$0x6] =	stream.indirect.gather [hbm4b:s1+s8], $0x80, s26, s8, $0xb8;
	[tilespmem:$0x1C400] =	vst v63  }
0xbf: {  	_ =	swait.ge [sflag:s14], $0x2000  }
0xc0: {  	[sflag:s14] =	ssyncset.done $0x0  }
0xc1: {  	[sflag:s14] =	ssyncadd.s32 $0xFFFFE000  }
0xc2: {  	_ =	swait.ge [sflag:s14], $0x2000  }
0xc3: {  	[sflag:s14] =	ssyncset.done $0x0  }
.Ltmp6:
0xc4: {  	[sflag:s14] =	ssyncadd.s32 $0xFFFFE000;
	(pc) =	sbr.rel @p5 .LBB2_9-.Ltmp6, $4  }
0xc5: {  	[spmem:s2] =	stream.indirect.scatter.add.f32 [tilespmem:s9], [sflag:$0x7], $0x80, s18, s30, $0xb8;
	[tilespmem:$0x1C400] =	vst v63  }
0xc6: {  	_ =	swait.ge [sflag:s29], $0x4000  }
0xc7: {  	[sflag:s29] =	ssyncset.done $0x0  }
0xc8: {  	[sflag:s29] =	ssyncadd.s32 $0xFFFFC000  }
0xc9: {  	s0 =	sadd.s32 $0xFFFFFFE0, s17  }
0xca: {  	p5 =	sgt.u32 s0, $0x9C3  }
0xcb: {  	s0 =	sadd.s32 @p5 $0x2000, s31  }
0xcc: {  	s0 =	sshrl.u32 @p5 s0, $0x3  }
0xcd: {  	s16 =	simm.s32 @p5 $0x0;
	s25 =	simm.s32 @p5 $0x200;
	s12 =	sadd.s32 @p5 s5, s0  }
0xce: {  	[tilespmem:s25], [sflag:$0x3] =	stream.linear.gather @p5 [hbm4b:s12+s16], $0x80, $0x38;
	[tilespmem:$0x1C400] =	vst v63  }
0xcf: {  	s12 =	sadd.s32 @!p5 s7, s20  }
0xd0: {  	s16 =	simm.s32 @!p5 $0x0;
	s25 =	simm.s32 @!p5 $0x200;
	s12 =	sadd.s32 @!p5 $0xC00, s12  }
0xd1: {  	[tilespmem:s25], [sflag:$0x3] =	stream.linear.gather @!p5 [hbm4b:s12+s16], $0x80, $0x38;
	[tilespmem:$0x1C400] =	vst v63  }
0xd2: {  	s12 =	sadd.s32 @!p5 s7, s19  }
0xd3: {  	s0 =	sadd.s32 @p5 s6, s0;
	s12 =	sadd.s32 @!p5 $0xC00, s12  }
0xd4: {  	s12 =	smov.u32 @p5 s0  }
0xd5: {  	[tilespmem:s18], [sflag:$0x3] =	stream.linear.gather [hbm4b:s12+s4], $0x80, $0x38;
	[tilespmem:$0x1C400] =	vst v63  }
0xd6: {  	_ =	swait.ge [sflag:s24], $0x80  }
0xd7: {  	[sflag:s24] =	ssyncset.done $0x0  }
0xd8: {  	[sflag:s24] =	ssyncadd.s32 $0xFFFFFF80  }
0xd9: {  	_ =	swait.ge [sflag:s24], $0x80  }
0xda: {  	[sflag:s24] =	ssyncset.done $0x0  }
0xdb: {  	[sflag:s24] =	ssyncadd.s32 $0xFFFFFF80  }
0xdc: {  	[tilespmem:s9], [sflag:$0x5] =	stream.indirect.gather [hbm4b:s1+s8], $0x80, s4, s8, $0xb8;
	[tilespmem:$0x1C400] =	vst v63  }
0xdd: {  	_ = 	snop  }
0xde: {  	[tilespmem:s10], [sflag:$0x5] =	stream.indirect.gather [hbm4b:s1+s8], $0x80, s8, s8, $0xb8;
	[tilespmem:$0x1C400] =	vst v63  }
0xdf: {  	_ =	swait.ge [sflag:s21], $0x2000  }
0xe0: {  	[sflag:s21] =	ssyncset.done $0x0  }
0xe1: {  	[sflag:s21] =	ssyncadd.s32 $0xFFFFE000  }
0xe2: {  	_ =	swait.ge [sflag:s21], $0x2000  }
0xe3: {  	[sflag:s21] =	ssyncset.done $0x0  }
0xe4: {  	p5 =	sgt.u32 s17, $0x9C3;
	[sflag:s21] =	ssyncadd.s32 $0xFFFFE000  }
0xe5: {  	[spmem:s2] =	stream.indirect.scatter.add.f32 [tilespmem:s11], [sflag:$0x7], $0x80, s28, s30, $0xb8;
	[tilespmem:$0x1C400] =	vst v63  }
0xe6: {  	s0 =	sadd.s32 @p5 $0x3000, s31;
	_ =	swait.ge [sflag:s29], $0x4000  }
0xe7: {  	s16 =	simm.s32 @p5 $0x0;
	s0 =	sshrl.u32 @p5 s0, $0x3;
	[sflag:s29] =	ssyncset.done $0x0  }
0xe8: {  	s25 =	simm.s32 @p5 $0x300;
	s12 =	sadd.s32 @p5 s5, s0;
	[sflag:s29] =	ssyncadd.s32 $0xFFFFC000  }
0xe9: {  	[tilespmem:s25], [sflag:$0x4] =	stream.linear.gather @p5 [hbm4b:s12+s16], $0x80, $0x38;
	[tilespmem:$0x1C400] =	vst v63  }
0xea: {  	s12 =	sadd.s32 @!p5 s7, s20  }
0xeb: {  	s16 =	simm.s32 @!p5 $0x0;
	s25 =	simm.s32 @!p5 $0x300;
	s12 =	sadd.s32 @!p5 $0xE00, s12  }
0xec: {  	[tilespmem:s25], [sflag:$0x4] =	stream.linear.gather @!p5 [hbm4b:s12+s16], $0x80, $0x38;
	[tilespmem:$0x1C400] =	vst v63  }
0xed: {  	s12 =	sadd.s32 @!p5 s7, s19  }
0xee: {  	s0 =	sadd.s32 @p5 s6, s0;
	s12 =	sadd.s32 @!p5 $0xE00, s12  }
0xef: {  	s12 =	smov.u32 @p5 s0  }
0xf0: {  	[tilespmem:s28], [sflag:$0x4] =	stream.linear.gather [hbm4b:s12+s4], $0x80, $0x38;
	[tilespmem:$0x1C400] =	vst v63  }
0xf1: {  	_ =	swait.ge [sflag:s3], $0x80  }
0xf2: {  	[sflag:s3] =	ssyncset.done $0x0  }
0xf3: {  	[sflag:s3] =	ssyncadd.s32 $0xFFFFFF80  }
0xf4: {  	_ =	swait.ge [sflag:s3], $0x80  }
.Ltmp7:
0xf5: {  	[sflag:s3] =	ssyncset.done $0x0;
	(pc) =	sbr.rel .LBB2_7-.Ltmp7, $4  }
0xf6: {  	s26 =	simm.s32 $0x140;
	[sflag:s3] =	ssyncadd.s32 $0xFFFFFF80  }
0xf7: {  	[tilespmem:s11], [sflag:$0x6] =	stream.indirect.gather [hbm4b:s1+s8], $0x80, s23, s8, $0xb8;
	[tilespmem:$0x1C400] =	vst v63  }
0xf8: {  	s17 =	sadd.s32 $0x80, s17;
	s31 =	sadd.s32 $0x4000, s31;
	s7 =	sadd.s32 $0x800, s7  }
0xf9: {  	[tilespmem:s13], [sflag:$0x6] =	stream.indirect.gather [hbm4b:s1+s8], $0x80, s26, s8, $0xb8;
	[tilespmem:$0x1C400] =	vst v63  }
.LBB2_10:
0xfa: {  	_ =	sfence.sel $0x180000  }
0xfb: {  	[bflag:$0x0] =	sbarrier.arrive $0xFFFF  }
0xfc: {  	_ =	strace $0x90000047  }
0xfd: {  	s0 =	stileid.u32;
	[bflag:$0x2] =	sbarrier.arrive $0xFFFF  }
0xfe: {  	p0 =	sne.s32 s0, $0x0;
	s0 =	rddreg [dreg:$0x3]  }
0xff: {  	s0 =	sadd.s32 @!p0 $0x100000, s0  }
0x100: {  	[sflag:s0] =	ssyncadd.tile.s32 @!p0 $0x1;
	_ =	shalt  }
.Lfunc_end2:
_tile_overlayer_lowered:
.L_overlay_start_2:
0x101: {  	(tag) =	ssettag $0x2  }
0x102: {  	s0 =	rddreg [dreg:$0x0];
	s2 =	stileid.u32  }
0x103: {  	s1 =	rddreg [dreg:$0x1];
	p0 =	sne.s32 s2, $0x0  }
0x104: {  	s3 =	rddreg [dreg:$0x2];
	[bflag:$0x3] =	sbarrier.arrive $0xFFFF;
	s2 =	simm.s32 @!p0 $0x1C07  }
0x105: {  	[timem:s3], [sflag:s2] =	dma.local @!p0 [hbm:s0], s1  }
0x106: {  	s0 =	simm.s32 @!p0 $0x7  }
0x107: {  	_ =	swait.ge @!p0 [sflag:s0], s1  }
0x108: {  	s1 =	ssub.s32 @!p0 $0x0, s1;
	[sflag:s0] =	ssyncset.done @!p0 $0x0  }
0x109: {  	[sflag:s0] =	ssyncadd.s32 @!p0 s1  }
0x10a: {  	[bflag:$0x3] =	sbarrier.arrive $0xFFFF  }
0x10b: {  	_ =	shalt  }

// kernel: kernel.9.cloned.1.call-start
scs
__scs_entry_jumppad:
0x0: {  	(pc) =	sbr.rel $0x88, $3  }
0x1: {  	(tag) =	ssettag $0x0;
	lr =	simm.s32 $0x1  }
0x2: {  	[smem:$0x3F91] =	sst lr;
	_ =	strace $0xD0000000  }
0x3: {  	_ = 	snop  }
0x4: {  	_ = 	snop  }
0x5: {  	_ = 	snop  }
0x6: {  	_ = 	snop  }
0x7: {  	_ = 	snop  }
__scs_overlays_trampoline_lowered:
0x8: {  	[smem:$0x3FA0] =	sst s0  }
0x9: {  	[smem:$0x3FA1] =	sst s1  }
0xa: {  	[smem:$0x3FA2] =	sst s2  }
0xb: {  	[smem:$0x3FA3] =	sst s3  }
0xc: {  	[smem:$0x3FA4] =	sst s4  }
0xd: {  	[smem:$0x3FA5] =	sst s5  }
0xe: {  	[smem:$0x3FA6] =	sst s6  }
0xf: {  	[smem:$0x3FA7] =	sst s7  }
0x10: {  	[smem:$0x3FA8] =	sst s8  }
0x11: {  	[smem:$0x3FA9] =	sst s9;
	s0 =	simm.s32 @!p0 $0x0  }
0x12: {  	s1 =	sld [smem:$0x3F8F];
	s0 =	simm.s32 @p0 $0x1  }
0x13: {  	[smem:$0x3FAA] =	sst s0;
	s0 =	simm.s32 @!p1 $0x0  }
0x14: {  	s2 =	sld [smem:$0x3F8E];
	s0 =	simm.s32 @p1 $0x1  }
0x15: {  	[smem:$0x3FAB] =	sst s0;
	s0 =	simm.s32 @!p2 $0x0  }
0x16: {  	s3 =	sld [smem:$0x3FDB];
	s0 =	simm.s32 @p2 $0x1  }
0x17: {  	s4 =	simm.s32 $0x1BF5;
	[smem:$0x3FAD] =	sst s0  }
0x18: {  	s0 =	sld [smem:$0x3F90];
	_ =	swait.ge [sflag:s4], $0x0  }
0x19: {  	s7 =	sld [smem:$0x3F91]  }
0x1a: {  	s8 =	sadd.s32 $0xFFFFE003, lr  }
0x1b: {  	s9 =	sadd.s32 $0xFFFFFEF7, lr;
	s5 =	simm.s32 $0xFFFFFFFF;
	p2 =	slt.u32 s8, $0xFFFFF086  }
0x1c: {  	p1 =	slt.u32 s9, $0xF7A;
	s5 =	simm.s32 @!p2 $0x0  }
0x1d: {  	s5 =	simm.s32 @p1 $0x1;
	p0 =	seq.s32 s7, s2  }
0x1e: {  	s7 =	smul.u32 @!p0 $0xF7A, s2;
	p2 =	seq.s32 @!p0 s5, $0x0  }
0x1f: {  	s9 =	smul.u32 $0xF7A, s1;
	s8 =	simm.s32 @!p0 $0x1BF5;
	p2 =	por !p2, p0  }
0x20: {  	[sflag:s8] =	ssyncset.s32 @!p0 $0xFFFFF086;
	s6 =	sadd.s32 @!p0 s3, s7;
	s7 =	simm.s32 @!p0 $0x108  }
0x21: {  	s3 =	sadd.s32 s3, s9;
	s6 =	sadd.s32 @!p0 $0x88, s6;
	s7 =	simm.s32 @p2 $0x1082  }
0x22: {  	[simem:s7], [sflag:s8] =	dma.local @!p0 [hbm:s6], $0xF7A  }
0x23: {  	s9 =	sor.u32 $0xD0000000, s2;
	s6 =	simm.s32 $0x108;
	_ =	swait.ge @!p0 [sflag:s8], $0x0  }
0x24: {  	s3 =	sadd.s32 $0x88, s3;
	s6 =	simm.s32 @!p1 $0x1082;
	[sflag:s4] =	ssyncset.s32 $0xFFFFF086  }
0x25: {  	[simem:s6], [sflag:s4] =	dma.local [hbm:s3], $0xF7A  }
0x26: {  	[smem:$0x3F91] =	sst s1;
	(tag) =	ssettag s2;
	_ =	strace s9  }
0x27: {  	s1 =	sld [smem:$0x3FA1]  }
0x28: {  	s2 =	sld [smem:$0x3FA2]  }
0x29: {  	s4 =	sld [smem:$0x3FA4]  }
0x2a: {  	p0 =	seq.s32 s5, $0x0;
	s5 =	sld [smem:$0x3FA5]  }
0x2b: {  	s6 =	sld [smem:$0x3FA6]  }
0x2c: {  	s7 =	sld [smem:$0x3FA7]  }
0x2d: {  	s3 =	simm.s32 $0x108;
	s8 =	sld [smem:$0x3FA8]  }
0x2e: {  	s3 =	simm.s32 @!p0 $0x1082;
	s9 =	sld [smem:$0x3FA9]  }
0x2f: {  	lr =	sadd.s32 s0, s3;
	s0 =	sld [smem:$0x3FA0]  }
0x30: {  	s3 =	sld [smem:$0x3FA3]  }
0x31: {  	[smem:$0x3FAC] =	sst s10  }
0x32: {  	s10 =	sld [smem:$0x3FAA];
	_ =	sdelay $0x3  }
0x33: {  	p0 =	seq.s32 s10, $0x1;
	s10 =	sld [smem:$0x3FAC];
	_ =	sdelay $0x3  }
0x34: {  	[smem:$0x3FAC] =	sst s10  }
0x35: {  	s10 =	sld [smem:$0x3FAB];
	_ =	sdelay $0x3  }
0x36: {  	p1 =	seq.s32 s10, $0x1;
	s10 =	sld [smem:$0x3FAC];
	_ =	sdelay $0x3  }
0x37: {  	[smem:$0x3FAC] =	sst s10  }
0x38: {  	s10 =	sld [smem:$0x3FAD]  }
0x39: {  	_ = 	snop;
	(pc) =	sbr.ind lr, $3  }
0x3a: {  	_ = 	snop  }
0x3b: {  	_ = 	snop  }
0x3c: {  	p2 =	seq.s32 s10, $0x1;
	s10 =	sld [smem:$0x3FAC]  }
0x3d: {  	_ =	shalt  }
0x3e: {  	_ =	shalt  }
0x3f: {  	_ =	shalt  }
0x40: {  	_ =	shalt  }
0x41: {  	_ =	shalt  }
0x42: {  	_ =	shalt  }
0x43: {  	_ =	shalt  }
0x44: {  	_ =	shalt  }
0x45: {  	_ =	shalt  }
0x46: {  	_ =	shalt  }
0x47: {  	_ =	shalt  }
0x48: {  	_ =	shalt  }
0x49: {  	_ =	shalt  }
0x4a: {  	_ =	shalt  }
0x4b: {  	_ =	shalt  }
0x4c: {  	_ =	shalt  }
0x4d: {  	_ =	shalt  }
0x4e: {  	_ =	shalt  }
0x4f: {  	_ =	shalt  }
0x50: {  	_ =	shalt  }
0x51: {  	_ =	shalt  }
0x52: {  	_ =	shalt  }
0x53: {  	_ =	shalt  }
0x54: {  	_ =	shalt  }
0x55: {  	_ =	shalt  }
0x56: {  	_ =	shalt  }
0x57: {  	_ =	shalt  }
0x58: {  	_ =	shalt  }
0x59: {  	_ =	shalt  }
0x5a: {  	_ =	shalt  }
0x5b: {  	_ =	shalt  }
0x5c: {  	_ =	shalt  }
0x5d: {  	_ =	shalt  }
0x5e: {  	_ =	shalt  }
0x5f: {  	_ =	shalt  }
0x60: {  	_ =	shalt  }
0x61: {  	_ =	shalt  }
0x62: {  	_ =	shalt  }
0x63: {  	_ =	shalt  }
0x64: {  	_ =	shalt  }
0x65: {  	_ =	shalt  }
0x66: {  	_ =	shalt  }
0x67: {  	_ =	shalt  }
0x68: {  	_ =	shalt  }
0x69: {  	_ =	shalt  }
0x6a: {  	_ =	shalt  }
0x6b: {  	_ =	shalt  }
0x6c: {  	_ =	shalt  }
0x6d: {  	_ =	shalt  }
0x6e: {  	_ =	shalt  }
0x6f: {  	_ =	shalt  }
0x70: {  	_ =	shalt  }
0x71: {  	_ =	shalt  }
0x72: {  	_ =	shalt  }
0x73: {  	_ =	shalt  }
0x74: {  	_ =	shalt  }
0x75: {  	_ =	shalt  }
0x76: {  	_ =	shalt  }
0x77: {  	_ =	shalt  }
0x78: {  	_ =	shalt  }
0x79: {  	_ =	shalt  }
0x7a: {  	_ =	shalt  }
0x7b: {  	_ =	shalt  }
0x7c: {  	_ =	shalt  }
0x7d: {  	_ =	shalt  }
0x7e: {  	_ =	shalt  }
0x7f: {  	_ =	shalt  }
0x80: {  	_ =	shalt  }
0x81: {  	_ =	shalt  }
0x82: {  	_ =	shalt  }
0x83: {  	_ =	shalt  }
0x84: {  	_ =	shalt  }
0x85: {  	_ =	shalt  }
0x86: {  	_ =	shalt  }
0x87: {  	_ =	shalt  }
.Lfunc_end0:
.L_simem_size_0:
called_computation.1_lowered:
.L_overlay_start_0:
0x88: {  	s2 =	sld [smem:$0x3FD9]  }
0x89: {  	s3 =	sld [smem:$0x3FFE];
	_ =	sdelay $0x1  }
0x8a: {  	s1 =	srdreg.scid  }
0x8b: {  	s0 =	sand.u32 $0x1, s1  }
0x8c: {  	s17 =	sshll.u32 s0, $0xA;
	s2 =	sadd.s32 s3, s2  }
0x8d: {  	s2 =	sadd.s32 s2, s17  }
0x8e: {  	[smem:$0x3FB8] =	sst s2  }
0x8f: {  	_ = 	snop  }
0x90: {  	s2 =	sld [smem:$0x3FD0];
	(tm) =	ssettm $0x1  }
0x91: {  	s18 =	sld [smem:$0x3FFB];
	_ =	sdelay $0x3  }
0x92: {  	_ =	strace s18  }
0x93: {  	s3 =	sld [smem:$0x3FFC];
	_ =	sdelay $0x3  }
0x94: {  	_ =	strace s3  }
0x95: {  	s3 =	sld [smem:$0x3FFD];
	_ =	sdelay $0x3  }
0x96: {  	_ =	strace s3  }
0x97: {  	_ =	strace $0x8FFFFFFF  }
0x98: {  	s19 =	sld [smem:$0x3FDB];
	_ =	sdelay $0x1  }
0x99: {  	s4 =	simm.s32 $_scs_section_size  }
0x9a: {  	s5 =	simm.s32 $_size__tile_overlayer_lowered;
	s6 =	simm.s32 $_tile_overlayer_lowered  }
0x9b: {  	s22 =	simm.s32 $0x1BFF;
	s21 =	sshll.u32 s6, $0x1;
	s3 =	sadd.s32 s4, s19  }
0x9c: {  	s7 =	simm.s32 $0x0;
	s20 =	sshll.u32 s5, $0x1;
	s5 =	sadd.s32 s21, s3  }
0x9d: {  	[timem:s7], [sflag:s22] =	dma.local [hbm:s5], s20  }
0x9e: {  	_ =	swait.ge [sflag:s22], s20  }
0x9f: {  	s4 =	ssub.s32 $0x0, s20;
	[sflag:s22] =	ssyncset.done $0x0  }
0xa0: {  	[sflag:s22] =	ssyncadd.s32 s4;
	_ =	sdelay $0x1  }
0xa1: {  	s23 =	simm.s32 $0x1B8B  }
0xa2: {  	_ =	swait.ge [sflag:s23], $0x1  }
0xa3: {  	[sflag:s23] =	ssyncset.done $0x0  }
0xa4: {  	s25 =	simm.s32 $0x1B8E;
	s24 =	sld [smem:$0x3FFE];
	[sflag:s23] =	ssyncadd.s32 $0xFFFFFFFF  }
0xa5: {  	s26 =	simm.s32 $execute0_lowered;
	[smem:$0x3FD2] =	sst s25  }
0xa6: {  	s5 =	sshll.u32 s26, $0x1;
	_ =	strace $0x80000049;
	[dreg:$0x1] =	wrdreg $0xFFFFFFFF  }
0xa7: {  	s28 =	simm.s32 $_size_execute0_lowered;
	s3 =	sadd.s32 s3, s5;
	[dreg:$0x0] =	wrdreg $0x0  }
0xa8: {  	s5 =	sshll.u32 s28, $0x1;
	[dreg:$0x2] =	wrdreg s3  }
0xa9: {  	[dreg:$0x3] =	wrdreg s5  }
0xaa: {  	[dreg:$0x4] =	wrdreg $0xC0  }
0xab: {  	_ =	task [dreg:s7], $0x5FFFF  }
0xac: {  	[dreg:$0x1] =	wrdreg $0xFFFFFFFF  }
0xad: {  	[dreg:$0x0] =	wrdreg $0x60  }
0xae: {  	[dreg:$0x2] =	wrdreg s2  }
0xaf: {  	[dreg:$0x3] =	wrdreg s24  }
0xb0: {  	[dreg:$0x4] =	wrdreg $0x84000  }
0xb1: {  	[dreg:$0x5] =	wrdreg $0x9  }
0xb2: {  	_ =	task.clear_ibuf [dreg:s7], $0x6FFFF;
	_ =	strace $0x90000049  }
0xb3: {  	s29 =	simm.s32 $0x9;
	_ =	strace $0x8000004B  }
0xb4: {  	_ =	swait.ge [sflag:s29], $0x1  }
0xb5: {  	[sflag:s29] =	ssyncadd.s32 $0xFFFFFFFF  }
0xb6: {  	_ =	strace $0x9000004B  }
0xb7: {  	_ =	sfence  }
0xb8: {  	s30 =	sld [smem:$0x0];
	_ =	sdelay $0x2  }
0xb9: {  	s31 =	sshll.u32 s1, $0xD;
	s1 =	sshrl.u32 s1, $0x2  }
0xba: {  	s3 =	sand.u32 $0x4000, s31;
	s1 =	sadd.s32 s1, s30  }
0xbb: {  	s0 =	sor.u32 s3, s0;
	s1 =	sshll.u32 s1, $0x11  }
0xbc: {  	s0 =	sor.u32 s1, s0  }
0xbd: {  	s0 =	sadd.s32 $0x8F2B, s0  }
0xbe: {  	[sflag:s0] =	ssyncadd.remote.s32 $0x1  }
0xbf: {  	_ =	sfence.sel $0xFFFF  }
0xc0: {  	[dreg:$0x0] =	wrdreg $0xFFFFFFFF;
	(pc) =	sbr.abs _section_cstart, $3  }
0xc1: {  	[dreg:$0x1] =	wrdreg $0xFFFFFFFF  }
0xc2: {  	_ =	task.clear_ibuf [dreg:s7], $0x2FFFF;
	_ =	strace $0x9FFFFFFF  }
0xc3: {  	(tm) =	ssettm $0x7FFFFFFF  }
tec
execute0_lowered:
.L_overlay_start_1:
0x0: {  	(tag) =	ssettag $0x1  }
0x1: {  	s1 =	rddreg [dreg:$0x0]  }
0x2: {  	s0 =	rddreg [dreg:$0x1]  }
0x3: {  	s2 =	rddreg [dreg:$0x2];
	s4 =	simm.s32 $0x0  }
0x4: {  	s3 =	srdreg.scid;
	s15 =	stileid.u32;
	s29 =	simm.s32 $0x7  }
0x5: {  	s30 =	simm.s32 $0x80;
	s28 =	simm.s32 $0x380;
	[smem:$0x7FF] =	sst s4  }
0x6: {  	s3 =	sand.u32 $0x1, s3;
	s8 =	sadd.s32 $0xD400, s0;
	s9 =	smul.u32 $0x14000, s15  }
0x7: {  	s10 =	sadd.s32 $0x3600, s0;
	s5 =	sadd.s32 $0x2E00, s0;
	s6 =	sadd.s32 $0x3200, s0  }
0x8: {  	s11 =	sadd.s32 $0x17200, s0;
	s12 =	sshll.u32 s15, $0x1;
	p4 =	sne.s32 s15, $0xF  }
0x9: {  	p0 =	seq.s32 s15, $0xF;
	s23 =	smul.u32 $0x50000, s15;
	s13 =	sadd.s32 $0x12C000, s2  }
0xa: {  	s18 =	sshll.u32 s15, $0x8;
	s20 =	sshll.u32 s15, $0x5;
	s7 =	smul.u32 $0x140000, s3  }
0xb: {  	_ =	strace $0x8000004A;
	[dreg:$0x4] =	wrdreg s11;
	s21 =	ssub.s32 $0x2, s3  }
0xc: {  	p1 =	seq.s32 s3, $0x0;
	[dreg:$0x5] =	wrdreg s13;
	s19 =	sshll.u32 s3, $0x7  }
0xd: {  	s22 =	sshrl.u32 s21, $0x1;
	p2 =	por !p1, !p4;
	p3 =	por !p1, !p0  }
0xe: {  	s11 =	sshrl.u32 s23, $0x2;
	s7 =	sadd.s32 s9, s7;
	s9 =	sor.u32 s3, s12  }
0xf: {  	p1 =	por !p2, !p2;
	p2 =	por !p3, !p3;
	p3 =	seq.s32 s3, $0x1  }
0x10: {  	s11 =	sadd.s32 s11, s2;
	s3 =	sshll.u32 s3, $0x4;
	s7 =	sshrl.u32 s7, $0x3  }
0x11: {  	s12 =	simm.s32 @!p2 $0x0;
	s24 =	sshll.u32 s9, $0x4;
	p4 =	por !p4, !p3  }
0x12: {  	[dreg:$0xe] =	wrdreg s11;
	s0 =	sadd.s32 s7, s0;
	s12 =	simm.s32 @p2 $0x1  }
0x13: {  	s7 =	ssub.s32 s21, s22;
	s25 =	sadd.s32 s8, s24;
	[smem:$0x7FD] =	sst s12  }
0x14: {  	s26 =	sadd.s32 s10, s24;
	s31 =	sor.u32 $0x200, s24;
	[dreg:$0x6] =	wrdreg s25  }
0x15: {  	s14 =	sor.u32 $0x400, s24;
	[dreg:$0x7] =	wrdreg s26;
	s16 =	sadd.s32 s8, s31  }
0x16: {  	s22 =	smul.u32 $0x2800, s15;
	s13 =	sadd.s32 s10, s31;
	[dreg:$0x8] =	wrdreg s16  }
0x17: {  	p4 =	por !p4, !p4;
	s17 =	sadd.s32 s10, s14;
	[dreg:$0x9] =	wrdreg s13  }
0x18: {  	s15 =	simm.s32 $0x3;
	s0 =	sadd.s32 $0x18600, s0;
	[dreg:$0xb] =	wrdreg s17  }
0x19: {  	s12 =	sor.u32 $0x600, s24;
	s23 =	smax.u32 s7, $0x1;
	[dreg:$0x10] =	wrdreg s0  }
0x1a: {  	s25 =	sor.u32 $0xE0, s9;
	s26 =	sadd.s32 $0x25800, s1;
	[dreg:$0x11] =	wrdreg s23  }
0x1b: {  	s31 =	sadd.s32 $0x136000, s2;
	s9 =	simm.s32 $0x400;
	[dreg:$0x13] =	wrdreg s25  }
0x1c: {  	s7 =	simm.s32 $0x0;
	s16 =	sadd.s32 s8, s14;
	[dreg:$0x15] =	wrdreg s26  }
0x1d: {  	s13 =	sor.u32 s19, s18;
	s21 =	sadd.s32 s8, s12;
	[dreg:$0x16] =	wrdreg s31  }
0x1e: {  	s12 =	sadd.s32 s10, s12;
	s10 =	sadd.s32 s20, s10;
	[dreg:$0xa] =	wrdreg s16  }
0x1f: {  	s8 =	sadd.s32 s20, s8;
	s18 =	simm.s32 $0x280;
	[dreg:$0xc] =	wrdreg s21  }
0x20: {  	s14 =	simm.s32 $0x5;
	s23 =	simm.s32 $0x100;
	[dreg:$0xd] =	wrdreg s12  }
0x21: {  	s12 =	sadd.s32 s1, s22;
	s19 =	sadd.s32 s3, s10;
	s20 =	sadd.s32 s3, s8  }
.Ltmp0:
0x22: {  	s3 =	sadd.s32 $0xA000, s11;
	s24 =	sadd.s32 $0xFFFB5E00, s13;
	(pc) =	sbr.rel .LBB2_1-.Ltmp0, $4  }
0x23: {  	s8 =	simm.s32 $0x40;
	s10 =	simm.s32 $0x2400;
	s11 =	simm.s32 $0x4400  }
0x24: {  	s13 =	simm.s32 $0x6400;
	s21 =	simm.s32 $0x6;
	[dreg:$0xf] =	wrdreg s12  }
0x25: {  	s22 =	simm.s32 $0x4;
	[dreg:$0x12] =	wrdreg s24;
	s0 =	sshrl.u32 @p4 s3, $0x3  }
0x26: {  	s24 =	simm.s32 $0x1;
	s3 =	simm.s32 $0x2;
	[dreg:$0x14] =	wrdreg s0  }
.LBB2_9:
0x27: {  	_ =	swait.ge [sflag:s21], $0x2000  }
0x28: {  	[sflag:s21] =	ssyncset.done $0x0  }
0x29: {  	[sflag:s21] =	ssyncadd.s32 $0xFFFFE000  }
0x2a: {  	_ =	swait.ge [sflag:s21], $0x2000  }
0x2b: {  	[sflag:s21] =	ssyncset.done $0x0  }
0x2c: {  	[sflag:s21] =	ssyncadd.s32 $0xFFFFE000  }
0x2d: {  	[spmem:s2] =	stream.indirect.scatter.add.f32 [tilespmem:s11], [sflag:$0x7], $0x80, s28, s30, $0xb8;
	[tilespmem:$0x1C400] =	vst v63  }
0x2e: {  	_ =	swait.ge [sflag:s29], $0x4000  }
0x2f: {  	[sflag:s29] =	ssyncset.done $0x0  }
0x30: {  	[sflag:s29] =	ssyncadd.s32 $0xFFFFC000  }
0x31: {  	[bflag:$0x0] =	sbarrier.arrive $0xFFFF  }
0x32: {  	s0 =	rddreg [dreg:$0x10]  }
0x33: {  	s7 =	rddreg [dreg:$0x18]  }
0x34: {  	s12 =	rddreg [dreg:$0x19]  }
0x35: {  	[hbm:s0], [sflag:s12] =	dma.local [spmem:s7], $0x2800  }
0x36: {  	_ =	swait.ge [sflag:s29], $0x2800  }
0x37: {  	s26 =	rddreg [dreg:$0x17]  }
0x38: {  	s31 =	rddreg [dreg:$0x11];
	s7 =	sadd.s32 $0x1, s26  }
0x39: {  	p2 =	sne.s32 s7, s31  }
.Ltmp1:
0x3a: {  	_ = 	snop;
	(pc) =	sbr.rel @!p2 .LBB2_10-.Ltmp1, $3  }
0x3b: {  	_ =	sdelay $0x1  }
0x3c: {  	[sflag:s29] =	ssyncset.done $0x0  }
0x3d: {  	[sflag:s29] =	ssyncadd.s32 $0xFFFFD800  }
.LBB2_1:
.Ltmp2:
0x3e: {  	(pc) =	sbr.rel @!p1 .LBB2_4-.Ltmp2, $4  }
0x3f: {  	s0 =	stileid.u32;
	s31 =	rddreg [dreg:$0xe]  }
0x40: {  	[dreg:$0x17] =	wrdreg s7;
	s26 =	sshll.u32 s0, $0x6;
	s12 =	sshrl.u32 s31, $0x3  }
0x41: {  	s7 =	sor.u32 $0x1C07, s26;
	[dreg:$0x18] =	wrdreg s12  }
0x42: {  	[dreg:$0x19] =	wrdreg s7  }
.Ltmp3:
0x43: {  	s0 =	rddreg [dreg:$0xf];
	(pc) =	sbr.rel .LBB2_3-.Ltmp3, $4  }
0x44: {  	[spmem:s12], [sflag:s7] =	dma.local [hbm:s0], $0x2800  }
0x45: {  	_ =	swait.ge [sflag:s29], $0x2800  }
0x46: {  	[sflag:s29] =	ssyncset.done $0x0  }
0x47: {  	p5 =	por $0x0, $0x0;
	[sflag:s29] =	ssyncadd.s32 $0xFFFFD800  }
.LBB2_4:
0x48: {  	s0 =	sld [smem:$0x7FD];
	_ =	sdelay $0x2  }
0x49: {  	p2 =	seq.s32 s0, $0x1  }
.Ltmp4:
0x4a: {  	_ = 	snop;
	(pc) =	sbr.rel @!p2 .LBB2_3-.Ltmp4, $2  }
0x4b: {  	_ =	sdelay $0x2  }
0x4c: {  	p5 =	por p0, p0  }
0x4d: {  	s0 =	rddreg [dreg:$0x5]  }
0x4e: {  	s31 =	rddreg [dreg:$0x15]  }
.Ltmp5:
0x4f: {  	s12 =	simm.s32 $0x1FC7;
	s7 =	sshrl.u32 s0, $0x3;
	(pc) =	sbr.rel .LBB2_6-.Ltmp5, $4  }
0x50: {  	[spmem:s7], [sflag:s12] =	dma.local [hbm:s31], $0x1900  }
0x51: {  	_ =	swait.ge [sflag:s29], $0x1900  }
0x52: {  	[sflag:s29] =	ssyncset.done $0x0  }
0x53: {  	[sflag:s29] =	ssyncadd.s32 $0xFFFFE700  }
.LBB2_3:
0x54: {  	s0 =	stileid.u32  }
0x55: {  	s12 =	rddreg [dreg:$0xe];
	s7 =	sshll.u32 @p4 s0, $0x6  }
0x56: {  	s17 =	sshrl.u32 @p4 s12, $0x3;
	s12 =	rddreg [dreg:$0x4];
	s7 =	sor.u32 @p4 $0x1C07, s7  }
0x57: {  	[spmem:s17], [sflag:s7] =	dma.local @p4 [hbm:s12], $0x1400  }
0x58: {  	s17 =	simm.s32 @p4 $0x7  }
0x59: {  	p6 =	por @p4 $0x1, $0x1;
	_ =	swait.ge @p4 [sflag:s17], $0x1400  }
0x5a: {  	p6 =	por @!p4 p3, p3;
	[sflag:s17] =	ssyncset.done @p4 $0x0  }
0x5b: {  	p5 =	por !p6, !p5;
	s16 =	rddreg [dreg:$0x14];
	[sflag:s17] =	ssyncadd.s32 @p4 $0xFFFFEC00  }
0x5c: {  	[spmem:s16], [sflag:s7] =	dma.local @p4 [hbm:s12], $0x1400  }
0x5d: {  	p5 =	por !p5, !p5;
	_ =	swait.ge @p4 [sflag:s17], $0x1400  }
0x5e: {  	s7 =	sshll.u32 @p5 s0, $0x6;
	[sflag:s17] =	ssyncset.done @p4 $0x0;
	s0 =	rddreg [dreg:$0x5]  }
0x5f: {  	s7 =	sor.u32 @p5 $0x1C07, s7;
	[sflag:s17] =	ssyncadd.s32 @p4 $0xFFFFEC00;
	s17 =	sshrl.u32 @p5 s0, $0x3  }
0x60: {  	[spmem:s17], [sflag:s7] =	dma.local @p5 [hbm:s12], $0x1400  }
0x61: {  	s17 =	simm.s32 @p5 $0x7  }
0x62: {  	_ =	swait.ge @p5 [sflag:s17], $0x1400  }
0x63: {  	[sflag:s17] =	ssyncset.done @p5 $0x0;
	s0 =	rddreg [dreg:$0x16]  }
0x64: {  	[sflag:s17] =	ssyncadd.s32 @p5 $0xFFFFEC00;
	s31 =	sshrl.u32 @p5 s0, $0x3  }
0x65: {  	[spmem:s31], [sflag:s7] =	dma.local @p5 [hbm:s12], $0x500  }
0x66: {  	_ =	swait.ge @p5 [sflag:s17], $0x500  }
0x67: {  	[sflag:s17] =	ssyncset.done @p5 $0x0  }
0x68: {  	[sflag:s17] =	ssyncadd.s32 @p5 $0xFFFFFB00  }
.LBB2_6:
0x69: {  	s7 =	simm.s32 $0x0;
	s0 =	rddreg [dreg:$0x6]  }
0x6a: {  	[tilespmem:s7], [sflag:$0x7] =	stream.linear.gather [hbm4b:s0+s7], $0x80, $0x38;
	[tilespmem:$0x1C400] =	vst v63  }
0x6b: {  	_ =	swait.ge [sflag:s29], $0x80  }
0x6c: {  	[sflag:s29] =	ssyncset.done $0x0  }
0x6d: {  	s17 =	rddreg [dreg:$0x7];
	[sflag:s29] =	ssyncadd.s32 $0xFFFFFF80  }
0x6e: {  	[tilespmem:s30], [sflag:$0x7] =	stream.linear.gather [hbm4b:s17+s7], $0x80, $0x38;
	[tilespmem:$0x1C400] =	vst v63  }
0x6f: {  	_ =	swait.ge [sflag:s29], $0x80  }
0x70: {  	[sflag:s29] =	ssyncset.done $0x0  }
0x71: {  	s12 =	simm.s32 $0x100;
	s25 =	rddreg [dreg:$0x8];
	[sflag:s29] =	ssyncadd.s32 $0xFFFFFF80  }
0x72: {  	[tilespmem:s12], [sflag:$0x7] =	stream.linear.gather [hbm4b:s25+s7], $0x80, $0x38;
	[tilespmem:$0x1C400] =	vst v63  }
0x73: {  	_ =	swait.ge [sflag:s29], $0x80  }
0x74: {  	[sflag:s29] =	ssyncset.done $0x0  }
0x75: {  	s16 =	simm.s32 $0x180;
	s26 =	rddreg [dreg:$0x9];
	[sflag:s29] =	ssyncadd.s32 $0xFFFFFF80  }
0x76: {  	[tilespmem:s16], [sflag:$0x7] =	stream.linear.gather [hbm4b:s26+s7], $0x80, $0x38;
	[tilespmem:$0x1C400] =	vst v63  }
0x77: {  	_ =	swait.ge [sflag:s29], $0x80  }
0x78: {  	[sflag:s29] =	ssyncset.done $0x0  }
0x79: {  	s25 =	simm.s32 $0x200;
	s17 =	rddreg [dreg:$0xa];
	[sflag:s29] =	ssyncadd.s32 $0xFFFFFF80  }
0x7a: {  	[tilespmem:s25], [sflag:$0x3] =	stream.linear.gather [hbm4b:s17+s7], $0x80, $0x38;
	[tilespmem:$0x1C400] =	vst v63  }
0x7b: {  	s26 =	rddreg [dreg:$0xb]  }
0x7c: {  	[tilespmem:s18], [sflag:$0x3] =	stream.linear.gather [hbm4b:s26+s7], $0x80, $0x38;
	[tilespmem:$0x1C400] =	vst v63  }
0x7d: {  	s16 =	rddreg [dreg:$0xc];
	s17 =	simm.s32 $0x300  }
0x7e: {  	[tilespmem:s17], [sflag:$0x4] =	stream.linear.gather [hbm4b:s16+s7], $0x80, $0x38;
	[tilespmem:$0x1C400] =	vst v63  }
0x7f: {  	s25 =	rddreg [dreg:$0xd]  }
0x80: {  	[tilespmem:s28], [sflag:$0x4] =	stream.linear.gather [hbm4b:s25+s7], $0x80, $0x38;
	[tilespmem:$0x1C400] =	vst v63  }
0x81: {  	[bflag:$0x0] =	sbarrier.arrive $0xFFFF  }
0x82: {  	[tilespmem:s9], [sflag:$0x5] =	stream.indirect.gather [hbm4b:s1+s8], $0x80, s7, s8, $0xb8;
	[tilespmem:$0x1C400] =	vst v63  }
0x83: {  	_ = 	snop  }
0x84: {  	[tilespmem:s10], [sflag:$0x5] =	stream.indirect.gather [hbm4b:s1+s8], $0x80, s8, s8, $0xb8;
	[tilespmem:$0x1C400] =	vst v63  }
0x85: {  	s17 =	rddreg [dreg:$0x13]  }
0x86: {  	[tilespmem:s11], [sflag:$0x6] =	stream.indirect.gather [hbm4b:s1+s8], $0x80, s12, s8, $0xb8;
	[tilespmem:$0x1C400] =	vst v63  }
0x87: {  	s26 =	simm.s32 $0x140;
	s31 =	rddreg [dreg:$0x12]  }
0x88: {  	[tilespmem:s13], [sflag:$0x6] =	stream.indirect.gather [hbm4b:s1+s8], $0x80, s26, s8, $0xb8;
	[tilespmem:$0x1C400] =	vst v63  }
.LBB2_7:
0x89: {  	_ =	swait.ge [sflag:s14], $0x2000  }
0x8a: {  	[sflag:s14] =	ssyncset.done $0x0  }
0x8b: {  	[sflag:s14] =	ssyncadd.s32 $0xFFFFE000  }
0x8c: {  	p5 =	seq.s32 s7, $0x9800;
	_ =	swait.ge [sflag:s14], $0x2000  }
0x8d: {  	s12 =	sadd.s32 @!p5 $0xFFFFFFA0, s17;
	[sflag:s14] =	ssyncset.done $0x0  }
0x8e: {  	p2 =	sgt.u32 @!p5 s12, $0x9C3;
	[sflag:s14] =	ssyncadd.s32 $0xFFFFE000  }
0x8f: {  	[spmem:s2] =	stream.indirect.scatter.add.f32 [tilespmem:s9], [sflag:$0x7], $0x80, s30, s30, $0xb8;
	[tilespmem:$0x1C400] =	vst v63  }
0x90: {  	p6 =	por !p2, p5;
	_ =	swait.ge [sflag:s29], $0x4000  }
0x91: {  	p2 =	por p2, p5;
	s12 =	sshrl.u32 @!p6 s31, $0x3;
	[sflag:s29] =	ssyncset.done $0x0  }
0x92: {  	s26 =	simm.s32 @!p6 $0x0;
	s0 =	sadd.s32 @!p6 s5, s12;
	[sflag:s29] =	ssyncadd.s32 $0xFFFFC000  }
0x93: {  	[tilespmem:s26], [sflag:$0x1] =	stream.linear.gather @!p6 [hbm4b:s0+s26], $0x80, $0x38;
	[tilespmem:$0x1C400] =	vst v63  }
0x94: {  	s0 =	sadd.s32 @!p2 s7, s20  }
0x95: {  	s26 =	simm.s32 @!p2 $0x0;
	s0 =	sadd.s32 @!p2 $0x800, s0  }
0x96: {  	[tilespmem:s26], [sflag:$0x1] =	stream.linear.gather @!p2 [hbm4b:s0+s26], $0x80, $0x38;
	[tilespmem:$0x1C400] =	vst v63  }
0x97: {  	s0 =	sadd.s32 @!p2 s7, s19  }
0x98: {  	s12 =	sadd.s32 @!p6 s6, s12;
	s0 =	sadd.s32 @!p2 $0x800, s0  }
0x99: {  	s26 =	simm.s32 @!p5 $0x80;
	s12 =	smov.u32 @p6 s0;
	s0 =	simm.s32 @!p5 $0x0  }
0x9a: {  	[tilespmem:s26], [sflag:$0x1] =	stream.linear.gather @!p5 [hbm4b:s12+s0], $0x80, $0x38;
	[tilespmem:$0x1C400] =	vst v63  }
0x9b: {  	_ =	swait.ge [sflag:s15], $0x80  }
0x9c: {  	[sflag:s15] =	ssyncset.done $0x0  }
0x9d: {  	[sflag:s15] =	ssyncadd.s32 $0xFFFFFF80  }
0x9e: {  	_ =	swait.ge [sflag:s15], $0x80  }
0x9f: {  	[sflag:s15] =	ssyncset.done $0x0  }
0xa0: {  	s25 =	simm.s32 $0x200;
	[sflag:s15] =	ssyncadd.s32 $0xFFFFFF80  }
0xa1: {  	[tilespmem:s9], [sflag:$0x5] =	stream.indirect.gather [hbm4b:s1+s8], $0x80, s25, s8, $0xb8;
	[tilespmem:$0x1C400] =	vst v63  }
0xa2: {  	s26 =	simm.s32 $0x240  }
0xa3: {  	[tilespmem:s10], [sflag:$0x5] =	stream.indirect.gather [hbm4b:s1+s8], $0x80, s26, s8, $0xb8;
	[tilespmem:$0x1C400] =	vst v63  }
0xa4: {  	_ =	swait.ge [sflag:s21], $0x2000  }
0xa5: {  	[sflag:s21] =	ssyncset.done $0x0  }
0xa6: {  	[sflag:s21] =	ssyncadd.s32 $0xFFFFE000  }
0xa7: {  	s12 =	sadd.s32 @!p5 $0xFFFFFFC0, s17;
	_ =	swait.ge [sflag:s21], $0x2000  }
0xa8: {  	p2 =	sgt.u32 @!p5 s12, $0x9C3;
	[sflag:s21] =	ssyncset.done $0x0  }
0xa9: {  	s16 =	simm.s32 $0x180;
	p6 =	por !p2, p5;
	[sflag:s21] =	ssyncadd.s32 $0xFFFFE000  }
0xaa: {  	[spmem:s2] =	stream.indirect.scatter.add.f32 [tilespmem:s11], [sflag:$0x7], $0x80, s16, s30, $0xb8;
	[tilespmem:$0x1C400] =	vst v63  }
0xab: {  	p2 =	por p2, p5;
	s12 =	sadd.s32 @!p6 $0x1000, s31;
	_ =	swait.ge [sflag:s29], $0x4000  }
0xac: {  	s12 =	sshrl.u32 @!p6 s12, $0x3;
	s25 =	simm.s32 @!p6 $0x0;
	[sflag:s29] =	ssyncset.done $0x0  }
0xad: {  	s26 =	sadd.s32 @!p6 s5, s12;
	s16 =	simm.s32 @!p6 $0x100;
	[sflag:s29] =	ssyncadd.s32 $0xFFFFC000  }
0xae: {  	[tilespmem:s16], [sflag:$0x2] =	stream.linear.gather @!p6 [hbm4b:s26+s25], $0x80, $0x38;
	[tilespmem:$0x1C400] =	vst v63  }
0xaf: {  	s16 =	sadd.s32 @!p2 s7, s20  }
0xb0: {  	s25 =	simm.s32 @!p2 $0x0;
	s26 =	simm.s32 @!p2 $0x100;
	s16 =	sadd.s32 @!p2 $0xA00, s16  }
0xb1: {  	[tilespmem:s26], [sflag:$0x2] =	stream.linear.gather @!p2 [hbm4b:s16+s25], $0x80, $0x38;
	[tilespmem:$0x1C400] =	vst v63  }
0xb2: {  	s16 =	sadd.s32 @!p2 s7, s19  }
0xb3: {  	s12 =	sadd.s32 @!p6 s6, s12;
	s16 =	sadd.s32 @!p2 $0xA00, s16  }
0xb4: {  	s12 =	smov.u32 @p6 s16;
	s16 =	simm.s32 @!p5 $0x180  }
0xb5: {  	[tilespmem:s16], [sflag:$0x2] =	stream.linear.gather @!p5 [hbm4b:s12+s0], $0x80, $0x38;
	[tilespmem:$0x1C400] =	vst v63  }
0xb6: {  	_ =	swait.ge [sflag:s22], $0x80  }
0xb7: {  	[sflag:s22] =	ssyncset.done $0x0  }
0xb8: {  	[sflag:s22] =	ssyncadd.s32 $0xFFFFFF80  }
0xb9: {  	_ =	swait.ge [sflag:s22], $0x80  }
0xba: {  	[sflag:s22] =	ssyncset.done $0x0  }
0xbb: {  	s25 =	simm.s32 $0x300;
	[sflag:s22] =	ssyncadd.s32 $0xFFFFFF80  }
0xbc: {  	[tilespmem:s11], [sflag:$0x6] =	stream.indirect.gather [hbm4b:s1+s8], $0x80, s25, s8, $0xb8;
	[tilespmem:$0x1C400] =	vst v63  }
0xbd: {  	s26 =	simm.s32 $0x340  }
0xbe: {  	[tilespmem:s13], [sflag:$0x6] =	stream.indirect.gather [hbm4b:s1+s8], $0x80, s26, s8, $0xb8;
	[tilespmem:$0x1C400] =	vst v63  }
0xbf: {  	_ =	swait.ge [sflag:s14], $0x2000  }
0xc0: {  	[sflag:s14] =	ssyncset.done $0x0  }
0xc1: {  	[sflag:s14] =	ssyncadd.s32 $0xFFFFE000  }
0xc2: {  	_ =	swait.ge [sflag:s14], $0x2000  }
0xc3: {  	[sflag:s14] =	ssyncset.done $0x0  }
.Ltmp6:
0xc4: {  	[sflag:s14] =	ssyncadd.s32 $0xFFFFE000;
	(pc) =	sbr.rel @p5 .LBB2_9-.Ltmp6, $4  }
0xc5: {  	[spmem:s2] =	stream.indirect.scatter.add.f32 [tilespmem:s9], [sflag:$0x7], $0x80, s18, s30, $0xb8;
	[tilespmem:$0x1C400] =	vst v63  }
0xc6: {  	_ =	swait.ge [sflag:s29], $0x4000  }
0xc7: {  	[sflag:s29] =	ssyncset.done $0x0  }
0xc8: {  	[sflag:s29] =	ssyncadd.s32 $0xFFFFC000  }
0xc9: {  	s0 =	sadd.s32 $0xFFFFFFE0, s17  }
0xca: {  	p5 =	sgt.u32 s0, $0x9C3  }
0xcb: {  	s0 =	sadd.s32 @p5 $0x2000, s31  }
0xcc: {  	s0 =	sshrl.u32 @p5 s0, $0x3  }
0xcd: {  	s16 =	simm.s32 @p5 $0x0;
	s25 =	simm.s32 @p5 $0x200;
	s12 =	sadd.s32 @p5 s5, s0  }
0xce: {  	[tilespmem:s25], [sflag:$0x3] =	stream.linear.gather @p5 [hbm4b:s12+s16], $0x80, $0x38;
	[tilespmem:$0x1C400] =	vst v63  }
0xcf: {  	s12 =	sadd.s32 @!p5 s7, s20  }
0xd0: {  	s16 =	simm.s32 @!p5 $0x0;
	s25 =	simm.s32 @!p5 $0x200;
	s12 =	sadd.s32 @!p5 $0xC00, s12  }
0xd1: {  	[tilespmem:s25], [sflag:$0x3] =	stream.linear.gather @!p5 [hbm4b:s12+s16], $0x80, $0x38;
	[tilespmem:$0x1C400] =	vst v63  }
0xd2: {  	s12 =	sadd.s32 @!p5 s7, s19  }
0xd3: {  	s0 =	sadd.s32 @p5 s6, s0;
	s12 =	sadd.s32 @!p5 $0xC00, s12  }
0xd4: {  	s12 =	smov.u32 @p5 s0  }
0xd5: {  	[tilespmem:s18], [sflag:$0x3] =	stream.linear.gather [hbm4b:s12+s4], $0x80, $0x38;
	[tilespmem:$0x1C400] =	vst v63  }
0xd6: {  	_ =	swait.ge [sflag:s24], $0x80  }
0xd7: {  	[sflag:s24] =	ssyncset.done $0x0  }
0xd8: {  	[sflag:s24] =	ssyncadd.s32 $0xFFFFFF80  }
0xd9: {  	_ =	swait.ge [sflag:s24], $0x80  }
0xda: {  	[sflag:s24] =	ssyncset.done $0x0  }
0xdb: {  	[sflag:s24] =	ssyncadd.s32 $0xFFFFFF80  }
0xdc: {  	[tilespmem:s9], [sflag:$0x5] =	stream.indirect.gather [hbm4b:s1+s8], $0x80, s4, s8, $0xb8;
	[tilespmem:$0x1C400] =	vst v63  }
0xdd: {  	_ = 	snop  }
0xde: {  	[tilespmem:s10], [sflag:$0x5] =	stream.indirect.gather [hbm4b:s1+s8], $0x80, s8, s8, $0xb8;
	[tilespmem:$0x1C400] =	vst v63  }
0xdf: {  	_ =	swait.ge [sflag:s21], $0x2000  }
0xe0: {  	[sflag:s21] =	ssyncset.done $0x0  }
0xe1: {  	[sflag:s21] =	ssyncadd.s32 $0xFFFFE000  }
0xe2: {  	_ =	swait.ge [sflag:s21], $0x2000  }
0xe3: {  	[sflag:s21] =	ssyncset.done $0x0  }
0xe4: {  	p5 =	sgt.u32 s17, $0x9C3;
	[sflag:s21] =	ssyncadd.s32 $0xFFFFE000  }
0xe5: {  	[spmem:s2] =	stream.indirect.scatter.add.f32 [tilespmem:s11], [sflag:$0x7], $0x80, s28, s30, $0xb8;
	[tilespmem:$0x1C400] =	vst v63  }
0xe6: {  	s0 =	sadd.s32 @p5 $0x3000, s31;
	_ =	swait.ge [sflag:s29], $0x4000  }
0xe7: {  	s16 =	simm.s32 @p5 $0x0;
	s0 =	sshrl.u32 @p5 s0, $0x3;
	[sflag:s29] =	ssyncset.done $0x0  }
0xe8: {  	s25 =	simm.s32 @p5 $0x300;
	s12 =	sadd.s32 @p5 s5, s0;
	[sflag:s29] =	ssyncadd.s32 $0xFFFFC000  }
0xe9: {  	[tilespmem:s25], [sflag:$0x4] =	stream.linear.gather @p5 [hbm4b:s12+s16], $0x80, $0x38;
	[tilespmem:$0x1C400] =	vst v63  }
0xea: {  	s12 =	sadd.s32 @!p5 s7, s20  }
0xeb: {  	s16 =	simm.s32 @!p5 $0x0;
	s25 =	simm.s32 @!p5 $0x300;
	s12 =	sadd.s32 @!p5 $0xE00, s12  }
0xec: {  	[tilespmem:s25], [sflag:$0x4] =	stream.linear.gather @!p5 [hbm4b:s12+s16], $0x80, $0x38;
	[tilespmem:$0x1C400] =	vst v63  }
0xed: {  	s12 =	sadd.s32 @!p5 s7, s19  }
0xee: {  	s0 =	sadd.s32 @p5 s6, s0;
	s12 =	sadd.s32 @!p5 $0xE00, s12  }
0xef: {  	s12 =	smov.u32 @p5 s0  }
0xf0: {  	[tilespmem:s28], [sflag:$0x4] =	stream.linear.gather [hbm4b:s12+s4], $0x80, $0x38;
	[tilespmem:$0x1C400] =	vst v63  }
0xf1: {  	_ =	swait.ge [sflag:s3], $0x80  }
0xf2: {  	[sflag:s3] =	ssyncset.done $0x0  }
0xf3: {  	[sflag:s3] =	ssyncadd.s32 $0xFFFFFF80  }
0xf4: {  	_ =	swait.ge [sflag:s3], $0x80  }
.Ltmp7:
0xf5: {  	[sflag:s3] =	ssyncset.done $0x0;
	(pc) =	sbr.rel .LBB2_7-.Ltmp7, $4  }
0xf6: {  	s26 =	simm.s32 $0x140;
	[sflag:s3] =	ssyncadd.s32 $0xFFFFFF80  }
0xf7: {  	[tilespmem:s11], [sflag:$0x6] =	stream.indirect.gather [hbm4b:s1+s8], $0x80, s23, s8, $0xb8;
	[tilespmem:$0x1C400] =	vst v63  }
0xf8: {  	s17 =	sadd.s32 $0x80, s17;
	s31 =	sadd.s32 $0x4000, s31;
	s7 =	sadd.s32 $0x800, s7  }
0xf9: {  	[tilespmem:s13], [sflag:$0x6] =	stream.indirect.gather [hbm4b:s1+s8], $0x80, s26, s8, $0xb8;
	[tilespmem:$0x1C400] =	vst v63  }
.LBB2_10:
0xfa: {  	_ =	sfence.sel $0x180000  }
0xfb: {  	[bflag:$0x0] =	sbarrier.arrive $0xFFFF  }
0xfc: {  	_ =	strace $0x9000004A  }
0xfd: {  	s0 =	stileid.u32;
	[bflag:$0x2] =	sbarrier.arrive $0xFFFF  }
0xfe: {  	p0 =	sne.s32 s0, $0x0;
	s0 =	rddreg [dreg:$0x3]  }
0xff: {  	s0 =	sadd.s32 @!p0 $0x100000, s0  }
0x100: {  	[sflag:s0] =	ssyncadd.tile.s32 @!p0 $0x1;
	_ =	shalt  }
.Lfunc_end2:
_tile_overlayer_lowered:
.L_overlay_start_2:
0x101: {  	(tag) =	ssettag $0x2  }
0x102: {  	s0 =	rddreg [dreg:$0x0];
	s2 =	stileid.u32  }
0x103: {  	s1 =	rddreg [dreg:$0x1];
	p0 =	sne.s32 s2, $0x0  }
0x104: {  	s3 =	rddreg [dreg:$0x2];
	[bflag:$0x3] =	sbarrier.arrive $0xFFFF;
	s2 =	simm.s32 @!p0 $0x1C07  }
0x105: {  	[timem:s3], [sflag:s2] =	dma.local @!p0 [hbm:s0], s1  }
0x106: {  	s0 =	simm.s32 @!p0 $0x7  }
0x107: {  	_ =	swait.ge @!p0 [sflag:s0], s1  }
0x108: {  	s1 =	ssub.s32 @!p0 $0x0, s1;
	[sflag:s0] =	ssyncset.done @!p0 $0x0  }
0x109: {  	[sflag:s0] =	ssyncadd.s32 @!p0 s1  }
0x10a: {  	[bflag:$0x3] =	sbarrier.arrive $0xFFFF  }
0x10b: {  	_ =	shalt  }

</sc_bundles>
